<compile_context>
chip_gen: v7x
topology: tpu7x:2x2x1
jax: 0.10.2.dev20260603
libtpu: 0.0.44.dev20260713+nightly
codegen_flags: <defaults>
</compile_context>

<pallas_src>
import jax
import jax.numpy as jnp
from jax import lax
from jax.experimental import pallas as pl
from jax.experimental.pallas import tpu as pltpu
from jax.experimental.pallas import tpu_sc as plsc

N = 10000
E = 320000
D = 128
G = 64
P = 16

NC = 2
NS = 16
NW = NC * NS
EPW = E // NW
CHUNK = 80
NCH = EPW // CHUNK
SPLIT = 624
LAST = N - SPLIT * (NS - 1)

R = 2000
NBLK = N // R



def _zero_acc(sid, zbuf, acc):
    @pl.loop(0, pl.cdiv(N // CHUNK, NS))
    def _(k):
        c = k * NS + sid

        @pl.when(c < N // CHUNK)
        def _():
            pltpu.sync_copy(zbuf, acc.at[pl.ds(c * CHUNK, CHUNK)])


def _drain_acc(cid, sid, acc, parts_hbm):
    @pl.when(sid < NS - 1)
    def _():
        pltpu.sync_copy(acc.at[pl.ds(sid * SPLIT, SPLIT)],
                        parts_hbm.at[cid, pl.ds(sid * SPLIT, SPLIT)])

    @pl.when(sid == NS - 1)
    def _():
        pltpu.sync_copy(acc.at[pl.ds((NS - 1) * SPLIT, LAST)],
                        parts_hbm.at[cid, pl.ds((NS - 1) * SPLIT, LAST)])


DW = 16


def _deg_body(ei_hbm, parts_hbm, acc, didx_all, ones_v, ssem):
    cid = lax.axis_index("c")
    sid = lax.axis_index("s")
    w = sid * NC + cid

    @pl.loop(0, CHUNK)
    def _zero(i):
        ones_v[i] = jnp.zeros((DW,), jnp.float32)

    _zero_acc(sid, ones_v, acc)
    pltpu.sync_copy(ei_hbm.at[1, w], didx_all)

    @pl.loop(0, CHUNK)
    def _fill(i):
        ones_v[i] = jnp.full((DW,), 1.0, jnp.float32)

    plsc.subcore_barrier()

    K = 5
    @pl.loop(0, NCH // K)
    def _step(kk):
        c0 = K * kk
        for b in range(K):
            pltpu.async_copy(ones_v, acc.at[didx_all.at[c0 + b]], ssem,
                             add=True)
        for b in range(K):
            pltpu.make_async_copy(ones_v, acc.at[didx_all.at[c0 + b]],
                                  ssem).wait()

    plsc.subcore_barrier()
    _drain_acc(cid, sid, acc, parts_hbm)


_deg = pl.kernel(
    _deg_body,
    out_type=jax.ShapeDtypeStruct((NC, N, DW), jnp.float32),
    mesh=plsc.VectorSubcoreMesh(core_axis_name="c", subcore_axis_name="s"),
    compiler_params=pltpu.CompilerParams(use_tc_tiling_on_sc=False),
    scratch_types=[
        pltpu.VMEM_SHARED((N, DW), jnp.float32),
        pltpu.VMEM((NCH, CHUNK), jnp.int32),
        pltpu.VMEM((CHUNK, DW), jnp.float32),
        pltpu.SemaphoreType.DMA,
    ],
)


NBUF = 3


def _agg_body(u_hbm, ei_hbm, parts_hbm, acc, sidx_all, didx_all,
              rows0, rows1, rows2, sem0, sem1, sem2, isem):
    cid = lax.axis_index("c")
    sid = lax.axis_index("s")
    w = sid * NC + cid

    cps = pltpu.async_copy(ei_hbm.at[0, w], sidx_all, isem)
    cpd = pltpu.async_copy(ei_hbm.at[1, w], didx_all, isem)

    @pl.loop(0, CHUNK)
    def _zero(i):
        for j in range(D // 16):
            rows0[i, pl.ds(j * 16, 16)] = jnp.zeros((16,), jnp.float32)

    cps.wait()
    cpd.wait()

    rows = (rows0, rows1, rows2)
    sems = (sem0, sem1, sem2)

    for c in range(NBUF - 1):
        pltpu.async_copy(u_hbm.at[sidx_all.at[c]],
                         rows[(c + 1) % NBUF], sems[(c + 1) % NBUF])

    _zero_acc(sid, rows0, acc)
    plsc.subcore_barrier()

    @pl.loop(0, (NCH + NBUF - 1) // NBUF)
    def _step(k):
        c0 = NBUF * k
        for b in range(NBUF):
            c = c0 + b
            nxt = c + NBUF - 1
            bc = (b + 1) % NBUF
            bn = (b + NBUF) % NBUF

            @pl.when(nxt < NCH)
            def _():
                pltpu.async_copy(u_hbm.at[sidx_all.at[nxt]],
                                 rows[bn], sems[bn])

            @pl.when(c < NCH)
            def _():
                pltpu.make_async_copy(u_hbm.at[sidx_all.at[c]],
                                      rows[bc], sems[bc]).wait()
                pltpu.sync_copy(rows[bc], acc.at[didx_all.at[c]],
                                add=True)

    plsc.subcore_barrier()
    _drain_acc(cid, sid, acc, parts_hbm)


_agg = pl.kernel(
    _agg_body,
    out_type=jax.ShapeDtypeStruct((NC, N, D), jnp.float32),
    mesh=plsc.VectorSubcoreMesh(core_axis_name="c", subcore_axis_name="s"),
    compiler_params=pltpu.CompilerParams(use_tc_tiling_on_sc=False),
    scratch_types=[
        pltpu.VMEM_SHARED((N, D), jnp.float32),
        pltpu.VMEM((NCH, CHUNK), jnp.int32),
        pltpu.VMEM((NCH, CHUNK), jnp.int32),
        pltpu.VMEM((CHUNK, D), jnp.float32),
        pltpu.VMEM((CHUNK, D), jnp.float32),
        pltpu.VMEM((CHUNK, D), jnp.float32),
        pltpu.SemaphoreType.DMA,
        pltpu.SemaphoreType.DMA,
        pltpu.SemaphoreType.DMA,
        pltpu.SemaphoreType.DMA,
    ],
)



def _mm0_body(x_ref, degp_ref, w_ref, u_ref, dinv_ref):
    dp = degp_ref[...]
    deg = dp[0, :, 0:1] + dp[1, :, 0:1] + 1.0
    dinv = lax.rsqrt(deg)
    h = jnp.dot(x_ref[...], w_ref[...], preferred_element_type=jnp.float32)
    u_ref[...] = dinv * h
    dinv_ref[...] = dinv


_mm0 = pl.pallas_call(
    _mm0_body,
    grid=(NBLK,),
    in_specs=[
        pl.BlockSpec((R, D), lambda i: (i, 0)),
        pl.BlockSpec((NC, R, DW), lambda i: (0, i, 0)),
        pl.BlockSpec((D, D), lambda i: (0, 0)),
    ],
    out_specs=[
        pl.BlockSpec((R, D), lambda i: (i, 0)),
        pl.BlockSpec((R, 1), lambda i: (i, 0)),
    ],
    out_shape=[
        jax.ShapeDtypeStruct((N, D), jnp.float32),
        jax.ShapeDtypeStruct((N, 1), jnp.float32),
    ],
)


def _mm_body(p_ref, u_ref, dinv_ref, b_ref, w_ref, out_ref):
    p = p_ref[...]
    dinv = dinv_ref[...]
    a = jnp.maximum(dinv * (p[0] + p[1] + u_ref[...]) + b_ref[...], 0.0)
    out_ref[...] = dinv * jnp.dot(a, w_ref[...],
                                  preferred_element_type=jnp.float32)


_mm = pl.pallas_call(
    _mm_body,
    grid=(NBLK,),
    in_specs=[
        pl.BlockSpec((NC, R, D), lambda i: (0, i, 0)),
        pl.BlockSpec((R, D), lambda i: (i, 0)),
        pl.BlockSpec((R, 1), lambda i: (i, 0)),
        pl.BlockSpec((1, D), lambda i: (0, 0)),
        pl.BlockSpec((D, D), lambda i: (0, 0)),
    ],
    out_specs=pl.BlockSpec((R, D), lambda i: (i, 0)),
    out_shape=jax.ShapeDtypeStruct((N, D), jnp.float32),
)


def _pool_body(p_ref, u_ref, dinv_ref, b_ref, batch_ref, lw_ref, lb_ref,
               out_ref, pooled):
    i = pl.program_id(0)
    p = p_ref[...]
    dinv = dinv_ref[...]
    a = jnp.maximum(dinv * (p[0] + p[1] + u_ref[...]) + b_ref[...], 0.0)
    bid = batch_ref[...]

    @pl.when(i == 0)
    def _():
        pooled[...] = jnp.full((G, D), -jnp.inf, jnp.float32)

    jmin = jnp.min(bid)
    jmax = jnp.max(bid)
    for j in range(G):
        @pl.when((jmin <= j) & (j <= jmax))
        def _(j=j):
            mj = jnp.max(jnp.where(bid == j, a, -jnp.inf), axis=0,
                         keepdims=True)
            pooled[pl.ds(j, 1), :] = jnp.maximum(pooled[pl.ds(j, 1), :], mj)

    @pl.when(i == NBLK - 1)
    def _():
        out_ref[...] = (jnp.dot(pooled[...], lw_ref[...],
                                preferred_element_type=jnp.float32)
                        + lb_ref[...])


_pool = pl.pallas_call(
    _pool_body,
    grid=(NBLK,),
    in_specs=[
        pl.BlockSpec((NC, R, D), lambda i: (0, i, 0)),
        pl.BlockSpec((R, D), lambda i: (i, 0)),
        pl.BlockSpec((R, 1), lambda i: (i, 0)),
        pl.BlockSpec((1, D), lambda i: (0, 0)),
        pl.BlockSpec((R, 1), lambda i: (i, 0)),
        pl.BlockSpec((D, P), lambda i: (0, 0)),
        pl.BlockSpec((1, P), lambda i: (0, 0)),
    ],
    out_specs=pl.BlockSpec((G, P), lambda i: (0, 0)),
    out_shape=jax.ShapeDtypeStruct((G, P), jnp.float32),
    scratch_shapes=[pltpu.VMEM((G, D), jnp.float32)],
)


def kernel(x, edge_index, batch, W0, b0, W1, b1, W2, b2, lin_W, lin_b):
    ei = edge_index.reshape(2, NW, NCH, CHUNK)
    degp = _deg(ei)
    u0, dinv = _mm0(x, degp, W0)
    g0 = _agg(u0, ei)
    u1 = _mm(g0, u0, dinv, b0.reshape(1, D), W1)
    g1 = _agg(u1, ei)
    u2 = _mm(g1, u1, dinv, b1.reshape(1, D), W2)
    g2 = _agg(u2, ei)
    out = _pool(g2, u2, dinv, b2.reshape(1, D), batch.reshape(N, 1),
                lin_W, lin_b.reshape(1, P))
    return out

# --- scband reference (transcript-rebuilt; emitter-appended) ---
"""Pipeline reference for scband-gcnlayersmax-60730837565905 (READ-ONLY COPY).

The authoritative reference and input builder live on the scoring server;
editing this copy changes nothing except your own understanding.
"""

import jax, jax.numpy as jnp
import numpy as np

N_NODES = 10000
N_EDGES = 320000
N_GRAPHS = 64
D_FEAT = 128
D_HID = 128
N_PRED = 16


def gcn_conv(x, src, dst, W, b, n_nodes):
    # PyG GCNConv: add self loops, symmetric normalization, then scatter-add aggregation
    h = x @ W
    loop = jnp.arange(n_nodes, dtype=src.dtype)
    s = jnp.concatenate([src, loop])
    d = jnp.concatenate([dst, loop])
    deg = jax.ops.segment_sum(jnp.ones(s.shape[0], dtype=h.dtype), d, num_segments=n_nodes)
    dinv = jnp.where(deg > 0, jax.lax.rsqrt(jnp.maximum(deg, 1e-12)), 0.0)
    norm = dinv[s] * dinv[d]
    msgs = h[s] * norm[:, None]
    out = jax.ops.segment_sum(msgs, d, num_segments=n_nodes)
    return out + b


def setup_inputs(seed: int = 0) -> dict:
    key = jax.random.key(seed)
    ks = jax.random.split(key, 12)
    x = jax.random.normal(ks[0], (N_NODES, D_FEAT), dtype=jnp.float32)
    edge_index = jax.random.randint(ks[1], (2, N_EDGES), 0, N_NODES, dtype=jnp.int32)
    batch = jnp.sort(jax.random.randint(ks[2], (N_NODES,), 0, N_GRAPHS, dtype=jnp.int32))
    sc = 1.0 / np.sqrt(D_FEAT)
    W0 = jax.random.normal(ks[3], (D_FEAT, D_HID), dtype=jnp.float32) * sc
    b0 = jnp.zeros((D_HID,), dtype=jnp.float32)
    W1 = jax.random.normal(ks[4], (D_HID, D_HID), dtype=jnp.float32) * sc
    b1 = jnp.zeros((D_HID,), dtype=jnp.float32)
    W2 = jax.random.normal(ks[5], (D_HID, D_HID), dtype=jnp.float32) * sc
    b2 = jnp.zeros((D_HID,), dtype=jnp.float32)
    lin_W = jax.random.normal(ks[6], (D_HID, N_PRED), dtype=jnp.float32) * sc
    lin_b = jnp.zeros((N_PRED,), dtype=jnp.float32)
    return {"x": x, "edge_index": edge_index, "batch": batch,
            "W0": W0, "b0": b0, "W1": W1, "b1": b1, "W2": W2, "b2": b2,
            "lin_W": lin_W, "lin_b": lin_b}


def reference(x, edge_index, batch, W0, b0, W1, b1, W2, b2, lin_W, lin_b):
    n_nodes = x.shape[0]
    src = edge_index[0]
    dst = edge_index[1]
    # forward uses only the first n_layers=3 convs, each followed by relu
    for (W, b) in ((W0, b0), (W1, b1), (W2, b2)):
        x = jax.nn.relu(gcn_conv(x, src, dst, W, b, n_nodes))
    # global_max_pool over graph-assignment ids
    pooled = jax.ops.segment_max(x, batch, num_segments=N_GRAPHS)
    # dropout(p=0.5) is identity in eval mode
    out = pooled @ lin_W + lin_b
    return out

if __name__ == "__main__":
    import jax
    _d = setup_inputs()
    print(jax.jit(kernel)(*tuple(_d.values())))

</pallas_src>

<mosaic_0001>
#map = affine_map<(d0, d1) -> (0, 0)>
#map1 = affine_map<(d0, d1) -> (0, 0, 0, 0)>
#map2 = affine_map<(d0, d1) -> (0, 0, 0)>
module attributes {stable_mosaic.version = 14 : i64} {
  func.func @_agg_body(%arg0: i32, %arg1: i32, %arg2: memref<10000x128xf32, #tpu.memory_space<hbm>>, %arg3: memref<2x32x125x80xi32, #tpu.memory_space<hbm>>, %arg4: memref<2x10000x128xf32, #tpu.memory_space<hbm>>, %arg5: memref<10000x128xf32, #tpu.memory_space<vmem_shared>>, %arg6: memref<125x80xi32, #tpu.memory_space<vmem>>, %arg7: memref<125x80xi32, #tpu.memory_space<vmem>>, %arg8: memref<80x128xf32, #tpu.memory_space<vmem>>, %arg9: memref<80x128xf32, #tpu.memory_space<vmem>>, %arg10: memref<80x128xf32, #tpu.memory_space<vmem>>, %arg11: memref<!tpu.dma_semaphore, #tpu.memory_space<semaphore_mem>>, %arg12: memref<!tpu.dma_semaphore, #tpu.memory_space<semaphore_mem>>, %arg13: memref<!tpu.dma_semaphore, #tpu.memory_space<semaphore_mem>>, %arg14: memref<!tpu.dma_semaphore, #tpu.memory_space<semaphore_mem>>) attributes {dimension_semantics = [#tpu.dimension_semantics<core_parallel>, #tpu.dimension_semantics<subcore_parallel>], iteration_bounds = array<i64: 2, 16>, scalar_prefetch = 0 : i64, scratch_operands = 10 : i64, tpu.core_type = #tpu.core_type<sc_vector_subcore>, window_params = [{transform_indices = #map}, {transform_indices = #map1}, {transform_indices = #map2}]} {
    %mul3A = arith.constant 2 : i32
    %mul3A_0 = arith.muli %arg1, %mul3A : i32
    %add3A = arith.addi %mul3A_0, %arg0 : i32
    %dma_start3A = arith.constant 0 : i32
    %dma_start3A_1 = arith.constant 0 : i32
    %dma_start3A_2 = arith.constant 0 : i32
    %dma_start3A_3 = tpu.memref_slice %arg3[%dma_start3A, %add3A, %dma_start3A_1, %dma_start3A_2] : memref<2x32x125x80xi32, #tpu.memory_space<hbm>> -> memref<1x1x125x80xi32, #tpu.memory_space<hbm>>
    %dma_start3A_4 = tpu.memref_squeeze %dma_start3A_3 : memref<1x1x125x80xi32, #tpu.memory_space<hbm>> -> memref<125x80xi32, #tpu.memory_space<hbm>>
    %dma_start3A_5 = arith.constant 0 : i32
    %dma_start3A_6 = arith.constant 0 : i32
    %dma_start3A_7 = tpu.memref_slice %arg3[%dma_start3A, %add3A, %dma_start3A_5, %dma_start3A_6] : memref<2x32x125x80xi32, #tpu.memory_space<hbm>> -> memref<1x1x125x80xi32, #tpu.memory_space<hbm>>
    %dma_start3A_8 = tpu.memref_squeeze %dma_start3A_7 : memref<1x1x125x80xi32, #tpu.memory_space<hbm>> -> memref<125x80xi32, #tpu.memory_space<hbm>>
    tpu.enqueue_dma source(%dma_start3A_8 : memref<125x80xi32, #tpu.memory_space<hbm>>) target(%arg6 : memref<125x80xi32, #tpu.memory_space<vmem>>) target_semaphore(%arg14 : memref<!tpu.dma_semaphore, #tpu.memory_space<semaphore_mem>>)
    %dma_start3A_9 = arith.constant 1 : i32
    %dma_start3A_10 = arith.constant 0 : i32
    %dma_start3A_11 = arith.constant 0 : i32
    %dma_start3A_12 = tpu.memref_slice %arg3[%dma_start3A_9, %add3A, %dma_start3A_10, %dma_start3A_11] : memref<2x32x125x80xi32, #tpu.memory_space<hbm>> -> memref<1x1x125x80xi32, #tpu.memory_space<hbm>>
    %dma_start3A_13 = tpu.memref_squeeze %dma_start3A_12 : memref<1x1x125x80xi32, #tpu.memory_space<hbm>> -> memref<125x80xi32, #tpu.memory_space<hbm>>
    %dma_start3A_14 = arith.constant 0 : i32
    %dma_start3A_15 = arith.constant 0 : i32
    %dma_start3A_16 = tpu.memref_slice %arg3[%dma_start3A_9, %add3A, %dma_start3A_14, %dma_start3A_15] : memref<2x32x125x80xi32, #tpu.memory_space<hbm>> -> memref<1x1x125x80xi32, #tpu.memory_space<hbm>>
    %dma_start3A_17 = tpu.memref_squeeze %dma_start3A_16 : memref<1x1x125x80xi32, #tpu.memory_space<hbm>> -> memref<125x80xi32, #tpu.memory_space<hbm>>
    tpu.enqueue_dma source(%dma_start3A_17 : memref<125x80xi32, #tpu.memory_space<hbm>>) target(%arg7 : memref<125x80xi32, #tpu.memory_space<vmem>>) target_semaphore(%arg14 : memref<!tpu.dma_semaphore, #tpu.memory_space<semaphore_mem>>)
    %scan3A = arith.constant 0 : i32
    %scan3A_18 = arith.constant 80 : i32
    %scan3A_19 = arith.addi %scan3A, %scan3A_18 : i32
    %scan3A_20 = arith.constant 1 : i32
    scf.for %scan3A_70 = %scan3A to %scan3A_19 step %scan3A_20  : i32 {
      %mul3A_71 = arith.constant 1 : i32
      %mul3A_72 = arith.muli %scan3A_70, %mul3A_71 : i32
      %add3A_73 = arith.constant 0 : i32
      %add3A_74 = arith.addi %add3A_73, %mul3A_72 : i32
      %broadcast_in_dim3A = arith.constant 0.000000e+00 : f32
      %broadcast_in_dim3A_75 = vector.broadcast %broadcast_in_dim3A : f32 to vector<16xf32>
      %swap3A = arith.index_cast %add3A_74 : i32 to index
      %swap3A_76 = arith.constant 0 : index
      %swap3A_77 = tpu.vector_load %arg8[%swap3A, %swap3A_76] {strides = array<i32>} : memref<80x128xf32, #tpu.memory_space<vmem>>, vector<1x16xf32>,
      %swap3A_78 = vector.shape_cast %swap3A_77 : vector<1x16xf32> to vector<16xf32>
      %swap3A_79 = vector.shape_cast %broadcast_in_dim3A_75 : vector<16xf32> to vector<1x16xf32>
      tpu.vector_store %arg8[%swap3A, %swap3A_76], %swap3A_79 {strides = array<i32>} : memref<80x128xf32, #tpu.memory_space<vmem>>, vector<1x16xf32>,
      %broadcast_in_dim3A_80 = arith.constant 0.000000e+00 : f32
      %broadcast_in_dim3A_81 = vector.broadcast %broadcast_in_dim3A_80 : f32 to vector<16xf32>
      %swap3A_82 = arith.index_cast %add3A_74 : i32 to index
      %swap3A_83 = arith.constant 16 : index
      %swap3A_84 = tpu.vector_load %arg8[%swap3A_82, %swap3A_83] {strides = array<i32>} : memref<80x128xf32, #tpu.memory_space<vmem>>, vector<1x16xf32>,
      %swap3A_85 = vector.shape_cast %swap3A_84 : vector<1x16xf32> to vector<16xf32>
      %swap3A_86 = vector.shape_cast %broadcast_in_dim3A_81 : vector<16xf32> to vector<1x16xf32>
      tpu.vector_store %arg8[%swap3A_82, %swap3A_83], %swap3A_86 {strides = array<i32>} : memref<80x128xf32, #tpu.memory_space<vmem>>, vector<1x16xf32>,
      %broadcast_in_dim3A_87 = arith.constant 0.000000e+00 : f32
      %broadcast_in_dim3A_88 = vector.broadcast %broadcast_in_dim3A_87 : f32 to vector<16xf32>
      %swap3A_89 = arith.index_cast %add3A_74 : i32 to index
      %swap3A_90 = arith.constant 32 : index
      %swap3A_91 = tpu.vector_load %arg8[%swap3A_89, %swap3A_90] {strides = array<i32>} : memref<80x128xf32, #tpu.memory_space<vmem>>, vector<1x16xf32>,
      %swap3A_92 = vector.shape_cast %swap3A_91 : vector<1x16xf32> to vector<16xf32>
      %swap3A_93 = vector.shape_cast %broadcast_in_dim3A_88 : vector<16xf32> to vector<1x16xf32>
      tpu.vector_store %arg8[%swap3A_89, %swap3A_90], %swap3A_93 {strides = array<i32>} : memref<80x128xf32, #tpu.memory_space<vmem>>, vector<1x16xf32>,
      %broadcast_in_dim3A_94 = arith.constant 0.000000e+00 : f32
      %broadcast_in_dim3A_95 = vector.broadcast %broadcast_in_dim3A_94 : f32 to vector<16xf32>
      %swap3A_96 = arith.index_cast %add3A_74 : i32 to index
      %swap3A_97 = arith.constant 48 : index
      %swap3A_98 = tpu.vector_load %arg8[%swap3A_96, %swap3A_97] {strides = array<i32>} : memref<80x128xf32, #tpu.memory_space<vmem>>, vector<1x16xf32>,
      %swap3A_99 = vector.shape_cast %swap3A_98 : vector<1x16xf32> to vector<16xf32>
      %swap3A_100 = vector.shape_cast %broadcast_in_dim3A_95 : vector<16xf32> to vector<1x16xf32>
      tpu.vector_store %arg8[%swap3A_96, %swap3A_97], %swap3A_100 {strides = array<i32>} : memref<80x128xf32, #tpu.memory_space<vmem>>, vector<1x16xf32>,
      %broadcast_in_dim3A_101 = arith.constant 0.000000e+00 : f32
      %broadcast_in_dim3A_102 = vector.broadcast %broadcast_in_dim3A_101 : f32 to vector<16xf32>
      %swap3A_103 = arith.index_cast %add3A_74 : i32 to index
      %swap3A_104 = arith.constant 64 : index
      %swap3A_105 = tpu.vector_load %arg8[%swap3A_103, %swap3A_104] {strides = array<i32>} : memref<80x128xf32, #tpu.memory_space<vmem>>, vector<1x16xf32>,
      %swap3A_106 = vector.shape_cast %swap3A_105 : vector<1x16xf32> to vector<16xf32>
      %swap3A_107 = vector.shape_cast %broadcast_in_dim3A_102 : vector<16xf32> to vector<1x16xf32>
      tpu.vector_store %arg8[%swap3A_103, %swap3A_104], %swap3A_107 {strides = array<i32>} : memref<80x128xf32, #tpu.memory_space<vmem>>, vector<1x16xf32>,
      %broadcast_in_dim3A_108 = arith.constant 0.000000e+00 : f32
      %broadcast_in_dim3A_109 = vector.broadcast %broadcast_in_dim3A_108 : f32 to vector<16xf32>
      %swap3A_110 = arith.index_cast %add3A_74 : i32 to index
      %swap3A_111 = arith.constant 80 : index
      %swap3A_112 = tpu.vector_load %arg8[%swap3A_110, %swap3A_111] {strides = array<i32>} : memref<80x128xf32, #tpu.memory_space<vmem>>, vector<1x16xf32>,
      %swap3A_113 = vector.shape_cast %swap3A_112 : vector<1x16xf32> to vector<16xf32>
      %swap3A_114 = vector.shape_cast %broadcast_in_dim3A_109 : vector<16xf32> to vector<1x16xf32>
      tpu.vector_store %arg8[%swap3A_110, %swap3A_111], %swap3A_114 {strides = array<i32>} : memref<80x128xf32, #tpu.memory_space<vmem>>, vector<1x16xf32>,
      %broadcast_in_dim3A_115 = arith.constant 0.000000e+00 : f32
      %broadcast_in_dim3A_116 = vector.broadcast %broadcast_in_dim3A_115 : f32 to vector<16xf32>
      %swap3A_117 = arith.index_cast %add3A_74 : i32 to index
      %swap3A_118 = arith.constant 96 : index
      %swap3A_119 = tpu.vector_load %arg8[%swap3A_117, %swap3A_118] {strides = array<i32>} : memref<80x128xf32, #tpu.memory_space<vmem>>, vector<1x16xf32>,
      %swap3A_120 = vector.shape_cast %swap3A_119 : vector<1x16xf32> to vector<16xf32>
      %swap3A_121 = vector.shape_cast %broadcast_in_dim3A_116 : vector<16xf32> to vector<1x16xf32>
      tpu.vector_store %arg8[%swap3A_117, %swap3A_118], %swap3A_121 {strides = array<i32>} : memref<80x128xf32, #tpu.memory_space<vmem>>, vector<1x16xf32>,
      %broadcast_in_dim3A_122 = arith.constant 0.000000e+00 : f32
      %broadcast_in_dim3A_123 = vector.broadcast %broadcast_in_dim3A_122 : f32 to vector<16xf32>
      %swap3A_124 = arith.index_cast %add3A_74 : i32 to index
      %swap3A_125 = arith.constant 112 : index
      %swap3A_126 = tpu.vector_load %arg8[%swap3A_124, %swap3A_125] {strides = array<i32>} : memref<80x128xf32, #tpu.memory_space<vmem>>, vector<1x16xf32>,
      %swap3A_127 = vector.shape_cast %swap3A_126 : vector<1x16xf32> to vector<16xf32>
      %swap3A_128 = vector.shape_cast %broadcast_in_dim3A_123 : vector<16xf32> to vector<1x16xf32>
      tpu.vector_store %arg8[%swap3A_124, %swap3A_125], %swap3A_128 {strides = array<i32>} : memref<80x128xf32, #tpu.memory_space<vmem>>, vector<1x16xf32>,
    }
    %scan3A_21 = arith.constant 80 : i32
    %dma_wait3A = arith.constant 0 : i32
    %dma_wait3A_22 = arith.constant 0 : i32
    %dma_wait3A_23 = arith.constant 0 : i32
    %dma_wait3A_24 = tpu.memref_slice %arg3[%dma_wait3A, %add3A, %dma_wait3A_22, %dma_wait3A_23] : memref<2x32x125x80xi32, #tpu.memory_space<hbm>> -> memref<1x1x125x80xi32, #tpu.memory_space<hbm>>
    %dma_wait3A_25 = tpu.memref_squeeze %dma_wait3A_24 : memref<1x1x125x80xi32, #tpu.memory_space<hbm>> -> memref<125x80xi32, #tpu.memory_space<hbm>>
    %dma_wait3A_26 = arith.constant 0 : i32
    %dma_wait3A_27 = arith.constant 0 : i32
    %dma_wait3A_28 = tpu.memref_slice %arg3[%dma_wait3A, %add3A, %dma_wait3A_26, %dma_wait3A_27] : memref<2x32x125x80xi32, #tpu.memory_space<hbm>> -> memref<1x1x125x80xi32, #tpu.memory_space<hbm>>
    %dma_wait3A_29 = tpu.memref_squeeze %dma_wait3A_28 : memref<1x1x125x80xi32, #tpu.memory_space<hbm>> -> memref<125x80xi32, #tpu.memory_space<hbm>>
    tpu.wait_dma2 semaphore(%arg14 : memref<!tpu.dma_semaphore, #tpu.memory_space<semaphore_mem>>) src(%dma_wait3A_29 : memref<125x80xi32, #tpu.memory_space<hbm>>) dst(%arg6 : memref<125x80xi32, #tpu.memory_space<vmem>>)
    %dma_wait3A_30 = arith.constant 1 : i32
    %dma_wait3A_31 = arith.constant 0 : i32
    %dma_wait3A_32 = arith.constant 0 : i32
    %dma_wait3A_33 = tpu.memref_slice %arg3[%dma_wait3A_30, %add3A, %dma_wait3A_31, %dma_wait3A_32] : memref<2x32x125x80xi32, #tpu.memory_space<hbm>> -> memref<1x1x125x80xi32, #tpu.memory_space<hbm>>
    %dma_wait3A_34 = tpu.memref_squeeze %dma_wait3A_33 : memref<1x1x125x80xi32, #tpu.memory_space<hbm>> -> memref<125x80xi32, #tpu.memory_space<hbm>>
    %dma_wait3A_35 = arith.constant 0 : i32
    %dma_wait3A_36 = arith.constant 0 : i32
    %dma_wait3A_37 = tpu.memref_slice %arg3[%dma_wait3A_30, %add3A, %dma_wait3A_35, %dma_wait3A_36] : memref<2x32x125x80xi32, #tpu.memory_space<hbm>> -> memref<1x1x125x80xi32, #tpu.memory_space<hbm>>
    %dma_wait3A_38 = tpu.memref_squeeze %dma_wait3A_37 : memref<1x1x125x80xi32, #tpu.memory_space<hbm>> -> memref<125x80xi32, #tpu.memory_space<hbm>>
    tpu.wait_dma2 semaphore(%arg14 : memref<!tpu.dma_semaphore, #tpu.memory_space<semaphore_mem>>) src(%dma_wait3A_38 : memref<125x80xi32, #tpu.memory_space<hbm>>) dst(%arg7 : memref<125x80xi32, #tpu.memory_space<vmem>>)
    %dma_start3A_39 = arith.constant 0 : i32
    %dma_start3A_40 = arith.constant 0 : i32
    %dma_start3A_41 = tpu.memref_slice %arg6[%dma_start3A_39, %dma_start3A_40] : memref<125x80xi32, #tpu.memory_space<vmem>> -> memref<1x80xi32, #tpu.memory_space<vmem>>
    %dma_start3A_42 = tpu.memref_squeeze %dma_start3A_41 : memref<1x80xi32, #tpu.memory_space<vmem>> -> memref<80xi32, #tpu.memory_space<vmem>>
    %dma_start3A_43 = arith.constant 0 : i32
    %dma_start3A_44 = arith.constant 0 : i32
    %dma_start3A_45 = tpu.memref_slice %arg2[%dma_start3A_43, %dma_start3A_44] : memref<10000x128xf32, #tpu.memory_space<hbm>> -> memref<10000x128xf32, #tpu.memory_space<hbm>>
    tpu.enqueue_indirect_dma source(%dma_start3A_45 : memref<10000x128xf32, #tpu.memory_space<hbm>>) target(%arg9 : memref<80x128xf32, #tpu.memory_space<vmem>>) offsets(%dma_start3A_42 : memref<80xi32, #tpu.memory_space<vmem>>) semaphore(%arg12 : memref<!tpu.dma_semaphore, #tpu.memory_space<semaphore_mem>>)
    %dma_start3A_46 = arith.constant 1 : i32
    %dma_start3A_47 = arith.constant 0 : i32
    %dma_start3A_48 = tpu.memref_slice %arg6[%dma_start3A_46, %dma_start3A_47] : memref<125x80xi32, #tpu.memory_space<vmem>> -> memref<1x80xi32, #tpu.memory_space<vmem>>
    %dma_start3A_49 = tpu.memref_squeeze %dma_start3A_48 : memref<1x80xi32, #tpu.memory_space<vmem>> -> memref<80xi32, #tpu.memory_space<vmem>>
    %dma_start3A_50 = arith.constant 0 : i32
    %dma_start3A_51 = arith.constant 0 : i32
    %dma_start3A_52 = tpu.memref_slice %arg2[%dma_start3A_50, %dma_start3A_51] : memref<10000x128xf32, #tpu.memory_space<hbm>> -> memref<10000x128xf32, #tpu.memory_space<hbm>>
    tpu.enqueue_indirect_dma source(%dma_start3A_52 : memref<10000x128xf32, #tpu.memory_space<hbm>>) target(%arg10 : memref<80x128xf32, #tpu.memory_space<vmem>>) offsets(%dma_start3A_49 : memref<80xi32, #tpu.memory_space<vmem>>) semaphore(%arg13 : memref<!tpu.dma_semaphore, #tpu.memory_space<semaphore_mem>>)
    %scan3A_53 = arith.constant 0 : i32
    %scan3A_54 = arith.constant 8 : i32
    %scan3A_55 = arith.addi %scan3A_53, %scan3A_54 : i32
    %scan3A_56 = arith.constant 1 : i32
    scf.for %scan3A_70 = %scan3A_53 to %scan3A_55 step %scan3A_56  : i32 {
      %mul3A_71 = arith.constant 1 : i32
      %mul3A_72 = arith.muli %scan3A_70, %mul3A_71 : i32
      %add3A_73 = arith.constant 0 : i32
      %add3A_74 = arith.addi %add3A_73, %mul3A_72 : i32
      %mul3A_75 = arith.constant 16 : i32
      %mul3A_76 = arith.muli %add3A_74, %mul3A_75 : i32
      %add3A_77 = arith.addi %mul3A_76, %arg1 : i32
      %lt3A_78 = arith.constant 125 : i32
      %lt3A_79 = arith.cmpi slt, %add3A_77, %lt3A_78 : i32
      %convert_element_type3A_80 = arith.extui %lt3A_79 : i1 to i32
      %cond3A_81 = arith.constant 0 : i32
      %cond3A_82 = arith.cmpi ne, %convert_element_type3A_80, %cond3A_81 : i32
      scf.if %cond3A_82 {
        %mul3A_83 = arith.constant 80 : i32
        %mul3A_84 = arith.muli %add3A_77, %mul3A_83 : i32
        "tpu.region"() ({
          %run_scoped3A = tpu.sem_alloc : memref<!tpu.dma_semaphore, #tpu.memory_space<semaphore_mem>>
          %dma_start3A_85 = arith.constant 0 : i32
          %dma_start3A_86 = tpu.memref_slice %arg5[%mul3A_84, %dma_start3A_85] : memref<10000x128xf32, #tpu.memory_space<vmem_shared>> -> memref<80x128xf32, #tpu.memory_space<vmem_shared>>
          %dma_start3A_87 = arith.constant 0 : i32
          %dma_start3A_88 = tpu.memref_slice %arg5[%mul3A_84, %dma_start3A_87] : memref<10000x128xf32, #tpu.memory_space<vmem_shared>> -> memref<80x128xf32, #tpu.memory_space<vmem_shared>>
          tpu.enqueue_dma source(%arg8 : memref<80x128xf32, #tpu.memory_space<vmem>>) target(%dma_start3A_88 : memref<80x128xf32, #tpu.memory_space<vmem_shared>>) target_semaphore(%run_scoped3A : memref<!tpu.dma_semaphore, #tpu.memory_space<semaphore_mem>>)
          %dma_wait3A_89 = arith.constant 0 : i32
          %dma_wait3A_90 = tpu.memref_slice %arg5[%mul3A_84, %dma_wait3A_89] : memref<10000x128xf32, #tpu.memory_space<vmem_shared>> -> memref<80x128xf32, #tpu.memory_space<vmem_shared>>
          %dma_wait3A_91 = arith.constant 0 : i32
          %dma_wait3A_92 = tpu.memref_slice %arg5[%mul3A_84, %dma_wait3A_91] : memref<10000x128xf32, #tpu.memory_space<vmem_shared>> -> memref<80x128xf32, #tpu.memory_space<vmem_shared>>
          tpu.wait_dma2 semaphore(%run_scoped3A : memref<!tpu.dma_semaphore, #tpu.memory_space<semaphore_mem>>) src(%arg8 : memref<80x128xf32, #tpu.memory_space<vmem>>) dst(%dma_wait3A_92 : memref<80x128xf32, #tpu.memory_space<vmem_shared>>)
          tpu.yield
        }) : () -> ()
      } else {
      }
    }
    %scan3A_57 = arith.constant 8 : i32
    %barrier3A = arith.constant 0 : index
    tpu.barrier barrier_id(%barrier3A)
    %scan3A_58 = arith.constant 0 : i32
    %scan3A_59 = arith.constant 42 : i32
    %scan3A_60 = arith.addi %scan3A_58, %scan3A_59 : i32
    %scan3A_61 = arith.constant 1 : i32
    scf.for %scan3A_70 = %scan3A_58 to %scan3A_60 step %scan3A_61  : i32 {
      %mul3A_71 = arith.constant 1 : i32
      %mul3A_72 = arith.muli %scan3A_70, %mul3A_71 : i32
      %add3A_73 = arith.constant 0 : i32
      %add3A_74 = arith.addi %add3A_73, %mul3A_72 : i32
      %mul3A_75 = arith.constant 3 : i32
      %mul3A_76 = arith.muli %mul3A_75, %add3A_74 : i32
      %add3A_77 = arith.constant 0 : i32
      %add3A_78 = arith.addi %mul3A_76, %add3A_77 : i32
      %add3A_79 = arith.constant 3 : i32
      %add3A_80 = arith.addi %add3A_78, %add3A_79 : i32
      %sub3A = arith.constant 1 : i32
      %sub3A_81 = arith.subi %add3A_80, %sub3A : i32
      %lt3A_82 = arith.constant 125 : i32
      %lt3A_83 = arith.cmpi slt, %sub3A_81, %lt3A_82 : i32
      %convert_element_type3A_84 = arith.extui %lt3A_83 : i1 to i32
      %cond3A_85 = arith.constant 0 : i32
      %cond3A_86 = arith.cmpi ne, %convert_element_type3A_84, %cond3A_85 : i32
      scf.if %cond3A_86 {
        %dma_start3A_124 = arith.constant 0 : i32
        %dma_start3A_125 = tpu.memref_slice %arg6[%sub3A_81, %dma_start3A_124] : memref<125x80xi32, #tpu.memory_space<vmem>> -> memref<1x80xi32, #tpu.memory_space<vmem>>
        %dma_start3A_126 = tpu.memref_squeeze %dma_start3A_125 : memref<1x80xi32, #tpu.memory_space<vmem>> -> memref<80xi32, #tpu.memory_space<vmem>>
        %dma_start3A_127 = arith.constant 0 : i32
        %dma_start3A_128 = arith.constant 0 : i32
        %dma_start3A_129 = tpu.memref_slice %arg2[%dma_start3A_127, %dma_start3A_128] : memref<10000x128xf32, #tpu.memory_space<hbm>> -> memref<10000x128xf32, #tpu.memory_space<hbm>>
        tpu.enqueue_indirect_dma source(%dma_start3A_129 : memref<10000x128xf32, #tpu.memory_space<hbm>>) target(%arg8 : memref<80x128xf32, #tpu.memory_space<vmem>>) offsets(%dma_start3A_126 : memref<80xi32, #tpu.memory_space<vmem>>) semaphore(%arg11 : memref<!tpu.dma_semaphore, #tpu.memory_space<semaphore_mem>>)
      } else {
      }
      %lt3A_87 = arith.constant 125 : i32
      %lt3A_88 = arith.cmpi slt, %add3A_78, %lt3A_87 : i32
      %convert_element_type3A_89 = arith.extui %lt3A_88 : i1 to i32
      %cond3A_90 = arith.constant 0 : i32
      %cond3A_91 = arith.cmpi ne, %convert_element_type3A_89, %cond3A_90 : i32
      scf.if %cond3A_91 {
        %dma_wait3A_124 = arith.constant 0 : i32
        %dma_wait3A_125 = tpu.memref_slice %arg6[%add3A_78, %dma_wait3A_124] : memref<125x80xi32, #tpu.memory_space<vmem>> -> memref<1x80xi32, #tpu.memory_space<vmem>>
        %dma_wait3A_126 = tpu.memref_squeeze %dma_wait3A_125 : memref<1x80xi32, #tpu.memory_space<vmem>> -> memref<80xi32, #tpu.memory_space<vmem>>
        %dma_wait3A_127 = arith.constant 0 : i32
        %dma_wait3A_128 = arith.constant 0 : i32
        %dma_wait3A_129 = tpu.memref_slice %arg2[%dma_wait3A_127, %dma_wait3A_128] : memref<10000x128xf32, #tpu.memory_space<hbm>> -> memref<10000x128xf32, #tpu.memory_space<hbm>>
        tpu.wait_indirect_dma semaphore(%arg12 : memref<!tpu.dma_semaphore, #tpu.memory_space<semaphore_mem>>) src(%dma_wait3A_129 : memref<10000x128xf32, #tpu.memory_space<hbm>>) dst(%arg9 : memref<80x128xf32, #tpu.memory_space<vmem>>)
        "tpu.region"() ({
          %run_scoped3A = tpu.sem_alloc : memref<!tpu.dma_semaphore, #tpu.memory_space<semaphore_mem>>
          %dma_start3A_130 = arith.constant 0 : i32
          %dma_start3A_131 = tpu.memref_slice %arg7[%add3A_78, %dma_start3A_130] : memref<125x80xi32, #tpu.memory_space<vmem>> -> memref<1x80xi32, #tpu.memory_space<vmem>>
          %dma_start3A_132 = tpu.memref_squeeze %dma_start3A_131 : memref<1x80xi32, #tpu.memory_space<vmem>> -> memref<80xi32, #tpu.memory_space<vmem>>
          %dma_start3A_133 = arith.constant 0 : i32
          %dma_start3A_134 = arith.constant 0 : i32
          %dma_start3A_135 = tpu.memref_slice %arg5[%dma_start3A_133, %dma_start3A_134] : memref<10000x128xf32, #tpu.memory_space<vmem_shared>> -> memref<10000x128xf32, #tpu.memory_space<vmem_shared>>
          tpu.enqueue_indirect_dma source(%arg9 : memref<80x128xf32, #tpu.memory_space<vmem>>) target(%dma_start3A_135 : memref<10000x128xf32, #tpu.memory_space<vmem_shared>>) offsets(%dma_start3A_132 : memref<80xi32, #tpu.memory_space<vmem>>) semaphore(%run_scoped3A : memref<!tpu.dma_semaphore, #tpu.memory_space<semaphore_mem>>) {add = true}
          %dma_wait3A_136 = arith.constant 0 : i32
          %dma_wait3A_137 = tpu.memref_slice %arg7[%add3A_78, %dma_wait3A_136] : memref<125x80xi32, #tpu.memory_space<vmem>> -> memref<1x80xi32, #tpu.memory_space<vmem>>
          %dma_wait3A_138 = tpu.memref_squeeze %dma_wait3A_137 : memref<1x80xi32, #tpu.memory_space<vmem>> -> memref<80xi32, #tpu.memory_space<vmem>>
          %dma_wait3A_139 = arith.constant 0 : i32
          %dma_wait3A_140 = arith.constant 0 : i32
          %dma_wait3A_141 = tpu.memref_slice %arg5[%dma_wait3A_139, %dma_wait3A_140] : memref<10000x128xf32, #tpu.memory_space<vmem_shared>> -> memref<10000x128xf32, #tpu.memory_space<vmem_shared>>
          tpu.wait_indirect_dma semaphore(%run_scoped3A : memref<!tpu.dma_semaphore, #tpu.memory_space<semaphore_mem>>) src(%arg9 : memref<80x128xf32, #tpu.memory_space<vmem>>) dst(%dma_wait3A_141 : memref<10000x128xf32, #tpu.memory_space<vmem_shared>>)
          tpu.yield
        }) : () -> ()
      } else {
      }
      %add3A_92 = arith.constant 1 : i32
      %add3A_93 = arith.addi %mul3A_76, %add3A_92 : i32
      %add3A_94 = arith.constant 3 : i32
      %add3A_95 = arith.addi %add3A_93, %add3A_94 : i32
      %sub3A_96 = arith.constant 1 : i32
      %sub3A_97 = arith.subi %add3A_95, %sub3A_96 : i32
      %lt3A_98 = arith.constant 125 : i32
      %lt3A_99 = arith.cmpi slt, %sub3A_97, %lt3A_98 : i32
      %convert_element_type3A_100 = arith.extui %lt3A_99 : i1 to i32
      %cond3A_101 = arith.constant 0 : i32
      %cond3A_102 = arith.cmpi ne, %convert_element_type3A_100, %cond3A_101 : i32
      scf.if %cond3A_102 {
        %dma_start3A_124 = arith.constant 0 : i32
        %dma_start3A_125 = tpu.memref_slice %arg6[%sub3A_97, %dma_start3A_124] : memref<125x80xi32, #tpu.memory_space<vmem>> -> memref<1x80xi32, #tpu.memory_space<vmem>>
        %dma_start3A_126 = tpu.memref_squeeze %dma_start3A_125 : memref<1x80xi32, #tpu.memory_space<vmem>> -> memref<80xi32, #tpu.memory_space<vmem>>
        %dma_start3A_127 = arith.constant 0 : i32
        %dma_start3A_128 = arith.constant 0 : i32
        %dma_start3A_129 = tpu.memref_slice %arg2[%dma_start3A_127, %dma_start3A_128] : memref<10000x128xf32, #tpu.memory_space<hbm>> -> memref<10000x128xf32, #tpu.memory_space<hbm>>
        tpu.enqueue_indirect_dma source(%dma_start3A_129 : memref<10000x128xf32, #tpu.memory_space<hbm>>) target(%arg9 : memref<80x128xf32, #tpu.memory_space<vmem>>) offsets(%dma_start3A_126 : memref<80xi32, #tpu.memory_space<vmem>>) semaphore(%arg12 : memref<!tpu.dma_semaphore, #tpu.memory_space<semaphore_mem>>)
      } else {
      }
      %lt3A_103 = arith.constant 125 : i32
      %lt3A_104 = arith.cmpi slt, %add3A_93, %lt3A_103 : i32
      %convert_element_type3A_105 = arith.extui %lt3A_104 : i1 to i32
      %cond3A_106 = arith.constant 0 : i32
      %cond3A_107 = arith.cmpi ne, %convert_element_type3A_105, %cond3A_106 : i32
      scf.if %cond3A_107 {
        %dma_wait3A_124 = arith.constant 0 : i32
        %dma_wait3A_125 = tpu.memref_slice %arg6[%add3A_93, %dma_wait3A_124] : memref<125x80xi32, #tpu.memory_space<vmem>> -> memref<1x80xi32, #tpu.memory_space<vmem>>
        %dma_wait3A_126 = tpu.memref_squeeze %dma_wait3A_125 : memref<1x80xi32, #tpu.memory_space<vmem>> -> memref<80xi32, #tpu.memory_space<vmem>>
        %dma_wait3A_127 = arith.constant 0 : i32
        %dma_wait3A_128 = arith.constant 0 : i32
        %dma_wait3A_129 = tpu.memref_slice %arg2[%dma_wait3A_127, %dma_wait3A_128] : memref<10000x128xf32, #tpu.memory_space<hbm>> -> memref<10000x128xf32, #tpu.memory_space<hbm>>
        tpu.wait_indirect_dma semaphore(%arg13 : memref<!tpu.dma_semaphore, #tpu.memory_space<semaphore_mem>>) src(%dma_wait3A_129 : memref<10000x128xf32, #tpu.memory_space<hbm>>) dst(%arg10 : memref<80x128xf32, #tpu.memory_space<vmem>>)
        "tpu.region"() ({
          %run_scoped3A = tpu.sem_alloc : memref<!tpu.dma_semaphore, #tpu.memory_space<semaphore_mem>>
          %dma_start3A_130 = arith.constant 0 : i32
          %dma_start3A_131 = tpu.memref_slice %arg7[%add3A_93, %dma_start3A_130] : memref<125x80xi32, #tpu.memory_space<vmem>> -> memref<1x80xi32, #tpu.memory_space<vmem>>
          %dma_start3A_132 = tpu.memref_squeeze %dma_start3A_131 : memref<1x80xi32, #tpu.memory_space<vmem>> -> memref<80xi32, #tpu.memory_space<vmem>>
          %dma_start3A_133 = arith.constant 0 : i32
          %dma_start3A_134 = arith.constant 0 : i32
          %dma_start3A_135 = tpu.memref_slice %arg5[%dma_start3A_133, %dma_start3A_134] : memref<10000x128xf32, #tpu.memory_space<vmem_shared>> -> memref<10000x128xf32, #tpu.memory_space<vmem_shared>>
          tpu.enqueue_indirect_dma source(%arg10 : memref<80x128xf32, #tpu.memory_space<vmem>>) target(%dma_start3A_135 : memref<10000x128xf32, #tpu.memory_space<vmem_shared>>) offsets(%dma_start3A_132 : memref<80xi32, #tpu.memory_space<vmem>>) semaphore(%run_scoped3A : memref<!tpu.dma_semaphore, #tpu.memory_space<semaphore_mem>>) {add = true}
          %dma_wait3A_136 = arith.constant 0 : i32
          %dma_wait3A_137 = tpu.memref_slice %arg7[%add3A_93, %dma_wait3A_136] : memref<125x80xi32, #tpu.memory_space<vmem>> -> memref<1x80xi32, #tpu.memory_space<vmem>>
          %dma_wait3A_138 = tpu.memref_squeeze %dma_wait3A_137 : memref<1x80xi32, #tpu.memory_space<vmem>> -> memref<80xi32, #tpu.memory_space<vmem>>
          %dma_wait3A_139 = arith.constant 0 : i32
          %dma_wait3A_140 = arith.constant 0 : i32
          %dma_wait3A_141 = tpu.memref_slice %arg5[%dma_wait3A_139, %dma_wait3A_140] : memref<10000x128xf32, #tpu.memory_space<vmem_shared>> -> memref<10000x128xf32, #tpu.memory_space<vmem_shared>>
          tpu.wait_indirect_dma semaphore(%run_scoped3A : memref<!tpu.dma_semaphore, #tpu.memory_space<semaphore_mem>>) src(%arg10 : memref<80x128xf32, #tpu.memory_space<vmem>>) dst(%dma_wait3A_141 : memref<10000x128xf32, #tpu.memory_space<vmem_shared>>)
          tpu.yield
        }) : () -> ()
      } else {
      }
      %add3A_108 = arith.constant 2 : i32
      %add3A_109 = arith.addi %mul3A_76, %add3A_108 : i32
      %add3A_110 = arith.constant 3 : i32
      %add3A_111 = arith.addi %add3A_109, %add3A_110 : i32
      %sub3A_112 = arith.constant 1 : i32
      %sub3A_113 = arith.subi %add3A_111, %sub3A_112 : i32
      %lt3A_114 = arith.constant 125 : i32
      %lt3A_115 = arith.cmpi slt, %sub3A_113, %lt3A_114 : i32
      %convert_element_type3A_116 = arith.extui %lt3A_115 : i1 to i32
      %cond3A_117 = arith.constant 0 : i32
      %cond3A_118 = arith.cmpi ne, %convert_element_type3A_116, %cond3A_117 : i32
      scf.if %cond3A_118 {
        %dma_start3A_124 = arith.constant 0 : i32
        %dma_start3A_125 = tpu.memref_slice %arg6[%sub3A_113, %dma_start3A_124] : memref<125x80xi32, #tpu.memory_space<vmem>> -> memref<1x80xi32, #tpu.memory_space<vmem>>
        %dma_start3A_126 = tpu.memref_squeeze %dma_start3A_125 : memref<1x80xi32, #tpu.memory_space<vmem>> -> memref<80xi32, #tpu.memory_space<vmem>>
        %dma_start3A_127 = arith.constant 0 : i32
        %dma_start3A_128 = arith.constant 0 : i32
        %dma_start3A_129 = tpu.memref_slice %arg2[%dma_start3A_127, %dma_start3A_128] : memref<10000x128xf32, #tpu.memory_space<hbm>> -> memref<10000x128xf32, #tpu.memory_space<hbm>>
        tpu.enqueue_indirect_dma source(%dma_start3A_129 : memref<10000x128xf32, #tpu.memory_space<hbm>>) target(%arg10 : memref<80x128xf32, #tpu.memory_space<vmem>>) offsets(%dma_start3A_126 : memref<80xi32, #tpu.memory_space<vmem>>) semaphore(%arg13 : memref<!tpu.dma_semaphore, #tpu.memory_space<semaphore_mem>>)
      } else {
      }
      %lt3A_119 = arith.constant 125 : i32
      %lt3A_120 = arith.cmpi slt, %add3A_109, %lt3A_119 : i32
      %convert_element_type3A_121 = arith.extui %lt3A_120 : i1 to i32
      %cond3A_122 = arith.constant 0 : i32
      %cond3A_123 = arith.cmpi ne, %convert_element_type3A_121, %cond3A_122 : i32
      scf.if %cond3A_123 {
        %dma_wait3A_124 = arith.constant 0 : i32
        %dma_wait3A_125 = tpu.memref_slice %arg6[%add3A_109, %dma_wait3A_124] : memref<125x80xi32, #tpu.memory_space<vmem>> -> memref<1x80xi32, #tpu.memory_space<vmem>>
        %dma_wait3A_126 = tpu.memref_squeeze %dma_wait3A_125 : memref<1x80xi32, #tpu.memory_space<vmem>> -> memref<80xi32, #tpu.memory_space<vmem>>
        %dma_wait3A_127 = arith.constant 0 : i32
        %dma_wait3A_128 = arith.constant 0 : i32
        %dma_wait3A_129 = tpu.memref_slice %arg2[%dma_wait3A_127, %dma_wait3A_128] : memref<10000x128xf32, #tpu.memory_space<hbm>> -> memref<10000x128xf32, #tpu.memory_space<hbm>>
        tpu.wait_indirect_dma semaphore(%arg11 : memref<!tpu.dma_semaphore, #tpu.memory_space<semaphore_mem>>) src(%dma_wait3A_129 : memref<10000x128xf32, #tpu.memory_space<hbm>>) dst(%arg8 : memref<80x128xf32, #tpu.memory_space<vmem>>)
        "tpu.region"() ({
          %run_scoped3A = tpu.sem_alloc : memref<!tpu.dma_semaphore, #tpu.memory_space<semaphore_mem>>
          %dma_start3A_130 = arith.constant 0 : i32
          %dma_start3A_131 = tpu.memref_slice %arg7[%add3A_109, %dma_start3A_130] : memref<125x80xi32, #tpu.memory_space<vmem>> -> memref<1x80xi32, #tpu.memory_space<vmem>>
          %dma_start3A_132 = tpu.memref_squeeze %dma_start3A_131 : memref<1x80xi32, #tpu.memory_space<vmem>> -> memref<80xi32, #tpu.memory_space<vmem>>
          %dma_start3A_133 = arith.constant 0 : i32
          %dma_start3A_134 = arith.constant 0 : i32
          %dma_start3A_135 = tpu.memref_slice %arg5[%dma_start3A_133, %dma_start3A_134] : memref<10000x128xf32, #tpu.memory_space<vmem_shared>> -> memref<10000x128xf32, #tpu.memory_space<vmem_shared>>
          tpu.enqueue_indirect_dma source(%arg8 : memref<80x128xf32, #tpu.memory_space<vmem>>) target(%dma_start3A_135 : memref<10000x128xf32, #tpu.memory_space<vmem_shared>>) offsets(%dma_start3A_132 : memref<80xi32, #tpu.memory_space<vmem>>) semaphore(%run_scoped3A : memref<!tpu.dma_semaphore, #tpu.memory_space<semaphore_mem>>) {add = true}
          %dma_wait3A_136 = arith.constant 0 : i32
          %dma_wait3A_137 = tpu.memref_slice %arg7[%add3A_109, %dma_wait3A_136] : memref<125x80xi32, #tpu.memory_space<vmem>> -> memref<1x80xi32, #tpu.memory_space<vmem>>
          %dma_wait3A_138 = tpu.memref_squeeze %dma_wait3A_137 : memref<1x80xi32, #tpu.memory_space<vmem>> -> memref<80xi32, #tpu.memory_space<vmem>>
          %dma_wait3A_139 = arith.constant 0 : i32
          %dma_wait3A_140 = arith.constant 0 : i32
          %dma_wait3A_141 = tpu.memref_slice %arg5[%dma_wait3A_139, %dma_wait3A_140] : memref<10000x128xf32, #tpu.memory_space<vmem_shared>> -> memref<10000x128xf32, #tpu.memory_space<vmem_shared>>
          tpu.wait_indirect_dma semaphore(%run_scoped3A : memref<!tpu.dma_semaphore, #tpu.memory_space<semaphore_mem>>) src(%arg8 : memref<80x128xf32, #tpu.memory_space<vmem>>) dst(%dma_wait3A_141 : memref<10000x128xf32, #tpu.memory_space<vmem_shared>>)
          tpu.yield
        }) : () -> ()
      } else {
      }
    }
    %scan3A_62 = arith.constant 42 : i32
    %barrier3A_63 = arith.constant 0 : index
    tpu.barrier barrier_id(%barrier3A_63)
    %lt3A = arith.constant 15 : i32
    %lt3A_64 = arith.cmpi slt, %arg1, %lt3A : i32
    %convert_element_type3A = arith.extui %lt3A_64 : i1 to i32
    %cond3A = arith.constant 0 : i32
    %cond3A_65 = arith.cmpi ne, %convert_element_type3A, %cond3A : i32
    scf.if %cond3A_65 {
      %mul3A_70 = arith.constant 624 : i32
      %mul3A_71 = arith.muli %arg1, %mul3A_70 : i32
      %mul3A_72 = arith.constant 624 : i32
      %mul3A_73 = arith.muli %arg1, %mul3A_72 : i32
      "tpu.region"() ({
        %run_scoped3A = tpu.sem_alloc : memref<!tpu.dma_semaphore, #tpu.memory_space<semaphore_mem>>
        %dma_start3A_74 = arith.constant 0 : i32
        %dma_start3A_75 = tpu.memref_slice %arg4[%arg0, %mul3A_73, %dma_start3A_74] : memref<2x10000x128xf32, #tpu.memory_space<hbm>> -> memref<1x624x128xf32, #tpu.memory_space<hbm>>
        %dma_start3A_76 = tpu.memref_squeeze %dma_start3A_75 : memref<1x624x128xf32, #tpu.memory_space<hbm>> -> memref<624x128xf32, #tpu.memory_space<hbm>>
        %dma_start3A_77 = arith.constant 0 : i32
        %dma_start3A_78 = tpu.memref_slice %arg5[%mul3A_71, %dma_start3A_77] : memref<10000x128xf32, #tpu.memory_space<vmem_shared>> -> memref<624x128xf32, #tpu.memory_space<vmem_shared>>
        tpu.enqueue_dma source(%dma_start3A_78 : memref<624x128xf32, #tpu.memory_space<vmem_shared>>) target(%dma_start3A_76 : memref<624x128xf32, #tpu.memory_space<hbm>>) target_semaphore(%run_scoped3A : memref<!tpu.dma_semaphore, #tpu.memory_space<semaphore_mem>>)
        %dma_wait3A_79 = arith.constant 0 : i32
        %dma_wait3A_80 = tpu.memref_slice %arg4[%arg0, %mul3A_73, %dma_wait3A_79] : memref<2x10000x128xf32, #tpu.memory_space<hbm>> -> memref<1x624x128xf32, #tpu.memory_space<hbm>>
        %dma_wait3A_81 = tpu.memref_squeeze %dma_wait3A_80 : memref<1x624x128xf32, #tpu.memory_space<hbm>> -> memref<624x128xf32, #tpu.memory_space<hbm>>
        %dma_wait3A_82 = arith.constant 0 : i32
        %dma_wait3A_83 = tpu.memref_slice %arg5[%mul3A_71, %dma_wait3A_82] : memref<10000x128xf32, #tpu.memory_space<vmem_shared>> -> memref<624x128xf32, #tpu.memory_space<vmem_shared>>
        tpu.wait_dma2 semaphore(%run_scoped3A : memref<!tpu.dma_semaphore, #tpu.memory_space<semaphore_mem>>) src(%dma_wait3A_83 : memref<624x128xf32, #tpu.memory_space<vmem_shared>>) dst(%dma_wait3A_81 : memref<624x128xf32, #tpu.memory_space<hbm>>)
        tpu.yield
      }) : () -> ()
    } else {
    }
    %eq3A = arith.constant 15 : i32
    %eq3A_66 = arith.cmpi eq, %arg1, %eq3A : i32
    %convert_element_type3A_67 = arith.extui %eq3A_66 : i1 to i32
    %cond3A_68 = arith.constant 0 : i32
    %cond3A_69 = arith.cmpi ne, %convert_element_type3A_67, %cond3A_68 : i32
    scf.if %cond3A_69 {
      "tpu.region"() ({
        %run_scoped3A = tpu.sem_alloc : memref<!tpu.dma_semaphore, #tpu.memory_space<semaphore_mem>>
        %dma_start3A_70 = arith.constant 9360 : i32
        %dma_start3A_71 = arith.constant 0 : i32
        %dma_start3A_72 = tpu.memref_slice %arg4[%arg0, %dma_start3A_70, %dma_start3A_71] : memref<2x10000x128xf32, #tpu.memory_space<hbm>> -> memref<1x640x128xf32, #tpu.memory_space<hbm>>
        %dma_start3A_73 = tpu.memref_squeeze %dma_start3A_72 : memref<1x640x128xf32, #tpu.memory_space<hbm>> -> memref<640x128xf32, #tpu.memory_space<hbm>>
        %dma_start3A_74 = arith.constant 9360 : i32
        %dma_start3A_75 = arith.constant 0 : i32
        %dma_start3A_76 = tpu.memref_slice %arg5[%dma_start3A_74, %dma_start3A_75] : memref<10000x128xf32, #tpu.memory_space<vmem_shared>> -> memref<640x128xf32, #tpu.memory_space<vmem_shared>>
        tpu.enqueue_dma source(%dma_start3A_76 : memref<640x128xf32, #tpu.memory_space<vmem_shared>>) target(%dma_start3A_73 : memref<640x128xf32, #tpu.memory_space<hbm>>) target_semaphore(%run_scoped3A : memref<!tpu.dma_semaphore, #tpu.memory_space<semaphore_mem>>)
        %dma_wait3A_77 = arith.constant 9360 : i32
        %dma_wait3A_78 = arith.constant 0 : i32
        %dma_wait3A_79 = tpu.memref_slice %arg4[%arg0, %dma_wait3A_77, %dma_wait3A_78] : memref<2x10000x128xf32, #tpu.memory_space<hbm>> -> memref<1x640x128xf32, #tpu.memory_space<hbm>>
        %dma_wait3A_80 = tpu.memref_squeeze %dma_wait3A_79 : memref<1x640x128xf32, #tpu.memory_space<hbm>> -> memref<640x128xf32, #tpu.memory_space<hbm>>
        %dma_wait3A_81 = arith.constant 9360 : i32
        %dma_wait3A_82 = arith.constant 0 : i32
        %dma_wait3A_83 = tpu.memref_slice %arg5[%dma_wait3A_81, %dma_wait3A_82] : memref<10000x128xf32, #tpu.memory_space<vmem_shared>> -> memref<640x128xf32, #tpu.memory_space<vmem_shared>>
        tpu.wait_dma2 semaphore(%run_scoped3A : memref<!tpu.dma_semaphore, #tpu.memory_space<semaphore_mem>>) src(%dma_wait3A_83 : memref<640x128xf32, #tpu.memory_space<vmem_shared>>) dst(%dma_wait3A_80 : memref<640x128xf32, #tpu.memory_space<hbm>>)
        tpu.yield
      }) : () -> ()
    } else {
    }
    return
  }
}

#map = affine_map<(d0, d1) -> (0, 0, 0, 0)>
#map1 = affine_map<(d0, d1) -> (0, 0, 0)>
module attributes {stable_mosaic.version = 14 : i64} {
  func.func @_deg_body(%arg0: i32, %arg1: i32, %arg2: memref<2x32x125x80xi32, #tpu.memory_space<hbm>>, %arg3: memref<2x10000x16xf32, #tpu.memory_space<hbm>>, %arg4: memref<10000x16xf32, #tpu.memory_space<vmem_shared>>, %arg5: memref<125x80xi32, #tpu.memory_space<vmem>>, %arg6: memref<80x16xf32, #tpu.memory_space<vmem>>, %arg7: memref<!tpu.dma_semaphore, #tpu.memory_space<semaphore_mem>>) attributes {dimension_semantics = [#tpu.dimension_semantics<core_parallel>, #tpu.dimension_semantics<subcore_parallel>], iteration_bounds = array<i64: 2, 16>, scalar_prefetch = 0 : i64, scratch_operands = 4 : i64, tpu.core_type = #tpu.core_type<sc_vector_subcore>, window_params = [{transform_indices = #map}, {transform_indices = #map1}]} {
    %mul3A = arith.constant 2 : i32
    %mul3A_0 = arith.muli %arg1, %mul3A : i32
    %add3A = arith.addi %mul3A_0, %arg0 : i32
    %scan3A = arith.constant 0 : i32
    %scan3A_1 = arith.constant 80 : i32
    %scan3A_2 = arith.addi %scan3A, %scan3A_1 : i32
    %scan3A_3 = arith.constant 1 : i32
    scf.for %scan3A_27 = %scan3A to %scan3A_2 step %scan3A_3  : i32 {
      %mul3A_28 = arith.constant 1 : i32
      %mul3A_29 = arith.muli %scan3A_27, %mul3A_28 : i32
      %add3A_30 = arith.constant 0 : i32
      %add3A_31 = arith.addi %add3A_30, %mul3A_29 : i32
      %broadcast_in_dim3A = arith.constant 0.000000e+00 : f32
      %broadcast_in_dim3A_32 = vector.broadcast %broadcast_in_dim3A : f32 to vector<16xf32>
      %swap3A = arith.index_cast %add3A_31 : i32 to index
      %swap3A_33 = arith.constant 0 : index
      %swap3A_34 = tpu.vector_load %arg6[%swap3A, %swap3A_33] {strides = array<i32>} : memref<80x16xf32, #tpu.memory_space<vmem>>, vector<1x16xf32>,
      %swap3A_35 = vector.shape_cast %swap3A_34 : vector<1x16xf32> to vector<16xf32>
      %swap3A_36 = vector.shape_cast %broadcast_in_dim3A_32 : vector<16xf32> to vector<1x16xf32>
      tpu.vector_store %arg6[%swap3A, %swap3A_33], %swap3A_36 {strides = array<i32>} : memref<80x16xf32, #tpu.memory_space<vmem>>, vector<1x16xf32>,
    }
    %scan3A_4 = arith.constant 80 : i32
    %scan3A_5 = arith.constant 0 : i32
    %scan3A_6 = arith.constant 8 : i32
    %scan3A_7 = arith.addi %scan3A_5, %scan3A_6 : i32
    %scan3A_8 = arith.constant 1 : i32
    scf.for %scan3A_27 = %scan3A_5 to %scan3A_7 step %scan3A_8  : i32 {
      %mul3A_28 = arith.constant 1 : i32
      %mul3A_29 = arith.muli %scan3A_27, %mul3A_28 : i32
      %add3A_30 = arith.constant 0 : i32
      %add3A_31 = arith.addi %add3A_30, %mul3A_29 : i32
      %mul3A_32 = arith.constant 16 : i32
      %mul3A_33 = arith.muli %add3A_31, %mul3A_32 : i32
      %add3A_34 = arith.addi %mul3A_33, %arg1 : i32
      %lt3A_35 = arith.constant 125 : i32
      %lt3A_36 = arith.cmpi slt, %add3A_34, %lt3A_35 : i32
      %convert_element_type3A_37 = arith.extui %lt3A_36 : i1 to i32
      %cond3A_38 = arith.constant 0 : i32
      %cond3A_39 = arith.cmpi ne, %convert_element_type3A_37, %cond3A_38 : i32
      scf.if %cond3A_39 {
        %mul3A_40 = arith.constant 80 : i32
        %mul3A_41 = arith.muli %add3A_34, %mul3A_40 : i32
        "tpu.region"() ({
          %run_scoped3A_42 = tpu.sem_alloc : memref<!tpu.dma_semaphore, #tpu.memory_space<semaphore_mem>>
          %dma_start3A = arith.constant 0 : i32
          %dma_start3A_43 = tpu.memref_slice %arg4[%mul3A_41, %dma_start3A] : memref<10000x16xf32, #tpu.memory_space<vmem_shared>> -> memref<80x16xf32, #tpu.memory_space<vmem_shared>>
          %dma_start3A_44 = arith.constant 0 : i32
          %dma_start3A_45 = tpu.memref_slice %arg4[%mul3A_41, %dma_start3A_44] : memref<10000x16xf32, #tpu.memory_space<vmem_shared>> -> memref<80x16xf32, #tpu.memory_space<vmem_shared>>
          tpu.enqueue_dma source(%arg6 : memref<80x16xf32, #tpu.memory_space<vmem>>) target(%dma_start3A_45 : memref<80x16xf32, #tpu.memory_space<vmem_shared>>) target_semaphore(%run_scoped3A_42 : memref<!tpu.dma_semaphore, #tpu.memory_space<semaphore_mem>>)
          %dma_wait3A = arith.constant 0 : i32
          %dma_wait3A_46 = tpu.memref_slice %arg4[%mul3A_41, %dma_wait3A] : memref<10000x16xf32, #tpu.memory_space<vmem_shared>> -> memref<80x16xf32, #tpu.memory_space<vmem_shared>>
          %dma_wait3A_47 = arith.constant 0 : i32
          %dma_wait3A_48 = tpu.memref_slice %arg4[%mul3A_41, %dma_wait3A_47] : memref<10000x16xf32, #tpu.memory_space<vmem_shared>> -> memref<80x16xf32, #tpu.memory_space<vmem_shared>>
          tpu.wait_dma2 semaphore(%run_scoped3A_42 : memref<!tpu.dma_semaphore, #tpu.memory_space<semaphore_mem>>) src(%arg6 : memref<80x16xf32, #tpu.memory_space<vmem>>) dst(%dma_wait3A_48 : memref<80x16xf32, #tpu.memory_space<vmem_shared>>)
          tpu.yield
        }) : () -> ()
      } else {
      }
    }
    %scan3A_9 = arith.constant 8 : i32
    %run_scoped3A = arith.constant 1 : i32
    "tpu.region"() ({
      %run_scoped3A_27 = tpu.sem_alloc : memref<!tpu.dma_semaphore, #tpu.memory_space<semaphore_mem>>
      %dma_start3A = arith.constant 0 : i32
      %dma_start3A_28 = arith.constant 0 : i32
      %dma_start3A_29 = tpu.memref_slice %arg2[%run_scoped3A, %add3A, %dma_start3A, %dma_start3A_28] : memref<2x32x125x80xi32, #tpu.memory_space<hbm>> -> memref<1x1x125x80xi32, #tpu.memory_space<hbm>>
      %dma_start3A_30 = tpu.memref_squeeze %dma_start3A_29 : memref<1x1x125x80xi32, #tpu.memory_space<hbm>> -> memref<125x80xi32, #tpu.memory_space<hbm>>
      %dma_start3A_31 = arith.constant 0 : i32
      %dma_start3A_32 = arith.constant 0 : i32
      %dma_start3A_33 = tpu.memref_slice %arg2[%run_scoped3A, %add3A, %dma_start3A_31, %dma_start3A_32] : memref<2x32x125x80xi32, #tpu.memory_space<hbm>> -> memref<1x1x125x80xi32, #tpu.memory_space<hbm>>
      %dma_start3A_34 = tpu.memref_squeeze %dma_start3A_33 : memref<1x1x125x80xi32, #tpu.memory_space<hbm>> -> memref<125x80xi32, #tpu.memory_space<hbm>>
      tpu.enqueue_dma source(%dma_start3A_34 : memref<125x80xi32, #tpu.memory_space<hbm>>) target(%arg5 : memref<125x80xi32, #tpu.memory_space<vmem>>) target_semaphore(%run_scoped3A_27 : memref<!tpu.dma_semaphore, #tpu.memory_space<semaphore_mem>>)
      %dma_wait3A = arith.constant 0 : i32
      %dma_wait3A_35 = arith.constant 0 : i32
      %dma_wait3A_36 = tpu.memref_slice %arg2[%run_scoped3A, %add3A, %dma_wait3A, %dma_wait3A_35] : memref<2x32x125x80xi32, #tpu.memory_space<hbm>> -> memref<1x1x125x80xi32, #tpu.memory_space<hbm>>
      %dma_wait3A_37 = tpu.memref_squeeze %dma_wait3A_36 : memref<1x1x125x80xi32, #tpu.memory_space<hbm>> -> memref<125x80xi32, #tpu.memory_space<hbm>>
      %dma_wait3A_38 = arith.constant 0 : i32
      %dma_wait3A_39 = arith.constant 0 : i32
      %dma_wait3A_40 = tpu.memref_slice %arg2[%run_scoped3A, %add3A, %dma_wait3A_38, %dma_wait3A_39] : memref<2x32x125x80xi32, #tpu.memory_space<hbm>> -> memref<1x1x125x80xi32, #tpu.memory_space<hbm>>
      %dma_wait3A_41 = tpu.memref_squeeze %dma_wait3A_40 : memref<1x1x125x80xi32, #tpu.memory_space<hbm>> -> memref<125x80xi32, #tpu.memory_space<hbm>>
      tpu.wait_dma2 semaphore(%run_scoped3A_27 : memref<!tpu.dma_semaphore, #tpu.memory_space<semaphore_mem>>) src(%dma_wait3A_41 : memref<125x80xi32, #tpu.memory_space<hbm>>) dst(%arg5 : memref<125x80xi32, #tpu.memory_space<vmem>>)
      tpu.yield
    }) : () -> ()
    %scan3A_10 = arith.constant 0 : i32
    %scan3A_11 = arith.constant 80 : i32
    %scan3A_12 = arith.addi %scan3A_10, %scan3A_11 : i32
    %scan3A_13 = arith.constant 1 : i32
    scf.for %scan3A_27 = %scan3A_10 to %scan3A_12 step %scan3A_13  : i32 {
      %mul3A_28 = arith.constant 1 : i32
      %mul3A_29 = arith.muli %scan3A_27, %mul3A_28 : i32
      %add3A_30 = arith.constant 0 : i32
      %add3A_31 = arith.addi %add3A_30, %mul3A_29 : i32
      %broadcast_in_dim3A = arith.constant 1.000000e+00 : f32
      %broadcast_in_dim3A_32 = vector.broadcast %broadcast_in_dim3A : f32 to vector<16xf32>
      %swap3A = arith.index_cast %add3A_31 : i32 to index
      %swap3A_33 = arith.constant 0 : index
      %swap3A_34 = tpu.vector_load %arg6[%swap3A, %swap3A_33] {strides = array<i32>} : memref<80x16xf32, #tpu.memory_space<vmem>>, vector<1x16xf32>,
      %swap3A_35 = vector.shape_cast %swap3A_34 : vector<1x16xf32> to vector<16xf32>
      %swap3A_36 = vector.shape_cast %broadcast_in_dim3A_32 : vector<16xf32> to vector<1x16xf32>
      tpu.vector_store %arg6[%swap3A, %swap3A_33], %swap3A_36 {strides = array<i32>} : memref<80x16xf32, #tpu.memory_space<vmem>>, vector<1x16xf32>,
    }
    %scan3A_14 = arith.constant 80 : i32
    %barrier3A = arith.constant 0 : index
    tpu.barrier barrier_id(%barrier3A)
    %scan3A_15 = arith.constant 0 : i32
    %scan3A_16 = arith.constant 25 : i32
    %scan3A_17 = arith.addi %scan3A_15, %scan3A_16 : i32
    %scan3A_18 = arith.constant 1 : i32
    scf.for %scan3A_27 = %scan3A_15 to %scan3A_17 step %scan3A_18  : i32 {
      %mul3A_28 = arith.constant 1 : i32
      %mul3A_29 = arith.muli %scan3A_27, %mul3A_28 : i32
      %add3A_30 = arith.constant 0 : i32
      %add3A_31 = arith.addi %add3A_30, %mul3A_29 : i32
      %mul3A_32 = arith.constant 5 : i32
      %mul3A_33 = arith.muli %mul3A_32, %add3A_31 : i32
      %add3A_34 = arith.constant 0 : i32
      %add3A_35 = arith.addi %mul3A_33, %add3A_34 : i32
      %dma_start3A = arith.constant 0 : i32
      %dma_start3A_36 = tpu.memref_slice %arg5[%add3A_35, %dma_start3A] : memref<125x80xi32, #tpu.memory_space<vmem>> -> memref<1x80xi32, #tpu.memory_space<vmem>>
      %dma_start3A_37 = tpu.memref_squeeze %dma_start3A_36 : memref<1x80xi32, #tpu.memory_space<vmem>> -> memref<80xi32, #tpu.memory_space<vmem>>
      %dma_start3A_38 = arith.constant 0 : i32
      %dma_start3A_39 = arith.constant 0 : i32
      %dma_start3A_40 = tpu.memref_slice %arg4[%dma_start3A_38, %dma_start3A_39] : memref<10000x16xf32, #tpu.memory_space<vmem_shared>> -> memref<10000x16xf32, #tpu.memory_space<vmem_shared>>
      tpu.enqueue_indirect_dma source(%arg6 : memref<80x16xf32, #tpu.memory_space<vmem>>) target(%dma_start3A_40 : memref<10000x16xf32, #tpu.memory_space<vmem_shared>>) offsets(%dma_start3A_37 : memref<80xi32, #tpu.memory_space<vmem>>) semaphore(%arg7 : memref<!tpu.dma_semaphore, #tpu.memory_space<semaphore_mem>>) {add = true}
      %add3A_41 = arith.constant 1 : i32
      %add3A_42 = arith.addi %mul3A_33, %add3A_41 : i32
      %dma_start3A_43 = arith.constant 0 : i32
      %dma_start3A_44 = tpu.memref_slice %arg5[%add3A_42, %dma_start3A_43] : memref<125x80xi32, #tpu.memory_space<vmem>> -> memref<1x80xi32, #tpu.memory_space<vmem>>
      %dma_start3A_45 = tpu.memref_squeeze %dma_start3A_44 : memref<1x80xi32, #tpu.memory_space<vmem>> -> memref<80xi32, #tpu.memory_space<vmem>>
      %dma_start3A_46 = arith.constant 0 : i32
      %dma_start3A_47 = arith.constant 0 : i32
      %dma_start3A_48 = tpu.memref_slice %arg4[%dma_start3A_46, %dma_start3A_47] : memref<10000x16xf32, #tpu.memory_space<vmem_shared>> -> memref<10000x16xf32, #tpu.memory_space<vmem_shared>>
      tpu.enqueue_indirect_dma source(%arg6 : memref<80x16xf32, #tpu.memory_space<vmem>>) target(%dma_start3A_48 : memref<10000x16xf32, #tpu.memory_space<vmem_shared>>) offsets(%dma_start3A_45 : memref<80xi32, #tpu.memory_space<vmem>>) semaphore(%arg7 : memref<!tpu.dma_semaphore, #tpu.memory_space<semaphore_mem>>) {add = true}
      %add3A_49 = arith.constant 2 : i32
      %add3A_50 = arith.addi %mul3A_33, %add3A_49 : i32
      %dma_start3A_51 = arith.constant 0 : i32
      %dma_start3A_52 = tpu.memref_slice %arg5[%add3A_50, %dma_start3A_51] : memref<125x80xi32, #tpu.memory_space<vmem>> -> memref<1x80xi32, #tpu.memory_space<vmem>>
      %dma_start3A_53 = tpu.memref_squeeze %dma_start3A_52 : memref<1x80xi32, #tpu.memory_space<vmem>> -> memref<80xi32, #tpu.memory_space<vmem>>
      %dma_start3A_54 = arith.constant 0 : i32
      %dma_start3A_55 = arith.constant 0 : i32
      %dma_start3A_56 = tpu.memref_slice %arg4[%dma_start3A_54, %dma_start3A_55] : memref<10000x16xf32, #tpu.memory_space<vmem_shared>> -> memref<10000x16xf32, #tpu.memory_space<vmem_shared>>
      tpu.enqueue_indirect_dma source(%arg6 : memref<80x16xf32, #tpu.memory_space<vmem>>) target(%dma_start3A_56 : memref<10000x16xf32, #tpu.memory_space<vmem_shared>>) offsets(%dma_start3A_53 : memref<80xi32, #tpu.memory_space<vmem>>) semaphore(%arg7 : memref<!tpu.dma_semaphore, #tpu.memory_space<semaphore_mem>>) {add = true}
      %add3A_57 = arith.constant 3 : i32
      %add3A_58 = arith.addi %mul3A_33, %add3A_57 : i32
      %dma_start3A_59 = arith.constant 0 : i32
      %dma_start3A_60 = tpu.memref_slice %arg5[%add3A_58, %dma_start3A_59] : memref<125x80xi32, #tpu.memory_space<vmem>> -> memref<1x80xi32, #tpu.memory_space<vmem>>
      %dma_start3A_61 = tpu.memref_squeeze %dma_start3A_60 : memref<1x80xi32, #tpu.memory_space<vmem>> -> memref<80xi32, #tpu.memory_space<vmem>>
      %dma_start3A_62 = arith.constant 0 : i32
      %dma_start3A_63 = arith.constant 0 : i32
      %dma_start3A_64 = tpu.memref_slice %arg4[%dma_start3A_62, %dma_start3A_63] : memref<10000x16xf32, #tpu.memory_space<vmem_shared>> -> memref<10000x16xf32, #tpu.memory_space<vmem_shared>>
      tpu.enqueue_indirect_dma source(%arg6 : memref<80x16xf32, #tpu.memory_space<vmem>>) target(%dma_start3A_64 : memref<10000x16xf32, #tpu.memory_space<vmem_shared>>) offsets(%dma_start3A_61 : memref<80xi32, #tpu.memory_space<vmem>>) semaphore(%arg7 : memref<!tpu.dma_semaphore, #tpu.memory_space<semaphore_mem>>) {add = true}
      %add3A_65 = arith.constant 4 : i32
      %add3A_66 = arith.addi %mul3A_33, %add3A_65 : i32
      %dma_start3A_67 = arith.constant 0 : i32
      %dma_start3A_68 = tpu.memref_slice %arg5[%add3A_66, %dma_start3A_67] : memref<125x80xi32, #tpu.memory_space<vmem>> -> memref<1x80xi32, #tpu.memory_space<vmem>>
      %dma_start3A_69 = tpu.memref_squeeze %dma_start3A_68 : memref<1x80xi32, #tpu.memory_space<vmem>> -> memref<80xi32, #tpu.memory_space<vmem>>
      %dma_start3A_70 = arith.constant 0 : i32
      %dma_start3A_71 = arith.constant 0 : i32
      %dma_start3A_72 = tpu.memref_slice %arg4[%dma_start3A_70, %dma_start3A_71] : memref<10000x16xf32, #tpu.memory_space<vmem_shared>> -> memref<10000x16xf32, #tpu.memory_space<vmem_shared>>
      tpu.enqueue_indirect_dma source(%arg6 : memref<80x16xf32, #tpu.memory_space<vmem>>) target(%dma_start3A_72 : memref<10000x16xf32, #tpu.memory_space<vmem_shared>>) offsets(%dma_start3A_69 : memref<80xi32, #tpu.memory_space<vmem>>) semaphore(%arg7 : memref<!tpu.dma_semaphore, #tpu.memory_space<semaphore_mem>>) {add = true}
      %add3A_73 = arith.constant 0 : i32
      %add3A_74 = arith.addi %mul3A_33, %add3A_73 : i32
      %dma_wait3A = arith.constant 0 : i32
      %dma_wait3A_75 = tpu.memref_slice %arg5[%add3A_74, %dma_wait3A] : memref<125x80xi32, #tpu.memory_space<vmem>> -> memref<1x80xi32, #tpu.memory_space<vmem>>
      %dma_wait3A_76 = tpu.memref_squeeze %dma_wait3A_75 : memref<1x80xi32, #tpu.memory_space<vmem>> -> memref<80xi32, #tpu.memory_space<vmem>>
      %dma_wait3A_77 = arith.constant 0 : i32
      %dma_wait3A_78 = arith.constant 0 : i32
      %dma_wait3A_79 = tpu.memref_slice %arg4[%dma_wait3A_77, %dma_wait3A_78] : memref<10000x16xf32, #tpu.memory_space<vmem_shared>> -> memref<10000x16xf32, #tpu.memory_space<vmem_shared>>
      tpu.wait_indirect_dma semaphore(%arg7 : memref<!tpu.dma_semaphore, #tpu.memory_space<semaphore_mem>>) src(%arg6 : memref<80x16xf32, #tpu.memory_space<vmem>>) dst(%dma_wait3A_79 : memref<10000x16xf32, #tpu.memory_space<vmem_shared>>)
      %add3A_80 = arith.constant 1 : i32
      %add3A_81 = arith.addi %mul3A_33, %add3A_80 : i32
      %dma_wait3A_82 = arith.constant 0 : i32
      %dma_wait3A_83 = tpu.memref_slice %arg5[%add3A_81, %dma_wait3A_82] : memref<125x80xi32, #tpu.memory_space<vmem>> -> memref<1x80xi32, #tpu.memory_space<vmem>>
      %dma_wait3A_84 = tpu.memref_squeeze %dma_wait3A_83 : memref<1x80xi32, #tpu.memory_space<vmem>> -> memref<80xi32, #tpu.memory_space<vmem>>
      %dma_wait3A_85 = arith.constant 0 : i32
      %dma_wait3A_86 = arith.constant 0 : i32
      %dma_wait3A_87 = tpu.memref_slice %arg4[%dma_wait3A_85, %dma_wait3A_86] : memref<10000x16xf32, #tpu.memory_space<vmem_shared>> -> memref<10000x16xf32, #tpu.memory_space<vmem_shared>>
      tpu.wait_indirect_dma semaphore(%arg7 : memref<!tpu.dma_semaphore, #tpu.memory_space<semaphore_mem>>) src(%arg6 : memref<80x16xf32, #tpu.memory_space<vmem>>) dst(%dma_wait3A_87 : memref<10000x16xf32, #tpu.memory_space<vmem_shared>>)
      %add3A_88 = arith.constant 2 : i32
      %add3A_89 = arith.addi %mul3A_33, %add3A_88 : i32
      %dma_wait3A_90 = arith.constant 0 : i32
      %dma_wait3A_91 = tpu.memref_slice %arg5[%add3A_89, %dma_wait3A_90] : memref<125x80xi32, #tpu.memory_space<vmem>> -> memref<1x80xi32, #tpu.memory_space<vmem>>
      %dma_wait3A_92 = tpu.memref_squeeze %dma_wait3A_91 : memref<1x80xi32, #tpu.memory_space<vmem>> -> memref<80xi32, #tpu.memory_space<vmem>>
      %dma_wait3A_93 = arith.constant 0 : i32
      %dma_wait3A_94 = arith.constant 0 : i32
      %dma_wait3A_95 = tpu.memref_slice %arg4[%dma_wait3A_93, %dma_wait3A_94] : memref<10000x16xf32, #tpu.memory_space<vmem_shared>> -> memref<10000x16xf32, #tpu.memory_space<vmem_shared>>
      tpu.wait_indirect_dma semaphore(%arg7 : memref<!tpu.dma_semaphore, #tpu.memory_space<semaphore_mem>>) src(%arg6 : memref<80x16xf32, #tpu.memory_space<vmem>>) dst(%dma_wait3A_95 : memref<10000x16xf32, #tpu.memory_space<vmem_shared>>)
      %add3A_96 = arith.constant 3 : i32
      %add3A_97 = arith.addi %mul3A_33, %add3A_96 : i32
      %dma_wait3A_98 = arith.constant 0 : i32
      %dma_wait3A_99 = tpu.memref_slice %arg5[%add3A_97, %dma_wait3A_98] : memref<125x80xi32, #tpu.memory_space<vmem>> -> memref<1x80xi32, #tpu.memory_space<vmem>>
      %dma_wait3A_100 = tpu.memref_squeeze %dma_wait3A_99 : memref<1x80xi32, #tpu.memory_space<vmem>> -> memref<80xi32, #tpu.memory_space<vmem>>
      %dma_wait3A_101 = arith.constant 0 : i32
      %dma_wait3A_102 = arith.constant 0 : i32
      %dma_wait3A_103 = tpu.memref_slice %arg4[%dma_wait3A_101, %dma_wait3A_102] : memref<10000x16xf32, #tpu.memory_space<vmem_shared>> -> memref<10000x16xf32, #tpu.memory_space<vmem_shared>>
      tpu.wait_indirect_dma semaphore(%arg7 : memref<!tpu.dma_semaphore, #tpu.memory_space<semaphore_mem>>) src(%arg6 : memref<80x16xf32, #tpu.memory_space<vmem>>) dst(%dma_wait3A_103 : memref<10000x16xf32, #tpu.memory_space<vmem_shared>>)
      %add3A_104 = arith.constant 4 : i32
      %add3A_105 = arith.addi %mul3A_33, %add3A_104 : i32
      %dma_wait3A_106 = arith.constant 0 : i32
      %dma_wait3A_107 = tpu.memref_slice %arg5[%add3A_105, %dma_wait3A_106] : memref<125x80xi32, #tpu.memory_space<vmem>> -> memref<1x80xi32, #tpu.memory_space<vmem>>
      %dma_wait3A_108 = tpu.memref_squeeze %dma_wait3A_107 : memref<1x80xi32, #tpu.memory_space<vmem>> -> memref<80xi32, #tpu.memory_space<vmem>>
      %dma_wait3A_109 = arith.constant 0 : i32
      %dma_wait3A_110 = arith.constant 0 : i32
      %dma_wait3A_111 = tpu.memref_slice %arg4[%dma_wait3A_109, %dma_wait3A_110] : memref<10000x16xf32, #tpu.memory_space<vmem_shared>> -> memref<10000x16xf32, #tpu.memory_space<vmem_shared>>
      tpu.wait_indirect_dma semaphore(%arg7 : memref<!tpu.dma_semaphore, #tpu.memory_space<semaphore_mem>>) src(%arg6 : memref<80x16xf32, #tpu.memory_space<vmem>>) dst(%dma_wait3A_111 : memref<10000x16xf32, #tpu.memory_space<vmem_shared>>)
    }
    %scan3A_19 = arith.constant 25 : i32
    %barrier3A_20 = arith.constant 0 : index
    tpu.barrier barrier_id(%barrier3A_20)
    %lt3A = arith.constant 15 : i32
    %lt3A_21 = arith.cmpi slt, %arg1, %lt3A : i32
    %convert_element_type3A = arith.extui %lt3A_21 : i1 to i32
    %cond3A = arith.constant 0 : i32
    %cond3A_22 = arith.cmpi ne, %convert_element_type3A, %cond3A : i32
    scf.if %cond3A_22 {
      %mul3A_27 = arith.constant 624 : i32
      %mul3A_28 = arith.muli %arg1, %mul3A_27 : i32
      %mul3A_29 = arith.constant 624 : i32
      %mul3A_30 = arith.muli %arg1, %mul3A_29 : i32
      "tpu.region"() ({
        %run_scoped3A_31 = tpu.sem_alloc : memref<!tpu.dma_semaphore, #tpu.memory_space<semaphore_mem>>
        %dma_start3A = arith.constant 0 : i32
        %dma_start3A_32 = tpu.memref_slice %arg3[%arg0, %mul3A_30, %dma_start3A] : memref<2x10000x16xf32, #tpu.memory_space<hbm>> -> memref<1x624x16xf32, #tpu.memory_space<hbm>>
        %dma_start3A_33 = tpu.memref_squeeze %dma_start3A_32 : memref<1x624x16xf32, #tpu.memory_space<hbm>> -> memref<624x16xf32, #tpu.memory_space<hbm>>
        %dma_start3A_34 = arith.constant 0 : i32
        %dma_start3A_35 = tpu.memref_slice %arg4[%mul3A_28, %dma_start3A_34] : memref<10000x16xf32, #tpu.memory_space<vmem_shared>> -> memref<624x16xf32, #tpu.memory_space<vmem_shared>>
        tpu.enqueue_dma source(%dma_start3A_35 : memref<624x16xf32, #tpu.memory_space<vmem_shared>>) target(%dma_start3A_33 : memref<624x16xf32, #tpu.memory_space<hbm>>) target_semaphore(%run_scoped3A_31 : memref<!tpu.dma_semaphore, #tpu.memory_space<semaphore_mem>>)
        %dma_wait3A = arith.constant 0 : i32
        %dma_wait3A_36 = tpu.memref_slice %arg3[%arg0, %mul3A_30, %dma_wait3A] : memref<2x10000x16xf32, #tpu.memory_space<hbm>> -> memref<1x624x16xf32, #tpu.memory_space<hbm>>
        %dma_wait3A_37 = tpu.memref_squeeze %dma_wait3A_36 : memref<1x624x16xf32, #tpu.memory_space<hbm>> -> memref<624x16xf32, #tpu.memory_space<hbm>>
        %dma_wait3A_38 = arith.constant 0 : i32
        %dma_wait3A_39 = tpu.memref_slice %arg4[%mul3A_28, %dma_wait3A_38] : memref<10000x16xf32, #tpu.memory_space<vmem_shared>> -> memref<624x16xf32, #tpu.memory_space<vmem_shared>>
        tpu.wait_dma2 semaphore(%run_scoped3A_31 : memref<!tpu.dma_semaphore, #tpu.memory_space<semaphore_mem>>) src(%dma_wait3A_39 : memref<624x16xf32, #tpu.memory_space<vmem_shared>>) dst(%dma_wait3A_37 : memref<624x16xf32, #tpu.memory_space<hbm>>)
        tpu.yield
      }) : () -> ()
    } else {
    }
    %eq3A = arith.constant 15 : i32
    %eq3A_23 = arith.cmpi eq, %arg1, %eq3A : i32
    %convert_element_type3A_24 = arith.extui %eq3A_23 : i1 to i32
    %cond3A_25 = arith.constant 0 : i32
    %cond3A_26 = arith.cmpi ne, %convert_element_type3A_24, %cond3A_25 : i32
    scf.if %cond3A_26 {
      "tpu.region"() ({
        %run_scoped3A_27 = tpu.sem_alloc : memref<!tpu.dma_semaphore, #tpu.memory_space<semaphore_mem>>
        %dma_start3A = arith.constant 9360 : i32
        %dma_start3A_28 = arith.constant 0 : i32
        %dma_start3A_29 = tpu.memref_slice %arg3[%arg0, %dma_start3A, %dma_start3A_28] : memref<2x10000x16xf32, #tpu.memory_space<hbm>> -> memref<1x640x16xf32, #tpu.memory_space<hbm>>
        %dma_start3A_30 = tpu.memref_squeeze %dma_start3A_29 : memref<1x640x16xf32, #tpu.memory_space<hbm>> -> memref<640x16xf32, #tpu.memory_space<hbm>>
        %dma_start3A_31 = arith.constant 9360 : i32
        %dma_start3A_32 = arith.constant 0 : i32
        %dma_start3A_33 = tpu.memref_slice %arg4[%dma_start3A_31, %dma_start3A_32] : memref<10000x16xf32, #tpu.memory_space<vmem_shared>> -> memref<640x16xf32, #tpu.memory_space<vmem_shared>>
        tpu.enqueue_dma source(%dma_start3A_33 : memref<640x16xf32, #tpu.memory_space<vmem_shared>>) target(%dma_start3A_30 : memref<640x16xf32, #tpu.memory_space<hbm>>) target_semaphore(%run_scoped3A_27 : memref<!tpu.dma_semaphore, #tpu.memory_space<semaphore_mem>>)
        %dma_wait3A = arith.constant 9360 : i32
        %dma_wait3A_34 = arith.constant 0 : i32
        %dma_wait3A_35 = tpu.memref_slice %arg3[%arg0, %dma_wait3A, %dma_wait3A_34] : memref<2x10000x16xf32, #tpu.memory_space<hbm>> -> memref<1x640x16xf32, #tpu.memory_space<hbm>>
        %dma_wait3A_36 = tpu.memref_squeeze %dma_wait3A_35 : memref<1x640x16xf32, #tpu.memory_space<hbm>> -> memref<640x16xf32, #tpu.memory_space<hbm>>
        %dma_wait3A_37 = arith.constant 9360 : i32
        %dma_wait3A_38 = arith.constant 0 : i32
        %dma_wait3A_39 = tpu.memref_slice %arg4[%dma_wait3A_37, %dma_wait3A_38] : memref<10000x16xf32, #tpu.memory_space<vmem_shared>> -> memref<640x16xf32, #tpu.memory_space<vmem_shared>>
        tpu.wait_dma2 semaphore(%run_scoped3A_27 : memref<!tpu.dma_semaphore, #tpu.memory_space<semaphore_mem>>) src(%dma_wait3A_39 : memref<640x16xf32, #tpu.memory_space<vmem_shared>>) dst(%dma_wait3A_36 : memref<640x16xf32, #tpu.memory_space<hbm>>)
        tpu.yield
      }) : () -> ()
    } else {
    }
    return
  }
}

#map = affine_map<(d0, d1) -> (0, 0)>
#map1 = affine_map<(d0, d1) -> (0, 0, 0, 0)>
#map2 = affine_map<(d0, d1) -> (0, 0, 0)>
module attributes {stable_mosaic.version = 14 : i64} {
  func.func @_agg_body(%arg0: i32, %arg1: i32, %arg2: memref<10000x128xf32, #tpu.memory_space<hbm>>, %arg3: memref<2x32x125x80xi32, #tpu.memory_space<hbm>>, %arg4: memref<2x10000x128xf32, #tpu.memory_space<hbm>>, %arg5: memref<10000x128xf32, #tpu.memory_space<vmem_shared>>, %arg6: memref<125x80xi32, #tpu.memory_space<vmem>>, %arg7: memref<125x80xi32, #tpu.memory_space<vmem>>, %arg8: memref<80x128xf32, #tpu.memory_space<vmem>>, %arg9: memref<80x128xf32, #tpu.memory_space<vmem>>, %arg10: memref<80x128xf32, #tpu.memory_space<vmem>>, %arg11: memref<!tpu.dma_semaphore, #tpu.memory_space<semaphore_mem>>, %arg12: memref<!tpu.dma_semaphore, #tpu.memory_space<semaphore_mem>>, %arg13: memref<!tpu.dma_semaphore, #tpu.memory_space<semaphore_mem>>, %arg14: memref<!tpu.dma_semaphore, #tpu.memory_space<semaphore_mem>>) attributes {dimension_semantics = [#tpu.dimension_semantics<core_parallel>, #tpu.dimension_semantics<subcore_parallel>], iteration_bounds = array<i64: 2, 16>, scalar_prefetch = 0 : i64, scratch_operands = 10 : i64, tpu.core_type = #tpu.core_type<sc_vector_subcore>, window_params = [{transform_indices = #map}, {transform_indices = #map1}, {transform_indices = #map2}]} {
    %mul3A = arith.constant 2 : i32
    %mul3A_0 = arith.muli %arg1, %mul3A : i32
    %add3A = arith.addi %mul3A_0, %arg0 : i32
    %dma_start3A = arith.constant 0 : i32
    %dma_start3A_1 = arith.constant 0 : i32
    %dma_start3A_2 = arith.constant 0 : i32
    %dma_start3A_3 = tpu.memref_slice %arg3[%dma_start3A, %add3A, %dma_start3A_1, %dma_start3A_2] : memref<2x32x125x80xi32, #tpu.memory_space<hbm>> -> memref<1x1x125x80xi32, #tpu.memory_space<hbm>>
    %dma_start3A_4 = tpu.memref_squeeze %dma_start3A_3 : memref<1x1x125x80xi32, #tpu.memory_space<hbm>> -> memref<125x80xi32, #tpu.memory_space<hbm>>
    %dma_start3A_5 = arith.constant 0 : i32
    %dma_start3A_6 = arith.constant 0 : i32
    %dma_start3A_7 = tpu.memref_slice %arg3[%dma_start3A, %add3A, %dma_start3A_5, %dma_start3A_6] : memref<2x32x125x80xi32, #tpu.memory_space<hbm>> -> memref<1x1x125x80xi32, #tpu.memory_space<hbm>>
    %dma_start3A_8 = tpu.memref_squeeze %dma_start3A_7 : memref<1x1x125x80xi32, #tpu.memory_space<hbm>> -> memref<125x80xi32, #tpu.memory_space<hbm>>
    tpu.enqueue_dma source(%dma_start3A_8 : memref<125x80xi32, #tpu.memory_space<hbm>>) target(%arg6 : memref<125x80xi32, #tpu.memory_space<vmem>>) target_semaphore(%arg14 : memref<!tpu.dma_semaphore, #tpu.memory_space<semaphore_mem>>)
    %dma_start3A_9 = arith.constant 1 : i32
    %dma_start3A_10 = arith.constant 0 : i32
    %dma_start3A_11 = arith.constant 0 : i32
    %dma_start3A_12 = tpu.memref_slice %arg3[%dma_start3A_9, %add3A, %dma_start3A_10, %dma_start3A_11] : memref<2x32x125x80xi32, #tpu.memory_space<hbm>> -> memref<1x1x125x80xi32, #tpu.memory_space<hbm>>
    %dma_start3A_13 = tpu.memref_squeeze %dma_start3A_12 : memref<1x1x125x80xi32, #tpu.memory_space<hbm>> -> memref<125x80xi32, #tpu.memory_space<hbm>>
    %dma_start3A_14 = arith.constant 0 : i32
    %dma_start3A_15 = arith.constant 0 : i32
    %dma_start3A_16 = tpu.memref_slice %arg3[%dma_start3A_9, %add3A, %dma_start3A_14, %dma_start3A_15] : memref<2x32x125x80xi32, #tpu.memory_space<hbm>> -> memref<1x1x125x80xi32, #tpu.memory_space<hbm>>
    %dma_start3A_17 = tpu.memref_squeeze %dma_start3A_16 : memref<1x1x125x80xi32, #tpu.memory_space<hbm>> -> memref<125x80xi32, #tpu.memory_space<hbm>>
    tpu.enqueue_dma source(%dma_start3A_17 : memref<125x80xi32, #tpu.memory_space<hbm>>) target(%arg7 : memref<125x80xi32, #tpu.memory_space<vmem>>) target_semaphore(%arg14 : memref<!tpu.dma_semaphore, #tpu.memory_space<semaphore_mem>>)
    %scan3A = arith.constant 0 : i32
    %scan3A_18 = arith.constant 80 : i32
    %scan3A_19 = arith.addi %scan3A, %scan3A_18 : i32
    %scan3A_20 = arith.constant 1 : i32
    scf.for %scan3A_70 = %scan3A to %scan3A_19 step %scan3A_20  : i32 {
      %mul3A_71 = arith.constant 1 : i32
      %mul3A_72 = arith.muli %scan3A_70, %mul3A_71 : i32
      %add3A_73 = arith.constant 0 : i32
      %add3A_74 = arith.addi %add3A_73, %mul3A_72 : i32
      %broadcast_in_dim3A = arith.constant 0.000000e+00 : f32
      %broadcast_in_dim3A_75 = vector.broadcast %broadcast_in_dim3A : f32 to vector<16xf32>
      %swap3A = arith.index_cast %add3A_74 : i32 to index
      %swap3A_76 = arith.constant 0 : index
      %swap3A_77 = tpu.vector_load %arg8[%swap3A, %swap3A_76] {strides = array<i32>} : memref<80x128xf32, #tpu.memory_space<vmem>>, vector<1x16xf32>,
      %swap3A_78 = vector.shape_cast %swap3A_77 : vector<1x16xf32> to vector<16xf32>
      %swap3A_79 = vector.shape_cast %broadcast_in_dim3A_75 : vector<16xf32> to vector<1x16xf32>
      tpu.vector_store %arg8[%swap3A, %swap3A_76], %swap3A_79 {strides = array<i32>} : memref<80x128xf32, #tpu.memory_space<vmem>>, vector<1x16xf32>,
      %broadcast_in_dim3A_80 = arith.constant 0.000000e+00 : f32
      %broadcast_in_dim3A_81 = vector.broadcast %broadcast_in_dim3A_80 : f32 to vector<16xf32>
      %swap3A_82 = arith.index_cast %add3A_74 : i32 to index
      %swap3A_83 = arith.constant 16 : index
      %swap3A_84 = tpu.vector_load %arg8[%swap3A_82, %swap3A_83] {strides = array<i32>} : memref<80x128xf32, #tpu.memory_space<vmem>>, vector<1x16xf32>,
      %swap3A_85 = vector.shape_cast %swap3A_84 : vector<1x16xf32> to vector<16xf32>
      %swap3A_86 = vector.shape_cast %broadcast_in_dim3A_81 : vector<16xf32> to vector<1x16xf32>
      tpu.vector_store %arg8[%swap3A_82, %swap3A_83], %swap3A_86 {strides = array<i32>} : memref<80x128xf32, #tpu.memory_space<vmem>>, vector<1x16xf32>,
      %broadcast_in_dim3A_87 = arith.constant 0.000000e+00 : f32
      %broadcast_in_dim3A_88 = vector.broadcast %broadcast_in_dim3A_87 : f32 to vector<16xf32>
      %swap3A_89 = arith.index_cast %add3A_74 : i32 to index
      %swap3A_90 = arith.constant 32 : index
      %swap3A_91 = tpu.vector_load %arg8[%swap3A_89, %swap3A_90] {strides = array<i32>} : memref<80x128xf32, #tpu.memory_space<vmem>>, vector<1x16xf32>,
      %swap3A_92 = vector.shape_cast %swap3A_91 : vector<1x16xf32> to vector<16xf32>
      %swap3A_93 = vector.shape_cast %broadcast_in_dim3A_88 : vector<16xf32> to vector<1x16xf32>
      tpu.vector_store %arg8[%swap3A_89, %swap3A_90], %swap3A_93 {strides = array<i32>} : memref<80x128xf32, #tpu.memory_space<vmem>>, vector<1x16xf32>,
      %broadcast_in_dim3A_94 = arith.constant 0.000000e+00 : f32
      %broadcast_in_dim3A_95 = vector.broadcast %broadcast_in_dim3A_94 : f32 to vector<16xf32>
      %swap3A_96 = arith.index_cast %add3A_74 : i32 to index
      %swap3A_97 = arith.constant 48 : index
      %swap3A_98 = tpu.vector_load %arg8[%swap3A_96, %swap3A_97] {strides = array<i32>} : memref<80x128xf32, #tpu.memory_space<vmem>>, vector<1x16xf32>,
      %swap3A_99 = vector.shape_cast %swap3A_98 : vector<1x16xf32> to vector<16xf32>
      %swap3A_100 = vector.shape_cast %broadcast_in_dim3A_95 : vector<16xf32> to vector<1x16xf32>
      tpu.vector_store %arg8[%swap3A_96, %swap3A_97], %swap3A_100 {strides = array<i32>} : memref<80x128xf32, #tpu.memory_space<vmem>>, vector<1x16xf32>,
      %broadcast_in_dim3A_101 = arith.constant 0.000000e+00 : f32
      %broadcast_in_dim3A_102 = vector.broadcast %broadcast_in_dim3A_101 : f32 to vector<16xf32>
      %swap3A_103 = arith.index_cast %add3A_74 : i32 to index
      %swap3A_104 = arith.constant 64 : index
      %swap3A_105 = tpu.vector_load %arg8[%swap3A_103, %swap3A_104] {strides = array<i32>} : memref<80x128xf32, #tpu.memory_space<vmem>>, vector<1x16xf32>,
      %swap3A_106 = vector.shape_cast %swap3A_105 : vector<1x16xf32> to vector<16xf32>
      %swap3A_107 = vector.shape_cast %broadcast_in_dim3A_102 : vector<16xf32> to vector<1x16xf32>
      tpu.vector_store %arg8[%swap3A_103, %swap3A_104], %swap3A_107 {strides = array<i32>} : memref<80x128xf32, #tpu.memory_space<vmem>>, vector<1x16xf32>,
      %broadcast_in_dim3A_108 = arith.constant 0.000000e+00 : f32
      %broadcast_in_dim3A_109 = vector.broadcast %broadcast_in_dim3A_108 : f32 to vector<16xf32>
      %swap3A_110 = arith.index_cast %add3A_74 : i32 to index
      %swap3A_111 = arith.constant 80 : index
      %swap3A_112 = tpu.vector_load %arg8[%swap3A_110, %swap3A_111] {strides = array<i32>} : memref<80x128xf32, #tpu.memory_space<vmem>>, vector<1x16xf32>,
      %swap3A_113 = vector.shape_cast %swap3A_112 : vector<1x16xf32> to vector<16xf32>
      %swap3A_114 = vector.shape_cast %broadcast_in_dim3A_109 : vector<16xf32> to vector<1x16xf32>
      tpu.vector_store %arg8[%swap3A_110, %swap3A_111], %swap3A_114 {strides = array<i32>} : memref<80x128xf32, #tpu.memory_space<vmem>>, vector<1x16xf32>,
      %broadcast_in_dim3A_115 = arith.constant 0.000000e+00 : f32
      %broadcast_in_dim3A_116 = vector.broadcast %broadcast_in_dim3A_115 : f32 to vector<16xf32>
      %swap3A_117 = arith.index_cast %add3A_74 : i32 to index
      %swap3A_118 = arith.constant 96 : index
      %swap3A_119 = tpu.vector_load %arg8[%swap3A_117, %swap3A_118] {strides = array<i32>} : memref<80x128xf32, #tpu.memory_space<vmem>>, vector<1x16xf32>,
      %swap3A_120 = vector.shape_cast %swap3A_119 : vector<1x16xf32> to vector<16xf32>
      %swap3A_121 = vector.shape_cast %broadcast_in_dim3A_116 : vector<16xf32> to vector<1x16xf32>
      tpu.vector_store %arg8[%swap3A_117, %swap3A_118], %swap3A_121 {strides = array<i32>} : memref<80x128xf32, #tpu.memory_space<vmem>>, vector<1x16xf32>,
      %broadcast_in_dim3A_122 = arith.constant 0.000000e+00 : f32
      %broadcast_in_dim3A_123 = vector.broadcast %broadcast_in_dim3A_122 : f32 to vector<16xf32>
      %swap3A_124 = arith.index_cast %add3A_74 : i32 to index
      %swap3A_125 = arith.constant 112 : index
      %swap3A_126 = tpu.vector_load %arg8[%swap3A_124, %swap3A_125] {strides = array<i32>} : memref<80x128xf32, #tpu.memory_space<vmem>>, vector<1x16xf32>,
      %swap3A_127 = vector.shape_cast %swap3A_126 : vector<1x16xf32> to vector<16xf32>
      %swap3A_128 = vector.shape_cast %broadcast_in_dim3A_123 : vector<16xf32> to vector<1x16xf32>
      tpu.vector_store %arg8[%swap3A_124, %swap3A_125], %swap3A_128 {strides = array<i32>} : memref<80x128xf32, #tpu.memory_space<vmem>>, vector<1x16xf32>,
    }
    %scan3A_21 = arith.constant 80 : i32
    %dma_wait3A = arith.constant 0 : i32
    %dma_wait3A_22 = arith.constant 0 : i32
    %dma_wait3A_23 = arith.constant 0 : i32
    %dma_wait3A_24 = tpu.memref_slice %arg3[%dma_wait3A, %add3A, %dma_wait3A_22, %dma_wait3A_23] : memref<2x32x125x80xi32, #tpu.memory_space<hbm>> -> memref<1x1x125x80xi32, #tpu.memory_space<hbm>>
    %dma_wait3A_25 = tpu.memref_squeeze %dma_wait3A_24 : memref<1x1x125x80xi32, #tpu.memory_space<hbm>> -> memref<125x80xi32, #tpu.memory_space<hbm>>
    %dma_wait3A_26 = arith.constant 0 : i32
    %dma_wait3A_27 = arith.constant 0 : i32
    %dma_wait3A_28 = tpu.memref_slice %arg3[%dma_wait3A, %add3A, %dma_wait3A_26, %dma_wait3A_27] : memref<2x32x125x80xi32, #tpu.memory_space<hbm>> -> memref<1x1x125x80xi32, #tpu.memory_space<hbm>>
    %dma_wait3A_29 = tpu.memref_squeeze %dma_wait3A_28 : memref<1x1x125x80xi32, #tpu.memory_space<hbm>> -> memref<125x80xi32, #tpu.memory_space<hbm>>
    tpu.wait_dma2 semaphore(%arg14 : memref<!tpu.dma_semaphore, #tpu.memory_space<semaphore_mem>>) src(%dma_wait3A_29 : memref<125x80xi32, #tpu.memory_space<hbm>>) dst(%arg6 : memref<125x80xi32, #tpu.memory_space<vmem>>)
    %dma_wait3A_30 = arith.constant 1 : i32
    %dma_wait3A_31 = arith.constant 0 : i32
    %dma_wait3A_32 = arith.constant 0 : i32
    %dma_wait3A_33 = tpu.memref_slice %arg3[%dma_wait3A_30, %add3A, %dma_wait3A_31, %dma_wait3A_32] : memref<2x32x125x80xi32, #tpu.memory_space<hbm>> -> memref<1x1x125x80xi32, #tpu.memory_space<hbm>>
    %dma_wait3A_34 = tpu.memref_squeeze %dma_wait3A_33 : memref<1x1x125x80xi32, #tpu.memory_space<hbm>> -> memref<125x80xi32, #tpu.memory_space<hbm>>
    %dma_wait3A_35 = arith.constant 0 : i32
    %dma_wait3A_36 = arith.constant 0 : i32
    %dma_wait3A_37 = tpu.memref_slice %arg3[%dma_wait3A_30, %add3A, %dma_wait3A_35, %dma_wait3A_36] : memref<2x32x125x80xi32, #tpu.memory_space<hbm>> -> memref<1x1x125x80xi32, #tpu.memory_space<hbm>>
    %dma_wait3A_38 = tpu.memref_squeeze %dma_wait3A_37 : memref<1x1x125x80xi32, #tpu.memory_space<hbm>> -> memref<125x80xi32, #tpu.memory_space<hbm>>
    tpu.wait_dma2 semaphore(%arg14 : memref<!tpu.dma_semaphore, #tpu.memory_space<semaphore_mem>>) src(%dma_wait3A_38 : memref<125x80xi32, #tpu.memory_space<hbm>>) dst(%arg7 : memref<125x80xi32, #tpu.memory_space<vmem>>)
    %dma_start3A_39 = arith.constant 0 : i32
    %dma_start3A_40 = arith.constant 0 : i32
    %dma_start3A_41 = tpu.memref_slice %arg6[%dma_start3A_39, %dma_start3A_40] : memref<125x80xi32, #tpu.memory_space<vmem>> -> memref<1x80xi32, #tpu.memory_space<vmem>>
    %dma_start3A_42 = tpu.memref_squeeze %dma_start3A_41 : memref<1x80xi32, #tpu.memory_space<vmem>> -> memref<80xi32, #tpu.memory_space<vmem>>
    %dma_start3A_43 = arith.constant 0 : i32
    %dma_start3A_44 = arith.constant 0 : i32
    %dma_start3A_45 = tpu.memref_slice %arg2[%dma_start3A_43, %dma_start3A_44] : memref<10000x128xf32, #tpu.memory_space<hbm>> -> memref<10000x128xf32, #tpu.memory_space<hbm>>
    tpu.enqueue_indirect_dma source(%dma_start3A_45 : memref<10000x128xf32, #tpu.memory_space<hbm>>) target(%arg9 : memref<80x128xf32, #tpu.memory_space<vmem>>) offsets(%dma_start3A_42 : memref<80xi32, #tpu.memory_space<vmem>>) semaphore(%arg12 : memref<!tpu.dma_semaphore, #tpu.memory_space<semaphore_mem>>)
    %dma_start3A_46 = arith.constant 1 : i32
    %dma_start3A_47 = arith.constant 0 : i32
    %dma_start3A_48 = tpu.memref_slice %arg6[%dma_start3A_46, %dma_start3A_47] : memref<125x80xi32, #tpu.memory_space<vmem>> -> memref<1x80xi32, #tpu.memory_space<vmem>>
    %dma_start3A_49 = tpu.memref_squeeze %dma_start3A_48 : memref<1x80xi32, #tpu.memory_space<vmem>> -> memref<80xi32, #tpu.memory_space<vmem>>
    %dma_start3A_50 = arith.constant 0 : i32
    %dma_start3A_51 = arith.constant 0 : i32
    %dma_start3A_52 = tpu.memref_slice %arg2[%dma_start3A_50, %dma_start3A_51] : memref<10000x128xf32, #tpu.memory_space<hbm>> -> memref<10000x128xf32, #tpu.memory_space<hbm>>
    tpu.enqueue_indirect_dma source(%dma_start3A_52 : memref<10000x128xf32, #tpu.memory_space<hbm>>) target(%arg10 : memref<80x128xf32, #tpu.memory_space<vmem>>) offsets(%dma_start3A_49 : memref<80xi32, #tpu.memory_space<vmem>>) semaphore(%arg13 : memref<!tpu.dma_semaphore, #tpu.memory_space<semaphore_mem>>)
    %scan3A_53 = arith.constant 0 : i32
    %scan3A_54 = arith.constant 8 : i32
    %scan3A_55 = arith.addi %scan3A_53, %scan3A_54 : i32
    %scan3A_56 = arith.constant 1 : i32
    scf.for %scan3A_70 = %scan3A_53 to %scan3A_55 step %scan3A_56  : i32 {
      %mul3A_71 = arith.constant 1 : i32
      %mul3A_72 = arith.muli %scan3A_70, %mul3A_71 : i32
      %add3A_73 = arith.constant 0 : i32
      %add3A_74 = arith.addi %add3A_73, %mul3A_72 : i32
      %mul3A_75 = arith.constant 16 : i32
      %mul3A_76 = arith.muli %add3A_74, %mul3A_75 : i32
      %add3A_77 = arith.addi %mul3A_76, %arg1 : i32
      %lt3A_78 = arith.constant 125 : i32
      %lt3A_79 = arith.cmpi slt, %add3A_77, %lt3A_78 : i32
      %convert_element_type3A_80 = arith.extui %lt3A_79 : i1 to i32
      %cond3A_81 = arith.constant 0 : i32
      %cond3A_82 = arith.cmpi ne, %convert_element_type3A_80, %cond3A_81 : i32
      scf.if %cond3A_82 {
        %mul3A_83 = arith.constant 80 : i32
        %mul3A_84 = arith.muli %add3A_77, %mul3A_83 : i32
        "tpu.region"() ({
          %run_scoped3A = tpu.sem_alloc : memref<!tpu.dma_semaphore, #tpu.memory_space<semaphore_mem>>
          %dma_start3A_85 = arith.constant 0 : i32
          %dma_start3A_86 = tpu.memref_slice %arg5[%mul3A_84, %dma_start3A_85] : memref<10000x128xf32, #tpu.memory_space<vmem_shared>> -> memref<80x128xf32, #tpu.memory_space<vmem_shared>>
          %dma_start3A_87 = arith.constant 0 : i32
          %dma_start3A_88 = tpu.memref_slice %arg5[%mul3A_84, %dma_start3A_87] : memref<10000x128xf32, #tpu.memory_space<vmem_shared>> -> memref<80x128xf32, #tpu.memory_space<vmem_shared>>
          tpu.enqueue_dma source(%arg8 : memref<80x128xf32, #tpu.memory_space<vmem>>) target(%dma_start3A_88 : memref<80x128xf32, #tpu.memory_space<vmem_shared>>) target_semaphore(%run_scoped3A : memref<!tpu.dma_semaphore, #tpu.memory_space<semaphore_mem>>)
          %dma_wait3A_89 = arith.constant 0 : i32
          %dma_wait3A_90 = tpu.memref_slice %arg5[%mul3A_84, %dma_wait3A_89] : memref<10000x128xf32, #tpu.memory_space<vmem_shared>> -> memref<80x128xf32, #tpu.memory_space<vmem_shared>>
          %dma_wait3A_91 = arith.constant 0 : i32
          %dma_wait3A_92 = tpu.memref_slice %arg5[%mul3A_84, %dma_wait3A_91] : memref<10000x128xf32, #tpu.memory_space<vmem_shared>> -> memref<80x128xf32, #tpu.memory_space<vmem_shared>>
          tpu.wait_dma2 semaphore(%run_scoped3A : memref<!tpu.dma_semaphore, #tpu.memory_space<semaphore_mem>>) src(%arg8 : memref<80x128xf32, #tpu.memory_space<vmem>>) dst(%dma_wait3A_92 : memref<80x128xf32, #tpu.memory_space<vmem_shared>>)
          tpu.yield
        }) : () -> ()
      } else {
      }
    }
    %scan3A_57 = arith.constant 8 : i32
    %barrier3A = arith.constant 0 : index
    tpu.barrier barrier_id(%barrier3A)
    %scan3A_58 = arith.constant 0 : i32
    %scan3A_59 = arith.constant 42 : i32
    %scan3A_60 = arith.addi %scan3A_58, %scan3A_59 : i32
    %scan3A_61 = arith.constant 1 : i32
    scf.for %scan3A_70 = %scan3A_58 to %scan3A_60 step %scan3A_61  : i32 {
      %mul3A_71 = arith.constant 1 : i32
      %mul3A_72 = arith.muli %scan3A_70, %mul3A_71 : i32
      %add3A_73 = arith.constant 0 : i32
      %add3A_74 = arith.addi %add3A_73, %mul3A_72 : i32
      %mul3A_75 = arith.constant 3 : i32
      %mul3A_76 = arith.muli %mul3A_75, %add3A_74 : i32
      %add3A_77 = arith.constant 0 : i32
      %add3A_78 = arith.addi %mul3A_76, %add3A_77 : i32
      %add3A_79 = arith.constant 3 : i32
      %add3A_80 = arith.addi %add3A_78, %add3A_79 : i32
      %sub3A = arith.constant 1 : i32
      %sub3A_81 = arith.subi %add3A_80, %sub3A : i32
      %lt3A_82 = arith.constant 125 : i32
      %lt3A_83 = arith.cmpi slt, %sub3A_81, %lt3A_82 : i32
      %convert_element_type3A_84 = arith.extui %lt3A_83 : i1 to i32
      %cond3A_85 = arith.constant 0 : i32
      %cond3A_86 = arith.cmpi ne, %convert_element_type3A_84, %cond3A_85 : i32
      scf.if %cond3A_86 {
        %dma_start3A_124 = arith.constant 0 : i32
        %dma_start3A_125 = tpu.memref_slice %arg6[%sub3A_81, %dma_start3A_124] : memref<125x80xi32, #tpu.memory_space<vmem>> -> memref<1x80xi32, #tpu.memory_space<vmem>>
        %dma_start3A_126 = tpu.memref_squeeze %dma_start3A_125 : memref<1x80xi32, #tpu.memory_space<vmem>> -> memref<80xi32, #tpu.memory_space<vmem>>
        %dma_start3A_127 = arith.constant 0 : i32
        %dma_start3A_128 = arith.constant 0 : i32
        %dma_start3A_129 = tpu.memref_slice %arg2[%dma_start3A_127, %dma_start3A_128] : memref<10000x128xf32, #tpu.memory_space<hbm>> -> memref<10000x128xf32, #tpu.memory_space<hbm>>
        tpu.enqueue_indirect_dma source(%dma_start3A_129 : memref<10000x128xf32, #tpu.memory_space<hbm>>) target(%arg8 : memref<80x128xf32, #tpu.memory_space<vmem>>) offsets(%dma_start3A_126 : memref<80xi32, #tpu.memory_space<vmem>>) semaphore(%arg11 : memref<!tpu.dma_semaphore, #tpu.memory_space<semaphore_mem>>)
      } else {
      }
      %lt3A_87 = arith.constant 125 : i32
      %lt3A_88 = arith.cmpi slt, %add3A_78, %lt3A_87 : i32
      %convert_element_type3A_89 = arith.extui %lt3A_88 : i1 to i32
      %cond3A_90 = arith.constant 0 : i32
      %cond3A_91 = arith.cmpi ne, %convert_element_type3A_89, %cond3A_90 : i32
      scf.if %cond3A_91 {
        %dma_wait3A_124 = arith.constant 0 : i32
        %dma_wait3A_125 = tpu.memref_slice %arg6[%add3A_78, %dma_wait3A_124] : memref<125x80xi32, #tpu.memory_space<vmem>> -> memref<1x80xi32, #tpu.memory_space<vmem>>
        %dma_wait3A_126 = tpu.memref_squeeze %dma_wait3A_125 : memref<1x80xi32, #tpu.memory_space<vmem>> -> memref<80xi32, #tpu.memory_space<vmem>>
        %dma_wait3A_127 = arith.constant 0 : i32
        %dma_wait3A_128 = arith.constant 0 : i32
        %dma_wait3A_129 = tpu.memref_slice %arg2[%dma_wait3A_127, %dma_wait3A_128] : memref<10000x128xf32, #tpu.memory_space<hbm>> -> memref<10000x128xf32, #tpu.memory_space<hbm>>
        tpu.wait_indirect_dma semaphore(%arg12 : memref<!tpu.dma_semaphore, #tpu.memory_space<semaphore_mem>>) src(%dma_wait3A_129 : memref<10000x128xf32, #tpu.memory_space<hbm>>) dst(%arg9 : memref<80x128xf32, #tpu.memory_space<vmem>>)
        "tpu.region"() ({
          %run_scoped3A = tpu.sem_alloc : memref<!tpu.dma_semaphore, #tpu.memory_space<semaphore_mem>>
          %dma_start3A_130 = arith.constant 0 : i32
          %dma_start3A_131 = tpu.memref_slice %arg7[%add3A_78, %dma_start3A_130] : memref<125x80xi32, #tpu.memory_space<vmem>> -> memref<1x80xi32, #tpu.memory_space<vmem>>
          %dma_start3A_132 = tpu.memref_squeeze %dma_start3A_131 : memref<1x80xi32, #tpu.memory_space<vmem>> -> memref<80xi32, #tpu.memory_space<vmem>>
          %dma_start3A_133 = arith.constant 0 : i32
          %dma_start3A_134 = arith.constant 0 : i32
          %dma_start3A_135 = tpu.memref_slice %arg5[%dma_start3A_133, %dma_start3A_134] : memref<10000x128xf32, #tpu.memory_space<vmem_shared>> -> memref<10000x128xf32, #tpu.memory_space<vmem_shared>>
          tpu.enqueue_indirect_dma source(%arg9 : memref<80x128xf32, #tpu.memory_space<vmem>>) target(%dma_start3A_135 : memref<10000x128xf32, #tpu.memory_space<vmem_shared>>) offsets(%dma_start3A_132 : memref<80xi32, #tpu.memory_space<vmem>>) semaphore(%run_scoped3A : memref<!tpu.dma_semaphore, #tpu.memory_space<semaphore_mem>>) {add = true}
          %dma_wait3A_136 = arith.constant 0 : i32
          %dma_wait3A_137 = tpu.memref_slice %arg7[%add3A_78, %dma_wait3A_136] : memref<125x80xi32, #tpu.memory_space<vmem>> -> memref<1x80xi32, #tpu.memory_space<vmem>>
          %dma_wait3A_138 = tpu.memref_squeeze %dma_wait3A_137 : memref<1x80xi32, #tpu.memory_space<vmem>> -> memref<80xi32, #tpu.memory_space<vmem>>
          %dma_wait3A_139 = arith.constant 0 : i32
          %dma_wait3A_140 = arith.constant 0 : i32
          %dma_wait3A_141 = tpu.memref_slice %arg5[%dma_wait3A_139, %dma_wait3A_140] : memref<10000x128xf32, #tpu.memory_space<vmem_shared>> -> memref<10000x128xf32, #tpu.memory_space<vmem_shared>>
          tpu.wait_indirect_dma semaphore(%run_scoped3A : memref<!tpu.dma_semaphore, #tpu.memory_space<semaphore_mem>>) src(%arg9 : memref<80x128xf32, #tpu.memory_space<vmem>>) dst(%dma_wait3A_141 : memref<10000x128xf32, #tpu.memory_space<vmem_shared>>)
          tpu.yield
        }) : () -> ()
      } else {
      }
      %add3A_92 = arith.constant 1 : i32
      %add3A_93 = arith.addi %mul3A_76, %add3A_92 : i32
      %add3A_94 = arith.constant 3 : i32
      %add3A_95 = arith.addi %add3A_93, %add3A_94 : i32
      %sub3A_96 = arith.constant 1 : i32
      %sub3A_97 = arith.subi %add3A_95, %sub3A_96 : i32
      %lt3A_98 = arith.constant 125 : i32
      %lt3A_99 = arith.cmpi slt, %sub3A_97, %lt3A_98 : i32
      %convert_element_type3A_100 = arith.extui %lt3A_99 : i1 to i32
      %cond3A_101 = arith.constant 0 : i32
      %cond3A_102 = arith.cmpi ne, %convert_element_type3A_100, %cond3A_101 : i32
      scf.if %cond3A_102 {
        %dma_start3A_124 = arith.constant 0 : i32
        %dma_start3A_125 = tpu.memref_slice %arg6[%sub3A_97, %dma_start3A_124] : memref<125x80xi32, #tpu.memory_space<vmem>> -> memref<1x80xi32, #tpu.memory_space<vmem>>
        %dma_start3A_126 = tpu.memref_squeeze %dma_start3A_125 : memref<1x80xi32, #tpu.memory_space<vmem>> -> memref<80xi32, #tpu.memory_space<vmem>>
        %dma_start3A_127 = arith.constant 0 : i32
        %dma_start3A_128 = arith.constant 0 : i32
        %dma_start3A_129 = tpu.memref_slice %arg2[%dma_start3A_127, %dma_start3A_128] : memref<10000x128xf32, #tpu.memory_space<hbm>> -> memref<10000x128xf32, #tpu.memory_space<hbm>>
        tpu.enqueue_indirect_dma source(%dma_start3A_129 : memref<10000x128xf32, #tpu.memory_space<hbm>>) target(%arg9 : memref<80x128xf32, #tpu.memory_space<vmem>>) offsets(%dma_start3A_126 : memref<80xi32, #tpu.memory_space<vmem>>) semaphore(%arg12 : memref<!tpu.dma_semaphore, #tpu.memory_space<semaphore_mem>>)
      } else {
      }
      %lt3A_103 = arith.constant 125 : i32
      %lt3A_104 = arith.cmpi slt, %add3A_93, %lt3A_103 : i32
      %convert_element_type3A_105 = arith.extui %lt3A_104 : i1 to i32
      %cond3A_106 = arith.constant 0 : i32
      %cond3A_107 = arith.cmpi ne, %convert_element_type3A_105, %cond3A_106 : i32
      scf.if %cond3A_107 {
        %dma_wait3A_124 = arith.constant 0 : i32
        %dma_wait3A_125 = tpu.memref_slice %arg6[%add3A_93, %dma_wait3A_124] : memref<125x80xi32, #tpu.memory_space<vmem>> -> memref<1x80xi32, #tpu.memory_space<vmem>>
        %dma_wait3A_126 = tpu.memref_squeeze %dma_wait3A_125 : memref<1x80xi32, #tpu.memory_space<vmem>> -> memref<80xi32, #tpu.memory_space<vmem>>
        %dma_wait3A_127 = arith.constant 0 : i32
        %dma_wait3A_128 = arith.constant 0 : i32
        %dma_wait3A_129 = tpu.memref_slice %arg2[%dma_wait3A_127, %dma_wait3A_128] : memref<10000x128xf32, #tpu.memory_space<hbm>> -> memref<10000x128xf32, #tpu.memory_space<hbm>>
        tpu.wait_indirect_dma semaphore(%arg13 : memref<!tpu.dma_semaphore, #tpu.memory_space<semaphore_mem>>) src(%dma_wait3A_129 : memref<10000x128xf32, #tpu.memory_space<hbm>>) dst(%arg10 : memref<80x128xf32, #tpu.memory_space<vmem>>)
        "tpu.region"() ({
          %run_scoped3A = tpu.sem_alloc : memref<!tpu.dma_semaphore, #tpu.memory_space<semaphore_mem>>
          %dma_start3A_130 = arith.constant 0 : i32
          %dma_start3A_131 = tpu.memref_slice %arg7[%add3A_93, %dma_start3A_130] : memref<125x80xi32, #tpu.memory_space<vmem>> -> memref<1x80xi32, #tpu.memory_space<vmem>>
          %dma_start3A_132 = tpu.memref_squeeze %dma_start3A_131 : memref<1x80xi32, #tpu.memory_space<vmem>> -> memref<80xi32, #tpu.memory_space<vmem>>
          %dma_start3A_133 = arith.constant 0 : i32
          %dma_start3A_134 = arith.constant 0 : i32
          %dma_start3A_135 = tpu.memref_slice %arg5[%dma_start3A_133, %dma_start3A_134] : memref<10000x128xf32, #tpu.memory_space<vmem_shared>> -> memref<10000x128xf32, #tpu.memory_space<vmem_shared>>
          tpu.enqueue_indirect_dma source(%arg10 : memref<80x128xf32, #tpu.memory_space<vmem>>) target(%dma_start3A_135 : memref<10000x128xf32, #tpu.memory_space<vmem_shared>>) offsets(%dma_start3A_132 : memref<80xi32, #tpu.memory_space<vmem>>) semaphore(%run_scoped3A : memref<!tpu.dma_semaphore, #tpu.memory_space<semaphore_mem>>) {add = true}
          %dma_wait3A_136 = arith.constant 0 : i32
          %dma_wait3A_137 = tpu.memref_slice %arg7[%add3A_93, %dma_wait3A_136] : memref<125x80xi32, #tpu.memory_space<vmem>> -> memref<1x80xi32, #tpu.memory_space<vmem>>
          %dma_wait3A_138 = tpu.memref_squeeze %dma_wait3A_137 : memref<1x80xi32, #tpu.memory_space<vmem>> -> memref<80xi32, #tpu.memory_space<vmem>>
          %dma_wait3A_139 = arith.constant 0 : i32
          %dma_wait3A_140 = arith.constant 0 : i32
          %dma_wait3A_141 = tpu.memref_slice %arg5[%dma_wait3A_139, %dma_wait3A_140] : memref<10000x128xf32, #tpu.memory_space<vmem_shared>> -> memref<10000x128xf32, #tpu.memory_space<vmem_shared>>
          tpu.wait_indirect_dma semaphore(%run_scoped3A : memref<!tpu.dma_semaphore, #tpu.memory_space<semaphore_mem>>) src(%arg10 : memref<80x128xf32, #tpu.memory_space<vmem>>) dst(%dma_wait3A_141 : memref<10000x128xf32, #tpu.memory_space<vmem_shared>>)
          tpu.yield
        }) : () -> ()
      } else {
      }
      %add3A_108 = arith.constant 2 : i32
      %add3A_109 = arith.addi %mul3A_76, %add3A_108 : i32
      %add3A_110 = arith.constant 3 : i32
      %add3A_111 = arith.addi %add3A_109, %add3A_110 : i32
      %sub3A_112 = arith.constant 1 : i32
      %sub3A_113 = arith.subi %add3A_111, %sub3A_112 : i32
      %lt3A_114 = arith.constant 125 : i32
      %lt3A_115 = arith.cmpi slt, %sub3A_113, %lt3A_114 : i32
      %convert_element_type3A_116 = arith.extui %lt3A_115 : i1 to i32
      %cond3A_117 = arith.constant 0 : i32
      %cond3A_118 = arith.cmpi ne, %convert_element_type3A_116, %cond3A_117 : i32
      scf.if %cond3A_118 {
        %dma_start3A_124 = arith.constant 0 : i32
        %dma_start3A_125 = tpu.memref_slice %arg6[%sub3A_113, %dma_start3A_124] : memref<125x80xi32, #tpu.memory_space<vmem>> -> memref<1x80xi32, #tpu.memory_space<vmem>>
        %dma_start3A_126 = tpu.memref_squeeze %dma_start3A_125 : memref<1x80xi32, #tpu.memory_space<vmem>> -> memref<80xi32, #tpu.memory_space<vmem>>
        %dma_start3A_127 = arith.constant 0 : i32
        %dma_start3A_128 = arith.constant 0 : i32
        %dma_start3A_129 = tpu.memref_slice %arg2[%dma_start3A_127, %dma_start3A_128] : memref<10000x128xf32, #tpu.memory_space<hbm>> -> memref<10000x128xf32, #tpu.memory_space<hbm>>
        tpu.enqueue_indirect_dma source(%dma_start3A_129 : memref<10000x128xf32, #tpu.memory_space<hbm>>) target(%arg10 : memref<80x128xf32, #tpu.memory_space<vmem>>) offsets(%dma_start3A_126 : memref<80xi32, #tpu.memory_space<vmem>>) semaphore(%arg13 : memref<!tpu.dma_semaphore, #tpu.memory_space<semaphore_mem>>)
      } else {
      }
      %lt3A_119 = arith.constant 125 : i32
      %lt3A_120 = arith.cmpi slt, %add3A_109, %lt3A_119 : i32
      %convert_element_type3A_121 = arith.extui %lt3A_120 : i1 to i32
      %cond3A_122 = arith.constant 0 : i32
      %cond3A_123 = arith.cmpi ne, %convert_element_type3A_121, %cond3A_122 : i32
      scf.if %cond3A_123 {
        %dma_wait3A_124 = arith.constant 0 : i32
        %dma_wait3A_125 = tpu.memref_slice %arg6[%add3A_109, %dma_wait3A_124] : memref<125x80xi32, #tpu.memory_space<vmem>> -> memref<1x80xi32, #tpu.memory_space<vmem>>
        %dma_wait3A_126 = tpu.memref_squeeze %dma_wait3A_125 : memref<1x80xi32, #tpu.memory_space<vmem>> -> memref<80xi32, #tpu.memory_space<vmem>>
        %dma_wait3A_127 = arith.constant 0 : i32
        %dma_wait3A_128 = arith.constant 0 : i32
        %dma_wait3A_129 = tpu.memref_slice %arg2[%dma_wait3A_127, %dma_wait3A_128] : memref<10000x128xf32, #tpu.memory_space<hbm>> -> memref<10000x128xf32, #tpu.memory_space<hbm>>
        tpu.wait_indirect_dma semaphore(%arg11 : memref<!tpu.dma_semaphore, #tpu.memory_space<semaphore_mem>>) src(%dma_wait3A_129 : memref<10000x128xf32, #tpu.memory_space<hbm>>) dst(%arg8 : memref<80x128xf32, #tpu.memory_space<vmem>>)
        "tpu.region"() ({
          %run_scoped3A = tpu.sem_alloc : memref<!tpu.dma_semaphore, #tpu.memory_space<semaphore_mem>>
          %dma_start3A_130 = arith.constant 0 : i32
          %dma_start3A_131 = tpu.memref_slice %arg7[%add3A_109, %dma_start3A_130] : memref<125x80xi32, #tpu.memory_space<vmem>> -> memref<1x80xi32, #tpu.memory_space<vmem>>
          %dma_start3A_132 = tpu.memref_squeeze %dma_start3A_131 : memref<1x80xi32, #tpu.memory_space<vmem>> -> memref<80xi32, #tpu.memory_space<vmem>>
          %dma_start3A_133 = arith.constant 0 : i32
          %dma_start3A_134 = arith.constant 0 : i32
          %dma_start3A_135 = tpu.memref_slice %arg5[%dma_start3A_133, %dma_start3A_134] : memref<10000x128xf32, #tpu.memory_space<vmem_shared>> -> memref<10000x128xf32, #tpu.memory_space<vmem_shared>>
          tpu.enqueue_indirect_dma source(%arg8 : memref<80x128xf32, #tpu.memory_space<vmem>>) target(%dma_start3A_135 : memref<10000x128xf32, #tpu.memory_space<vmem_shared>>) offsets(%dma_start3A_132 : memref<80xi32, #tpu.memory_space<vmem>>) semaphore(%run_scoped3A : memref<!tpu.dma_semaphore, #tpu.memory_space<semaphore_mem>>) {add = true}
          %dma_wait3A_136 = arith.constant 0 : i32
          %dma_wait3A_137 = tpu.memref_slice %arg7[%add3A_109, %dma_wait3A_136] : memref<125x80xi32, #tpu.memory_space<vmem>> -> memref<1x80xi32, #tpu.memory_space<vmem>>
          %dma_wait3A_138 = tpu.memref_squeeze %dma_wait3A_137 : memref<1x80xi32, #tpu.memory_space<vmem>> -> memref<80xi32, #tpu.memory_space<vmem>>
          %dma_wait3A_139 = arith.constant 0 : i32
          %dma_wait3A_140 = arith.constant 0 : i32
          %dma_wait3A_141 = tpu.memref_slice %arg5[%dma_wait3A_139, %dma_wait3A_140] : memref<10000x128xf32, #tpu.memory_space<vmem_shared>> -> memref<10000x128xf32, #tpu.memory_space<vmem_shared>>
          tpu.wait_indirect_dma semaphore(%run_scoped3A : memref<!tpu.dma_semaphore, #tpu.memory_space<semaphore_mem>>) src(%arg8 : memref<80x128xf32, #tpu.memory_space<vmem>>) dst(%dma_wait3A_141 : memref<10000x128xf32, #tpu.memory_space<vmem_shared>>)
          tpu.yield
        }) : () -> ()
      } else {
      }
    }
    %scan3A_62 = arith.constant 42 : i32
    %barrier3A_63 = arith.constant 0 : index
    tpu.barrier barrier_id(%barrier3A_63)
    %lt3A = arith.constant 15 : i32
    %lt3A_64 = arith.cmpi slt, %arg1, %lt3A : i32
    %convert_element_type3A = arith.extui %lt3A_64 : i1 to i32
    %cond3A = arith.constant 0 : i32
    %cond3A_65 = arith.cmpi ne, %convert_element_type3A, %cond3A : i32
    scf.if %cond3A_65 {
      %mul3A_70 = arith.constant 624 : i32
      %mul3A_71 = arith.muli %arg1, %mul3A_70 : i32
      %mul3A_72 = arith.constant 624 : i32
      %mul3A_73 = arith.muli %arg1, %mul3A_72 : i32
      "tpu.region"() ({
        %run_scoped3A = tpu.sem_alloc : memref<!tpu.dma_semaphore, #tpu.memory_space<semaphore_mem>>
        %dma_start3A_74 = arith.constant 0 : i32
        %dma_start3A_75 = tpu.memref_slice %arg4[%arg0, %mul3A_73, %dma_start3A_74] : memref<2x10000x128xf32, #tpu.memory_space<hbm>> -> memref<1x624x128xf32, #tpu.memory_space<hbm>>
        %dma_start3A_76 = tpu.memref_squeeze %dma_start3A_75 : memref<1x624x128xf32, #tpu.memory_space<hbm>> -> memref<624x128xf32, #tpu.memory_space<hbm>>
        %dma_start3A_77 = arith.constant 0 : i32
        %dma_start3A_78 = tpu.memref_slice %arg5[%mul3A_71, %dma_start3A_77] : memref<10000x128xf32, #tpu.memory_space<vmem_shared>> -> memref<624x128xf32, #tpu.memory_space<vmem_shared>>
        tpu.enqueue_dma source(%dma_start3A_78 : memref<624x128xf32, #tpu.memory_space<vmem_shared>>) target(%dma_start3A_76 : memref<624x128xf32, #tpu.memory_space<hbm>>) target_semaphore(%run_scoped3A : memref<!tpu.dma_semaphore, #tpu.memory_space<semaphore_mem>>)
        %dma_wait3A_79 = arith.constant 0 : i32
        %dma_wait3A_80 = tpu.memref_slice %arg4[%arg0, %mul3A_73, %dma_wait3A_79] : memref<2x10000x128xf32, #tpu.memory_space<hbm>> -> memref<1x624x128xf32, #tpu.memory_space<hbm>>
        %dma_wait3A_81 = tpu.memref_squeeze %dma_wait3A_80 : memref<1x624x128xf32, #tpu.memory_space<hbm>> -> memref<624x128xf32, #tpu.memory_space<hbm>>
        %dma_wait3A_82 = arith.constant 0 : i32
        %dma_wait3A_83 = tpu.memref_slice %arg5[%mul3A_71, %dma_wait3A_82] : memref<10000x128xf32, #tpu.memory_space<vmem_shared>> -> memref<624x128xf32, #tpu.memory_space<vmem_shared>>
        tpu.wait_dma2 semaphore(%run_scoped3A : memref<!tpu.dma_semaphore, #tpu.memory_space<semaphore_mem>>) src(%dma_wait3A_83 : memref<624x128xf32, #tpu.memory_space<vmem_shared>>) dst(%dma_wait3A_81 : memref<624x128xf32, #tpu.memory_space<hbm>>)
        tpu.yield
      }) : () -> ()
    } else {
    }
    %eq3A = arith.constant 15 : i32
    %eq3A_66 = arith.cmpi eq, %arg1, %eq3A : i32
    %convert_element_type3A_67 = arith.extui %eq3A_66 : i1 to i32
    %cond3A_68 = arith.constant 0 : i32
    %cond3A_69 = arith.cmpi ne, %convert_element_type3A_67, %cond3A_68 : i32
    scf.if %cond3A_69 {
      "tpu.region"() ({
        %run_scoped3A = tpu.sem_alloc : memref<!tpu.dma_semaphore, #tpu.memory_space<semaphore_mem>>
        %dma_start3A_70 = arith.constant 9360 : i32
        %dma_start3A_71 = arith.constant 0 : i32
        %dma_start3A_72 = tpu.memref_slice %arg4[%arg0, %dma_start3A_70, %dma_start3A_71] : memref<2x10000x128xf32, #tpu.memory_space<hbm>> -> memref<1x640x128xf32, #tpu.memory_space<hbm>>
        %dma_start3A_73 = tpu.memref_squeeze %dma_start3A_72 : memref<1x640x128xf32, #tpu.memory_space<hbm>> -> memref<640x128xf32, #tpu.memory_space<hbm>>
        %dma_start3A_74 = arith.constant 9360 : i32
        %dma_start3A_75 = arith.constant 0 : i32
        %dma_start3A_76 = tpu.memref_slice %arg5[%dma_start3A_74, %dma_start3A_75] : memref<10000x128xf32, #tpu.memory_space<vmem_shared>> -> memref<640x128xf32, #tpu.memory_space<vmem_shared>>
        tpu.enqueue_dma source(%dma_start3A_76 : memref<640x128xf32, #tpu.memory_space<vmem_shared>>) target(%dma_start3A_73 : memref<640x128xf32, #tpu.memory_space<hbm>>) target_semaphore(%run_scoped3A : memref<!tpu.dma_semaphore, #tpu.memory_space<semaphore_mem>>)
        %dma_wait3A_77 = arith.constant 9360 : i32
        %dma_wait3A_78 = arith.constant 0 : i32
        %dma_wait3A_79 = tpu.memref_slice %arg4[%arg0, %dma_wait3A_77, %dma_wait3A_78] : memref<2x10000x128xf32, #tpu.memory_space<hbm>> -> memref<1x640x128xf32, #tpu.memory_space<hbm>>
        %dma_wait3A_80 = tpu.memref_squeeze %dma_wait3A_79 : memref<1x640x128xf32, #tpu.memory_space<hbm>> -> memref<640x128xf32, #tpu.memory_space<hbm>>
        %dma_wait3A_81 = arith.constant 9360 : i32
        %dma_wait3A_82 = arith.constant 0 : i32
        %dma_wait3A_83 = tpu.memref_slice %arg5[%dma_wait3A_81, %dma_wait3A_82] : memref<10000x128xf32, #tpu.memory_space<vmem_shared>> -> memref<640x128xf32, #tpu.memory_space<vmem_shared>>
        tpu.wait_dma2 semaphore(%run_scoped3A : memref<!tpu.dma_semaphore, #tpu.memory_space<semaphore_mem>>) src(%dma_wait3A_83 : memref<640x128xf32, #tpu.memory_space<vmem_shared>>) dst(%dma_wait3A_80 : memref<640x128xf32, #tpu.memory_space<hbm>>)
        tpu.yield
      }) : () -> ()
    } else {
    }
    return
  }
}

#map = affine_map<(d0, d1) -> (0, 0)>
#map1 = affine_map<(d0, d1) -> (0, 0, 0, 0)>
#map2 = affine_map<(d0, d1) -> (0, 0, 0)>
module attributes {stable_mosaic.version = 14 : i64} {
  func.func @_agg_body(%arg0: i32, %arg1: i32, %arg2: memref<10000x128xf32, #tpu.memory_space<hbm>>, %arg3: memref<2x32x125x80xi32, #tpu.memory_space<hbm>>, %arg4: memref<2x10000x128xf32, #tpu.memory_space<hbm>>, %arg5: memref<10000x128xf32, #tpu.memory_space<vmem_shared>>, %arg6: memref<125x80xi32, #tpu.memory_space<vmem>>, %arg7: memref<125x80xi32, #tpu.memory_space<vmem>>, %arg8: memref<80x128xf32, #tpu.memory_space<vmem>>, %arg9: memref<80x128xf32, #tpu.memory_space<vmem>>, %arg10: memref<80x128xf32, #tpu.memory_space<vmem>>, %arg11: memref<!tpu.dma_semaphore, #tpu.memory_space<semaphore_mem>>, %arg12: memref<!tpu.dma_semaphore, #tpu.memory_space<semaphore_mem>>, %arg13: memref<!tpu.dma_semaphore, #tpu.memory_space<semaphore_mem>>, %arg14: memref<!tpu.dma_semaphore, #tpu.memory_space<semaphore_mem>>) attributes {dimension_semantics = [#tpu.dimension_semantics<core_parallel>, #tpu.dimension_semantics<subcore_parallel>], iteration_bounds = array<i64: 2, 16>, scalar_prefetch = 0 : i64, scratch_operands = 10 : i64, tpu.core_type = #tpu.core_type<sc_vector_subcore>, window_params = [{transform_indices = #map}, {transform_indices = #map1}, {transform_indices = #map2}]} {
    %mul3A = arith.constant 2 : i32
    %mul3A_0 = arith.muli %arg1, %mul3A : i32
    %add3A = arith.addi %mul3A_0, %arg0 : i32
    %dma_start3A = arith.constant 0 : i32
    %dma_start3A_1 = arith.constant 0 : i32
    %dma_start3A_2 = arith.constant 0 : i32
    %dma_start3A_3 = tpu.memref_slice %arg3[%dma_start3A, %add3A, %dma_start3A_1, %dma_start3A_2] : memref<2x32x125x80xi32, #tpu.memory_space<hbm>> -> memref<1x1x125x80xi32, #tpu.memory_space<hbm>>
    %dma_start3A_4 = tpu.memref_squeeze %dma_start3A_3 : memref<1x1x125x80xi32, #tpu.memory_space<hbm>> -> memref<125x80xi32, #tpu.memory_space<hbm>>
    %dma_start3A_5 = arith.constant 0 : i32
    %dma_start3A_6 = arith.constant 0 : i32
    %dma_start3A_7 = tpu.memref_slice %arg3[%dma_start3A, %add3A, %dma_start3A_5, %dma_start3A_6] : memref<2x32x125x80xi32, #tpu.memory_space<hbm>> -> memref<1x1x125x80xi32, #tpu.memory_space<hbm>>
    %dma_start3A_8 = tpu.memref_squeeze %dma_start3A_7 : memref<1x1x125x80xi32, #tpu.memory_space<hbm>> -> memref<125x80xi32, #tpu.memory_space<hbm>>
    tpu.enqueue_dma source(%dma_start3A_8 : memref<125x80xi32, #tpu.memory_space<hbm>>) target(%arg6 : memref<125x80xi32, #tpu.memory_space<vmem>>) target_semaphore(%arg14 : memref<!tpu.dma_semaphore, #tpu.memory_space<semaphore_mem>>)
    %dma_start3A_9 = arith.constant 1 : i32
    %dma_start3A_10 = arith.constant 0 : i32
    %dma_start3A_11 = arith.constant 0 : i32
    %dma_start3A_12 = tpu.memref_slice %arg3[%dma_start3A_9, %add3A, %dma_start3A_10, %dma_start3A_11] : memref<2x32x125x80xi32, #tpu.memory_space<hbm>> -> memref<1x1x125x80xi32, #tpu.memory_space<hbm>>
    %dma_start3A_13 = tpu.memref_squeeze %dma_start3A_12 : memref<1x1x125x80xi32, #tpu.memory_space<hbm>> -> memref<125x80xi32, #tpu.memory_space<hbm>>
    %dma_start3A_14 = arith.constant 0 : i32
    %dma_start3A_15 = arith.constant 0 : i32
    %dma_start3A_16 = tpu.memref_slice %arg3[%dma_start3A_9, %add3A, %dma_start3A_14, %dma_start3A_15] : memref<2x32x125x80xi32, #tpu.memory_space<hbm>> -> memref<1x1x125x80xi32, #tpu.memory_space<hbm>>
    %dma_start3A_17 = tpu.memref_squeeze %dma_start3A_16 : memref<1x1x125x80xi32, #tpu.memory_space<hbm>> -> memref<125x80xi32, #tpu.memory_space<hbm>>
    tpu.enqueue_dma source(%dma_start3A_17 : memref<125x80xi32, #tpu.memory_space<hbm>>) target(%arg7 : memref<125x80xi32, #tpu.memory_space<vmem>>) target_semaphore(%arg14 : memref<!tpu.dma_semaphore, #tpu.memory_space<semaphore_mem>>)
    %scan3A = arith.constant 0 : i32
    %scan3A_18 = arith.constant 80 : i32
    %scan3A_19 = arith.addi %scan3A, %scan3A_18 : i32
    %scan3A_20 = arith.constant 1 : i32
    scf.for %scan3A_70 = %scan3A to %scan3A_19 step %scan3A_20  : i32 {
      %mul3A_71 = arith.constant 1 : i32
      %mul3A_72 = arith.muli %scan3A_70, %mul3A_71 : i32
      %add3A_73 = arith.constant 0 : i32
      %add3A_74 = arith.addi %add3A_73, %mul3A_72 : i32
      %broadcast_in_dim3A = arith.constant 0.000000e+00 : f32
      %broadcast_in_dim3A_75 = vector.broadcast %broadcast_in_dim3A : f32 to vector<16xf32>
      %swap3A = arith.index_cast %add3A_74 : i32 to index
      %swap3A_76 = arith.constant 0 : index
      %swap3A_77 = tpu.vector_load %arg8[%swap3A, %swap3A_76] {strides = array<i32>} : memref<80x128xf32, #tpu.memory_space<vmem>>, vector<1x16xf32>,
      %swap3A_78 = vector.shape_cast %swap3A_77 : vector<1x16xf32> to vector<16xf32>
      %swap3A_79 = vector.shape_cast %broadcast_in_dim3A_75 : vector<16xf32> to vector<1x16xf32>
      tpu.vector_store %arg8[%swap3A, %swap3A_76], %swap3A_79 {strides = array<i32>} : memref<80x128xf32, #tpu.memory_space<vmem>>, vector<1x16xf32>,
      %broadcast_in_dim3A_80 = arith.constant 0.000000e+00 : f32
      %broadcast_in_dim3A_81 = vector.broadcast %broadcast_in_dim3A_80 : f32 to vector<16xf32>
      %swap3A_82 = arith.index_cast %add3A_74 : i32 to index
      %swap3A_83 = arith.constant 16 : index
      %swap3A_84 = tpu.vector_load %arg8[%swap3A_82, %swap3A_83] {strides = array<i32>} : memref<80x128xf32, #tpu.memory_space<vmem>>, vector<1x16xf32>,
      %swap3A_85 = vector.shape_cast %swap3A_84 : vector<1x16xf32> to vector<16xf32>
      %swap3A_86 = vector.shape_cast %broadcast_in_dim3A_81 : vector<16xf32> to vector<1x16xf32>
      tpu.vector_store %arg8[%swap3A_82, %swap3A_83], %swap3A_86 {strides = array<i32>} : memref<80x128xf32, #tpu.memory_space<vmem>>, vector<1x16xf32>,
      %broadcast_in_dim3A_87 = arith.constant 0.000000e+00 : f32
      %broadcast_in_dim3A_88 = vector.broadcast %broadcast_in_dim3A_87 : f32 to vector<16xf32>
      %swap3A_89 = arith.index_cast %add3A_74 : i32 to index
      %swap3A_90 = arith.constant 32 : index
      %swap3A_91 = tpu.vector_load %arg8[%swap3A_89, %swap3A_90] {strides = array<i32>} : memref<80x128xf32, #tpu.memory_space<vmem>>, vector<1x16xf32>,
      %swap3A_92 = vector.shape_cast %swap3A_91 : vector<1x16xf32> to vector<16xf32>
      %swap3A_93 = vector.shape_cast %broadcast_in_dim3A_88 : vector<16xf32> to vector<1x16xf32>
      tpu.vector_store %arg8[%swap3A_89, %swap3A_90], %swap3A_93 {strides = array<i32>} : memref<80x128xf32, #tpu.memory_space<vmem>>, vector<1x16xf32>,
      %broadcast_in_dim3A_94 = arith.constant 0.000000e+00 : f32
      %broadcast_in_dim3A_95 = vector.broadcast %broadcast_in_dim3A_94 : f32 to vector<16xf32>
      %swap3A_96 = arith.index_cast %add3A_74 : i32 to index
      %swap3A_97 = arith.constant 48 : index
      %swap3A_98 = tpu.vector_load %arg8[%swap3A_96, %swap3A_97] {strides = array<i32>} : memref<80x128xf32, #tpu.memory_space<vmem>>, vector<1x16xf32>,
      %swap3A_99 = vector.shape_cast %swap3A_98 : vector<1x16xf32> to vector<16xf32>
      %swap3A_100 = vector.shape_cast %broadcast_in_dim3A_95 : vector<16xf32> to vector<1x16xf32>
      tpu.vector_store %arg8[%swap3A_96, %swap3A_97], %swap3A_100 {strides = array<i32>} : memref<80x128xf32, #tpu.memory_space<vmem>>, vector<1x16xf32>,
      %broadcast_in_dim3A_101 = arith.constant 0.000000e+00 : f32
      %broadcast_in_dim3A_102 = vector.broadcast %broadcast_in_dim3A_101 : f32 to vector<16xf32>
      %swap3A_103 = arith.index_cast %add3A_74 : i32 to index
      %swap3A_104 = arith.constant 64 : index
      %swap3A_105 = tpu.vector_load %arg8[%swap3A_103, %swap3A_104] {strides = array<i32>} : memref<80x128xf32, #tpu.memory_space<vmem>>, vector<1x16xf32>,
      %swap3A_106 = vector.shape_cast %swap3A_105 : vector<1x16xf32> to vector<16xf32>
      %swap3A_107 = vector.shape_cast %broadcast_in_dim3A_102 : vector<16xf32> to vector<1x16xf32>
      tpu.vector_store %arg8[%swap3A_103, %swap3A_104], %swap3A_107 {strides = array<i32>} : memref<80x128xf32, #tpu.memory_space<vmem>>, vector<1x16xf32>,
      %broadcast_in_dim3A_108 = arith.constant 0.000000e+00 : f32
      %broadcast_in_dim3A_109 = vector.broadcast %broadcast_in_dim3A_108 : f32 to vector<16xf32>
      %swap3A_110 = arith.index_cast %add3A_74 : i32 to index
      %swap3A_111 = arith.constant 80 : index
      %swap3A_112 = tpu.vector_load %arg8[%swap3A_110, %swap3A_111] {strides = array<i32>} : memref<80x128xf32, #tpu.memory_space<vmem>>, vector<1x16xf32>,
      %swap3A_113 = vector.shape_cast %swap3A_112 : vector<1x16xf32> to vector<16xf32>
      %swap3A_114 = vector.shape_cast %broadcast_in_dim3A_109 : vector<16xf32> to vector<1x16xf32>
      tpu.vector_store %arg8[%swap3A_110, %swap3A_111], %swap3A_114 {strides = array<i32>} : memref<80x128xf32, #tpu.memory_space<vmem>>, vector<1x16xf32>,
      %broadcast_in_dim3A_115 = arith.constant 0.000000e+00 : f32
      %broadcast_in_dim3A_116 = vector.broadcast %broadcast_in_dim3A_115 : f32 to vector<16xf32>
      %swap3A_117 = arith.index_cast %add3A_74 : i32 to index
      %swap3A_118 = arith.constant 96 : index
      %swap3A_119 = tpu.vector_load %arg8[%swap3A_117, %swap3A_118] {strides = array<i32>} : memref<80x128xf32, #tpu.memory_space<vmem>>, vector<1x16xf32>,
      %swap3A_120 = vector.shape_cast %swap3A_119 : vector<1x16xf32> to vector<16xf32>
      %swap3A_121 = vector.shape_cast %broadcast_in_dim3A_116 : vector<16xf32> to vector<1x16xf32>
      tpu.vector_store %arg8[%swap3A_117, %swap3A_118], %swap3A_121 {strides = array<i32>} : memref<80x128xf32, #tpu.memory_space<vmem>>, vector<1x16xf32>,
      %broadcast_in_dim3A_122 = arith.constant 0.000000e+00 : f32
      %broadcast_in_dim3A_123 = vector.broadcast %broadcast_in_dim3A_122 : f32 to vector<16xf32>
      %swap3A_124 = arith.index_cast %add3A_74 : i32 to index
      %swap3A_125 = arith.constant 112 : index
      %swap3A_126 = tpu.vector_load %arg8[%swap3A_124, %swap3A_125] {strides = array<i32>} : memref<80x128xf32, #tpu.memory_space<vmem>>, vector<1x16xf32>,
      %swap3A_127 = vector.shape_cast %swap3A_126 : vector<1x16xf32> to vector<16xf32>
      %swap3A_128 = vector.shape_cast %broadcast_in_dim3A_123 : vector<16xf32> to vector<1x16xf32>
      tpu.vector_store %arg8[%swap3A_124, %swap3A_125], %swap3A_128 {strides = array<i32>} : memref<80x128xf32, #tpu.memory_space<vmem>>, vector<1x16xf32>,
    }
    %scan3A_21 = arith.constant 80 : i32
    %dma_wait3A = arith.constant 0 : i32
    %dma_wait3A_22 = arith.constant 0 : i32
    %dma_wait3A_23 = arith.constant 0 : i32
    %dma_wait3A_24 = tpu.memref_slice %arg3[%dma_wait3A, %add3A, %dma_wait3A_22, %dma_wait3A_23] : memref<2x32x125x80xi32, #tpu.memory_space<hbm>> -> memref<1x1x125x80xi32, #tpu.memory_space<hbm>>
    %dma_wait3A_25 = tpu.memref_squeeze %dma_wait3A_24 : memref<1x1x125x80xi32, #tpu.memory_space<hbm>> -> memref<125x80xi32, #tpu.memory_space<hbm>>
    %dma_wait3A_26 = arith.constant 0 : i32
    %dma_wait3A_27 = arith.constant 0 : i32
    %dma_wait3A_28 = tpu.memref_slice %arg3[%dma_wait3A, %add3A, %dma_wait3A_26, %dma_wait3A_27] : memref<2x32x125x80xi32, #tpu.memory_space<hbm>> -> memref<1x1x125x80xi32, #tpu.memory_space<hbm>>
    %dma_wait3A_29 = tpu.memref_squeeze %dma_wait3A_28 : memref<1x1x125x80xi32, #tpu.memory_space<hbm>> -> memref<125x80xi32, #tpu.memory_space<hbm>>
    tpu.wait_dma2 semaphore(%arg14 : memref<!tpu.dma_semaphore, #tpu.memory_space<semaphore_mem>>) src(%dma_wait3A_29 : memref<125x80xi32, #tpu.memory_space<hbm>>) dst(%arg6 : memref<125x80xi32, #tpu.memory_space<vmem>>)
    %dma_wait3A_30 = arith.constant 1 : i32
    %dma_wait3A_31 = arith.constant 0 : i32
    %dma_wait3A_32 = arith.constant 0 : i32
    %dma_wait3A_33 = tpu.memref_slice %arg3[%dma_wait3A_30, %add3A, %dma_wait3A_31, %dma_wait3A_32] : memref<2x32x125x80xi32, #tpu.memory_space<hbm>> -> memref<1x1x125x80xi32, #tpu.memory_space<hbm>>
    %dma_wait3A_34 = tpu.memref_squeeze %dma_wait3A_33 : memref<1x1x125x80xi32, #tpu.memory_space<hbm>> -> memref<125x80xi32, #tpu.memory_space<hbm>>
    %dma_wait3A_35 = arith.constant 0 : i32
    %dma_wait3A_36 = arith.constant 0 : i32
    %dma_wait3A_37 = tpu.memref_slice %arg3[%dma_wait3A_30, %add3A, %dma_wait3A_35, %dma_wait3A_36] : memref<2x32x125x80xi32, #tpu.memory_space<hbm>> -> memref<1x1x125x80xi32, #tpu.memory_space<hbm>>
    %dma_wait3A_38 = tpu.memref_squeeze %dma_wait3A_37 : memref<1x1x125x80xi32, #tpu.memory_space<hbm>> -> memref<125x80xi32, #tpu.memory_space<hbm>>
    tpu.wait_dma2 semaphore(%arg14 : memref<!tpu.dma_semaphore, #tpu.memory_space<semaphore_mem>>) src(%dma_wait3A_38 : memref<125x80xi32, #tpu.memory_space<hbm>>) dst(%arg7 : memref<125x80xi32, #tpu.memory_space<vmem>>)
    %dma_start3A_39 = arith.constant 0 : i32
    %dma_start3A_40 = arith.constant 0 : i32
    %dma_start3A_41 = tpu.memref_slice %arg6[%dma_start3A_39, %dma_start3A_40] : memref<125x80xi32, #tpu.memory_space<vmem>> -> memref<1x80xi32, #tpu.memory_space<vmem>>
    %dma_start3A_42 = tpu.memref_squeeze %dma_start3A_41 : memref<1x80xi32, #tpu.memory_space<vmem>> -> memref<80xi32, #tpu.memory_space<vmem>>
    %dma_start3A_43 = arith.constant 0 : i32
    %dma_start3A_44 = arith.constant 0 : i32
    %dma_start3A_45 = tpu.memref_slice %arg2[%dma_start3A_43, %dma_start3A_44] : memref<10000x128xf32, #tpu.memory_space<hbm>> -> memref<10000x128xf32, #tpu.memory_space<hbm>>
    tpu.enqueue_indirect_dma source(%dma_start3A_45 : memref<10000x128xf32, #tpu.memory_space<hbm>>) target(%arg9 : memref<80x128xf32, #tpu.memory_space<vmem>>) offsets(%dma_start3A_42 : memref<80xi32, #tpu.memory_space<vmem>>) semaphore(%arg12 : memref<!tpu.dma_semaphore, #tpu.memory_space<semaphore_mem>>)
    %dma_start3A_46 = arith.constant 1 : i32
    %dma_start3A_47 = arith.constant 0 : i32
    %dma_start3A_48 = tpu.memref_slice %arg6[%dma_start3A_46, %dma_start3A_47] : memref<125x80xi32, #tpu.memory_space<vmem>> -> memref<1x80xi32, #tpu.memory_space<vmem>>
    %dma_start3A_49 = tpu.memref_squeeze %dma_start3A_48 : memref<1x80xi32, #tpu.memory_space<vmem>> -> memref<80xi32, #tpu.memory_space<vmem>>
    %dma_start3A_50 = arith.constant 0 : i32
    %dma_start3A_51 = arith.constant 0 : i32
    %dma_start3A_52 = tpu.memref_slice %arg2[%dma_start3A_50, %dma_start3A_51] : memref<10000x128xf32, #tpu.memory_space<hbm>> -> memref<10000x128xf32, #tpu.memory_space<hbm>>
    tpu.enqueue_indirect_dma source(%dma_start3A_52 : memref<10000x128xf32, #tpu.memory_space<hbm>>) target(%arg10 : memref<80x128xf32, #tpu.memory_space<vmem>>) offsets(%dma_start3A_49 : memref<80xi32, #tpu.memory_space<vmem>>) semaphore(%arg13 : memref<!tpu.dma_semaphore, #tpu.memory_space<semaphore_mem>>)
    %scan3A_53 = arith.constant 0 : i32
    %scan3A_54 = arith.constant 8 : i32
    %scan3A_55 = arith.addi %scan3A_53, %scan3A_54 : i32
    %scan3A_56 = arith.constant 1 : i32
    scf.for %scan3A_70 = %scan3A_53 to %scan3A_55 step %scan3A_56  : i32 {
      %mul3A_71 = arith.constant 1 : i32
      %mul3A_72 = arith.muli %scan3A_70, %mul3A_71 : i32
      %add3A_73 = arith.constant 0 : i32
      %add3A_74 = arith.addi %add3A_73, %mul3A_72 : i32
      %mul3A_75 = arith.constant 16 : i32
      %mul3A_76 = arith.muli %add3A_74, %mul3A_75 : i32
      %add3A_77 = arith.addi %mul3A_76, %arg1 : i32
      %lt3A_78 = arith.constant 125 : i32
      %lt3A_79 = arith.cmpi slt, %add3A_77, %lt3A_78 : i32
      %convert_element_type3A_80 = arith.extui %lt3A_79 : i1 to i32
      %cond3A_81 = arith.constant 0 : i32
      %cond3A_82 = arith.cmpi ne, %convert_element_type3A_80, %cond3A_81 : i32
      scf.if %cond3A_82 {
        %mul3A_83 = arith.constant 80 : i32
        %mul3A_84 = arith.muli %add3A_77, %mul3A_83 : i32
        "tpu.region"() ({
          %run_scoped3A = tpu.sem_alloc : memref<!tpu.dma_semaphore, #tpu.memory_space<semaphore_mem>>
          %dma_start3A_85 = arith.constant 0 : i32
          %dma_start3A_86 = tpu.memref_slice %arg5[%mul3A_84, %dma_start3A_85] : memref<10000x128xf32, #tpu.memory_space<vmem_shared>> -> memref<80x128xf32, #tpu.memory_space<vmem_shared>>
          %dma_start3A_87 = arith.constant 0 : i32
          %dma_start3A_88 = tpu.memref_slice %arg5[%mul3A_84, %dma_start3A_87] : memref<10000x128xf32, #tpu.memory_space<vmem_shared>> -> memref<80x128xf32, #tpu.memory_space<vmem_shared>>
          tpu.enqueue_dma source(%arg8 : memref<80x128xf32, #tpu.memory_space<vmem>>) target(%dma_start3A_88 : memref<80x128xf32, #tpu.memory_space<vmem_shared>>) target_semaphore(%run_scoped3A : memref<!tpu.dma_semaphore, #tpu.memory_space<semaphore_mem>>)
          %dma_wait3A_89 = arith.constant 0 : i32
          %dma_wait3A_90 = tpu.memref_slice %arg5[%mul3A_84, %dma_wait3A_89] : memref<10000x128xf32, #tpu.memory_space<vmem_shared>> -> memref<80x128xf32, #tpu.memory_space<vmem_shared>>
          %dma_wait3A_91 = arith.constant 0 : i32
          %dma_wait3A_92 = tpu.memref_slice %arg5[%mul3A_84, %dma_wait3A_91] : memref<10000x128xf32, #tpu.memory_space<vmem_shared>> -> memref<80x128xf32, #tpu.memory_space<vmem_shared>>
          tpu.wait_dma2 semaphore(%run_scoped3A : memref<!tpu.dma_semaphore, #tpu.memory_space<semaphore_mem>>) src(%arg8 : memref<80x128xf32, #tpu.memory_space<vmem>>) dst(%dma_wait3A_92 : memref<80x128xf32, #tpu.memory_space<vmem_shared>>)
          tpu.yield
        }) : () -> ()
      } else {
      }
    }
    %scan3A_57 = arith.constant 8 : i32
    %barrier3A = arith.constant 0 : index
    tpu.barrier barrier_id(%barrier3A)
    %scan3A_58 = arith.constant 0 : i32
    %scan3A_59 = arith.constant 42 : i32
    %scan3A_60 = arith.addi %scan3A_58, %scan3A_59 : i32
    %scan3A_61 = arith.constant 1 : i32
    scf.for %scan3A_70 = %scan3A_58 to %scan3A_60 step %scan3A_61  : i32 {
      %mul3A_71 = arith.constant 1 : i32
      %mul3A_72 = arith.muli %scan3A_70, %mul3A_71 : i32
      %add3A_73 = arith.constant 0 : i32
      %add3A_74 = arith.addi %add3A_73, %mul3A_72 : i32
      %mul3A_75 = arith.constant 3 : i32
      %mul3A_76 = arith.muli %mul3A_75, %add3A_74 : i32
      %add3A_77 = arith.constant 0 : i32
      %add3A_78 = arith.addi %mul3A_76, %add3A_77 : i32
      %add3A_79 = arith.constant 3 : i32
      %add3A_80 = arith.addi %add3A_78, %add3A_79 : i32
      %sub3A = arith.constant 1 : i32
      %sub3A_81 = arith.subi %add3A_80, %sub3A : i32
      %lt3A_82 = arith.constant 125 : i32
      %lt3A_83 = arith.cmpi slt, %sub3A_81, %lt3A_82 : i32
      %convert_element_type3A_84 = arith.extui %lt3A_83 : i1 to i32
      %cond3A_85 = arith.constant 0 : i32
      %cond3A_86 = arith.cmpi ne, %convert_element_type3A_84, %cond3A_85 : i32
      scf.if %cond3A_86 {
        %dma_start3A_124 = arith.constant 0 : i32
        %dma_start3A_125 = tpu.memref_slice %arg6[%sub3A_81, %dma_start3A_124] : memref<125x80xi32, #tpu.memory_space<vmem>> -> memref<1x80xi32, #tpu.memory_space<vmem>>
        %dma_start3A_126 = tpu.memref_squeeze %dma_start3A_125 : memref<1x80xi32, #tpu.memory_space<vmem>> -> memref<80xi32, #tpu.memory_space<vmem>>
        %dma_start3A_127 = arith.constant 0 : i32
        %dma_start3A_128 = arith.constant 0 : i32
        %dma_start3A_129 = tpu.memref_slice %arg2[%dma_start3A_127, %dma_start3A_128] : memref<10000x128xf32, #tpu.memory_space<hbm>> -> memref<10000x128xf32, #tpu.memory_space<hbm>>
        tpu.enqueue_indirect_dma source(%dma_start3A_129 : memref<10000x128xf32, #tpu.memory_space<hbm>>) target(%arg8 : memref<80x128xf32, #tpu.memory_space<vmem>>) offsets(%dma_start3A_126 : memref<80xi32, #tpu.memory_space<vmem>>) semaphore(%arg11 : memref<!tpu.dma_semaphore, #tpu.memory_space<semaphore_mem>>)
      } else {
      }
      %lt3A_87 = arith.constant 125 : i32
      %lt3A_88 = arith.cmpi slt, %add3A_78, %lt3A_87 : i32
      %convert_element_type3A_89 = arith.extui %lt3A_88 : i1 to i32
      %cond3A_90 = arith.constant 0 : i32
      %cond3A_91 = arith.cmpi ne, %convert_element_type3A_89, %cond3A_90 : i32
      scf.if %cond3A_91 {
        %dma_wait3A_124 = arith.constant 0 : i32
        %dma_wait3A_125 = tpu.memref_slice %arg6[%add3A_78, %dma_wait3A_124] : memref<125x80xi32, #tpu.memory_space<vmem>> -> memref<1x80xi32, #tpu.memory_space<vmem>>
        %dma_wait3A_126 = tpu.memref_squeeze %dma_wait3A_125 : memref<1x80xi32, #tpu.memory_space<vmem>> -> memref<80xi32, #tpu.memory_space<vmem>>
        %dma_wait3A_127 = arith.constant 0 : i32
        %dma_wait3A_128 = arith.constant 0 : i32
        %dma_wait3A_129 = tpu.memref_slice %arg2[%dma_wait3A_127, %dma_wait3A_128] : memref<10000x128xf32, #tpu.memory_space<hbm>> -> memref<10000x128xf32, #tpu.memory_space<hbm>>
        tpu.wait_indirect_dma semaphore(%arg12 : memref<!tpu.dma_semaphore, #tpu.memory_space<semaphore_mem>>) src(%dma_wait3A_129 : memref<10000x128xf32, #tpu.memory_space<hbm>>) dst(%arg9 : memref<80x128xf32, #tpu.memory_space<vmem>>)
        "tpu.region"() ({
          %run_scoped3A = tpu.sem_alloc : memref<!tpu.dma_semaphore, #tpu.memory_space<semaphore_mem>>
          %dma_start3A_130 = arith.constant 0 : i32
          %dma_start3A_131 = tpu.memref_slice %arg7[%add3A_78, %dma_start3A_130] : memref<125x80xi32, #tpu.memory_space<vmem>> -> memref<1x80xi32, #tpu.memory_space<vmem>>
          %dma_start3A_132 = tpu.memref_squeeze %dma_start3A_131 : memref<1x80xi32, #tpu.memory_space<vmem>> -> memref<80xi32, #tpu.memory_space<vmem>>
          %dma_start3A_133 = arith.constant 0 : i32
          %dma_start3A_134 = arith.constant 0 : i32
          %dma_start3A_135 = tpu.memref_slice %arg5[%dma_start3A_133, %dma_start3A_134] : memref<10000x128xf32, #tpu.memory_space<vmem_shared>> -> memref<10000x128xf32, #tpu.memory_space<vmem_shared>>
          tpu.enqueue_indirect_dma source(%arg9 : memref<80x128xf32, #tpu.memory_space<vmem>>) target(%dma_start3A_135 : memref<10000x128xf32, #tpu.memory_space<vmem_shared>>) offsets(%dma_start3A_132 : memref<80xi32, #tpu.memory_space<vmem>>) semaphore(%run_scoped3A : memref<!tpu.dma_semaphore, #tpu.memory_space<semaphore_mem>>) {add = true}
          %dma_wait3A_136 = arith.constant 0 : i32
          %dma_wait3A_137 = tpu.memref_slice %arg7[%add3A_78, %dma_wait3A_136] : memref<125x80xi32, #tpu.memory_space<vmem>> -> memref<1x80xi32, #tpu.memory_space<vmem>>
          %dma_wait3A_138 = tpu.memref_squeeze %dma_wait3A_137 : memref<1x80xi32, #tpu.memory_space<vmem>> -> memref<80xi32, #tpu.memory_space<vmem>>
          %dma_wait3A_139 = arith.constant 0 : i32
          %dma_wait3A_140 = arith.constant 0 : i32
          %dma_wait3A_141 = tpu.memref_slice %arg5[%dma_wait3A_139, %dma_wait3A_140] : memref<10000x128xf32, #tpu.memory_space<vmem_shared>> -> memref<10000x128xf32, #tpu.memory_space<vmem_shared>>
          tpu.wait_indirect_dma semaphore(%run_scoped3A : memref<!tpu.dma_semaphore, #tpu.memory_space<semaphore_mem>>) src(%arg9 : memref<80x128xf32, #tpu.memory_space<vmem>>) dst(%dma_wait3A_141 : memref<10000x128xf32, #tpu.memory_space<vmem_shared>>)
          tpu.yield
        }) : () -> ()
      } else {
      }
      %add3A_92 = arith.constant 1 : i32
      %add3A_93 = arith.addi %mul3A_76, %add3A_92 : i32
      %add3A_94 = arith.constant 3 : i32
      %add3A_95 = arith.addi %add3A_93, %add3A_94 : i32
      %sub3A_96 = arith.constant 1 : i32
      %sub3A_97 = arith.subi %add3A_95, %sub3A_96 : i32
      %lt3A_98 = arith.constant 125 : i32
      %lt3A_99 = arith.cmpi slt, %sub3A_97, %lt3A_98 : i32
      %convert_element_type3A_100 = arith.extui %lt3A_99 : i1 to i32
      %cond3A_101 = arith.constant 0 : i32
      %cond3A_102 = arith.cmpi ne, %convert_element_type3A_100, %cond3A_101 : i32
      scf.if %cond3A_102 {
        %dma_start3A_124 = arith.constant 0 : i32
        %dma_start3A_125 = tpu.memref_slice %arg6[%sub3A_97, %dma_start3A_124] : memref<125x80xi32, #tpu.memory_space<vmem>> -> memref<1x80xi32, #tpu.memory_space<vmem>>
        %dma_start3A_126 = tpu.memref_squeeze %dma_start3A_125 : memref<1x80xi32, #tpu.memory_space<vmem>> -> memref<80xi32, #tpu.memory_space<vmem>>
        %dma_start3A_127 = arith.constant 0 : i32
        %dma_start3A_128 = arith.constant 0 : i32
        %dma_start3A_129 = tpu.memref_slice %arg2[%dma_start3A_127, %dma_start3A_128] : memref<10000x128xf32, #tpu.memory_space<hbm>> -> memref<10000x128xf32, #tpu.memory_space<hbm>>
        tpu.enqueue_indirect_dma source(%dma_start3A_129 : memref<10000x128xf32, #tpu.memory_space<hbm>>) target(%arg9 : memref<80x128xf32, #tpu.memory_space<vmem>>) offsets(%dma_start3A_126 : memref<80xi32, #tpu.memory_space<vmem>>) semaphore(%arg12 : memref<!tpu.dma_semaphore, #tpu.memory_space<semaphore_mem>>)
      } else {
      }
      %lt3A_103 = arith.constant 125 : i32
      %lt3A_104 = arith.cmpi slt, %add3A_93, %lt3A_103 : i32
      %convert_element_type3A_105 = arith.extui %lt3A_104 : i1 to i32
      %cond3A_106 = arith.constant 0 : i32
      %cond3A_107 = arith.cmpi ne, %convert_element_type3A_105, %cond3A_106 : i32
      scf.if %cond3A_107 {
        %dma_wait3A_124 = arith.constant 0 : i32
        %dma_wait3A_125 = tpu.memref_slice %arg6[%add3A_93, %dma_wait3A_124] : memref<125x80xi32, #tpu.memory_space<vmem>> -> memref<1x80xi32, #tpu.memory_space<vmem>>
        %dma_wait3A_126 = tpu.memref_squeeze %dma_wait3A_125 : memref<1x80xi32, #tpu.memory_space<vmem>> -> memref<80xi32, #tpu.memory_space<vmem>>
        %dma_wait3A_127 = arith.constant 0 : i32
        %dma_wait3A_128 = arith.constant 0 : i32
        %dma_wait3A_129 = tpu.memref_slice %arg2[%dma_wait3A_127, %dma_wait3A_128] : memref<10000x128xf32, #tpu.memory_space<hbm>> -> memref<10000x128xf32, #tpu.memory_space<hbm>>
        tpu.wait_indirect_dma semaphore(%arg13 : memref<!tpu.dma_semaphore, #tpu.memory_space<semaphore_mem>>) src(%dma_wait3A_129 : memref<10000x128xf32, #tpu.memory_space<hbm>>) dst(%arg10 : memref<80x128xf32, #tpu.memory_space<vmem>>)
        "tpu.region"() ({
          %run_scoped3A = tpu.sem_alloc : memref<!tpu.dma_semaphore, #tpu.memory_space<semaphore_mem>>
          %dma_start3A_130 = arith.constant 0 : i32
          %dma_start3A_131 = tpu.memref_slice %arg7[%add3A_93, %dma_start3A_130] : memref<125x80xi32, #tpu.memory_space<vmem>> -> memref<1x80xi32, #tpu.memory_space<vmem>>
          %dma_start3A_132 = tpu.memref_squeeze %dma_start3A_131 : memref<1x80xi32, #tpu.memory_space<vmem>> -> memref<80xi32, #tpu.memory_space<vmem>>
          %dma_start3A_133 = arith.constant 0 : i32
          %dma_start3A_134 = arith.constant 0 : i32
          %dma_start3A_135 = tpu.memref_slice %arg5[%dma_start3A_133, %dma_start3A_134] : memref<10000x128xf32, #tpu.memory_space<vmem_shared>> -> memref<10000x128xf32, #tpu.memory_space<vmem_shared>>
          tpu.enqueue_indirect_dma source(%arg10 : memref<80x128xf32, #tpu.memory_space<vmem>>) target(%dma_start3A_135 : memref<10000x128xf32, #tpu.memory_space<vmem_shared>>) offsets(%dma_start3A_132 : memref<80xi32, #tpu.memory_space<vmem>>) semaphore(%run_scoped3A : memref<!tpu.dma_semaphore, #tpu.memory_space<semaphore_mem>>) {add = true}
          %dma_wait3A_136 = arith.constant 0 : i32
          %dma_wait3A_137 = tpu.memref_slice %arg7[%add3A_93, %dma_wait3A_136] : memref<125x80xi32, #tpu.memory_space<vmem>> -> memref<1x80xi32, #tpu.memory_space<vmem>>
          %dma_wait3A_138 = tpu.memref_squeeze %dma_wait3A_137 : memref<1x80xi32, #tpu.memory_space<vmem>> -> memref<80xi32, #tpu.memory_space<vmem>>
          %dma_wait3A_139 = arith.constant 0 : i32
          %dma_wait3A_140 = arith.constant 0 : i32
          %dma_wait3A_141 = tpu.memref_slice %arg5[%dma_wait3A_139, %dma_wait3A_140] : memref<10000x128xf32, #tpu.memory_space<vmem_shared>> -> memref<10000x128xf32, #tpu.memory_space<vmem_shared>>
          tpu.wait_indirect_dma semaphore(%run_scoped3A : memref<!tpu.dma_semaphore, #tpu.memory_space<semaphore_mem>>) src(%arg10 : memref<80x128xf32, #tpu.memory_space<vmem>>) dst(%dma_wait3A_141 : memref<10000x128xf32, #tpu.memory_space<vmem_shared>>)
          tpu.yield
        }) : () -> ()
      } else {
      }
      %add3A_108 = arith.constant 2 : i32
      %add3A_109 = arith.addi %mul3A_76, %add3A_108 : i32
      %add3A_110 = arith.constant 3 : i32
      %add3A_111 = arith.addi %add3A_109, %add3A_110 : i32
      %sub3A_112 = arith.constant 1 : i32
      %sub3A_113 = arith.subi %add3A_111, %sub3A_112 : i32
      %lt3A_114 = arith.constant 125 : i32
      %lt3A_115 = arith.cmpi slt, %sub3A_113, %lt3A_114 : i32
      %convert_element_type3A_116 = arith.extui %lt3A_115 : i1 to i32
      %cond3A_117 = arith.constant 0 : i32
      %cond3A_118 = arith.cmpi ne, %convert_element_type3A_116, %cond3A_117 : i32
      scf.if %cond3A_118 {
        %dma_start3A_124 = arith.constant 0 : i32
        %dma_start3A_125 = tpu.memref_slice %arg6[%sub3A_113, %dma_start3A_124] : memref<125x80xi32, #tpu.memory_space<vmem>> -> memref<1x80xi32, #tpu.memory_space<vmem>>
        %dma_start3A_126 = tpu.memref_squeeze %dma_start3A_125 : memref<1x80xi32, #tpu.memory_space<vmem>> -> memref<80xi32, #tpu.memory_space<vmem>>
        %dma_start3A_127 = arith.constant 0 : i32
        %dma_start3A_128 = arith.constant 0 : i32
        %dma_start3A_129 = tpu.memref_slice %arg2[%dma_start3A_127, %dma_start3A_128] : memref<10000x128xf32, #tpu.memory_space<hbm>> -> memref<10000x128xf32, #tpu.memory_space<hbm>>
        tpu.enqueue_indirect_dma source(%dma_start3A_129 : memref<10000x128xf32, #tpu.memory_space<hbm>>) target(%arg10 : memref<80x128xf32, #tpu.memory_space<vmem>>) offsets(%dma_start3A_126 : memref<80xi32, #tpu.memory_space<vmem>>) semaphore(%arg13 : memref<!tpu.dma_semaphore, #tpu.memory_space<semaphore_mem>>)
      } else {
      }
      %lt3A_119 = arith.constant 125 : i32
      %lt3A_120 = arith.cmpi slt, %add3A_109, %lt3A_119 : i32
      %convert_element_type3A_121 = arith.extui %lt3A_120 : i1 to i32
      %cond3A_122 = arith.constant 0 : i32
      %cond3A_123 = arith.cmpi ne, %convert_element_type3A_121, %cond3A_122 : i32
      scf.if %cond3A_123 {
        %dma_wait3A_124 = arith.constant 0 : i32
        %dma_wait3A_125 = tpu.memref_slice %arg6[%add3A_109, %dma_wait3A_124] : memref<125x80xi32, #tpu.memory_space<vmem>> -> memref<1x80xi32, #tpu.memory_space<vmem>>
        %dma_wait3A_126 = tpu.memref_squeeze %dma_wait3A_125 : memref<1x80xi32, #tpu.memory_space<vmem>> -> memref<80xi32, #tpu.memory_space<vmem>>
        %dma_wait3A_127 = arith.constant 0 : i32
        %dma_wait3A_128 = arith.constant 0 : i32
        %dma_wait3A_129 = tpu.memref_slice %arg2[%dma_wait3A_127, %dma_wait3A_128] : memref<10000x128xf32, #tpu.memory_space<hbm>> -> memref<10000x128xf32, #tpu.memory_space<hbm>>
        tpu.wait_indirect_dma semaphore(%arg11 : memref<!tpu.dma_semaphore, #tpu.memory_space<semaphore_mem>>) src(%dma_wait3A_129 : memref<10000x128xf32, #tpu.memory_space<hbm>>) dst(%arg8 : memref<80x128xf32, #tpu.memory_space<vmem>>)
        "tpu.region"() ({
          %run_scoped3A = tpu.sem_alloc : memref<!tpu.dma_semaphore, #tpu.memory_space<semaphore_mem>>
          %dma_start3A_130 = arith.constant 0 : i32
          %dma_start3A_131 = tpu.memref_slice %arg7[%add3A_109, %dma_start3A_130] : memref<125x80xi32, #tpu.memory_space<vmem>> -> memref<1x80xi32, #tpu.memory_space<vmem>>
          %dma_start3A_132 = tpu.memref_squeeze %dma_start3A_131 : memref<1x80xi32, #tpu.memory_space<vmem>> -> memref<80xi32, #tpu.memory_space<vmem>>
          %dma_start3A_133 = arith.constant 0 : i32
          %dma_start3A_134 = arith.constant 0 : i32
          %dma_start3A_135 = tpu.memref_slice %arg5[%dma_start3A_133, %dma_start3A_134] : memref<10000x128xf32, #tpu.memory_space<vmem_shared>> -> memref<10000x128xf32, #tpu.memory_space<vmem_shared>>
          tpu.enqueue_indirect_dma source(%arg8 : memref<80x128xf32, #tpu.memory_space<vmem>>) target(%dma_start3A_135 : memref<10000x128xf32, #tpu.memory_space<vmem_shared>>) offsets(%dma_start3A_132 : memref<80xi32, #tpu.memory_space<vmem>>) semaphore(%run_scoped3A : memref<!tpu.dma_semaphore, #tpu.memory_space<semaphore_mem>>) {add = true}
          %dma_wait3A_136 = arith.constant 0 : i32
          %dma_wait3A_137 = tpu.memref_slice %arg7[%add3A_109, %dma_wait3A_136] : memref<125x80xi32, #tpu.memory_space<vmem>> -> memref<1x80xi32, #tpu.memory_space<vmem>>
          %dma_wait3A_138 = tpu.memref_squeeze %dma_wait3A_137 : memref<1x80xi32, #tpu.memory_space<vmem>> -> memref<80xi32, #tpu.memory_space<vmem>>
          %dma_wait3A_139 = arith.constant 0 : i32
          %dma_wait3A_140 = arith.constant 0 : i32
          %dma_wait3A_141 = tpu.memref_slice %arg5[%dma_wait3A_139, %dma_wait3A_140] : memref<10000x128xf32, #tpu.memory_space<vmem_shared>> -> memref<10000x128xf32, #tpu.memory_space<vmem_shared>>
          tpu.wait_indirect_dma semaphore(%run_scoped3A : memref<!tpu.dma_semaphore, #tpu.memory_space<semaphore_mem>>) src(%arg8 : memref<80x128xf32, #tpu.memory_space<vmem>>) dst(%dma_wait3A_141 : memref<10000x128xf32, #tpu.memory_space<vmem_shared>>)
          tpu.yield
        }) : () -> ()
      } else {
      }
    }
    %scan3A_62 = arith.constant 42 : i32
    %barrier3A_63 = arith.constant 0 : index
    tpu.barrier barrier_id(%barrier3A_63)
    %lt3A = arith.constant 15 : i32
    %lt3A_64 = arith.cmpi slt, %arg1, %lt3A : i32
    %convert_element_type3A = arith.extui %lt3A_64 : i1 to i32
    %cond3A = arith.constant 0 : i32
    %cond3A_65 = arith.cmpi ne, %convert_element_type3A, %cond3A : i32
    scf.if %cond3A_65 {
      %mul3A_70 = arith.constant 624 : i32
      %mul3A_71 = arith.muli %arg1, %mul3A_70 : i32
      %mul3A_72 = arith.constant 624 : i32
      %mul3A_73 = arith.muli %arg1, %mul3A_72 : i32
      "tpu.region"() ({
        %run_scoped3A = tpu.sem_alloc : memref<!tpu.dma_semaphore, #tpu.memory_space<semaphore_mem>>
        %dma_start3A_74 = arith.constant 0 : i32
        %dma_start3A_75 = tpu.memref_slice %arg4[%arg0, %mul3A_73, %dma_start3A_74] : memref<2x10000x128xf32, #tpu.memory_space<hbm>> -> memref<1x624x128xf32, #tpu.memory_space<hbm>>
        %dma_start3A_76 = tpu.memref_squeeze %dma_start3A_75 : memref<1x624x128xf32, #tpu.memory_space<hbm>> -> memref<624x128xf32, #tpu.memory_space<hbm>>
        %dma_start3A_77 = arith.constant 0 : i32
        %dma_start3A_78 = tpu.memref_slice %arg5[%mul3A_71, %dma_start3A_77] : memref<10000x128xf32, #tpu.memory_space<vmem_shared>> -> memref<624x128xf32, #tpu.memory_space<vmem_shared>>
        tpu.enqueue_dma source(%dma_start3A_78 : memref<624x128xf32, #tpu.memory_space<vmem_shared>>) target(%dma_start3A_76 : memref<624x128xf32, #tpu.memory_space<hbm>>) target_semaphore(%run_scoped3A : memref<!tpu.dma_semaphore, #tpu.memory_space<semaphore_mem>>)
        %dma_wait3A_79 = arith.constant 0 : i32
        %dma_wait3A_80 = tpu.memref_slice %arg4[%arg0, %mul3A_73, %dma_wait3A_79] : memref<2x10000x128xf32, #tpu.memory_space<hbm>> -> memref<1x624x128xf32, #tpu.memory_space<hbm>>
        %dma_wait3A_81 = tpu.memref_squeeze %dma_wait3A_80 : memref<1x624x128xf32, #tpu.memory_space<hbm>> -> memref<624x128xf32, #tpu.memory_space<hbm>>
        %dma_wait3A_82 = arith.constant 0 : i32
        %dma_wait3A_83 = tpu.memref_slice %arg5[%mul3A_71, %dma_wait3A_82] : memref<10000x128xf32, #tpu.memory_space<vmem_shared>> -> memref<624x128xf32, #tpu.memory_space<vmem_shared>>
        tpu.wait_dma2 semaphore(%run_scoped3A : memref<!tpu.dma_semaphore, #tpu.memory_space<semaphore_mem>>) src(%dma_wait3A_83 : memref<624x128xf32, #tpu.memory_space<vmem_shared>>) dst(%dma_wait3A_81 : memref<624x128xf32, #tpu.memory_space<hbm>>)
        tpu.yield
      }) : () -> ()
    } else {
    }
    %eq3A = arith.constant 15 : i32
    %eq3A_66 = arith.cmpi eq, %arg1, %eq3A : i32
    %convert_element_type3A_67 = arith.extui %eq3A_66 : i1 to i32
    %cond3A_68 = arith.constant 0 : i32
    %cond3A_69 = arith.cmpi ne, %convert_element_type3A_67, %cond3A_68 : i32
    scf.if %cond3A_69 {
      "tpu.region"() ({
        %run_scoped3A = tpu.sem_alloc : memref<!tpu.dma_semaphore, #tpu.memory_space<semaphore_mem>>
        %dma_start3A_70 = arith.constant 9360 : i32
        %dma_start3A_71 = arith.constant 0 : i32
        %dma_start3A_72 = tpu.memref_slice %arg4[%arg0, %dma_start3A_70, %dma_start3A_71] : memref<2x10000x128xf32, #tpu.memory_space<hbm>> -> memref<1x640x128xf32, #tpu.memory_space<hbm>>
        %dma_start3A_73 = tpu.memref_squeeze %dma_start3A_72 : memref<1x640x128xf32, #tpu.memory_space<hbm>> -> memref<640x128xf32, #tpu.memory_space<hbm>>
        %dma_start3A_74 = arith.constant 9360 : i32
        %dma_start3A_75 = arith.constant 0 : i32
        %dma_start3A_76 = tpu.memref_slice %arg5[%dma_start3A_74, %dma_start3A_75] : memref<10000x128xf32, #tpu.memory_space<vmem_shared>> -> memref<640x128xf32, #tpu.memory_space<vmem_shared>>
        tpu.enqueue_dma source(%dma_start3A_76 : memref<640x128xf32, #tpu.memory_space<vmem_shared>>) target(%dma_start3A_73 : memref<640x128xf32, #tpu.memory_space<hbm>>) target_semaphore(%run_scoped3A : memref<!tpu.dma_semaphore, #tpu.memory_space<semaphore_mem>>)
        %dma_wait3A_77 = arith.constant 9360 : i32
        %dma_wait3A_78 = arith.constant 0 : i32
        %dma_wait3A_79 = tpu.memref_slice %arg4[%arg0, %dma_wait3A_77, %dma_wait3A_78] : memref<2x10000x128xf32, #tpu.memory_space<hbm>> -> memref<1x640x128xf32, #tpu.memory_space<hbm>>
        %dma_wait3A_80 = tpu.memref_squeeze %dma_wait3A_79 : memref<1x640x128xf32, #tpu.memory_space<hbm>> -> memref<640x128xf32, #tpu.memory_space<hbm>>
        %dma_wait3A_81 = arith.constant 9360 : i32
        %dma_wait3A_82 = arith.constant 0 : i32
        %dma_wait3A_83 = tpu.memref_slice %arg5[%dma_wait3A_81, %dma_wait3A_82] : memref<10000x128xf32, #tpu.memory_space<vmem_shared>> -> memref<640x128xf32, #tpu.memory_space<vmem_shared>>
        tpu.wait_dma2 semaphore(%run_scoped3A : memref<!tpu.dma_semaphore, #tpu.memory_space<semaphore_mem>>) src(%dma_wait3A_83 : memref<640x128xf32, #tpu.memory_space<vmem_shared>>) dst(%dma_wait3A_80 : memref<640x128xf32, #tpu.memory_space<hbm>>)
        tpu.yield
      }) : () -> ()
    } else {
    }
    return
  }
}

module attributes {stable_mosaic.version = 14 : i64} {
  func.func @_mm_body(%arg0: i32, %arg1: memref<2x2000x128xf32, #tpu.memory_space<vmem>>, %arg2: memref<2000x128xf32, #tpu.memory_space<vmem>>, %arg3: memref<2000x1xf32, #tpu.memory_space<vmem>>, %arg4: memref<1x128xf32, #tpu.memory_space<vmem>>, %arg5: memref<128x128xf32, #tpu.memory_space<vmem>>, %arg6: memref<2000x128xf32, #tpu.memory_space<vmem>>) attributes {dimension_semantics = [#tpu.dimension_semantics<arbitrary>], iteration_bounds = array<i64: 5>, scalar_prefetch = 0 : i64, scratch_operands = 0 : i64, tpu.core_type = #tpu.core_type<tc>, window_params = [{transform_indices = @transform_0, window_bounds = array<i64: 2, 2000, 128>}, {transform_indices = @transform_1, window_bounds = array<i64: 2000, 128>}, {transform_indices = @transform_2, window_bounds = array<i64: 2000, 1>}, {pipeline_mode = #tpu.pipeline_mode<synchronous>, transform_indices = @transform_3, window_bounds = array<i64: 1, 128>}, {pipeline_mode = #tpu.pipeline_mode<synchronous>, transform_indices = @transform_4, window_bounds = array<i64: 128, 128>}, {transform_indices = @transform_5, window_bounds = array<i64: 2000, 128>}]} {
    %get3A = arith.constant 0 : index
    %get3A_0 = arith.constant 0 : index
    %get3A_1 = arith.constant 0 : index
    %get3A_2 = vector.load %arg1[%get3A, %get3A_0, %get3A_1] : memref<2x2000x128xf32, #tpu.memory_space<vmem>>, vector<2x2000x128xf32>
    %get3A_3 = arith.constant 0 : index
    %get3A_4 = arith.constant 0 : index
    %get3A_5 = vector.load %arg3[%get3A_3, %get3A_4] : memref<2000x1xf32, #tpu.memory_space<vmem>>, vector<2000x1xf32>
    %slice3A = vector.extract_strided_slice %get3A_2 {offsets = [0, 0, 0], sizes = [1, 2000, 128], strides = [1, 1, 1]} : vector<2x2000x128xf32> to vector<1x2000x128xf32>
    %squeeze3A = vector.shape_cast %slice3A : vector<1x2000x128xf32> to vector<2000x128xf32>
    %slice3A_6 = vector.extract_strided_slice %get3A_2 {offsets = [1, 0, 0], sizes = [1, 2000, 128], strides = [1, 1, 1]} : vector<2x2000x128xf32> to vector<1x2000x128xf32>
    %squeeze3A_7 = vector.shape_cast %slice3A_6 : vector<1x2000x128xf32> to vector<2000x128xf32>
    %add3A = arith.addf %squeeze3A, %squeeze3A_7 : vector<2000x128xf32>
    %get3A_8 = arith.constant 0 : index
    %get3A_9 = arith.constant 0 : index
    %get3A_10 = vector.load %arg2[%get3A_8, %get3A_9] : memref<2000x128xf32, #tpu.memory_space<vmem>>, vector<2000x128xf32>
    %add3A_11 = arith.addf %add3A, %get3A_10 : vector<2000x128xf32>
    %mul3A = vector.broadcast %get3A_5 : vector<2000x1xf32> to vector<2000x128xf32>
    %mul3A_12 = arith.mulf %mul3A, %add3A_11 : vector<2000x128xf32>
    %get3A_13 = arith.constant 0 : index
    %get3A_14 = arith.constant 0 : index
    %get3A_15 = vector.load %arg4[%get3A_13, %get3A_14] : memref<1x128xf32, #tpu.memory_space<vmem>>, vector<1x128xf32>
    %add3A_16 = vector.broadcast %get3A_15 : vector<1x128xf32> to vector<2000x128xf32>
    %add3A_17 = arith.addf %mul3A_12, %add3A_16 : vector<2000x128xf32>
    %max3A = arith.constant 0.000000e+00 : f32
    %max3A_18 = vector.broadcast %max3A : f32 to vector<2000x128xf32>
    %max3A_19 = arith.maximumf %add3A_17, %max3A_18 : vector<2000x128xf32>
    %get3A_20 = arith.constant 0 : index
    %get3A_21 = arith.constant 0 : index
    %get3A_22 = vector.load %arg5[%get3A_20, %get3A_21] : memref<128x128xf32, #tpu.memory_space<vmem>>, vector<128x128xf32>
    %dot_general3A = arith.constant dense<0.000000e+00> : vector<2000x128xf32>
    %dot_general3A_23 = tpu.matmul %max3A_19, %get3A_22, %dot_general3A {dimension_numbers = #tpu.dot_dimension_numbers<[1], [0], [0], [1], [0, 0, 1, 1], [], []>, transpose_lhs_hint = false} : vector<2000x128xf32>, vector<128x128xf32>, vector<2000x128xf32> -> vector<2000x128xf32>
    %mul3A_24 = vector.broadcast %get3A_5 : vector<2000x1xf32> to vector<2000x128xf32>
    %mul3A_25 = arith.mulf %mul3A_24, %dot_general3A_23 : vector<2000x128xf32>
    %swap3A = arith.constant 0 : index
    %swap3A_26 = arith.constant 0 : index
    %swap3A_27 = vector.load %arg6[%swap3A, %swap3A_26] : memref<2000x128xf32, #tpu.memory_space<vmem>>, vector<2000x128xf32>
    tpu.vector_store %arg6[%swap3A, %swap3A_26], %mul3A_25 {strides = array<i32>} : memref<2000x128xf32, #tpu.memory_space<vmem>>, vector<2000x128xf32>,
    return
  }
  func.func @transform_0(%arg0: i32) -> (i32, i32, i32) {
    %c0_i32 = arith.constant 0 : i32
    %c0_i32_0 = arith.constant 0 : i32
    %c0_i32_1 = arith.constant 0 : i32
    return %c0_i32, %arg0, %c0_i32_0 : i32, i32, i32
  }
  func.func @transform_1(%arg0: i32) -> (i32, i32) {
    %c0_i32 = arith.constant 0 : i32
    %c0_i32_0 = arith.constant 0 : i32
    return %arg0, %c0_i32 : i32, i32
  }
  func.func @transform_2(%arg0: i32) -> (i32, i32) {
    %c0_i32 = arith.constant 0 : i32
    %c0_i32_0 = arith.constant 0 : i32
    return %arg0, %c0_i32 : i32, i32
  }
  func.func @transform_3(%arg0: i32) -> (i32, i32) {
    %c0_i32 = arith.constant 0 : i32
    %c0_i32_0 = arith.constant 0 : i32
    %c0_i32_1 = arith.constant 0 : i32
    return %c0_i32, %c0_i32_0 : i32, i32
  }
  func.func @transform_4(%arg0: i32) -> (i32, i32) {
    %c0_i32 = arith.constant 0 : i32
    %c0_i32_0 = arith.constant 0 : i32
    %c0_i32_1 = arith.constant 0 : i32
    return %c0_i32, %c0_i32_0 : i32, i32
  }
  func.func @transform_5(%arg0: i32) -> (i32, i32) {
    %c0_i32 = arith.constant 0 : i32
    %c0_i32_0 = arith.constant 0 : i32
    return %arg0, %c0_i32 : i32, i32
  }
}

module attributes {stable_mosaic.version = 14 : i64} {
  func.func @_mm0_body(%arg0: i32, %arg1: memref<2000x128xf32, #tpu.memory_space<vmem>>, %arg2: memref<2x2000x16xf32, #tpu.memory_space<vmem>>, %arg3: memref<128x128xf32, #tpu.memory_space<vmem>>, %arg4: memref<2000x128xf32, #tpu.memory_space<vmem>>, %arg5: memref<2000x1xf32, #tpu.memory_space<vmem>>) attributes {dimension_semantics = [#tpu.dimension_semantics<arbitrary>], iteration_bounds = array<i64: 5>, scalar_prefetch = 0 : i64, scratch_operands = 0 : i64, tpu.core_type = #tpu.core_type<tc>, window_params = [{transform_indices = @transform_0, window_bounds = array<i64: 2000, 128>}, {transform_indices = @transform_1, window_bounds = array<i64: 2, 2000, 16>}, {pipeline_mode = #tpu.pipeline_mode<synchronous>, transform_indices = @transform_2, window_bounds = array<i64: 128, 128>}, {transform_indices = @transform_3, window_bounds = array<i64: 2000, 128>}, {transform_indices = @transform_4, window_bounds = array<i64: 2000, 1>}]} {
    %get3A = arith.constant 0 : index
    %get3A_0 = arith.constant 0 : index
    %get3A_1 = arith.constant 0 : index
    %get3A_2 = vector.load %arg2[%get3A, %get3A_0, %get3A_1] : memref<2x2000x16xf32, #tpu.memory_space<vmem>>, vector<2x2000x16xf32>
    %slice3A = vector.extract_strided_slice %get3A_2 {offsets = [0, 0, 0], sizes = [1, 2000, 1], strides = [1, 1, 1]} : vector<2x2000x16xf32> to vector<1x2000x1xf32>
    %squeeze3A = vector.shape_cast %slice3A : vector<1x2000x1xf32> to vector<2000x1xf32>
    %slice3A_3 = vector.extract_strided_slice %get3A_2 {offsets = [1, 0, 0], sizes = [1, 2000, 1], strides = [1, 1, 1]} : vector<2x2000x16xf32> to vector<1x2000x1xf32>
    %squeeze3A_4 = vector.shape_cast %slice3A_3 : vector<1x2000x1xf32> to vector<2000x1xf32>
    %add3A = arith.addf %squeeze3A, %squeeze3A_4 : vector<2000x1xf32>
    %add3A_5 = arith.constant 1.000000e+00 : f32
    %add3A_6 = vector.broadcast %add3A_5 : f32 to vector<2000x1xf32>
    %add3A_7 = arith.addf %add3A, %add3A_6 : vector<2000x1xf32>
    %rsqrt3A = math.rsqrt %add3A_7 : vector<2000x1xf32>
    %get3A_8 = arith.constant 0 : index
    %get3A_9 = arith.constant 0 : index
    %get3A_10 = vector.load %arg1[%get3A_8, %get3A_9] : memref<2000x128xf32, #tpu.memory_space<vmem>>, vector<2000x128xf32>
    %get3A_11 = arith.constant 0 : index
    %get3A_12 = arith.constant 0 : index
    %get3A_13 = vector.load %arg3[%get3A_11, %get3A_12] : memref<128x128xf32, #tpu.memory_space<vmem>>, vector<128x128xf32>
    %dot_general3A = arith.constant dense<0.000000e+00> : vector<2000x128xf32>
    %dot_general3A_14 = tpu.matmul %get3A_10, %get3A_13, %dot_general3A {dimension_numbers = #tpu.dot_dimension_numbers<[1], [0], [0], [1], [0, 0, 1, 1], [], []>, transpose_lhs_hint = false} : vector<2000x128xf32>, vector<128x128xf32>, vector<2000x128xf32> -> vector<2000x128xf32>
    %mul3A = vector.broadcast %rsqrt3A : vector<2000x1xf32> to vector<2000x128xf32>
    %mul3A_15 = arith.mulf %mul3A, %dot_general3A_14 : vector<2000x128xf32>
    %swap3A = arith.constant 0 : index
    %swap3A_16 = arith.constant 0 : index
    %swap3A_17 = vector.load %arg4[%swap3A, %swap3A_16] : memref<2000x128xf32, #tpu.memory_space<vmem>>, vector<2000x128xf32>
    tpu.vector_store %arg4[%swap3A, %swap3A_16], %mul3A_15 {strides = array<i32>} : memref<2000x128xf32, #tpu.memory_space<vmem>>, vector<2000x128xf32>,
    %swap3A_18 = arith.constant 0 : index
    %swap3A_19 = arith.constant 0 : index
    %swap3A_20 = vector.load %arg5[%swap3A_18, %swap3A_19] : memref<2000x1xf32, #tpu.memory_space<vmem>>, vector<2000x1xf32>
    tpu.vector_store %arg5[%swap3A_18, %swap3A_19], %rsqrt3A {strides = array<i32>} : memref<2000x1xf32, #tpu.memory_space<vmem>>, vector<2000x1xf32>,
    return
  }
  func.func @transform_0(%arg0: i32) -> (i32, i32) {
    %c0_i32 = arith.constant 0 : i32
    %c0_i32_0 = arith.constant 0 : i32
    return %arg0, %c0_i32 : i32, i32
  }
  func.func @transform_1(%arg0: i32) -> (i32, i32, i32) {
    %c0_i32 = arith.constant 0 : i32
    %c0_i32_0 = arith.constant 0 : i32
    %c0_i32_1 = arith.constant 0 : i32
    return %c0_i32, %arg0, %c0_i32_0 : i32, i32, i32
  }
  func.func @transform_2(%arg0: i32) -> (i32, i32) {
    %c0_i32 = arith.constant 0 : i32
    %c0_i32_0 = arith.constant 0 : i32
    %c0_i32_1 = arith.constant 0 : i32
    return %c0_i32, %c0_i32_0 : i32, i32
  }
  func.func @transform_3(%arg0: i32) -> (i32, i32) {
    %c0_i32 = arith.constant 0 : i32
    %c0_i32_0 = arith.constant 0 : i32
    return %arg0, %c0_i32 : i32, i32
  }
  func.func @transform_4(%arg0: i32) -> (i32, i32) {
    %c0_i32 = arith.constant 0 : i32
    %c0_i32_0 = arith.constant 0 : i32
    return %arg0, %c0_i32 : i32, i32
  }
}

module attributes {stable_mosaic.version = 14 : i64} {
  func.func @_pool_body(%arg0: i32, %arg1: memref<2x2000x128xf32, #tpu.memory_space<vmem>>, %arg2: memref<2000x128xf32, #tpu.memory_space<vmem>>, %arg3: memref<2000x1xf32, #tpu.memory_space<vmem>>, %arg4: memref<1x128xf32, #tpu.memory_space<vmem>>, %arg5: memref<2000x1xi32, #tpu.memory_space<vmem>>, %arg6: memref<128x16xf32, #tpu.memory_space<vmem>>, %arg7: memref<1x16xf32, #tpu.memory_space<vmem>>, %arg8: memref<64x16xf32, #tpu.memory_space<vmem>>, %arg9: memref<64x128xf32, #tpu.memory_space<vmem>>) attributes {dimension_semantics = [#tpu.dimension_semantics<arbitrary>], iteration_bounds = array<i64: 5>, scalar_prefetch = 0 : i64, scratch_operands = 1 : i64, tpu.core_type = #tpu.core_type<tc>, window_params = [{transform_indices = @transform_0, window_bounds = array<i64: 2, 2000, 128>}, {transform_indices = @transform_1, window_bounds = array<i64: 2000, 128>}, {transform_indices = @transform_2, window_bounds = array<i64: 2000, 1>}, {pipeline_mode = #tpu.pipeline_mode<synchronous>, transform_indices = @transform_3, window_bounds = array<i64: 1, 128>}, {transform_indices = @transform_4, window_bounds = array<i64: 2000, 1>}, {pipeline_mode = #tpu.pipeline_mode<synchronous>, transform_indices = @transform_5, window_bounds = array<i64: 128, 16>}, {pipeline_mode = #tpu.pipeline_mode<synchronous>, transform_indices = @transform_6, window_bounds = array<i64: 1, 16>}, {pipeline_mode = #tpu.pipeline_mode<synchronous>, transform_indices = @transform_7, window_bounds = array<i64: 64, 16>}]} {
    %get3A = arith.constant 0 : index
    %get3A_0 = arith.constant 0 : index
    %get3A_1 = arith.constant 0 : index
    %get3A_2 = vector.load %arg1[%get3A, %get3A_0, %get3A_1] : memref<2x2000x128xf32, #tpu.memory_space<vmem>>, vector<2x2000x128xf32>
    %get3A_3 = arith.constant 0 : index
    %get3A_4 = arith.constant 0 : index
    %get3A_5 = vector.load %arg3[%get3A_3, %get3A_4] : memref<2000x1xf32, #tpu.memory_space<vmem>>, vector<2000x1xf32>
    %slice3A = vector.extract_strided_slice %get3A_2 {offsets = [0, 0, 0], sizes = [1, 2000, 128], strides = [1, 1, 1]} : vector<2x2000x128xf32> to vector<1x2000x128xf32>
    %squeeze3A = vector.shape_cast %slice3A : vector<1x2000x128xf32> to vector<2000x128xf32>
    %slice3A_6 = vector.extract_strided_slice %get3A_2 {offsets = [1, 0, 0], sizes = [1, 2000, 128], strides = [1, 1, 1]} : vector<2x2000x128xf32> to vector<1x2000x128xf32>
    %squeeze3A_7 = vector.shape_cast %slice3A_6 : vector<1x2000x128xf32> to vector<2000x128xf32>
    %add3A = arith.addf %squeeze3A, %squeeze3A_7 : vector<2000x128xf32>
    %get3A_8 = arith.constant 0 : index
    %get3A_9 = arith.constant 0 : index
    %get3A_10 = vector.load %arg2[%get3A_8, %get3A_9] : memref<2000x128xf32, #tpu.memory_space<vmem>>, vector<2000x128xf32>
    %add3A_11 = arith.addf %add3A, %get3A_10 : vector<2000x128xf32>
    %mul3A = vector.broadcast %get3A_5 : vector<2000x1xf32> to vector<2000x128xf32>
    %mul3A_12 = arith.mulf %mul3A, %add3A_11 : vector<2000x128xf32>
    %get3A_13 = arith.constant 0 : index
    %get3A_14 = arith.constant 0 : index
    %get3A_15 = vector.load %arg4[%get3A_13, %get3A_14] : memref<1x128xf32, #tpu.memory_space<vmem>>, vector<1x128xf32>
    %add3A_16 = vector.broadcast %get3A_15 : vector<1x128xf32> to vector<2000x128xf32>
    %add3A_17 = arith.addf %mul3A_12, %add3A_16 : vector<2000x128xf32>
    %max3A = arith.constant 0.000000e+00 : f32
    %max3A_18 = vector.broadcast %max3A : f32 to vector<2000x128xf32>
    %max3A_19 = arith.maximumf %add3A_17, %max3A_18 : vector<2000x128xf32>
    %get3A_20 = arith.constant 0 : index
    %get3A_21 = arith.constant 0 : index
    %get3A_22 = vector.load %arg5[%get3A_20, %get3A_21] : memref<2000x1xi32, #tpu.memory_space<vmem>>, vector<2000x1xi32>
    %eq3A = arith.constant 0 : i32
    %eq3A_23 = arith.cmpi eq, %arg0, %eq3A : i32
    %convert_element_type3A = arith.extui %eq3A_23 : i1 to i32
    %cond3A = arith.constant 0 : i32
    %cond3A_24 = arith.cmpi ne, %convert_element_type3A, %cond3A : i32
    scf.if %cond3A_24 {
      %broadcast_in_dim3A = arith.constant 0xFF800000 : f32
      %broadcast_in_dim3A_547 = vector.broadcast %broadcast_in_dim3A : f32 to vector<64x128xf32>
      %swap3A = arith.constant 0 : index
      %swap3A_548 = arith.constant 0 : index
      %swap3A_549 = vector.load %arg9[%swap3A, %swap3A_548] : memref<64x128xf32, #tpu.memory_space<vmem>>, vector<64x128xf32>
      tpu.vector_store %arg9[%swap3A, %swap3A_548], %broadcast_in_dim3A_547 {strides = array<i32>} : memref<64x128xf32, #tpu.memory_space<vmem>>, vector<64x128xf32>,
    } else {
    }
    %reduce_min3A = vector.shape_cast %get3A_22 : vector<2000x1xi32> to vector<1x2000x1xi32>
    %reduce_min3A_25 = arith.constant dense<2147483647> : vector<1xi32>
    %reduce_min3A_26 = vector.multi_reduction <minsi>, %reduce_min3A, %reduce_min3A_25 [1, 2] : vector<1x2000x1xi32> to vector<1xi32>
    %reduce_min3A_27 = vector.shape_cast %reduce_min3A_26 : vector<1xi32> to vector<1x1x1xi32>
    %reduce_min3A_28 = vector.extract %reduce_min3A_27[0, 0, 0] : i32 from vector<1x1x1xi32>
    %reduce_max3A = vector.shape_cast %get3A_22 : vector<2000x1xi32> to vector<1x2000x1xi32>
    %reduce_max3A_29 = arith.constant dense<-2147483648> : vector<1xi32>
    %reduce_max3A_30 = vector.multi_reduction <maxsi>, %reduce_max3A, %reduce_max3A_29 [1, 2] : vector<1x2000x1xi32> to vector<1xi32>
    %reduce_max3A_31 = vector.shape_cast %reduce_max3A_30 : vector<1xi32> to vector<1x1x1xi32>
    %reduce_max3A_32 = vector.extract %reduce_max3A_31[0, 0, 0] : i32 from vector<1x1x1xi32>
    %le3A = arith.constant 0 : i32
    %le3A_33 = arith.cmpi sle, %reduce_min3A_28, %le3A : i32
    %ge3A = arith.constant 0 : i32
    %ge3A_34 = arith.cmpi sge, %reduce_max3A_32, %ge3A : i32
    %and3A = arith.andi %le3A_33, %ge3A_34 : i1
    %convert_element_type3A_35 = arith.extui %and3A : i1 to i32
    %cond3A_36 = arith.constant 0 : i32
    %cond3A_37 = arith.cmpi ne, %convert_element_type3A_35, %cond3A_36 : i32
    scf.if %cond3A_37 {
      %eq3A_547 = arith.constant 0 : i32
      %eq3A_548 = vector.broadcast %eq3A_547 : i32 to vector<2000x1xi32>
      %eq3A_549 = arith.cmpi eq, %get3A_22, %eq3A_548 : vector<2000x1xi32>
      %jit3A = arith.constant 0xFF800000 : f32
      %broadcast_in_dim3A = vector.shape_cast %eq3A_549 : vector<2000x1xi1> to vector<2000x1xi1>
      %broadcast_in_dim3A_550 = vector.broadcast %broadcast_in_dim3A : vector<2000x1xi1> to vector<2000x128xi1>
      %broadcast_in_dim3A_551 = vector.broadcast %jit3A : f32 to vector<2000x128xf32>
      %select_n3A = arith.select %broadcast_in_dim3A_550, %max3A_19, %broadcast_in_dim3A_551 : vector<2000x128xi1>, vector<2000x128xf32>
      %reduce_max3A_552 = arith.constant dense<0xFF800000> : vector<128xf32>
      %reduce_max3A_553 = vector.multi_reduction <maximumf>, %select_n3A, %reduce_max3A_552 [0] : vector<2000x128xf32> to vector<128xf32>
      %broadcast_in_dim3A_554 = vector.shape_cast %reduce_max3A_553 : vector<128xf32> to vector<1x128xf32>
      %get3A_555 = arith.constant 0 : index
      %get3A_556 = arith.constant 0 : index
      %get3A_557 = vector.load %arg9[%get3A_555, %get3A_556] : memref<64x128xf32, #tpu.memory_space<vmem>>, vector<1x128xf32>
      %max3A_558 = arith.maximumf %get3A_557, %broadcast_in_dim3A_554 : vector<1x128xf32>
      %swap3A = arith.constant 0 : index
      %swap3A_559 = arith.constant 0 : index
      %swap3A_560 = vector.load %arg9[%swap3A, %swap3A_559] : memref<64x128xf32, #tpu.memory_space<vmem>>, vector<1x128xf32>
      tpu.vector_store %arg9[%swap3A, %swap3A_559], %max3A_558 {strides = array<i32>} : memref<64x128xf32, #tpu.memory_space<vmem>>, vector<1x128xf32>,
    } else {
    }
    %le3A_38 = arith.constant 1 : i32
    %le3A_39 = arith.cmpi sle, %reduce_min3A_28, %le3A_38 : i32
    %ge3A_40 = arith.constant 1 : i32
    %ge3A_41 = arith.cmpi sge, %reduce_max3A_32, %ge3A_40 : i32
    %and3A_42 = arith.andi %le3A_39, %ge3A_41 : i1
    %convert_element_type3A_43 = arith.extui %and3A_42 : i1 to i32
    %cond3A_44 = arith.constant 0 : i32
    %cond3A_45 = arith.cmpi ne, %convert_element_type3A_43, %cond3A_44 : i32
    scf.if %cond3A_45 {
      %eq3A_547 = arith.constant 1 : i32
      %eq3A_548 = vector.broadcast %eq3A_547 : i32 to vector<2000x1xi32>
      %eq3A_549 = arith.cmpi eq, %get3A_22, %eq3A_548 : vector<2000x1xi32>
      %jit3A = arith.constant 0xFF800000 : f32
      %broadcast_in_dim3A = vector.shape_cast %eq3A_549 : vector<2000x1xi1> to vector<2000x1xi1>
      %broadcast_in_dim3A_550 = vector.broadcast %broadcast_in_dim3A : vector<2000x1xi1> to vector<2000x128xi1>
      %broadcast_in_dim3A_551 = vector.broadcast %jit3A : f32 to vector<2000x128xf32>
      %select_n3A = arith.select %broadcast_in_dim3A_550, %max3A_19, %broadcast_in_dim3A_551 : vector<2000x128xi1>, vector<2000x128xf32>
      %reduce_max3A_552 = arith.constant dense<0xFF800000> : vector<128xf32>
      %reduce_max3A_553 = vector.multi_reduction <maximumf>, %select_n3A, %reduce_max3A_552 [0] : vector<2000x128xf32> to vector<128xf32>
      %broadcast_in_dim3A_554 = vector.shape_cast %reduce_max3A_553 : vector<128xf32> to vector<1x128xf32>
      %get3A_555 = arith.constant 1 : index
      %get3A_556 = arith.constant 0 : index
      %get3A_557 = vector.load %arg9[%get3A_555, %get3A_556] : memref<64x128xf32, #tpu.memory_space<vmem>>, vector<1x128xf32>
      %max3A_558 = arith.maximumf %get3A_557, %broadcast_in_dim3A_554 : vector<1x128xf32>
      %swap3A = arith.constant 1 : index
      %swap3A_559 = arith.constant 0 : index
      %swap3A_560 = vector.load %arg9[%swap3A, %swap3A_559] : memref<64x128xf32, #tpu.memory_space<vmem>>, vector<1x128xf32>
      tpu.vector_store %arg9[%swap3A, %swap3A_559], %max3A_558 {strides = array<i32>} : memref<64x128xf32, #tpu.memory_space<vmem>>, vector<1x128xf32>,
    } else {
    }
    %le3A_46 = arith.constant 2 : i32
    %le3A_47 = arith.cmpi sle, %reduce_min3A_28, %le3A_46 : i32
    %ge3A_48 = arith.constant 2 : i32
    %ge3A_49 = arith.cmpi sge, %reduce_max3A_32, %ge3A_48 : i32
    %and3A_50 = arith.andi %le3A_47, %ge3A_49 : i1
    %convert_element_type3A_51 = arith.extui %and3A_50 : i1 to i32
    %cond3A_52 = arith.constant 0 : i32
    %cond3A_53 = arith.cmpi ne, %convert_element_type3A_51, %cond3A_52 : i32
    scf.if %cond3A_53 {
      %eq3A_547 = arith.constant 2 : i32
      %eq3A_548 = vector.broadcast %eq3A_547 : i32 to vector<2000x1xi32>
      %eq3A_549 = arith.cmpi eq, %get3A_22, %eq3A_548 : vector<2000x1xi32>
      %jit3A = arith.constant 0xFF800000 : f32
      %broadcast_in_dim3A = vector.shape_cast %eq3A_549 : vector<2000x1xi1> to vector<2000x1xi1>
      %broadcast_in_dim3A_550 = vector.broadcast %broadcast_in_dim3A : vector<2000x1xi1> to vector<2000x128xi1>
      %broadcast_in_dim3A_551 = vector.broadcast %jit3A : f32 to vector<2000x128xf32>
      %select_n3A = arith.select %broadcast_in_dim3A_550, %max3A_19, %broadcast_in_dim3A_551 : vector<2000x128xi1>, vector<2000x128xf32>
      %reduce_max3A_552 = arith.constant dense<0xFF800000> : vector<128xf32>
      %reduce_max3A_553 = vector.multi_reduction <maximumf>, %select_n3A, %reduce_max3A_552 [0] : vector<2000x128xf32> to vector<128xf32>
      %broadcast_in_dim3A_554 = vector.shape_cast %reduce_max3A_553 : vector<128xf32> to vector<1x128xf32>
      %get3A_555 = arith.constant 2 : index
      %get3A_556 = arith.constant 0 : index
      %get3A_557 = vector.load %arg9[%get3A_555, %get3A_556] : memref<64x128xf32, #tpu.memory_space<vmem>>, vector<1x128xf32>
      %max3A_558 = arith.maximumf %get3A_557, %broadcast_in_dim3A_554 : vector<1x128xf32>
      %swap3A = arith.constant 2 : index
      %swap3A_559 = arith.constant 0 : index
      %swap3A_560 = vector.load %arg9[%swap3A, %swap3A_559] : memref<64x128xf32, #tpu.memory_space<vmem>>, vector<1x128xf32>
      tpu.vector_store %arg9[%swap3A, %swap3A_559], %max3A_558 {strides = array<i32>} : memref<64x128xf32, #tpu.memory_space<vmem>>, vector<1x128xf32>,
    } else {
    }
    %le3A_54 = arith.constant 3 : i32
    %le3A_55 = arith.cmpi sle, %reduce_min3A_28, %le3A_54 : i32
    %ge3A_56 = arith.constant 3 : i32
    %ge3A_57 = arith.cmpi sge, %reduce_max3A_32, %ge3A_56 : i32
    %and3A_58 = arith.andi %le3A_55, %ge3A_57 : i1
    %convert_element_type3A_59 = arith.extui %and3A_58 : i1 to i32
    %cond3A_60 = arith.constant 0 : i32
    %cond3A_61 = arith.cmpi ne, %convert_element_type3A_59, %cond3A_60 : i32
    scf.if %cond3A_61 {
      %eq3A_547 = arith.constant 3 : i32
      %eq3A_548 = vector.broadcast %eq3A_547 : i32 to vector<2000x1xi32>
      %eq3A_549 = arith.cmpi eq, %get3A_22, %eq3A_548 : vector<2000x1xi32>
      %jit3A = arith.constant 0xFF800000 : f32
      %broadcast_in_dim3A = vector.shape_cast %eq3A_549 : vector<2000x1xi1> to vector<2000x1xi1>
      %broadcast_in_dim3A_550 = vector.broadcast %broadcast_in_dim3A : vector<2000x1xi1> to vector<2000x128xi1>
      %broadcast_in_dim3A_551 = vector.broadcast %jit3A : f32 to vector<2000x128xf32>
      %select_n3A = arith.select %broadcast_in_dim3A_550, %max3A_19, %broadcast_in_dim3A_551 : vector<2000x128xi1>, vector<2000x128xf32>
      %reduce_max3A_552 = arith.constant dense<0xFF800000> : vector<128xf32>
      %reduce_max3A_553 = vector.multi_reduction <maximumf>, %select_n3A, %reduce_max3A_552 [0] : vector<2000x128xf32> to vector<128xf32>
      %broadcast_in_dim3A_554 = vector.shape_cast %reduce_max3A_553 : vector<128xf32> to vector<1x128xf32>
      %get3A_555 = arith.constant 3 : index
      %get3A_556 = arith.constant 0 : index
      %get3A_557 = vector.load %arg9[%get3A_555, %get3A_556] : memref<64x128xf32, #tpu.memory_space<vmem>>, vector<1x128xf32>
      %max3A_558 = arith.maximumf %get3A_557, %broadcast_in_dim3A_554 : vector<1x128xf32>
      %swap3A = arith.constant 3 : index
      %swap3A_559 = arith.constant 0 : index
      %swap3A_560 = vector.load %arg9[%swap3A, %swap3A_559] : memref<64x128xf32, #tpu.memory_space<vmem>>, vector<1x128xf32>
      tpu.vector_store %arg9[%swap3A, %swap3A_559], %max3A_558 {strides = array<i32>} : memref<64x128xf32, #tpu.memory_space<vmem>>, vector<1x128xf32>,
    } else {
    }
    %le3A_62 = arith.constant 4 : i32
    %le3A_63 = arith.cmpi sle, %reduce_min3A_28, %le3A_62 : i32
    %ge3A_64 = arith.constant 4 : i32
    %ge3A_65 = arith.cmpi sge, %reduce_max3A_32, %ge3A_64 : i32
    %and3A_66 = arith.andi %le3A_63, %ge3A_65 : i1
    %convert_element_type3A_67 = arith.extui %and3A_66 : i1 to i32
    %cond3A_68 = arith.constant 0 : i32
    %cond3A_69 = arith.cmpi ne, %convert_element_type3A_67, %cond3A_68 : i32
    scf.if %cond3A_69 {
      %eq3A_547 = arith.constant 4 : i32
      %eq3A_548 = vector.broadcast %eq3A_547 : i32 to vector<2000x1xi32>
      %eq3A_549 = arith.cmpi eq, %get3A_22, %eq3A_548 : vector<2000x1xi32>
      %jit3A = arith.constant 0xFF800000 : f32
      %broadcast_in_dim3A = vector.shape_cast %eq3A_549 : vector<2000x1xi1> to vector<2000x1xi1>
      %broadcast_in_dim3A_550 = vector.broadcast %broadcast_in_dim3A : vector<2000x1xi1> to vector<2000x128xi1>
      %broadcast_in_dim3A_551 = vector.broadcast %jit3A : f32 to vector<2000x128xf32>
      %select_n3A = arith.select %broadcast_in_dim3A_550, %max3A_19, %broadcast_in_dim3A_551 : vector<2000x128xi1>, vector<2000x128xf32>
      %reduce_max3A_552 = arith.constant dense<0xFF800000> : vector<128xf32>
      %reduce_max3A_553 = vector.multi_reduction <maximumf>, %select_n3A, %reduce_max3A_552 [0] : vector<2000x128xf32> to vector<128xf32>
      %broadcast_in_dim3A_554 = vector.shape_cast %reduce_max3A_553 : vector<128xf32> to vector<1x128xf32>
      %get3A_555 = arith.constant 4 : index
      %get3A_556 = arith.constant 0 : index
      %get3A_557 = vector.load %arg9[%get3A_555, %get3A_556] : memref<64x128xf32, #tpu.memory_space<vmem>>, vector<1x128xf32>
      %max3A_558 = arith.maximumf %get3A_557, %broadcast_in_dim3A_554 : vector<1x128xf32>
      %swap3A = arith.constant 4 : index
      %swap3A_559 = arith.constant 0 : index
      %swap3A_560 = vector.load %arg9[%swap3A, %swap3A_559] : memref<64x128xf32, #tpu.memory_space<vmem>>, vector<1x128xf32>
      tpu.vector_store %arg9[%swap3A, %swap3A_559], %max3A_558 {strides = array<i32>} : memref<64x128xf32, #tpu.memory_space<vmem>>, vector<1x128xf32>,
    } else {
    }
    %le3A_70 = arith.constant 5 : i32
    %le3A_71 = arith.cmpi sle, %reduce_min3A_28, %le3A_70 : i32
    %ge3A_72 = arith.constant 5 : i32
    %ge3A_73 = arith.cmpi sge, %reduce_max3A_32, %ge3A_72 : i32
    %and3A_74 = arith.andi %le3A_71, %ge3A_73 : i1
    %convert_element_type3A_75 = arith.extui %and3A_74 : i1 to i32
    %cond3A_76 = arith.constant 0 : i32
    %cond3A_77 = arith.cmpi ne, %convert_element_type3A_75, %cond3A_76 : i32
    scf.if %cond3A_77 {
      %eq3A_547 = arith.constant 5 : i32
      %eq3A_548 = vector.broadcast %eq3A_547 : i32 to vector<2000x1xi32>
      %eq3A_549 = arith.cmpi eq, %get3A_22, %eq3A_548 : vector<2000x1xi32>
      %jit3A = arith.constant 0xFF800000 : f32
      %broadcast_in_dim3A = vector.shape_cast %eq3A_549 : vector<2000x1xi1> to vector<2000x1xi1>
      %broadcast_in_dim3A_550 = vector.broadcast %broadcast_in_dim3A : vector<2000x1xi1> to vector<2000x128xi1>
      %broadcast_in_dim3A_551 = vector.broadcast %jit3A : f32 to vector<2000x128xf32>
      %select_n3A = arith.select %broadcast_in_dim3A_550, %max3A_19, %broadcast_in_dim3A_551 : vector<2000x128xi1>, vector<2000x128xf32>
      %reduce_max3A_552 = arith.constant dense<0xFF800000> : vector<128xf32>
      %reduce_max3A_553 = vector.multi_reduction <maximumf>, %select_n3A, %reduce_max3A_552 [0] : vector<2000x128xf32> to vector<128xf32>
      %broadcast_in_dim3A_554 = vector.shape_cast %reduce_max3A_553 : vector<128xf32> to vector<1x128xf32>
      %get3A_555 = arith.constant 5 : index
      %get3A_556 = arith.constant 0 : index
      %get3A_557 = vector.load %arg9[%get3A_555, %get3A_556] : memref<64x128xf32, #tpu.memory_space<vmem>>, vector<1x128xf32>
      %max3A_558 = arith.maximumf %get3A_557, %broadcast_in_dim3A_554 : vector<1x128xf32>
      %swap3A = arith.constant 5 : index
      %swap3A_559 = arith.constant 0 : index
      %swap3A_560 = vector.load %arg9[%swap3A, %swap3A_559] : memref<64x128xf32, #tpu.memory_space<vmem>>, vector<1x128xf32>
      tpu.vector_store %arg9[%swap3A, %swap3A_559], %max3A_558 {strides = array<i32>} : memref<64x128xf32, #tpu.memory_space<vmem>>, vector<1x128xf32>,
    } else {
    }
    %le3A_78 = arith.constant 6 : i32
    %le3A_79 = arith.cmpi sle, %reduce_min3A_28, %le3A_78 : i32
    %ge3A_80 = arith.constant 6 : i32
    %ge3A_81 = arith.cmpi sge, %reduce_max3A_32, %ge3A_80 : i32
    %and3A_82 = arith.andi %le3A_79, %ge3A_81 : i1
    %convert_element_type3A_83 = arith.extui %and3A_82 : i1 to i32
    %cond3A_84 = arith.constant 0 : i32
    %cond3A_85 = arith.cmpi ne, %convert_element_type3A_83, %cond3A_84 : i32
    scf.if %cond3A_85 {
      %eq3A_547 = arith.constant 6 : i32
      %eq3A_548 = vector.broadcast %eq3A_547 : i32 to vector<2000x1xi32>
      %eq3A_549 = arith.cmpi eq, %get3A_22, %eq3A_548 : vector<2000x1xi32>
      %jit3A = arith.constant 0xFF800000 : f32
      %broadcast_in_dim3A = vector.shape_cast %eq3A_549 : vector<2000x1xi1> to vector<2000x1xi1>
      %broadcast_in_dim3A_550 = vector.broadcast %broadcast_in_dim3A : vector<2000x1xi1> to vector<2000x128xi1>
      %broadcast_in_dim3A_551 = vector.broadcast %jit3A : f32 to vector<2000x128xf32>
      %select_n3A = arith.select %broadcast_in_dim3A_550, %max3A_19, %broadcast_in_dim3A_551 : vector<2000x128xi1>, vector<2000x128xf32>
      %reduce_max3A_552 = arith.constant dense<0xFF800000> : vector<128xf32>
      %reduce_max3A_553 = vector.multi_reduction <maximumf>, %select_n3A, %reduce_max3A_552 [0] : vector<2000x128xf32> to vector<128xf32>
      %broadcast_in_dim3A_554 = vector.shape_cast %reduce_max3A_553 : vector<128xf32> to vector<1x128xf32>
      %get3A_555 = arith.constant 6 : index
      %get3A_556 = arith.constant 0 : index
      %get3A_557 = vector.load %arg9[%get3A_555, %get3A_556] : memref<64x128xf32, #tpu.memory_space<vmem>>, vector<1x128xf32>
      %max3A_558 = arith.maximumf %get3A_557, %broadcast_in_dim3A_554 : vector<1x128xf32>
      %swap3A = arith.constant 6 : index
      %swap3A_559 = arith.constant 0 : index
      %swap3A_560 = vector.load %arg9[%swap3A, %swap3A_559] : memref<64x128xf32, #tpu.memory_space<vmem>>, vector<1x128xf32>
      tpu.vector_store %arg9[%swap3A, %swap3A_559], %max3A_558 {strides = array<i32>} : memref<64x128xf32, #tpu.memory_space<vmem>>, vector<1x128xf32>,
    } else {
    }
    %le3A_86 = arith.constant 7 : i32
    %le3A_87 = arith.cmpi sle, %reduce_min3A_28, %le3A_86 : i32
    %ge3A_88 = arith.constant 7 : i32
    %ge3A_89 = arith.cmpi sge, %reduce_max3A_32, %ge3A_88 : i32
    %and3A_90 = arith.andi %le3A_87, %ge3A_89 : i1
    %convert_element_type3A_91 = arith.extui %and3A_90 : i1 to i32
    %cond3A_92 = arith.constant 0 : i32
    %cond3A_93 = arith.cmpi ne, %convert_element_type3A_91, %cond3A_92 : i32
    scf.if %cond3A_93 {
      %eq3A_547 = arith.constant 7 : i32
      %eq3A_548 = vector.broadcast %eq3A_547 : i32 to vector<2000x1xi32>
      %eq3A_549 = arith.cmpi eq, %get3A_22, %eq3A_548 : vector<2000x1xi32>
      %jit3A = arith.constant 0xFF800000 : f32
      %broadcast_in_dim3A = vector.shape_cast %eq3A_549 : vector<2000x1xi1> to vector<2000x1xi1>
      %broadcast_in_dim3A_550 = vector.broadcast %broadcast_in_dim3A : vector<2000x1xi1> to vector<2000x128xi1>
      %broadcast_in_dim3A_551 = vector.broadcast %jit3A : f32 to vector<2000x128xf32>
      %select_n3A = arith.select %broadcast_in_dim3A_550, %max3A_19, %broadcast_in_dim3A_551 : vector<2000x128xi1>, vector<2000x128xf32>
      %reduce_max3A_552 = arith.constant dense<0xFF800000> : vector<128xf32>
      %reduce_max3A_553 = vector.multi_reduction <maximumf>, %select_n3A, %reduce_max3A_552 [0] : vector<2000x128xf32> to vector<128xf32>
      %broadcast_in_dim3A_554 = vector.shape_cast %reduce_max3A_553 : vector<128xf32> to vector<1x128xf32>
      %get3A_555 = arith.constant 7 : index
      %get3A_556 = arith.constant 0 : index
      %get3A_557 = vector.load %arg9[%get3A_555, %get3A_556] : memref<64x128xf32, #tpu.memory_space<vmem>>, vector<1x128xf32>
      %max3A_558 = arith.maximumf %get3A_557, %broadcast_in_dim3A_554 : vector<1x128xf32>
      %swap3A = arith.constant 7 : index
      %swap3A_559 = arith.constant 0 : index
      %swap3A_560 = vector.load %arg9[%swap3A, %swap3A_559] : memref<64x128xf32, #tpu.memory_space<vmem>>, vector<1x128xf32>
      tpu.vector_store %arg9[%swap3A, %swap3A_559], %max3A_558 {strides = array<i32>} : memref<64x128xf32, #tpu.memory_space<vmem>>, vector<1x128xf32>,
    } else {
    }
    %le3A_94 = arith.constant 8 : i32
    %le3A_95 = arith.cmpi sle, %reduce_min3A_28, %le3A_94 : i32
    %ge3A_96 = arith.constant 8 : i32
    %ge3A_97 = arith.cmpi sge, %reduce_max3A_32, %ge3A_96 : i32
    %and3A_98 = arith.andi %le3A_95, %ge3A_97 : i1
    %convert_element_type3A_99 = arith.extui %and3A_98 : i1 to i32
    %cond3A_100 = arith.constant 0 : i32
    %cond3A_101 = arith.cmpi ne, %convert_element_type3A_99, %cond3A_100 : i32
    scf.if %cond3A_101 {
      %eq3A_547 = arith.constant 8 : i32
      %eq3A_548 = vector.broadcast %eq3A_547 : i32 to vector<2000x1xi32>
      %eq3A_549 = arith.cmpi eq, %get3A_22, %eq3A_548 : vector<2000x1xi32>
      %jit3A = arith.constant 0xFF800000 : f32
      %broadcast_in_dim3A = vector.shape_cast %eq3A_549 : vector<2000x1xi1> to vector<2000x1xi1>
      %broadcast_in_dim3A_550 = vector.broadcast %broadcast_in_dim3A : vector<2000x1xi1> to vector<2000x128xi1>
      %broadcast_in_dim3A_551 = vector.broadcast %jit3A : f32 to vector<2000x128xf32>
      %select_n3A = arith.select %broadcast_in_dim3A_550, %max3A_19, %broadcast_in_dim3A_551 : vector<2000x128xi1>, vector<2000x128xf32>
      %reduce_max3A_552 = arith.constant dense<0xFF800000> : vector<128xf32>
      %reduce_max3A_553 = vector.multi_reduction <maximumf>, %select_n3A, %reduce_max3A_552 [0] : vector<2000x128xf32> to vector<128xf32>
      %broadcast_in_dim3A_554 = vector.shape_cast %reduce_max3A_553 : vector<128xf32> to vector<1x128xf32>
      %get3A_555 = arith.constant 8 : index
      %get3A_556 = arith.constant 0 : index
      %get3A_557 = vector.load %arg9[%get3A_555, %get3A_556] : memref<64x128xf32, #tpu.memory_space<vmem>>, vector<1x128xf32>
      %max3A_558 = arith.maximumf %get3A_557, %broadcast_in_dim3A_554 : vector<1x128xf32>
      %swap3A = arith.constant 8 : index
      %swap3A_559 = arith.constant 0 : index
      %swap3A_560 = vector.load %arg9[%swap3A, %swap3A_559] : memref<64x128xf32, #tpu.memory_space<vmem>>, vector<1x128xf32>
      tpu.vector_store %arg9[%swap3A, %swap3A_559], %max3A_558 {strides = array<i32>} : memref<64x128xf32, #tpu.memory_space<vmem>>, vector<1x128xf32>,
    } else {
    }
    %le3A_102 = arith.constant 9 : i32
    %le3A_103 = arith.cmpi sle, %reduce_min3A_28, %le3A_102 : i32
    %ge3A_104 = arith.constant 9 : i32
    %ge3A_105 = arith.cmpi sge, %reduce_max3A_32, %ge3A_104 : i32
    %and3A_106 = arith.andi %le3A_103, %ge3A_105 : i1
    %convert_element_type3A_107 = arith.extui %and3A_106 : i1 to i32
    %cond3A_108 = arith.constant 0 : i32
    %cond3A_109 = arith.cmpi ne, %convert_element_type3A_107, %cond3A_108 : i32
    scf.if %cond3A_109 {
      %eq3A_547 = arith.constant 9 : i32
      %eq3A_548 = vector.broadcast %eq3A_547 : i32 to vector<2000x1xi32>
      %eq3A_549 = arith.cmpi eq, %get3A_22, %eq3A_548 : vector<2000x1xi32>
      %jit3A = arith.constant 0xFF800000 : f32
      %broadcast_in_dim3A = vector.shape_cast %eq3A_549 : vector<2000x1xi1> to vector<2000x1xi1>
      %broadcast_in_dim3A_550 = vector.broadcast %broadcast_in_dim3A : vector<2000x1xi1> to vector<2000x128xi1>
      %broadcast_in_dim3A_551 = vector.broadcast %jit3A : f32 to vector<2000x128xf32>
      %select_n3A = arith.select %broadcast_in_dim3A_550, %max3A_19, %broadcast_in_dim3A_551 : vector<2000x128xi1>, vector<2000x128xf32>
      %reduce_max3A_552 = arith.constant dense<0xFF800000> : vector<128xf32>
      %reduce_max3A_553 = vector.multi_reduction <maximumf>, %select_n3A, %reduce_max3A_552 [0] : vector<2000x128xf32> to vector<128xf32>
      %broadcast_in_dim3A_554 = vector.shape_cast %reduce_max3A_553 : vector<128xf32> to vector<1x128xf32>
      %get3A_555 = arith.constant 9 : index
      %get3A_556 = arith.constant 0 : index
      %get3A_557 = vector.load %arg9[%get3A_555, %get3A_556] : memref<64x128xf32, #tpu.memory_space<vmem>>, vector<1x128xf32>
      %max3A_558 = arith.maximumf %get3A_557, %broadcast_in_dim3A_554 : vector<1x128xf32>
      %swap3A = arith.constant 9 : index
      %swap3A_559 = arith.constant 0 : index
      %swap3A_560 = vector.load %arg9[%swap3A, %swap3A_559] : memref<64x128xf32, #tpu.memory_space<vmem>>, vector<1x128xf32>
      tpu.vector_store %arg9[%swap3A, %swap3A_559], %max3A_558 {strides = array<i32>} : memref<64x128xf32, #tpu.memory_space<vmem>>, vector<1x128xf32>,
    } else {
    }
    %le3A_110 = arith.constant 10 : i32
    %le3A_111 = arith.cmpi sle, %reduce_min3A_28, %le3A_110 : i32
    %ge3A_112 = arith.constant 10 : i32
    %ge3A_113 = arith.cmpi sge, %reduce_max3A_32, %ge3A_112 : i32
    %and3A_114 = arith.andi %le3A_111, %ge3A_113 : i1
    %convert_element_type3A_115 = arith.extui %and3A_114 : i1 to i32
    %cond3A_116 = arith.constant 0 : i32
    %cond3A_117 = arith.cmpi ne, %convert_element_type3A_115, %cond3A_116 : i32
    scf.if %cond3A_117 {
      %eq3A_547 = arith.constant 10 : i32
      %eq3A_548 = vector.broadcast %eq3A_547 : i32 to vector<2000x1xi32>
      %eq3A_549 = arith.cmpi eq, %get3A_22, %eq3A_548 : vector<2000x1xi32>
      %jit3A = arith.constant 0xFF800000 : f32
      %broadcast_in_dim3A = vector.shape_cast %eq3A_549 : vector<2000x1xi1> to vector<2000x1xi1>
      %broadcast_in_dim3A_550 = vector.broadcast %broadcast_in_dim3A : vector<2000x1xi1> to vector<2000x128xi1>
      %broadcast_in_dim3A_551 = vector.broadcast %jit3A : f32 to vector<2000x128xf32>
      %select_n3A = arith.select %broadcast_in_dim3A_550, %max3A_19, %broadcast_in_dim3A_551 : vector<2000x128xi1>, vector<2000x128xf32>
      %reduce_max3A_552 = arith.constant dense<0xFF800000> : vector<128xf32>
      %reduce_max3A_553 = vector.multi_reduction <maximumf>, %select_n3A, %reduce_max3A_552 [0] : vector<2000x128xf32> to vector<128xf32>
      %broadcast_in_dim3A_554 = vector.shape_cast %reduce_max3A_553 : vector<128xf32> to vector<1x128xf32>
      %get3A_555 = arith.constant 10 : index
      %get3A_556 = arith.constant 0 : index
      %get3A_557 = vector.load %arg9[%get3A_555, %get3A_556] : memref<64x128xf32, #tpu.memory_space<vmem>>, vector<1x128xf32>
      %max3A_558 = arith.maximumf %get3A_557, %broadcast_in_dim3A_554 : vector<1x128xf32>
      %swap3A = arith.constant 10 : index
      %swap3A_559 = arith.constant 0 : index
      %swap3A_560 = vector.load %arg9[%swap3A, %swap3A_559] : memref<64x128xf32, #tpu.memory_space<vmem>>, vector<1x128xf32>
      tpu.vector_store %arg9[%swap3A, %swap3A_559], %max3A_558 {strides = array<i32>} : memref<64x128xf32, #tpu.memory_space<vmem>>, vector<1x128xf32>,
    } else {
    }
    %le3A_118 = arith.constant 11 : i32
    %le3A_119 = arith.cmpi sle, %reduce_min3A_28, %le3A_118 : i32
    %ge3A_120 = arith.constant 11 : i32
    %ge3A_121 = arith.cmpi sge, %reduce_max3A_32, %ge3A_120 : i32
    %and3A_122 = arith.andi %le3A_119, %ge3A_121 : i1
    %convert_element_type3A_123 = arith.extui %and3A_122 : i1 to i32
    %cond3A_124 = arith.constant 0 : i32
    %cond3A_125 = arith.cmpi ne, %convert_element_type3A_123, %cond3A_124 : i32
    scf.if %cond3A_125 {
      %eq3A_547 = arith.constant 11 : i32
      %eq3A_548 = vector.broadcast %eq3A_547 : i32 to vector<2000x1xi32>
      %eq3A_549 = arith.cmpi eq, %get3A_22, %eq3A_548 : vector<2000x1xi32>
      %jit3A = arith.constant 0xFF800000 : f32
      %broadcast_in_dim3A = vector.shape_cast %eq3A_549 : vector<2000x1xi1> to vector<2000x1xi1>
      %broadcast_in_dim3A_550 = vector.broadcast %broadcast_in_dim3A : vector<2000x1xi1> to vector<2000x128xi1>
      %broadcast_in_dim3A_551 = vector.broadcast %jit3A : f32 to vector<2000x128xf32>
      %select_n3A = arith.select %broadcast_in_dim3A_550, %max3A_19, %broadcast_in_dim3A_551 : vector<2000x128xi1>, vector<2000x128xf32>
      %reduce_max3A_552 = arith.constant dense<0xFF800000> : vector<128xf32>
      %reduce_max3A_553 = vector.multi_reduction <maximumf>, %select_n3A, %reduce_max3A_552 [0] : vector<2000x128xf32> to vector<128xf32>
      %broadcast_in_dim3A_554 = vector.shape_cast %reduce_max3A_553 : vector<128xf32> to vector<1x128xf32>
      %get3A_555 = arith.constant 11 : index
      %get3A_556 = arith.constant 0 : index
      %get3A_557 = vector.load %arg9[%get3A_555, %get3A_556] : memref<64x128xf32, #tpu.memory_space<vmem>>, vector<1x128xf32>
      %max3A_558 = arith.maximumf %get3A_557, %broadcast_in_dim3A_554 : vector<1x128xf32>
      %swap3A = arith.constant 11 : index
      %swap3A_559 = arith.constant 0 : index
      %swap3A_560 = vector.load %arg9[%swap3A, %swap3A_559] : memref<64x128xf32, #tpu.memory_space<vmem>>, vector<1x128xf32>
      tpu.vector_store %arg9[%swap3A, %swap3A_559], %max3A_558 {strides = array<i32>} : memref<64x128xf32, #tpu.memory_space<vmem>>, vector<1x128xf32>,
    } else {
    }
    %le3A_126 = arith.constant 12 : i32
    %le3A_127 = arith.cmpi sle, %reduce_min3A_28, %le3A_126 : i32
    %ge3A_128 = arith.constant 12 : i32
    %ge3A_129 = arith.cmpi sge, %reduce_max3A_32, %ge3A_128 : i32
    %and3A_130 = arith.andi %le3A_127, %ge3A_129 : i1
    %convert_element_type3A_131 = arith.extui %and3A_130 : i1 to i32
    %cond3A_132 = arith.constant 0 : i32
    %cond3A_133 = arith.cmpi ne, %convert_element_type3A_131, %cond3A_132 : i32
    scf.if %cond3A_133 {
      %eq3A_547 = arith.constant 12 : i32
      %eq3A_548 = vector.broadcast %eq3A_547 : i32 to vector<2000x1xi32>
      %eq3A_549 = arith.cmpi eq, %get3A_22, %eq3A_548 : vector<2000x1xi32>
      %jit3A = arith.constant 0xFF800000 : f32
      %broadcast_in_dim3A = vector.shape_cast %eq3A_549 : vector<2000x1xi1> to vector<2000x1xi1>
      %broadcast_in_dim3A_550 = vector.broadcast %broadcast_in_dim3A : vector<2000x1xi1> to vector<2000x128xi1>
      %broadcast_in_dim3A_551 = vector.broadcast %jit3A : f32 to vector<2000x128xf32>
      %select_n3A = arith.select %broadcast_in_dim3A_550, %max3A_19, %broadcast_in_dim3A_551 : vector<2000x128xi1>, vector<2000x128xf32>
      %reduce_max3A_552 = arith.constant dense<0xFF800000> : vector<128xf32>
      %reduce_max3A_553 = vector.multi_reduction <maximumf>, %select_n3A, %reduce_max3A_552 [0] : vector<2000x128xf32> to vector<128xf32>
      %broadcast_in_dim3A_554 = vector.shape_cast %reduce_max3A_553 : vector<128xf32> to vector<1x128xf32>
      %get3A_555 = arith.constant 12 : index
      %get3A_556 = arith.constant 0 : index
      %get3A_557 = vector.load %arg9[%get3A_555, %get3A_556] : memref<64x128xf32, #tpu.memory_space<vmem>>, vector<1x128xf32>
      %max3A_558 = arith.maximumf %get3A_557, %broadcast_in_dim3A_554 : vector<1x128xf32>
      %swap3A = arith.constant 12 : index
      %swap3A_559 = arith.constant 0 : index
      %swap3A_560 = vector.load %arg9[%swap3A, %swap3A_559] : memref<64x128xf32, #tpu.memory_space<vmem>>, vector<1x128xf32>
      tpu.vector_store %arg9[%swap3A, %swap3A_559], %max3A_558 {strides = array<i32>} : memref<64x128xf32, #tpu.memory_space<vmem>>, vector<1x128xf32>,
    } else {
    }
    %le3A_134 = arith.constant 13 : i32
    %le3A_135 = arith.cmpi sle, %reduce_min3A_28, %le3A_134 : i32
    %ge3A_136 = arith.constant 13 : i32
    %ge3A_137 = arith.cmpi sge, %reduce_max3A_32, %ge3A_136 : i32
    %and3A_138 = arith.andi %le3A_135, %ge3A_137 : i1
    %convert_element_type3A_139 = arith.extui %and3A_138 : i1 to i32
    %cond3A_140 = arith.constant 0 : i32
    %cond3A_141 = arith.cmpi ne, %convert_element_type3A_139, %cond3A_140 : i32
    scf.if %cond3A_141 {
      %eq3A_547 = arith.constant 13 : i32
      %eq3A_548 = vector.broadcast %eq3A_547 : i32 to vector<2000x1xi32>
      %eq3A_549 = arith.cmpi eq, %get3A_22, %eq3A_548 : vector<2000x1xi32>
      %jit3A = arith.constant 0xFF800000 : f32
      %broadcast_in_dim3A = vector.shape_cast %eq3A_549 : vector<2000x1xi1> to vector<2000x1xi1>
      %broadcast_in_dim3A_550 = vector.broadcast %broadcast_in_dim3A : vector<2000x1xi1> to vector<2000x128xi1>
      %broadcast_in_dim3A_551 = vector.broadcast %jit3A : f32 to vector<2000x128xf32>
      %select_n3A = arith.select %broadcast_in_dim3A_550, %max3A_19, %broadcast_in_dim3A_551 : vector<2000x128xi1>, vector<2000x128xf32>
      %reduce_max3A_552 = arith.constant dense<0xFF800000> : vector<128xf32>
      %reduce_max3A_553 = vector.multi_reduction <maximumf>, %select_n3A, %reduce_max3A_552 [0] : vector<2000x128xf32> to vector<128xf32>
      %broadcast_in_dim3A_554 = vector.shape_cast %reduce_max3A_553 : vector<128xf32> to vector<1x128xf32>
      %get3A_555 = arith.constant 13 : index
      %get3A_556 = arith.constant 0 : index
      %get3A_557 = vector.load %arg9[%get3A_555, %get3A_556] : memref<64x128xf32, #tpu.memory_space<vmem>>, vector<1x128xf32>
      %max3A_558 = arith.maximumf %get3A_557, %broadcast_in_dim3A_554 : vector<1x128xf32>
      %swap3A = arith.constant 13 : index
      %swap3A_559 = arith.constant 0 : index
      %swap3A_560 = vector.load %arg9[%swap3A, %swap3A_559] : memref<64x128xf32, #tpu.memory_space<vmem>>, vector<1x128xf32>
      tpu.vector_store %arg9[%swap3A, %swap3A_559], %max3A_558 {strides = array<i32>} : memref<64x128xf32, #tpu.memory_space<vmem>>, vector<1x128xf32>,
    } else {
    }
    %le3A_142 = arith.constant 14 : i32
    %le3A_143 = arith.cmpi sle, %reduce_min3A_28, %le3A_142 : i32
    %ge3A_144 = arith.constant 14 : i32
    %ge3A_145 = arith.cmpi sge, %reduce_max3A_32, %ge3A_144 : i32
    %and3A_146 = arith.andi %le3A_143, %ge3A_145 : i1
    %convert_element_type3A_147 = arith.extui %and3A_146 : i1 to i32
    %cond3A_148 = arith.constant 0 : i32
    %cond3A_149 = arith.cmpi ne, %convert_element_type3A_147, %cond3A_148 : i32
    scf.if %cond3A_149 {
      %eq3A_547 = arith.constant 14 : i32
      %eq3A_548 = vector.broadcast %eq3A_547 : i32 to vector<2000x1xi32>
      %eq3A_549 = arith.cmpi eq, %get3A_22, %eq3A_548 : vector<2000x1xi32>
      %jit3A = arith.constant 0xFF800000 : f32
      %broadcast_in_dim3A = vector.shape_cast %eq3A_549 : vector<2000x1xi1> to vector<2000x1xi1>
      %broadcast_in_dim3A_550 = vector.broadcast %broadcast_in_dim3A : vector<2000x1xi1> to vector<2000x128xi1>
      %broadcast_in_dim3A_551 = vector.broadcast %jit3A : f32 to vector<2000x128xf32>
      %select_n3A = arith.select %broadcast_in_dim3A_550, %max3A_19, %broadcast_in_dim3A_551 : vector<2000x128xi1>, vector<2000x128xf32>
      %reduce_max3A_552 = arith.constant dense<0xFF800000> : vector<128xf32>
      %reduce_max3A_553 = vector.multi_reduction <maximumf>, %select_n3A, %reduce_max3A_552 [0] : vector<2000x128xf32> to vector<128xf32>
      %broadcast_in_dim3A_554 = vector.shape_cast %reduce_max3A_553 : vector<128xf32> to vector<1x128xf32>
      %get3A_555 = arith.constant 14 : index
      %get3A_556 = arith.constant 0 : index
      %get3A_557 = vector.load %arg9[%get3A_555, %get3A_556] : memref<64x128xf32, #tpu.memory_space<vmem>>, vector<1x128xf32>
      %max3A_558 = arith.maximumf %get3A_557, %broadcast_in_dim3A_554 : vector<1x128xf32>
      %swap3A = arith.constant 14 : index
      %swap3A_559 = arith.constant 0 : index
      %swap3A_560 = vector.load %arg9[%swap3A, %swap3A_559] : memref<64x128xf32, #tpu.memory_space<vmem>>, vector<1x128xf32>
      tpu.vector_store %arg9[%swap3A, %swap3A_559], %max3A_558 {strides = array<i32>} : memref<64x128xf32, #tpu.memory_space<vmem>>, vector<1x128xf32>,
    } else {
    }
    %le3A_150 = arith.constant 15 : i32
    %le3A_151 = arith.cmpi sle, %reduce_min3A_28, %le3A_150 : i32
    %ge3A_152 = arith.constant 15 : i32
    %ge3A_153 = arith.cmpi sge, %reduce_max3A_32, %ge3A_152 : i32
    %and3A_154 = arith.andi %le3A_151, %ge3A_153 : i1
    %convert_element_type3A_155 = arith.extui %and3A_154 : i1 to i32
    %cond3A_156 = arith.constant 0 : i32
    %cond3A_157 = arith.cmpi ne, %convert_element_type3A_155, %cond3A_156 : i32
    scf.if %cond3A_157 {
      %eq3A_547 = arith.constant 15 : i32
      %eq3A_548 = vector.broadcast %eq3A_547 : i32 to vector<2000x1xi32>
      %eq3A_549 = arith.cmpi eq, %get3A_22, %eq3A_548 : vector<2000x1xi32>
      %jit3A = arith.constant 0xFF800000 : f32
      %broadcast_in_dim3A = vector.shape_cast %eq3A_549 : vector<2000x1xi1> to vector<2000x1xi1>
      %broadcast_in_dim3A_550 = vector.broadcast %broadcast_in_dim3A : vector<2000x1xi1> to vector<2000x128xi1>
      %broadcast_in_dim3A_551 = vector.broadcast %jit3A : f32 to vector<2000x128xf32>
      %select_n3A = arith.select %broadcast_in_dim3A_550, %max3A_19, %broadcast_in_dim3A_551 : vector<2000x128xi1>, vector<2000x128xf32>
      %reduce_max3A_552 = arith.constant dense<0xFF800000> : vector<128xf32>
      %reduce_max3A_553 = vector.multi_reduction <maximumf>, %select_n3A, %reduce_max3A_552 [0] : vector<2000x128xf32> to vector<128xf32>
      %broadcast_in_dim3A_554 = vector.shape_cast %reduce_max3A_553 : vector<128xf32> to vector<1x128xf32>
      %get3A_555 = arith.constant 15 : index
      %get3A_556 = arith.constant 0 : index
      %get3A_557 = vector.load %arg9[%get3A_555, %get3A_556] : memref<64x128xf32, #tpu.memory_space<vmem>>, vector<1x128xf32>
      %max3A_558 = arith.maximumf %get3A_557, %broadcast_in_dim3A_554 : vector<1x128xf32>
      %swap3A = arith.constant 15 : index
      %swap3A_559 = arith.constant 0 : index
      %swap3A_560 = vector.load %arg9[%swap3A, %swap3A_559] : memref<64x128xf32, #tpu.memory_space<vmem>>, vector<1x128xf32>
      tpu.vector_store %arg9[%swap3A, %swap3A_559], %max3A_558 {strides = array<i32>} : memref<64x128xf32, #tpu.memory_space<vmem>>, vector<1x128xf32>,
    } else {
    }
    %le3A_158 = arith.constant 16 : i32
    %le3A_159 = arith.cmpi sle, %reduce_min3A_28, %le3A_158 : i32
    %ge3A_160 = arith.constant 16 : i32
    %ge3A_161 = arith.cmpi sge, %reduce_max3A_32, %ge3A_160 : i32
    %and3A_162 = arith.andi %le3A_159, %ge3A_161 : i1
    %convert_element_type3A_163 = arith.extui %and3A_162 : i1 to i32
    %cond3A_164 = arith.constant 0 : i32
    %cond3A_165 = arith.cmpi ne, %convert_element_type3A_163, %cond3A_164 : i32
    scf.if %cond3A_165 {
      %eq3A_547 = arith.constant 16 : i32
      %eq3A_548 = vector.broadcast %eq3A_547 : i32 to vector<2000x1xi32>
      %eq3A_549 = arith.cmpi eq, %get3A_22, %eq3A_548 : vector<2000x1xi32>
      %jit3A = arith.constant 0xFF800000 : f32
      %broadcast_in_dim3A = vector.shape_cast %eq3A_549 : vector<2000x1xi1> to vector<2000x1xi1>
      %broadcast_in_dim3A_550 = vector.broadcast %broadcast_in_dim3A : vector<2000x1xi1> to vector<2000x128xi1>
      %broadcast_in_dim3A_551 = vector.broadcast %jit3A : f32 to vector<2000x128xf32>
      %select_n3A = arith.select %broadcast_in_dim3A_550, %max3A_19, %broadcast_in_dim3A_551 : vector<2000x128xi1>, vector<2000x128xf32>
      %reduce_max3A_552 = arith.constant dense<0xFF800000> : vector<128xf32>
      %reduce_max3A_553 = vector.multi_reduction <maximumf>, %select_n3A, %reduce_max3A_552 [0] : vector<2000x128xf32> to vector<128xf32>
      %broadcast_in_dim3A_554 = vector.shape_cast %reduce_max3A_553 : vector<128xf32> to vector<1x128xf32>
      %get3A_555 = arith.constant 16 : index
      %get3A_556 = arith.constant 0 : index
      %get3A_557 = vector.load %arg9[%get3A_555, %get3A_556] : memref<64x128xf32, #tpu.memory_space<vmem>>, vector<1x128xf32>
      %max3A_558 = arith.maximumf %get3A_557, %broadcast_in_dim3A_554 : vector<1x128xf32>
      %swap3A = arith.constant 16 : index
      %swap3A_559 = arith.constant 0 : index
      %swap3A_560 = vector.load %arg9[%swap3A, %swap3A_559] : memref<64x128xf32, #tpu.memory_space<vmem>>, vector<1x128xf32>
      tpu.vector_store %arg9[%swap3A, %swap3A_559], %max3A_558 {strides = array<i32>} : memref<64x128xf32, #tpu.memory_space<vmem>>, vector<1x128xf32>,
    } else {
    }
    %le3A_166 = arith.constant 17 : i32
    %le3A_167 = arith.cmpi sle, %reduce_min3A_28, %le3A_166 : i32
    %ge3A_168 = arith.constant 17 : i32
    %ge3A_169 = arith.cmpi sge, %reduce_max3A_32, %ge3A_168 : i32
    %and3A_170 = arith.andi %le3A_167, %ge3A_169 : i1
    %convert_element_type3A_171 = arith.extui %and3A_170 : i1 to i32
    %cond3A_172 = arith.constant 0 : i32
    %cond3A_173 = arith.cmpi ne, %convert_element_type3A_171, %cond3A_172 : i32
    scf.if %cond3A_173 {
      %eq3A_547 = arith.constant 17 : i32
      %eq3A_548 = vector.broadcast %eq3A_547 : i32 to vector<2000x1xi32>
      %eq3A_549 = arith.cmpi eq, %get3A_22, %eq3A_548 : vector<2000x1xi32>
      %jit3A = arith.constant 0xFF800000 : f32
      %broadcast_in_dim3A = vector.shape_cast %eq3A_549 : vector<2000x1xi1> to vector<2000x1xi1>
      %broadcast_in_dim3A_550 = vector.broadcast %broadcast_in_dim3A : vector<2000x1xi1> to vector<2000x128xi1>
      %broadcast_in_dim3A_551 = vector.broadcast %jit3A : f32 to vector<2000x128xf32>
      %select_n3A = arith.select %broadcast_in_dim3A_550, %max3A_19, %broadcast_in_dim3A_551 : vector<2000x128xi1>, vector<2000x128xf32>
      %reduce_max3A_552 = arith.constant dense<0xFF800000> : vector<128xf32>
      %reduce_max3A_553 = vector.multi_reduction <maximumf>, %select_n3A, %reduce_max3A_552 [0] : vector<2000x128xf32> to vector<128xf32>
      %broadcast_in_dim3A_554 = vector.shape_cast %reduce_max3A_553 : vector<128xf32> to vector<1x128xf32>
      %get3A_555 = arith.constant 17 : index
      %get3A_556 = arith.constant 0 : index
      %get3A_557 = vector.load %arg9[%get3A_555, %get3A_556] : memref<64x128xf32, #tpu.memory_space<vmem>>, vector<1x128xf32>
      %max3A_558 = arith.maximumf %get3A_557, %broadcast_in_dim3A_554 : vector<1x128xf32>
      %swap3A = arith.constant 17 : index
      %swap3A_559 = arith.constant 0 : index
      %swap3A_560 = vector.load %arg9[%swap3A, %swap3A_559] : memref<64x128xf32, #tpu.memory_space<vmem>>, vector<1x128xf32>
      tpu.vector_store %arg9[%swap3A, %swap3A_559], %max3A_558 {strides = array<i32>} : memref<64x128xf32, #tpu.memory_space<vmem>>, vector<1x128xf32>,
    } else {
    }
    %le3A_174 = arith.constant 18 : i32
    %le3A_175 = arith.cmpi sle, %reduce_min3A_28, %le3A_174 : i32
    %ge3A_176 = arith.constant 18 : i32
    %ge3A_177 = arith.cmpi sge, %reduce_max3A_32, %ge3A_176 : i32
    %and3A_178 = arith.andi %le3A_175, %ge3A_177 : i1
    %convert_element_type3A_179 = arith.extui %and3A_178 : i1 to i32
    %cond3A_180 = arith.constant 0 : i32
    %cond3A_181 = arith.cmpi ne, %convert_element_type3A_179, %cond3A_180 : i32
    scf.if %cond3A_181 {
      %eq3A_547 = arith.constant 18 : i32
      %eq3A_548 = vector.broadcast %eq3A_547 : i32 to vector<2000x1xi32>
      %eq3A_549 = arith.cmpi eq, %get3A_22, %eq3A_548 : vector<2000x1xi32>
      %jit3A = arith.constant 0xFF800000 : f32
      %broadcast_in_dim3A = vector.shape_cast %eq3A_549 : vector<2000x1xi1> to vector<2000x1xi1>
      %broadcast_in_dim3A_550 = vector.broadcast %broadcast_in_dim3A : vector<2000x1xi1> to vector<2000x128xi1>
      %broadcast_in_dim3A_551 = vector.broadcast %jit3A : f32 to vector<2000x128xf32>
      %select_n3A = arith.select %broadcast_in_dim3A_550, %max3A_19, %broadcast_in_dim3A_551 : vector<2000x128xi1>, vector<2000x128xf32>
      %reduce_max3A_552 = arith.constant dense<0xFF800000> : vector<128xf32>
      %reduce_max3A_553 = vector.multi_reduction <maximumf>, %select_n3A, %reduce_max3A_552 [0] : vector<2000x128xf32> to vector<128xf32>
      %broadcast_in_dim3A_554 = vector.shape_cast %reduce_max3A_553 : vector<128xf32> to vector<1x128xf32>
      %get3A_555 = arith.constant 18 : index
      %get3A_556 = arith.constant 0 : index
      %get3A_557 = vector.load %arg9[%get3A_555, %get3A_556] : memref<64x128xf32, #tpu.memory_space<vmem>>, vector<1x128xf32>
      %max3A_558 = arith.maximumf %get3A_557, %broadcast_in_dim3A_554 : vector<1x128xf32>
      %swap3A = arith.constant 18 : index
      %swap3A_559 = arith.constant 0 : index
      %swap3A_560 = vector.load %arg9[%swap3A, %swap3A_559] : memref<64x128xf32, #tpu.memory_space<vmem>>, vector<1x128xf32>
      tpu.vector_store %arg9[%swap3A, %swap3A_559], %max3A_558 {strides = array<i32>} : memref<64x128xf32, #tpu.memory_space<vmem>>, vector<1x128xf32>,
    } else {
    }
    %le3A_182 = arith.constant 19 : i32
    %le3A_183 = arith.cmpi sle, %reduce_min3A_28, %le3A_182 : i32
    %ge3A_184 = arith.constant 19 : i32
    %ge3A_185 = arith.cmpi sge, %reduce_max3A_32, %ge3A_184 : i32
    %and3A_186 = arith.andi %le3A_183, %ge3A_185 : i1
    %convert_element_type3A_187 = arith.extui %and3A_186 : i1 to i32
    %cond3A_188 = arith.constant 0 : i32
    %cond3A_189 = arith.cmpi ne, %convert_element_type3A_187, %cond3A_188 : i32
    scf.if %cond3A_189 {
      %eq3A_547 = arith.constant 19 : i32
      %eq3A_548 = vector.broadcast %eq3A_547 : i32 to vector<2000x1xi32>
      %eq3A_549 = arith.cmpi eq, %get3A_22, %eq3A_548 : vector<2000x1xi32>
      %jit3A = arith.constant 0xFF800000 : f32
      %broadcast_in_dim3A = vector.shape_cast %eq3A_549 : vector<2000x1xi1> to vector<2000x1xi1>
      %broadcast_in_dim3A_550 = vector.broadcast %broadcast_in_dim3A : vector<2000x1xi1> to vector<2000x128xi1>
      %broadcast_in_dim3A_551 = vector.broadcast %jit3A : f32 to vector<2000x128xf32>
      %select_n3A = arith.select %broadcast_in_dim3A_550, %max3A_19, %broadcast_in_dim3A_551 : vector<2000x128xi1>, vector<2000x128xf32>
      %reduce_max3A_552 = arith.constant dense<0xFF800000> : vector<128xf32>
      %reduce_max3A_553 = vector.multi_reduction <maximumf>, %select_n3A, %reduce_max3A_552 [0] : vector<2000x128xf32> to vector<128xf32>
      %broadcast_in_dim3A_554 = vector.shape_cast %reduce_max3A_553 : vector<128xf32> to vector<1x128xf32>
      %get3A_555 = arith.constant 19 : index
      %get3A_556 = arith.constant 0 : index
      %get3A_557 = vector.load %arg9[%get3A_555, %get3A_556] : memref<64x128xf32, #tpu.memory_space<vmem>>, vector<1x128xf32>
      %max3A_558 = arith.maximumf %get3A_557, %broadcast_in_dim3A_554 : vector<1x128xf32>
      %swap3A = arith.constant 19 : index
      %swap3A_559 = arith.constant 0 : index
      %swap3A_560 = vector.load %arg9[%swap3A, %swap3A_559] : memref<64x128xf32, #tpu.memory_space<vmem>>, vector<1x128xf32>
      tpu.vector_store %arg9[%swap3A, %swap3A_559], %max3A_558 {strides = array<i32>} : memref<64x128xf32, #tpu.memory_space<vmem>>, vector<1x128xf32>,
    } else {
    }
    %le3A_190 = arith.constant 20 : i32
    %le3A_191 = arith.cmpi sle, %reduce_min3A_28, %le3A_190 : i32
    %ge3A_192 = arith.constant 20 : i32
    %ge3A_193 = arith.cmpi sge, %reduce_max3A_32, %ge3A_192 : i32
    %and3A_194 = arith.andi %le3A_191, %ge3A_193 : i1
    %convert_element_type3A_195 = arith.extui %and3A_194 : i1 to i32
    %cond3A_196 = arith.constant 0 : i32
    %cond3A_197 = arith.cmpi ne, %convert_element_type3A_195, %cond3A_196 : i32
    scf.if %cond3A_197 {
      %eq3A_547 = arith.constant 20 : i32
      %eq3A_548 = vector.broadcast %eq3A_547 : i32 to vector<2000x1xi32>
      %eq3A_549 = arith.cmpi eq, %get3A_22, %eq3A_548 : vector<2000x1xi32>
      %jit3A = arith.constant 0xFF800000 : f32
      %broadcast_in_dim3A = vector.shape_cast %eq3A_549 : vector<2000x1xi1> to vector<2000x1xi1>
      %broadcast_in_dim3A_550 = vector.broadcast %broadcast_in_dim3A : vector<2000x1xi1> to vector<2000x128xi1>
      %broadcast_in_dim3A_551 = vector.broadcast %jit3A : f32 to vector<2000x128xf32>
      %select_n3A = arith.select %broadcast_in_dim3A_550, %max3A_19, %broadcast_in_dim3A_551 : vector<2000x128xi1>, vector<2000x128xf32>
      %reduce_max3A_552 = arith.constant dense<0xFF800000> : vector<128xf32>
      %reduce_max3A_553 = vector.multi_reduction <maximumf>, %select_n3A, %reduce_max3A_552 [0] : vector<2000x128xf32> to vector<128xf32>
      %broadcast_in_dim3A_554 = vector.shape_cast %reduce_max3A_553 : vector<128xf32> to vector<1x128xf32>
      %get3A_555 = arith.constant 20 : index
      %get3A_556 = arith.constant 0 : index
      %get3A_557 = vector.load %arg9[%get3A_555, %get3A_556] : memref<64x128xf32, #tpu.memory_space<vmem>>, vector<1x128xf32>
      %max3A_558 = arith.maximumf %get3A_557, %broadcast_in_dim3A_554 : vector<1x128xf32>
      %swap3A = arith.constant 20 : index
      %swap3A_559 = arith.constant 0 : index
      %swap3A_560 = vector.load %arg9[%swap3A, %swap3A_559] : memref<64x128xf32, #tpu.memory_space<vmem>>, vector<1x128xf32>
      tpu.vector_store %arg9[%swap3A, %swap3A_559], %max3A_558 {strides = array<i32>} : memref<64x128xf32, #tpu.memory_space<vmem>>, vector<1x128xf32>,
    } else {
    }
    %le3A_198 = arith.constant 21 : i32
    %le3A_199 = arith.cmpi sle, %reduce_min3A_28, %le3A_198 : i32
    %ge3A_200 = arith.constant 21 : i32
    %ge3A_201 = arith.cmpi sge, %reduce_max3A_32, %ge3A_200 : i32
    %and3A_202 = arith.andi %le3A_199, %ge3A_201 : i1
    %convert_element_type3A_203 = arith.extui %and3A_202 : i1 to i32
    %cond3A_204 = arith.constant 0 : i32
    %cond3A_205 = arith.cmpi ne, %convert_element_type3A_203, %cond3A_204 : i32
    scf.if %cond3A_205 {
      %eq3A_547 = arith.constant 21 : i32
      %eq3A_548 = vector.broadcast %eq3A_547 : i32 to vector<2000x1xi32>
      %eq3A_549 = arith.cmpi eq, %get3A_22, %eq3A_548 : vector<2000x1xi32>
      %jit3A = arith.constant 0xFF800000 : f32
      %broadcast_in_dim3A = vector.shape_cast %eq3A_549 : vector<2000x1xi1> to vector<2000x1xi1>
      %broadcast_in_dim3A_550 = vector.broadcast %broadcast_in_dim3A : vector<2000x1xi1> to vector<2000x128xi1>
      %broadcast_in_dim3A_551 = vector.broadcast %jit3A : f32 to vector<2000x128xf32>
      %select_n3A = arith.select %broadcast_in_dim3A_550, %max3A_19, %broadcast_in_dim3A_551 : vector<2000x128xi1>, vector<2000x128xf32>
      %reduce_max3A_552 = arith.constant dense<0xFF800000> : vector<128xf32>
      %reduce_max3A_553 = vector.multi_reduction <maximumf>, %select_n3A, %reduce_max3A_552 [0] : vector<2000x128xf32> to vector<128xf32>
      %broadcast_in_dim3A_554 = vector.shape_cast %reduce_max3A_553 : vector<128xf32> to vector<1x128xf32>
      %get3A_555 = arith.constant 21 : index
      %get3A_556 = arith.constant 0 : index
      %get3A_557 = vector.load %arg9[%get3A_555, %get3A_556] : memref<64x128xf32, #tpu.memory_space<vmem>>, vector<1x128xf32>
      %max3A_558 = arith.maximumf %get3A_557, %broadcast_in_dim3A_554 : vector<1x128xf32>
      %swap3A = arith.constant 21 : index
      %swap3A_559 = arith.constant 0 : index
      %swap3A_560 = vector.load %arg9[%swap3A, %swap3A_559] : memref<64x128xf32, #tpu.memory_space<vmem>>, vector<1x128xf32>
      tpu.vector_store %arg9[%swap3A, %swap3A_559], %max3A_558 {strides = array<i32>} : memref<64x128xf32, #tpu.memory_space<vmem>>, vector<1x128xf32>,
    } else {
    }
    %le3A_206 = arith.constant 22 : i32
    %le3A_207 = arith.cmpi sle, %reduce_min3A_28, %le3A_206 : i32
    %ge3A_208 = arith.constant 22 : i32
    %ge3A_209 = arith.cmpi sge, %reduce_max3A_32, %ge3A_208 : i32
    %and3A_210 = arith.andi %le3A_207, %ge3A_209 : i1
    %convert_element_type3A_211 = arith.extui %and3A_210 : i1 to i32
    %cond3A_212 = arith.constant 0 : i32
    %cond3A_213 = arith.cmpi ne, %convert_element_type3A_211, %cond3A_212 : i32
    scf.if %cond3A_213 {
      %eq3A_547 = arith.constant 22 : i32
      %eq3A_548 = vector.broadcast %eq3A_547 : i32 to vector<2000x1xi32>
      %eq3A_549 = arith.cmpi eq, %get3A_22, %eq3A_548 : vector<2000x1xi32>
      %jit3A = arith.constant 0xFF800000 : f32
      %broadcast_in_dim3A = vector.shape_cast %eq3A_549 : vector<2000x1xi1> to vector<2000x1xi1>
      %broadcast_in_dim3A_550 = vector.broadcast %broadcast_in_dim3A : vector<2000x1xi1> to vector<2000x128xi1>
      %broadcast_in_dim3A_551 = vector.broadcast %jit3A : f32 to vector<2000x128xf32>
      %select_n3A = arith.select %broadcast_in_dim3A_550, %max3A_19, %broadcast_in_dim3A_551 : vector<2000x128xi1>, vector<2000x128xf32>
      %reduce_max3A_552 = arith.constant dense<0xFF800000> : vector<128xf32>
      %reduce_max3A_553 = vector.multi_reduction <maximumf>, %select_n3A, %reduce_max3A_552 [0] : vector<2000x128xf32> to vector<128xf32>
      %broadcast_in_dim3A_554 = vector.shape_cast %reduce_max3A_553 : vector<128xf32> to vector<1x128xf32>
      %get3A_555 = arith.constant 22 : index
      %get3A_556 = arith.constant 0 : index
      %get3A_557 = vector.load %arg9[%get3A_555, %get3A_556] : memref<64x128xf32, #tpu.memory_space<vmem>>, vector<1x128xf32>
      %max3A_558 = arith.maximumf %get3A_557, %broadcast_in_dim3A_554 : vector<1x128xf32>
      %swap3A = arith.constant 22 : index
      %swap3A_559 = arith.constant 0 : index
      %swap3A_560 = vector.load %arg9[%swap3A, %swap3A_559] : memref<64x128xf32, #tpu.memory_space<vmem>>, vector<1x128xf32>
      tpu.vector_store %arg9[%swap3A, %swap3A_559], %max3A_558 {strides = array<i32>} : memref<64x128xf32, #tpu.memory_space<vmem>>, vector<1x128xf32>,
    } else {
    }
    %le3A_214 = arith.constant 23 : i32
    %le3A_215 = arith.cmpi sle, %reduce_min3A_28, %le3A_214 : i32
    %ge3A_216 = arith.constant 23 : i32
    %ge3A_217 = arith.cmpi sge, %reduce_max3A_32, %ge3A_216 : i32
    %and3A_218 = arith.andi %le3A_215, %ge3A_217 : i1
    %convert_element_type3A_219 = arith.extui %and3A_218 : i1 to i32
    %cond3A_220 = arith.constant 0 : i32
    %cond3A_221 = arith.cmpi ne, %convert_element_type3A_219, %cond3A_220 : i32
    scf.if %cond3A_221 {
      %eq3A_547 = arith.constant 23 : i32
      %eq3A_548 = vector.broadcast %eq3A_547 : i32 to vector<2000x1xi32>
      %eq3A_549 = arith.cmpi eq, %get3A_22, %eq3A_548 : vector<2000x1xi32>
      %jit3A = arith.constant 0xFF800000 : f32
      %broadcast_in_dim3A = vector.shape_cast %eq3A_549 : vector<2000x1xi1> to vector<2000x1xi1>
      %broadcast_in_dim3A_550 = vector.broadcast %broadcast_in_dim3A : vector<2000x1xi1> to vector<2000x128xi1>
      %broadcast_in_dim3A_551 = vector.broadcast %jit3A : f32 to vector<2000x128xf32>
      %select_n3A = arith.select %broadcast_in_dim3A_550, %max3A_19, %broadcast_in_dim3A_551 : vector<2000x128xi1>, vector<2000x128xf32>
      %reduce_max3A_552 = arith.constant dense<0xFF800000> : vector<128xf32>
      %reduce_max3A_553 = vector.multi_reduction <maximumf>, %select_n3A, %reduce_max3A_552 [0] : vector<2000x128xf32> to vector<128xf32>
      %broadcast_in_dim3A_554 = vector.shape_cast %reduce_max3A_553 : vector<128xf32> to vector<1x128xf32>
      %get3A_555 = arith.constant 23 : index
      %get3A_556 = arith.constant 0 : index
      %get3A_557 = vector.load %arg9[%get3A_555, %get3A_556] : memref<64x128xf32, #tpu.memory_space<vmem>>, vector<1x128xf32>
      %max3A_558 = arith.maximumf %get3A_557, %broadcast_in_dim3A_554 : vector<1x128xf32>
      %swap3A = arith.constant 23 : index
      %swap3A_559 = arith.constant 0 : index
      %swap3A_560 = vector.load %arg9[%swap3A, %swap3A_559] : memref<64x128xf32, #tpu.memory_space<vmem>>, vector<1x128xf32>
      tpu.vector_store %arg9[%swap3A, %swap3A_559], %max3A_558 {strides = array<i32>} : memref<64x128xf32, #tpu.memory_space<vmem>>, vector<1x128xf32>,
    } else {
    }
    %le3A_222 = arith.constant 24 : i32
    %le3A_223 = arith.cmpi sle, %reduce_min3A_28, %le3A_222 : i32
    %ge3A_224 = arith.constant 24 : i32
    %ge3A_225 = arith.cmpi sge, %reduce_max3A_32, %ge3A_224 : i32
    %and3A_226 = arith.andi %le3A_223, %ge3A_225 : i1
    %convert_element_type3A_227 = arith.extui %and3A_226 : i1 to i32
    %cond3A_228 = arith.constant 0 : i32
    %cond3A_229 = arith.cmpi ne, %convert_element_type3A_227, %cond3A_228 : i32
    scf.if %cond3A_229 {
      %eq3A_547 = arith.constant 24 : i32
      %eq3A_548 = vector.broadcast %eq3A_547 : i32 to vector<2000x1xi32>
      %eq3A_549 = arith.cmpi eq, %get3A_22, %eq3A_548 : vector<2000x1xi32>
      %jit3A = arith.constant 0xFF800000 : f32
      %broadcast_in_dim3A = vector.shape_cast %eq3A_549 : vector<2000x1xi1> to vector<2000x1xi1>
      %broadcast_in_dim3A_550 = vector.broadcast %broadcast_in_dim3A : vector<2000x1xi1> to vector<2000x128xi1>
      %broadcast_in_dim3A_551 = vector.broadcast %jit3A : f32 to vector<2000x128xf32>
      %select_n3A = arith.select %broadcast_in_dim3A_550, %max3A_19, %broadcast_in_dim3A_551 : vector<2000x128xi1>, vector<2000x128xf32>
      %reduce_max3A_552 = arith.constant dense<0xFF800000> : vector<128xf32>
      %reduce_max3A_553 = vector.multi_reduction <maximumf>, %select_n3A, %reduce_max3A_552 [0] : vector<2000x128xf32> to vector<128xf32>
      %broadcast_in_dim3A_554 = vector.shape_cast %reduce_max3A_553 : vector<128xf32> to vector<1x128xf32>
      %get3A_555 = arith.constant 24 : index
      %get3A_556 = arith.constant 0 : index
      %get3A_557 = vector.load %arg9[%get3A_555, %get3A_556] : memref<64x128xf32, #tpu.memory_space<vmem>>, vector<1x128xf32>
      %max3A_558 = arith.maximumf %get3A_557, %broadcast_in_dim3A_554 : vector<1x128xf32>
      %swap3A = arith.constant 24 : index
      %swap3A_559 = arith.constant 0 : index
      %swap3A_560 = vector.load %arg9[%swap3A, %swap3A_559] : memref<64x128xf32, #tpu.memory_space<vmem>>, vector<1x128xf32>
      tpu.vector_store %arg9[%swap3A, %swap3A_559], %max3A_558 {strides = array<i32>} : memref<64x128xf32, #tpu.memory_space<vmem>>, vector<1x128xf32>,
    } else {
    }
    %le3A_230 = arith.constant 25 : i32
    %le3A_231 = arith.cmpi sle, %reduce_min3A_28, %le3A_230 : i32
    %ge3A_232 = arith.constant 25 : i32
    %ge3A_233 = arith.cmpi sge, %reduce_max3A_32, %ge3A_232 : i32
    %and3A_234 = arith.andi %le3A_231, %ge3A_233 : i1
    %convert_element_type3A_235 = arith.extui %and3A_234 : i1 to i32
    %cond3A_236 = arith.constant 0 : i32
    %cond3A_237 = arith.cmpi ne, %convert_element_type3A_235, %cond3A_236 : i32
    scf.if %cond3A_237 {
      %eq3A_547 = arith.constant 25 : i32
      %eq3A_548 = vector.broadcast %eq3A_547 : i32 to vector<2000x1xi32>
      %eq3A_549 = arith.cmpi eq, %get3A_22, %eq3A_548 : vector<2000x1xi32>
      %jit3A = arith.constant 0xFF800000 : f32
      %broadcast_in_dim3A = vector.shape_cast %eq3A_549 : vector<2000x1xi1> to vector<2000x1xi1>
      %broadcast_in_dim3A_550 = vector.broadcast %broadcast_in_dim3A : vector<2000x1xi1> to vector<2000x128xi1>
      %broadcast_in_dim3A_551 = vector.broadcast %jit3A : f32 to vector<2000x128xf32>
      %select_n3A = arith.select %broadcast_in_dim3A_550, %max3A_19, %broadcast_in_dim3A_551 : vector<2000x128xi1>, vector<2000x128xf32>
      %reduce_max3A_552 = arith.constant dense<0xFF800000> : vector<128xf32>
      %reduce_max3A_553 = vector.multi_reduction <maximumf>, %select_n3A, %reduce_max3A_552 [0] : vector<2000x128xf32> to vector<128xf32>
      %broadcast_in_dim3A_554 = vector.shape_cast %reduce_max3A_553 : vector<128xf32> to vector<1x128xf32>
      %get3A_555 = arith.constant 25 : index
      %get3A_556 = arith.constant 0 : index
      %get3A_557 = vector.load %arg9[%get3A_555, %get3A_556] : memref<64x128xf32, #tpu.memory_space<vmem>>, vector<1x128xf32>
      %max3A_558 = arith.maximumf %get3A_557, %broadcast_in_dim3A_554 : vector<1x128xf32>
      %swap3A = arith.constant 25 : index
      %swap3A_559 = arith.constant 0 : index
      %swap3A_560 = vector.load %arg9[%swap3A, %swap3A_559] : memref<64x128xf32, #tpu.memory_space<vmem>>, vector<1x128xf32>
      tpu.vector_store %arg9[%swap3A, %swap3A_559], %max3A_558 {strides = array<i32>} : memref<64x128xf32, #tpu.memory_space<vmem>>, vector<1x128xf32>,
    } else {
    }
    %le3A_238 = arith.constant 26 : i32
    %le3A_239 = arith.cmpi sle, %reduce_min3A_28, %le3A_238 : i32
    %ge3A_240 = arith.constant 26 : i32
    %ge3A_241 = arith.cmpi sge, %reduce_max3A_32, %ge3A_240 : i32
    %and3A_242 = arith.andi %le3A_239, %ge3A_241 : i1
    %convert_element_type3A_243 = arith.extui %and3A_242 : i1 to i32
    %cond3A_244 = arith.constant 0 : i32
    %cond3A_245 = arith.cmpi ne, %convert_element_type3A_243, %cond3A_244 : i32
    scf.if %cond3A_245 {
      %eq3A_547 = arith.constant 26 : i32
      %eq3A_548 = vector.broadcast %eq3A_547 : i32 to vector<2000x1xi32>
      %eq3A_549 = arith.cmpi eq, %get3A_22, %eq3A_548 : vector<2000x1xi32>
      %jit3A = arith.constant 0xFF800000 : f32
      %broadcast_in_dim3A = vector.shape_cast %eq3A_549 : vector<2000x1xi1> to vector<2000x1xi1>
      %broadcast_in_dim3A_550 = vector.broadcast %broadcast_in_dim3A : vector<2000x1xi1> to vector<2000x128xi1>
      %broadcast_in_dim3A_551 = vector.broadcast %jit3A : f32 to vector<2000x128xf32>
      %select_n3A = arith.select %broadcast_in_dim3A_550, %max3A_19, %broadcast_in_dim3A_551 : vector<2000x128xi1>, vector<2000x128xf32>
      %reduce_max3A_552 = arith.constant dense<0xFF800000> : vector<128xf32>
      %reduce_max3A_553 = vector.multi_reduction <maximumf>, %select_n3A, %reduce_max3A_552 [0] : vector<2000x128xf32> to vector<128xf32>
      %broadcast_in_dim3A_554 = vector.shape_cast %reduce_max3A_553 : vector<128xf32> to vector<1x128xf32>
      %get3A_555 = arith.constant 26 : index
      %get3A_556 = arith.constant 0 : index
      %get3A_557 = vector.load %arg9[%get3A_555, %get3A_556] : memref<64x128xf32, #tpu.memory_space<vmem>>, vector<1x128xf32>
      %max3A_558 = arith.maximumf %get3A_557, %broadcast_in_dim3A_554 : vector<1x128xf32>
      %swap3A = arith.constant 26 : index
      %swap3A_559 = arith.constant 0 : index
      %swap3A_560 = vector.load %arg9[%swap3A, %swap3A_559] : memref<64x128xf32, #tpu.memory_space<vmem>>, vector<1x128xf32>
      tpu.vector_store %arg9[%swap3A, %swap3A_559], %max3A_558 {strides = array<i32>} : memref<64x128xf32, #tpu.memory_space<vmem>>, vector<1x128xf32>,
    } else {
    }
    %le3A_246 = arith.constant 27 : i32
    %le3A_247 = arith.cmpi sle, %reduce_min3A_28, %le3A_246 : i32
    %ge3A_248 = arith.constant 27 : i32
    %ge3A_249 = arith.cmpi sge, %reduce_max3A_32, %ge3A_248 : i32
    %and3A_250 = arith.andi %le3A_247, %ge3A_249 : i1
    %convert_element_type3A_251 = arith.extui %and3A_250 : i1 to i32
    %cond3A_252 = arith.constant 0 : i32
    %cond3A_253 = arith.cmpi ne, %convert_element_type3A_251, %cond3A_252 : i32
    scf.if %cond3A_253 {
      %eq3A_547 = arith.constant 27 : i32
      %eq3A_548 = vector.broadcast %eq3A_547 : i32 to vector<2000x1xi32>
      %eq3A_549 = arith.cmpi eq, %get3A_22, %eq3A_548 : vector<2000x1xi32>
      %jit3A = arith.constant 0xFF800000 : f32
      %broadcast_in_dim3A = vector.shape_cast %eq3A_549 : vector<2000x1xi1> to vector<2000x1xi1>
      %broadcast_in_dim3A_550 = vector.broadcast %broadcast_in_dim3A : vector<2000x1xi1> to vector<2000x128xi1>
      %broadcast_in_dim3A_551 = vector.broadcast %jit3A : f32 to vector<2000x128xf32>
      %select_n3A = arith.select %broadcast_in_dim3A_550, %max3A_19, %broadcast_in_dim3A_551 : vector<2000x128xi1>, vector<2000x128xf32>
      %reduce_max3A_552 = arith.constant dense<0xFF800000> : vector<128xf32>
      %reduce_max3A_553 = vector.multi_reduction <maximumf>, %select_n3A, %reduce_max3A_552 [0] : vector<2000x128xf32> to vector<128xf32>
      %broadcast_in_dim3A_554 = vector.shape_cast %reduce_max3A_553 : vector<128xf32> to vector<1x128xf32>
      %get3A_555 = arith.constant 27 : index
      %get3A_556 = arith.constant 0 : index
      %get3A_557 = vector.load %arg9[%get3A_555, %get3A_556] : memref<64x128xf32, #tpu.memory_space<vmem>>, vector<1x128xf32>
      %max3A_558 = arith.maximumf %get3A_557, %broadcast_in_dim3A_554 : vector<1x128xf32>
      %swap3A = arith.constant 27 : index
      %swap3A_559 = arith.constant 0 : index
      %swap3A_560 = vector.load %arg9[%swap3A, %swap3A_559] : memref<64x128xf32, #tpu.memory_space<vmem>>, vector<1x128xf32>
      tpu.vector_store %arg9[%swap3A, %swap3A_559], %max3A_558 {strides = array<i32>} : memref<64x128xf32, #tpu.memory_space<vmem>>, vector<1x128xf32>,
    } else {
    }
    %le3A_254 = arith.constant 28 : i32
    %le3A_255 = arith.cmpi sle, %reduce_min3A_28, %le3A_254 : i32
    %ge3A_256 = arith.constant 28 : i32
    %ge3A_257 = arith.cmpi sge, %reduce_max3A_32, %ge3A_256 : i32
    %and3A_258 = arith.andi %le3A_255, %ge3A_257 : i1
    %convert_element_type3A_259 = arith.extui %and3A_258 : i1 to i32
    %cond3A_260 = arith.constant 0 : i32
    %cond3A_261 = arith.cmpi ne, %convert_element_type3A_259, %cond3A_260 : i32
    scf.if %cond3A_261 {
      %eq3A_547 = arith.constant 28 : i32
      %eq3A_548 = vector.broadcast %eq3A_547 : i32 to vector<2000x1xi32>
      %eq3A_549 = arith.cmpi eq, %get3A_22, %eq3A_548 : vector<2000x1xi32>
      %jit3A = arith.constant 0xFF800000 : f32
      %broadcast_in_dim3A = vector.shape_cast %eq3A_549 : vector<2000x1xi1> to vector<2000x1xi1>
      %broadcast_in_dim3A_550 = vector.broadcast %broadcast_in_dim3A : vector<2000x1xi1> to vector<2000x128xi1>
      %broadcast_in_dim3A_551 = vector.broadcast %jit3A : f32 to vector<2000x128xf32>
      %select_n3A = arith.select %broadcast_in_dim3A_550, %max3A_19, %broadcast_in_dim3A_551 : vector<2000x128xi1>, vector<2000x128xf32>
      %reduce_max3A_552 = arith.constant dense<0xFF800000> : vector<128xf32>
      %reduce_max3A_553 = vector.multi_reduction <maximumf>, %select_n3A, %reduce_max3A_552 [0] : vector<2000x128xf32> to vector<128xf32>
      %broadcast_in_dim3A_554 = vector.shape_cast %reduce_max3A_553 : vector<128xf32> to vector<1x128xf32>
      %get3A_555 = arith.constant 28 : index
      %get3A_556 = arith.constant 0 : index
      %get3A_557 = vector.load %arg9[%get3A_555, %get3A_556] : memref<64x128xf32, #tpu.memory_space<vmem>>, vector<1x128xf32>
      %max3A_558 = arith.maximumf %get3A_557, %broadcast_in_dim3A_554 : vector<1x128xf32>
      %swap3A = arith.constant 28 : index
      %swap3A_559 = arith.constant 0 : index
      %swap3A_560 = vector.load %arg9[%swap3A, %swap3A_559] : memref<64x128xf32, #tpu.memory_space<vmem>>, vector<1x128xf32>
      tpu.vector_store %arg9[%swap3A, %swap3A_559], %max3A_558 {strides = array<i32>} : memref<64x128xf32, #tpu.memory_space<vmem>>, vector<1x128xf32>,
    } else {
    }
    %le3A_262 = arith.constant 29 : i32
    %le3A_263 = arith.cmpi sle, %reduce_min3A_28, %le3A_262 : i32
    %ge3A_264 = arith.constant 29 : i32
    %ge3A_265 = arith.cmpi sge, %reduce_max3A_32, %ge3A_264 : i32
    %and3A_266 = arith.andi %le3A_263, %ge3A_265 : i1
    %convert_element_type3A_267 = arith.extui %and3A_266 : i1 to i32
    %cond3A_268 = arith.constant 0 : i32
    %cond3A_269 = arith.cmpi ne, %convert_element_type3A_267, %cond3A_268 : i32
    scf.if %cond3A_269 {
      %eq3A_547 = arith.constant 29 : i32
      %eq3A_548 = vector.broadcast %eq3A_547 : i32 to vector<2000x1xi32>
      %eq3A_549 = arith.cmpi eq, %get3A_22, %eq3A_548 : vector<2000x1xi32>
      %jit3A = arith.constant 0xFF800000 : f32
      %broadcast_in_dim3A = vector.shape_cast %eq3A_549 : vector<2000x1xi1> to vector<2000x1xi1>
      %broadcast_in_dim3A_550 = vector.broadcast %broadcast_in_dim3A : vector<2000x1xi1> to vector<2000x128xi1>
      %broadcast_in_dim3A_551 = vector.broadcast %jit3A : f32 to vector<2000x128xf32>
      %select_n3A = arith.select %broadcast_in_dim3A_550, %max3A_19, %broadcast_in_dim3A_551 : vector<2000x128xi1>, vector<2000x128xf32>
      %reduce_max3A_552 = arith.constant dense<0xFF800000> : vector<128xf32>
      %reduce_max3A_553 = vector.multi_reduction <maximumf>, %select_n3A, %reduce_max3A_552 [0] : vector<2000x128xf32> to vector<128xf32>
      %broadcast_in_dim3A_554 = vector.shape_cast %reduce_max3A_553 : vector<128xf32> to vector<1x128xf32>
      %get3A_555 = arith.constant 29 : index
      %get3A_556 = arith.constant 0 : index
      %get3A_557 = vector.load %arg9[%get3A_555, %get3A_556] : memref<64x128xf32, #tpu.memory_space<vmem>>, vector<1x128xf32>
      %max3A_558 = arith.maximumf %get3A_557, %broadcast_in_dim3A_554 : vector<1x128xf32>
      %swap3A = arith.constant 29 : index
      %swap3A_559 = arith.constant 0 : index
      %swap3A_560 = vector.load %arg9[%swap3A, %swap3A_559] : memref<64x128xf32, #tpu.memory_space<vmem>>, vector<1x128xf32>
      tpu.vector_store %arg9[%swap3A, %swap3A_559], %max3A_558 {strides = array<i32>} : memref<64x128xf32, #tpu.memory_space<vmem>>, vector<1x128xf32>,
    } else {
    }
    %le3A_270 = arith.constant 30 : i32
    %le3A_271 = arith.cmpi sle, %reduce_min3A_28, %le3A_270 : i32
    %ge3A_272 = arith.constant 30 : i32
    %ge3A_273 = arith.cmpi sge, %reduce_max3A_32, %ge3A_272 : i32
    %and3A_274 = arith.andi %le3A_271, %ge3A_273 : i1
    %convert_element_type3A_275 = arith.extui %and3A_274 : i1 to i32
    %cond3A_276 = arith.constant 0 : i32
    %cond3A_277 = arith.cmpi ne, %convert_element_type3A_275, %cond3A_276 : i32
    scf.if %cond3A_277 {
      %eq3A_547 = arith.constant 30 : i32
      %eq3A_548 = vector.broadcast %eq3A_547 : i32 to vector<2000x1xi32>
      %eq3A_549 = arith.cmpi eq, %get3A_22, %eq3A_548 : vector<2000x1xi32>
      %jit3A = arith.constant 0xFF800000 : f32
      %broadcast_in_dim3A = vector.shape_cast %eq3A_549 : vector<2000x1xi1> to vector<2000x1xi1>
      %broadcast_in_dim3A_550 = vector.broadcast %broadcast_in_dim3A : vector<2000x1xi1> to vector<2000x128xi1>
      %broadcast_in_dim3A_551 = vector.broadcast %jit3A : f32 to vector<2000x128xf32>
      %select_n3A = arith.select %broadcast_in_dim3A_550, %max3A_19, %broadcast_in_dim3A_551 : vector<2000x128xi1>, vector<2000x128xf32>
      %reduce_max3A_552 = arith.constant dense<0xFF800000> : vector<128xf32>
      %reduce_max3A_553 = vector.multi_reduction <maximumf>, %select_n3A, %reduce_max3A_552 [0] : vector<2000x128xf32> to vector<128xf32>
      %broadcast_in_dim3A_554 = vector.shape_cast %reduce_max3A_553 : vector<128xf32> to vector<1x128xf32>
      %get3A_555 = arith.constant 30 : index
      %get3A_556 = arith.constant 0 : index
      %get3A_557 = vector.load %arg9[%get3A_555, %get3A_556] : memref<64x128xf32, #tpu.memory_space<vmem>>, vector<1x128xf32>
      %max3A_558 = arith.maximumf %get3A_557, %broadcast_in_dim3A_554 : vector<1x128xf32>
      %swap3A = arith.constant 30 : index
      %swap3A_559 = arith.constant 0 : index
      %swap3A_560 = vector.load %arg9[%swap3A, %swap3A_559] : memref<64x128xf32, #tpu.memory_space<vmem>>, vector<1x128xf32>
      tpu.vector_store %arg9[%swap3A, %swap3A_559], %max3A_558 {strides = array<i32>} : memref<64x128xf32, #tpu.memory_space<vmem>>, vector<1x128xf32>,
    } else {
    }
    %le3A_278 = arith.constant 31 : i32
    %le3A_279 = arith.cmpi sle, %reduce_min3A_28, %le3A_278 : i32
    %ge3A_280 = arith.constant 31 : i32
    %ge3A_281 = arith.cmpi sge, %reduce_max3A_32, %ge3A_280 : i32
    %and3A_282 = arith.andi %le3A_279, %ge3A_281 : i1
    %convert_element_type3A_283 = arith.extui %and3A_282 : i1 to i32
    %cond3A_284 = arith.constant 0 : i32
    %cond3A_285 = arith.cmpi ne, %convert_element_type3A_283, %cond3A_284 : i32
    scf.if %cond3A_285 {
      %eq3A_547 = arith.constant 31 : i32
      %eq3A_548 = vector.broadcast %eq3A_547 : i32 to vector<2000x1xi32>
      %eq3A_549 = arith.cmpi eq, %get3A_22, %eq3A_548 : vector<2000x1xi32>
      %jit3A = arith.constant 0xFF800000 : f32
      %broadcast_in_dim3A = vector.shape_cast %eq3A_549 : vector<2000x1xi1> to vector<2000x1xi1>
      %broadcast_in_dim3A_550 = vector.broadcast %broadcast_in_dim3A : vector<2000x1xi1> to vector<2000x128xi1>
      %broadcast_in_dim3A_551 = vector.broadcast %jit3A : f32 to vector<2000x128xf32>
      %select_n3A = arith.select %broadcast_in_dim3A_550, %max3A_19, %broadcast_in_dim3A_551 : vector<2000x128xi1>, vector<2000x128xf32>
      %reduce_max3A_552 = arith.constant dense<0xFF800000> : vector<128xf32>
      %reduce_max3A_553 = vector.multi_reduction <maximumf>, %select_n3A, %reduce_max3A_552 [0] : vector<2000x128xf32> to vector<128xf32>
      %broadcast_in_dim3A_554 = vector.shape_cast %reduce_max3A_553 : vector<128xf32> to vector<1x128xf32>
      %get3A_555 = arith.constant 31 : index
      %get3A_556 = arith.constant 0 : index
      %get3A_557 = vector.load %arg9[%get3A_555, %get3A_556] : memref<64x128xf32, #tpu.memory_space<vmem>>, vector<1x128xf32>
      %max3A_558 = arith.maximumf %get3A_557, %broadcast_in_dim3A_554 : vector<1x128xf32>
      %swap3A = arith.constant 31 : index
      %swap3A_559 = arith.constant 0 : index
      %swap3A_560 = vector.load %arg9[%swap3A, %swap3A_559] : memref<64x128xf32, #tpu.memory_space<vmem>>, vector<1x128xf32>
      tpu.vector_store %arg9[%swap3A, %swap3A_559], %max3A_558 {strides = array<i32>} : memref<64x128xf32, #tpu.memory_space<vmem>>, vector<1x128xf32>,
    } else {
    }
    %le3A_286 = arith.constant 32 : i32
    %le3A_287 = arith.cmpi sle, %reduce_min3A_28, %le3A_286 : i32
    %ge3A_288 = arith.constant 32 : i32
    %ge3A_289 = arith.cmpi sge, %reduce_max3A_32, %ge3A_288 : i32
    %and3A_290 = arith.andi %le3A_287, %ge3A_289 : i1
    %convert_element_type3A_291 = arith.extui %and3A_290 : i1 to i32
    %cond3A_292 = arith.constant 0 : i32
    %cond3A_293 = arith.cmpi ne, %convert_element_type3A_291, %cond3A_292 : i32
    scf.if %cond3A_293 {
      %eq3A_547 = arith.constant 32 : i32
      %eq3A_548 = vector.broadcast %eq3A_547 : i32 to vector<2000x1xi32>
      %eq3A_549 = arith.cmpi eq, %get3A_22, %eq3A_548 : vector<2000x1xi32>
      %jit3A = arith.constant 0xFF800000 : f32
      %broadcast_in_dim3A = vector.shape_cast %eq3A_549 : vector<2000x1xi1> to vector<2000x1xi1>
      %broadcast_in_dim3A_550 = vector.broadcast %broadcast_in_dim3A : vector<2000x1xi1> to vector<2000x128xi1>
      %broadcast_in_dim3A_551 = vector.broadcast %jit3A : f32 to vector<2000x128xf32>
      %select_n3A = arith.select %broadcast_in_dim3A_550, %max3A_19, %broadcast_in_dim3A_551 : vector<2000x128xi1>, vector<2000x128xf32>
      %reduce_max3A_552 = arith.constant dense<0xFF800000> : vector<128xf32>
      %reduce_max3A_553 = vector.multi_reduction <maximumf>, %select_n3A, %reduce_max3A_552 [0] : vector<2000x128xf32> to vector<128xf32>
      %broadcast_in_dim3A_554 = vector.shape_cast %reduce_max3A_553 : vector<128xf32> to vector<1x128xf32>
      %get3A_555 = arith.constant 32 : index
      %get3A_556 = arith.constant 0 : index
      %get3A_557 = vector.load %arg9[%get3A_555, %get3A_556] : memref<64x128xf32, #tpu.memory_space<vmem>>, vector<1x128xf32>
      %max3A_558 = arith.maximumf %get3A_557, %broadcast_in_dim3A_554 : vector<1x128xf32>
      %swap3A = arith.constant 32 : index
      %swap3A_559 = arith.constant 0 : index
      %swap3A_560 = vector.load %arg9[%swap3A, %swap3A_559] : memref<64x128xf32, #tpu.memory_space<vmem>>, vector<1x128xf32>
      tpu.vector_store %arg9[%swap3A, %swap3A_559], %max3A_558 {strides = array<i32>} : memref<64x128xf32, #tpu.memory_space<vmem>>, vector<1x128xf32>,
    } else {
    }
    %le3A_294 = arith.constant 33 : i32
    %le3A_295 = arith.cmpi sle, %reduce_min3A_28, %le3A_294 : i32
    %ge3A_296 = arith.constant 33 : i32
    %ge3A_297 = arith.cmpi sge, %reduce_max3A_32, %ge3A_296 : i32
    %and3A_298 = arith.andi %le3A_295, %ge3A_297 : i1
    %convert_element_type3A_299 = arith.extui %and3A_298 : i1 to i32
    %cond3A_300 = arith.constant 0 : i32
    %cond3A_301 = arith.cmpi ne, %convert_element_type3A_299, %cond3A_300 : i32
    scf.if %cond3A_301 {
      %eq3A_547 = arith.constant 33 : i32
      %eq3A_548 = vector.broadcast %eq3A_547 : i32 to vector<2000x1xi32>
      %eq3A_549 = arith.cmpi eq, %get3A_22, %eq3A_548 : vector<2000x1xi32>
      %jit3A = arith.constant 0xFF800000 : f32
      %broadcast_in_dim3A = vector.shape_cast %eq3A_549 : vector<2000x1xi1> to vector<2000x1xi1>
      %broadcast_in_dim3A_550 = vector.broadcast %broadcast_in_dim3A : vector<2000x1xi1> to vector<2000x128xi1>
      %broadcast_in_dim3A_551 = vector.broadcast %jit3A : f32 to vector<2000x128xf32>
      %select_n3A = arith.select %broadcast_in_dim3A_550, %max3A_19, %broadcast_in_dim3A_551 : vector<2000x128xi1>, vector<2000x128xf32>
      %reduce_max3A_552 = arith.constant dense<0xFF800000> : vector<128xf32>
      %reduce_max3A_553 = vector.multi_reduction <maximumf>, %select_n3A, %reduce_max3A_552 [0] : vector<2000x128xf32> to vector<128xf32>
      %broadcast_in_dim3A_554 = vector.shape_cast %reduce_max3A_553 : vector<128xf32> to vector<1x128xf32>
      %get3A_555 = arith.constant 33 : index
      %get3A_556 = arith.constant 0 : index
      %get3A_557 = vector.load %arg9[%get3A_555, %get3A_556] : memref<64x128xf32, #tpu.memory_space<vmem>>, vector<1x128xf32>
      %max3A_558 = arith.maximumf %get3A_557, %broadcast_in_dim3A_554 : vector<1x128xf32>
      %swap3A = arith.constant 33 : index
      %swap3A_559 = arith.constant 0 : index
      %swap3A_560 = vector.load %arg9[%swap3A, %swap3A_559] : memref<64x128xf32, #tpu.memory_space<vmem>>, vector<1x128xf32>
      tpu.vector_store %arg9[%swap3A, %swap3A_559], %max3A_558 {strides = array<i32>} : memref<64x128xf32, #tpu.memory_space<vmem>>, vector<1x128xf32>,
    } else {
    }
    %le3A_302 = arith.constant 34 : i32
    %le3A_303 = arith.cmpi sle, %reduce_min3A_28, %le3A_302 : i32
    %ge3A_304 = arith.constant 34 : i32
    %ge3A_305 = arith.cmpi sge, %reduce_max3A_32, %ge3A_304 : i32
    %and3A_306 = arith.andi %le3A_303, %ge3A_305 : i1
    %convert_element_type3A_307 = arith.extui %and3A_306 : i1 to i32
    %cond3A_308 = arith.constant 0 : i32
    %cond3A_309 = arith.cmpi ne, %convert_element_type3A_307, %cond3A_308 : i32
    scf.if %cond3A_309 {
      %eq3A_547 = arith.constant 34 : i32
      %eq3A_548 = vector.broadcast %eq3A_547 : i32 to vector<2000x1xi32>
      %eq3A_549 = arith.cmpi eq, %get3A_22, %eq3A_548 : vector<2000x1xi32>
      %jit3A = arith.constant 0xFF800000 : f32
      %broadcast_in_dim3A = vector.shape_cast %eq3A_549 : vector<2000x1xi1> to vector<2000x1xi1>
      %broadcast_in_dim3A_550 = vector.broadcast %broadcast_in_dim3A : vector<2000x1xi1> to vector<2000x128xi1>
      %broadcast_in_dim3A_551 = vector.broadcast %jit3A : f32 to vector<2000x128xf32>
      %select_n3A = arith.select %broadcast_in_dim3A_550, %max3A_19, %broadcast_in_dim3A_551 : vector<2000x128xi1>, vector<2000x128xf32>
      %reduce_max3A_552 = arith.constant dense<0xFF800000> : vector<128xf32>
      %reduce_max3A_553 = vector.multi_reduction <maximumf>, %select_n3A, %reduce_max3A_552 [0] : vector<2000x128xf32> to vector<128xf32>
      %broadcast_in_dim3A_554 = vector.shape_cast %reduce_max3A_553 : vector<128xf32> to vector<1x128xf32>
      %get3A_555 = arith.constant 34 : index
      %get3A_556 = arith.constant 0 : index
      %get3A_557 = vector.load %arg9[%get3A_555, %get3A_556] : memref<64x128xf32, #tpu.memory_space<vmem>>, vector<1x128xf32>
      %max3A_558 = arith.maximumf %get3A_557, %broadcast_in_dim3A_554 : vector<1x128xf32>
      %swap3A = arith.constant 34 : index
      %swap3A_559 = arith.constant 0 : index
      %swap3A_560 = vector.load %arg9[%swap3A, %swap3A_559] : memref<64x128xf32, #tpu.memory_space<vmem>>, vector<1x128xf32>
      tpu.vector_store %arg9[%swap3A, %swap3A_559], %max3A_558 {strides = array<i32>} : memref<64x128xf32, #tpu.memory_space<vmem>>, vector<1x128xf32>,
    } else {
    }
    %le3A_310 = arith.constant 35 : i32
    %le3A_311 = arith.cmpi sle, %reduce_min3A_28, %le3A_310 : i32
    %ge3A_312 = arith.constant 35 : i32
    %ge3A_313 = arith.cmpi sge, %reduce_max3A_32, %ge3A_312 : i32
    %and3A_314 = arith.andi %le3A_311, %ge3A_313 : i1
    %convert_element_type3A_315 = arith.extui %and3A_314 : i1 to i32
    %cond3A_316 = arith.constant 0 : i32
    %cond3A_317 = arith.cmpi ne, %convert_element_type3A_315, %cond3A_316 : i32
    scf.if %cond3A_317 {
      %eq3A_547 = arith.constant 35 : i32
      %eq3A_548 = vector.broadcast %eq3A_547 : i32 to vector<2000x1xi32>
      %eq3A_549 = arith.cmpi eq, %get3A_22, %eq3A_548 : vector<2000x1xi32>
      %jit3A = arith.constant 0xFF800000 : f32
      %broadcast_in_dim3A = vector.shape_cast %eq3A_549 : vector<2000x1xi1> to vector<2000x1xi1>
      %broadcast_in_dim3A_550 = vector.broadcast %broadcast_in_dim3A : vector<2000x1xi1> to vector<2000x128xi1>
      %broadcast_in_dim3A_551 = vector.broadcast %jit3A : f32 to vector<2000x128xf32>
      %select_n3A = arith.select %broadcast_in_dim3A_550, %max3A_19, %broadcast_in_dim3A_551 : vector<2000x128xi1>, vector<2000x128xf32>
      %reduce_max3A_552 = arith.constant dense<0xFF800000> : vector<128xf32>
      %reduce_max3A_553 = vector.multi_reduction <maximumf>, %select_n3A, %reduce_max3A_552 [0] : vector<2000x128xf32> to vector<128xf32>
      %broadcast_in_dim3A_554 = vector.shape_cast %reduce_max3A_553 : vector<128xf32> to vector<1x128xf32>
      %get3A_555 = arith.constant 35 : index
      %get3A_556 = arith.constant 0 : index
      %get3A_557 = vector.load %arg9[%get3A_555, %get3A_556] : memref<64x128xf32, #tpu.memory_space<vmem>>, vector<1x128xf32>
      %max3A_558 = arith.maximumf %get3A_557, %broadcast_in_dim3A_554 : vector<1x128xf32>
      %swap3A = arith.constant 35 : index
      %swap3A_559 = arith.constant 0 : index
      %swap3A_560 = vector.load %arg9[%swap3A, %swap3A_559] : memref<64x128xf32, #tpu.memory_space<vmem>>, vector<1x128xf32>
      tpu.vector_store %arg9[%swap3A, %swap3A_559], %max3A_558 {strides = array<i32>} : memref<64x128xf32, #tpu.memory_space<vmem>>, vector<1x128xf32>,
    } else {
    }
    %le3A_318 = arith.constant 36 : i32
    %le3A_319 = arith.cmpi sle, %reduce_min3A_28, %le3A_318 : i32
    %ge3A_320 = arith.constant 36 : i32
    %ge3A_321 = arith.cmpi sge, %reduce_max3A_32, %ge3A_320 : i32
    %and3A_322 = arith.andi %le3A_319, %ge3A_321 : i1
    %convert_element_type3A_323 = arith.extui %and3A_322 : i1 to i32
    %cond3A_324 = arith.constant 0 : i32
    %cond3A_325 = arith.cmpi ne, %convert_element_type3A_323, %cond3A_324 : i32
    scf.if %cond3A_325 {
      %eq3A_547 = arith.constant 36 : i32
      %eq3A_548 = vector.broadcast %eq3A_547 : i32 to vector<2000x1xi32>
      %eq3A_549 = arith.cmpi eq, %get3A_22, %eq3A_548 : vector<2000x1xi32>
      %jit3A = arith.constant 0xFF800000 : f32
      %broadcast_in_dim3A = vector.shape_cast %eq3A_549 : vector<2000x1xi1> to vector<2000x1xi1>
      %broadcast_in_dim3A_550 = vector.broadcast %broadcast_in_dim3A : vector<2000x1xi1> to vector<2000x128xi1>
      %broadcast_in_dim3A_551 = vector.broadcast %jit3A : f32 to vector<2000x128xf32>
      %select_n3A = arith.select %broadcast_in_dim3A_550, %max3A_19, %broadcast_in_dim3A_551 : vector<2000x128xi1>, vector<2000x128xf32>
      %reduce_max3A_552 = arith.constant dense<0xFF800000> : vector<128xf32>
      %reduce_max3A_553 = vector.multi_reduction <maximumf>, %select_n3A, %reduce_max3A_552 [0] : vector<2000x128xf32> to vector<128xf32>
      %broadcast_in_dim3A_554 = vector.shape_cast %reduce_max3A_553 : vector<128xf32> to vector<1x128xf32>
      %get3A_555 = arith.constant 36 : index
      %get3A_556 = arith.constant 0 : index
      %get3A_557 = vector.load %arg9[%get3A_555, %get3A_556] : memref<64x128xf32, #tpu.memory_space<vmem>>, vector<1x128xf32>
      %max3A_558 = arith.maximumf %get3A_557, %broadcast_in_dim3A_554 : vector<1x128xf32>
      %swap3A = arith.constant 36 : index
      %swap3A_559 = arith.constant 0 : index
      %swap3A_560 = vector.load %arg9[%swap3A, %swap3A_559] : memref<64x128xf32, #tpu.memory_space<vmem>>, vector<1x128xf32>
      tpu.vector_store %arg9[%swap3A, %swap3A_559], %max3A_558 {strides = array<i32>} : memref<64x128xf32, #tpu.memory_space<vmem>>, vector<1x128xf32>,
    } else {
    }
    %le3A_326 = arith.constant 37 : i32
    %le3A_327 = arith.cmpi sle, %reduce_min3A_28, %le3A_326 : i32
    %ge3A_328 = arith.constant 37 : i32
    %ge3A_329 = arith.cmpi sge, %reduce_max3A_32, %ge3A_328 : i32
    %and3A_330 = arith.andi %le3A_327, %ge3A_329 : i1
    %convert_element_type3A_331 = arith.extui %and3A_330 : i1 to i32
    %cond3A_332 = arith.constant 0 : i32
    %cond3A_333 = arith.cmpi ne, %convert_element_type3A_331, %cond3A_332 : i32
    scf.if %cond3A_333 {
      %eq3A_547 = arith.constant 37 : i32
      %eq3A_548 = vector.broadcast %eq3A_547 : i32 to vector<2000x1xi32>
      %eq3A_549 = arith.cmpi eq, %get3A_22, %eq3A_548 : vector<2000x1xi32>
      %jit3A = arith.constant 0xFF800000 : f32
      %broadcast_in_dim3A = vector.shape_cast %eq3A_549 : vector<2000x1xi1> to vector<2000x1xi1>
      %broadcast_in_dim3A_550 = vector.broadcast %broadcast_in_dim3A : vector<2000x1xi1> to vector<2000x128xi1>
      %broadcast_in_dim3A_551 = vector.broadcast %jit3A : f32 to vector<2000x128xf32>
      %select_n3A = arith.select %broadcast_in_dim3A_550, %max3A_19, %broadcast_in_dim3A_551 : vector<2000x128xi1>, vector<2000x128xf32>
      %reduce_max3A_552 = arith.constant dense<0xFF800000> : vector<128xf32>
      %reduce_max3A_553 = vector.multi_reduction <maximumf>, %select_n3A, %reduce_max3A_552 [0] : vector<2000x128xf32> to vector<128xf32>
      %broadcast_in_dim3A_554 = vector.shape_cast %reduce_max3A_553 : vector<128xf32> to vector<1x128xf32>
      %get3A_555 = arith.constant 37 : index
      %get3A_556 = arith.constant 0 : index
      %get3A_557 = vector.load %arg9[%get3A_555, %get3A_556] : memref<64x128xf32, #tpu.memory_space<vmem>>, vector<1x128xf32>
      %max3A_558 = arith.maximumf %get3A_557, %broadcast_in_dim3A_554 : vector<1x128xf32>
      %swap3A = arith.constant 37 : index
      %swap3A_559 = arith.constant 0 : index
      %swap3A_560 = vector.load %arg9[%swap3A, %swap3A_559] : memref<64x128xf32, #tpu.memory_space<vmem>>, vector<1x128xf32>
      tpu.vector_store %arg9[%swap3A, %swap3A_559], %max3A_558 {strides = array<i32>} : memref<64x128xf32, #tpu.memory_space<vmem>>, vector<1x128xf32>,
    } else {
    }
    %le3A_334 = arith.constant 38 : i32
    %le3A_335 = arith.cmpi sle, %reduce_min3A_28, %le3A_334 : i32
    %ge3A_336 = arith.constant 38 : i32
    %ge3A_337 = arith.cmpi sge, %reduce_max3A_32, %ge3A_336 : i32
    %and3A_338 = arith.andi %le3A_335, %ge3A_337 : i1
    %convert_element_type3A_339 = arith.extui %and3A_338 : i1 to i32
    %cond3A_340 = arith.constant 0 : i32
    %cond3A_341 = arith.cmpi ne, %convert_element_type3A_339, %cond3A_340 : i32
    scf.if %cond3A_341 {
      %eq3A_547 = arith.constant 38 : i32
      %eq3A_548 = vector.broadcast %eq3A_547 : i32 to vector<2000x1xi32>
      %eq3A_549 = arith.cmpi eq, %get3A_22, %eq3A_548 : vector<2000x1xi32>
      %jit3A = arith.constant 0xFF800000 : f32
      %broadcast_in_dim3A = vector.shape_cast %eq3A_549 : vector<2000x1xi1> to vector<2000x1xi1>
      %broadcast_in_dim3A_550 = vector.broadcast %broadcast_in_dim3A : vector<2000x1xi1> to vector<2000x128xi1>
      %broadcast_in_dim3A_551 = vector.broadcast %jit3A : f32 to vector<2000x128xf32>
      %select_n3A = arith.select %broadcast_in_dim3A_550, %max3A_19, %broadcast_in_dim3A_551 : vector<2000x128xi1>, vector<2000x128xf32>
      %reduce_max3A_552 = arith.constant dense<0xFF800000> : vector<128xf32>
      %reduce_max3A_553 = vector.multi_reduction <maximumf>, %select_n3A, %reduce_max3A_552 [0] : vector<2000x128xf32> to vector<128xf32>
      %broadcast_in_dim3A_554 = vector.shape_cast %reduce_max3A_553 : vector<128xf32> to vector<1x128xf32>
      %get3A_555 = arith.constant 38 : index
      %get3A_556 = arith.constant 0 : index
      %get3A_557 = vector.load %arg9[%get3A_555, %get3A_556] : memref<64x128xf32, #tpu.memory_space<vmem>>, vector<1x128xf32>
      %max3A_558 = arith.maximumf %get3A_557, %broadcast_in_dim3A_554 : vector<1x128xf32>
      %swap3A = arith.constant 38 : index
      %swap3A_559 = arith.constant 0 : index
      %swap3A_560 = vector.load %arg9[%swap3A, %swap3A_559] : memref<64x128xf32, #tpu.memory_space<vmem>>, vector<1x128xf32>
      tpu.vector_store %arg9[%swap3A, %swap3A_559], %max3A_558 {strides = array<i32>} : memref<64x128xf32, #tpu.memory_space<vmem>>, vector<1x128xf32>,
    } else {
    }
    %le3A_342 = arith.constant 39 : i32
    %le3A_343 = arith.cmpi sle, %reduce_min3A_28, %le3A_342 : i32
    %ge3A_344 = arith.constant 39 : i32
    %ge3A_345 = arith.cmpi sge, %reduce_max3A_32, %ge3A_344 : i32
    %and3A_346 = arith.andi %le3A_343, %ge3A_345 : i1
    %convert_element_type3A_347 = arith.extui %and3A_346 : i1 to i32
    %cond3A_348 = arith.constant 0 : i32
    %cond3A_349 = arith.cmpi ne, %convert_element_type3A_347, %cond3A_348 : i32
    scf.if %cond3A_349 {
      %eq3A_547 = arith.constant 39 : i32
      %eq3A_548 = vector.broadcast %eq3A_547 : i32 to vector<2000x1xi32>
      %eq3A_549 = arith.cmpi eq, %get3A_22, %eq3A_548 : vector<2000x1xi32>
      %jit3A = arith.constant 0xFF800000 : f32
      %broadcast_in_dim3A = vector.shape_cast %eq3A_549 : vector<2000x1xi1> to vector<2000x1xi1>
      %broadcast_in_dim3A_550 = vector.broadcast %broadcast_in_dim3A : vector<2000x1xi1> to vector<2000x128xi1>
      %broadcast_in_dim3A_551 = vector.broadcast %jit3A : f32 to vector<2000x128xf32>
      %select_n3A = arith.select %broadcast_in_dim3A_550, %max3A_19, %broadcast_in_dim3A_551 : vector<2000x128xi1>, vector<2000x128xf32>
      %reduce_max3A_552 = arith.constant dense<0xFF800000> : vector<128xf32>
      %reduce_max3A_553 = vector.multi_reduction <maximumf>, %select_n3A, %reduce_max3A_552 [0] : vector<2000x128xf32> to vector<128xf32>
      %broadcast_in_dim3A_554 = vector.shape_cast %reduce_max3A_553 : vector<128xf32> to vector<1x128xf32>
      %get3A_555 = arith.constant 39 : index
      %get3A_556 = arith.constant 0 : index
      %get3A_557 = vector.load %arg9[%get3A_555, %get3A_556] : memref<64x128xf32, #tpu.memory_space<vmem>>, vector<1x128xf32>
      %max3A_558 = arith.maximumf %get3A_557, %broadcast_in_dim3A_554 : vector<1x128xf32>
      %swap3A = arith.constant 39 : index
      %swap3A_559 = arith.constant 0 : index
      %swap3A_560 = vector.load %arg9[%swap3A, %swap3A_559] : memref<64x128xf32, #tpu.memory_space<vmem>>, vector<1x128xf32>
      tpu.vector_store %arg9[%swap3A, %swap3A_559], %max3A_558 {strides = array<i32>} : memref<64x128xf32, #tpu.memory_space<vmem>>, vector<1x128xf32>,
    } else {
    }
    %le3A_350 = arith.constant 40 : i32
    %le3A_351 = arith.cmpi sle, %reduce_min3A_28, %le3A_350 : i32
    %ge3A_352 = arith.constant 40 : i32
    %ge3A_353 = arith.cmpi sge, %reduce_max3A_32, %ge3A_352 : i32
    %and3A_354 = arith.andi %le3A_351, %ge3A_353 : i1
    %convert_element_type3A_355 = arith.extui %and3A_354 : i1 to i32
    %cond3A_356 = arith.constant 0 : i32
    %cond3A_357 = arith.cmpi ne, %convert_element_type3A_355, %cond3A_356 : i32
    scf.if %cond3A_357 {
      %eq3A_547 = arith.constant 40 : i32
      %eq3A_548 = vector.broadcast %eq3A_547 : i32 to vector<2000x1xi32>
      %eq3A_549 = arith.cmpi eq, %get3A_22, %eq3A_548 : vector<2000x1xi32>
      %jit3A = arith.constant 0xFF800000 : f32
      %broadcast_in_dim3A = vector.shape_cast %eq3A_549 : vector<2000x1xi1> to vector<2000x1xi1>
      %broadcast_in_dim3A_550 = vector.broadcast %broadcast_in_dim3A : vector<2000x1xi1> to vector<2000x128xi1>
      %broadcast_in_dim3A_551 = vector.broadcast %jit3A : f32 to vector<2000x128xf32>
      %select_n3A = arith.select %broadcast_in_dim3A_550, %max3A_19, %broadcast_in_dim3A_551 : vector<2000x128xi1>, vector<2000x128xf32>
      %reduce_max3A_552 = arith.constant dense<0xFF800000> : vector<128xf32>
      %reduce_max3A_553 = vector.multi_reduction <maximumf>, %select_n3A, %reduce_max3A_552 [0] : vector<2000x128xf32> to vector<128xf32>
      %broadcast_in_dim3A_554 = vector.shape_cast %reduce_max3A_553 : vector<128xf32> to vector<1x128xf32>
      %get3A_555 = arith.constant 40 : index
      %get3A_556 = arith.constant 0 : index
      %get3A_557 = vector.load %arg9[%get3A_555, %get3A_556] : memref<64x128xf32, #tpu.memory_space<vmem>>, vector<1x128xf32>
      %max3A_558 = arith.maximumf %get3A_557, %broadcast_in_dim3A_554 : vector<1x128xf32>
      %swap3A = arith.constant 40 : index
      %swap3A_559 = arith.constant 0 : index
      %swap3A_560 = vector.load %arg9[%swap3A, %swap3A_559] : memref<64x128xf32, #tpu.memory_space<vmem>>, vector<1x128xf32>
      tpu.vector_store %arg9[%swap3A, %swap3A_559], %max3A_558 {strides = array<i32>} : memref<64x128xf32, #tpu.memory_space<vmem>>, vector<1x128xf32>,
    } else {
    }
    %le3A_358 = arith.constant 41 : i32
    %le3A_359 = arith.cmpi sle, %reduce_min3A_28, %le3A_358 : i32
    %ge3A_360 = arith.constant 41 : i32
    %ge3A_361 = arith.cmpi sge, %reduce_max3A_32, %ge3A_360 : i32
    %and3A_362 = arith.andi %le3A_359, %ge3A_361 : i1
    %convert_element_type3A_363 = arith.extui %and3A_362 : i1 to i32
    %cond3A_364 = arith.constant 0 : i32
    %cond3A_365 = arith.cmpi ne, %convert_element_type3A_363, %cond3A_364 : i32
    scf.if %cond3A_365 {
      %eq3A_547 = arith.constant 41 : i32
      %eq3A_548 = vector.broadcast %eq3A_547 : i32 to vector<2000x1xi32>
      %eq3A_549 = arith.cmpi eq, %get3A_22, %eq3A_548 : vector<2000x1xi32>
      %jit3A = arith.constant 0xFF800000 : f32
      %broadcast_in_dim3A = vector.shape_cast %eq3A_549 : vector<2000x1xi1> to vector<2000x1xi1>
      %broadcast_in_dim3A_550 = vector.broadcast %broadcast_in_dim3A : vector<2000x1xi1> to vector<2000x128xi1>
      %broadcast_in_dim3A_551 = vector.broadcast %jit3A : f32 to vector<2000x128xf32>
      %select_n3A = arith.select %broadcast_in_dim3A_550, %max3A_19, %broadcast_in_dim3A_551 : vector<2000x128xi1>, vector<2000x128xf32>
      %reduce_max3A_552 = arith.constant dense<0xFF800000> : vector<128xf32>
      %reduce_max3A_553 = vector.multi_reduction <maximumf>, %select_n3A, %reduce_max3A_552 [0] : vector<2000x128xf32> to vector<128xf32>
      %broadcast_in_dim3A_554 = vector.shape_cast %reduce_max3A_553 : vector<128xf32> to vector<1x128xf32>
      %get3A_555 = arith.constant 41 : index
      %get3A_556 = arith.constant 0 : index
      %get3A_557 = vector.load %arg9[%get3A_555, %get3A_556] : memref<64x128xf32, #tpu.memory_space<vmem>>, vector<1x128xf32>
      %max3A_558 = arith.maximumf %get3A_557, %broadcast_in_dim3A_554 : vector<1x128xf32>
      %swap3A = arith.constant 41 : index
      %swap3A_559 = arith.constant 0 : index
      %swap3A_560 = vector.load %arg9[%swap3A, %swap3A_559] : memref<64x128xf32, #tpu.memory_space<vmem>>, vector<1x128xf32>
      tpu.vector_store %arg9[%swap3A, %swap3A_559], %max3A_558 {strides = array<i32>} : memref<64x128xf32, #tpu.memory_space<vmem>>, vector<1x128xf32>,
    } else {
    }
    %le3A_366 = arith.constant 42 : i32
    %le3A_367 = arith.cmpi sle, %reduce_min3A_28, %le3A_366 : i32
    %ge3A_368 = arith.constant 42 : i32
    %ge3A_369 = arith.cmpi sge, %reduce_max3A_32, %ge3A_368 : i32
    %and3A_370 = arith.andi %le3A_367, %ge3A_369 : i1
    %convert_element_type3A_371 = arith.extui %and3A_370 : i1 to i32
    %cond3A_372 = arith.constant 0 : i32
    %cond3A_373 = arith.cmpi ne, %convert_element_type3A_371, %cond3A_372 : i32
    scf.if %cond3A_373 {
      %eq3A_547 = arith.constant 42 : i32
      %eq3A_548 = vector.broadcast %eq3A_547 : i32 to vector<2000x1xi32>
      %eq3A_549 = arith.cmpi eq, %get3A_22, %eq3A_548 : vector<2000x1xi32>
      %jit3A = arith.constant 0xFF800000 : f32
      %broadcast_in_dim3A = vector.shape_cast %eq3A_549 : vector<2000x1xi1> to vector<2000x1xi1>
      %broadcast_in_dim3A_550 = vector.broadcast %broadcast_in_dim3A : vector<2000x1xi1> to vector<2000x128xi1>
      %broadcast_in_dim3A_551 = vector.broadcast %jit3A : f32 to vector<2000x128xf32>
      %select_n3A = arith.select %broadcast_in_dim3A_550, %max3A_19, %broadcast_in_dim3A_551 : vector<2000x128xi1>, vector<2000x128xf32>
      %reduce_max3A_552 = arith.constant dense<0xFF800000> : vector<128xf32>
      %reduce_max3A_553 = vector.multi_reduction <maximumf>, %select_n3A, %reduce_max3A_552 [0] : vector<2000x128xf32> to vector<128xf32>
      %broadcast_in_dim3A_554 = vector.shape_cast %reduce_max3A_553 : vector<128xf32> to vector<1x128xf32>
      %get3A_555 = arith.constant 42 : index
      %get3A_556 = arith.constant 0 : index
      %get3A_557 = vector.load %arg9[%get3A_555, %get3A_556] : memref<64x128xf32, #tpu.memory_space<vmem>>, vector<1x128xf32>
      %max3A_558 = arith.maximumf %get3A_557, %broadcast_in_dim3A_554 : vector<1x128xf32>
      %swap3A = arith.constant 42 : index
      %swap3A_559 = arith.constant 0 : index
      %swap3A_560 = vector.load %arg9[%swap3A, %swap3A_559] : memref<64x128xf32, #tpu.memory_space<vmem>>, vector<1x128xf32>
      tpu.vector_store %arg9[%swap3A, %swap3A_559], %max3A_558 {strides = array<i32>} : memref<64x128xf32, #tpu.memory_space<vmem>>, vector<1x128xf32>,
    } else {
    }
    %le3A_374 = arith.constant 43 : i32
    %le3A_375 = arith.cmpi sle, %reduce_min3A_28, %le3A_374 : i32
    %ge3A_376 = arith.constant 43 : i32
    %ge3A_377 = arith.cmpi sge, %reduce_max3A_32, %ge3A_376 : i32
    %and3A_378 = arith.andi %le3A_375, %ge3A_377 : i1
    %convert_element_type3A_379 = arith.extui %and3A_378 : i1 to i32
    %cond3A_380 = arith.constant 0 : i32
    %cond3A_381 = arith.cmpi ne, %convert_element_type3A_379, %cond3A_380 : i32
    scf.if %cond3A_381 {
      %eq3A_547 = arith.constant 43 : i32
      %eq3A_548 = vector.broadcast %eq3A_547 : i32 to vector<2000x1xi32>
      %eq3A_549 = arith.cmpi eq, %get3A_22, %eq3A_548 : vector<2000x1xi32>
      %jit3A = arith.constant 0xFF800000 : f32
      %broadcast_in_dim3A = vector.shape_cast %eq3A_549 : vector<2000x1xi1> to vector<2000x1xi1>
      %broadcast_in_dim3A_550 = vector.broadcast %broadcast_in_dim3A : vector<2000x1xi1> to vector<2000x128xi1>
      %broadcast_in_dim3A_551 = vector.broadcast %jit3A : f32 to vector<2000x128xf32>
      %select_n3A = arith.select %broadcast_in_dim3A_550, %max3A_19, %broadcast_in_dim3A_551 : vector<2000x128xi1>, vector<2000x128xf32>
      %reduce_max3A_552 = arith.constant dense<0xFF800000> : vector<128xf32>
      %reduce_max3A_553 = vector.multi_reduction <maximumf>, %select_n3A, %reduce_max3A_552 [0] : vector<2000x128xf32> to vector<128xf32>
      %broadcast_in_dim3A_554 = vector.shape_cast %reduce_max3A_553 : vector<128xf32> to vector<1x128xf32>
      %get3A_555 = arith.constant 43 : index
      %get3A_556 = arith.constant 0 : index
      %get3A_557 = vector.load %arg9[%get3A_555, %get3A_556] : memref<64x128xf32, #tpu.memory_space<vmem>>, vector<1x128xf32>
      %max3A_558 = arith.maximumf %get3A_557, %broadcast_in_dim3A_554 : vector<1x128xf32>
      %swap3A = arith.constant 43 : index
      %swap3A_559 = arith.constant 0 : index
      %swap3A_560 = vector.load %arg9[%swap3A, %swap3A_559] : memref<64x128xf32, #tpu.memory_space<vmem>>, vector<1x128xf32>
      tpu.vector_store %arg9[%swap3A, %swap3A_559], %max3A_558 {strides = array<i32>} : memref<64x128xf32, #tpu.memory_space<vmem>>, vector<1x128xf32>,
    } else {
    }
    %le3A_382 = arith.constant 44 : i32
    %le3A_383 = arith.cmpi sle, %reduce_min3A_28, %le3A_382 : i32
    %ge3A_384 = arith.constant 44 : i32
    %ge3A_385 = arith.cmpi sge, %reduce_max3A_32, %ge3A_384 : i32
    %and3A_386 = arith.andi %le3A_383, %ge3A_385 : i1
    %convert_element_type3A_387 = arith.extui %and3A_386 : i1 to i32
    %cond3A_388 = arith.constant 0 : i32
    %cond3A_389 = arith.cmpi ne, %convert_element_type3A_387, %cond3A_388 : i32
    scf.if %cond3A_389 {
      %eq3A_547 = arith.constant 44 : i32
      %eq3A_548 = vector.broadcast %eq3A_547 : i32 to vector<2000x1xi32>
      %eq3A_549 = arith.cmpi eq, %get3A_22, %eq3A_548 : vector<2000x1xi32>
      %jit3A = arith.constant 0xFF800000 : f32
      %broadcast_in_dim3A = vector.shape_cast %eq3A_549 : vector<2000x1xi1> to vector<2000x1xi1>
      %broadcast_in_dim3A_550 = vector.broadcast %broadcast_in_dim3A : vector<2000x1xi1> to vector<2000x128xi1>
      %broadcast_in_dim3A_551 = vector.broadcast %jit3A : f32 to vector<2000x128xf32>
      %select_n3A = arith.select %broadcast_in_dim3A_550, %max3A_19, %broadcast_in_dim3A_551 : vector<2000x128xi1>, vector<2000x128xf32>
      %reduce_max3A_552 = arith.constant dense<0xFF800000> : vector<128xf32>
      %reduce_max3A_553 = vector.multi_reduction <maximumf>, %select_n3A, %reduce_max3A_552 [0] : vector<2000x128xf32> to vector<128xf32>
      %broadcast_in_dim3A_554 = vector.shape_cast %reduce_max3A_553 : vector<128xf32> to vector<1x128xf32>
      %get3A_555 = arith.constant 44 : index
      %get3A_556 = arith.constant 0 : index
      %get3A_557 = vector.load %arg9[%get3A_555, %get3A_556] : memref<64x128xf32, #tpu.memory_space<vmem>>, vector<1x128xf32>
      %max3A_558 = arith.maximumf %get3A_557, %broadcast_in_dim3A_554 : vector<1x128xf32>
      %swap3A = arith.constant 44 : index
      %swap3A_559 = arith.constant 0 : index
      %swap3A_560 = vector.load %arg9[%swap3A, %swap3A_559] : memref<64x128xf32, #tpu.memory_space<vmem>>, vector<1x128xf32>
      tpu.vector_store %arg9[%swap3A, %swap3A_559], %max3A_558 {strides = array<i32>} : memref<64x128xf32, #tpu.memory_space<vmem>>, vector<1x128xf32>,
    } else {
    }
    %le3A_390 = arith.constant 45 : i32
    %le3A_391 = arith.cmpi sle, %reduce_min3A_28, %le3A_390 : i32
    %ge3A_392 = arith.constant 45 : i32
    %ge3A_393 = arith.cmpi sge, %reduce_max3A_32, %ge3A_392 : i32
    %and3A_394 = arith.andi %le3A_391, %ge3A_393 : i1
    %convert_element_type3A_395 = arith.extui %and3A_394 : i1 to i32
    %cond3A_396 = arith.constant 0 : i32
    %cond3A_397 = arith.cmpi ne, %convert_element_type3A_395, %cond3A_396 : i32
    scf.if %cond3A_397 {
      %eq3A_547 = arith.constant 45 : i32
      %eq3A_548 = vector.broadcast %eq3A_547 : i32 to vector<2000x1xi32>
      %eq3A_549 = arith.cmpi eq, %get3A_22, %eq3A_548 : vector<2000x1xi32>
      %jit3A = arith.constant 0xFF800000 : f32
      %broadcast_in_dim3A = vector.shape_cast %eq3A_549 : vector<2000x1xi1> to vector<2000x1xi1>
      %broadcast_in_dim3A_550 = vector.broadcast %broadcast_in_dim3A : vector<2000x1xi1> to vector<2000x128xi1>
      %broadcast_in_dim3A_551 = vector.broadcast %jit3A : f32 to vector<2000x128xf32>
      %select_n3A = arith.select %broadcast_in_dim3A_550, %max3A_19, %broadcast_in_dim3A_551 : vector<2000x128xi1>, vector<2000x128xf32>
      %reduce_max3A_552 = arith.constant dense<0xFF800000> : vector<128xf32>
      %reduce_max3A_553 = vector.multi_reduction <maximumf>, %select_n3A, %reduce_max3A_552 [0] : vector<2000x128xf32> to vector<128xf32>
      %broadcast_in_dim3A_554 = vector.shape_cast %reduce_max3A_553 : vector<128xf32> to vector<1x128xf32>
      %get3A_555 = arith.constant 45 : index
      %get3A_556 = arith.constant 0 : index
      %get3A_557 = vector.load %arg9[%get3A_555, %get3A_556] : memref<64x128xf32, #tpu.memory_space<vmem>>, vector<1x128xf32>
      %max3A_558 = arith.maximumf %get3A_557, %broadcast_in_dim3A_554 : vector<1x128xf32>
      %swap3A = arith.constant 45 : index
      %swap3A_559 = arith.constant 0 : index
      %swap3A_560 = vector.load %arg9[%swap3A, %swap3A_559] : memref<64x128xf32, #tpu.memory_space<vmem>>, vector<1x128xf32>
      tpu.vector_store %arg9[%swap3A, %swap3A_559], %max3A_558 {strides = array<i32>} : memref<64x128xf32, #tpu.memory_space<vmem>>, vector<1x128xf32>,
    } else {
    }
    %le3A_398 = arith.constant 46 : i32
    %le3A_399 = arith.cmpi sle, %reduce_min3A_28, %le3A_398 : i32
    %ge3A_400 = arith.constant 46 : i32
    %ge3A_401 = arith.cmpi sge, %reduce_max3A_32, %ge3A_400 : i32
    %and3A_402 = arith.andi %le3A_399, %ge3A_401 : i1
    %convert_element_type3A_403 = arith.extui %and3A_402 : i1 to i32
    %cond3A_404 = arith.constant 0 : i32
    %cond3A_405 = arith.cmpi ne, %convert_element_type3A_403, %cond3A_404 : i32
    scf.if %cond3A_405 {
      %eq3A_547 = arith.constant 46 : i32
      %eq3A_548 = vector.broadcast %eq3A_547 : i32 to vector<2000x1xi32>
      %eq3A_549 = arith.cmpi eq, %get3A_22, %eq3A_548 : vector<2000x1xi32>
      %jit3A = arith.constant 0xFF800000 : f32
      %broadcast_in_dim3A = vector.shape_cast %eq3A_549 : vector<2000x1xi1> to vector<2000x1xi1>
      %broadcast_in_dim3A_550 = vector.broadcast %broadcast_in_dim3A : vector<2000x1xi1> to vector<2000x128xi1>
      %broadcast_in_dim3A_551 = vector.broadcast %jit3A : f32 to vector<2000x128xf32>
      %select_n3A = arith.select %broadcast_in_dim3A_550, %max3A_19, %broadcast_in_dim3A_551 : vector<2000x128xi1>, vector<2000x128xf32>
      %reduce_max3A_552 = arith.constant dense<0xFF800000> : vector<128xf32>
      %reduce_max3A_553 = vector.multi_reduction <maximumf>, %select_n3A, %reduce_max3A_552 [0] : vector<2000x128xf32> to vector<128xf32>
      %broadcast_in_dim3A_554 = vector.shape_cast %reduce_max3A_553 : vector<128xf32> to vector<1x128xf32>
      %get3A_555 = arith.constant 46 : index
      %get3A_556 = arith.constant 0 : index
      %get3A_557 = vector.load %arg9[%get3A_555, %get3A_556] : memref<64x128xf32, #tpu.memory_space<vmem>>, vector<1x128xf32>
      %max3A_558 = arith.maximumf %get3A_557, %broadcast_in_dim3A_554 : vector<1x128xf32>
      %swap3A = arith.constant 46 : index
      %swap3A_559 = arith.constant 0 : index
      %swap3A_560 = vector.load %arg9[%swap3A, %swap3A_559] : memref<64x128xf32, #tpu.memory_space<vmem>>, vector<1x128xf32>
      tpu.vector_store %arg9[%swap3A, %swap3A_559], %max3A_558 {strides = array<i32>} : memref<64x128xf32, #tpu.memory_space<vmem>>, vector<1x128xf32>,
    } else {
    }
    %le3A_406 = arith.constant 47 : i32
    %le3A_407 = arith.cmpi sle, %reduce_min3A_28, %le3A_406 : i32
    %ge3A_408 = arith.constant 47 : i32
    %ge3A_409 = arith.cmpi sge, %reduce_max3A_32, %ge3A_408 : i32
    %and3A_410 = arith.andi %le3A_407, %ge3A_409 : i1
    %convert_element_type3A_411 = arith.extui %and3A_410 : i1 to i32
    %cond3A_412 = arith.constant 0 : i32
    %cond3A_413 = arith.cmpi ne, %convert_element_type3A_411, %cond3A_412 : i32
    scf.if %cond3A_413 {
      %eq3A_547 = arith.constant 47 : i32
      %eq3A_548 = vector.broadcast %eq3A_547 : i32 to vector<2000x1xi32>
      %eq3A_549 = arith.cmpi eq, %get3A_22, %eq3A_548 : vector<2000x1xi32>
      %jit3A = arith.constant 0xFF800000 : f32
      %broadcast_in_dim3A = vector.shape_cast %eq3A_549 : vector<2000x1xi1> to vector<2000x1xi1>
      %broadcast_in_dim3A_550 = vector.broadcast %broadcast_in_dim3A : vector<2000x1xi1> to vector<2000x128xi1>
      %broadcast_in_dim3A_551 = vector.broadcast %jit3A : f32 to vector<2000x128xf32>
      %select_n3A = arith.select %broadcast_in_dim3A_550, %max3A_19, %broadcast_in_dim3A_551 : vector<2000x128xi1>, vector<2000x128xf32>
      %reduce_max3A_552 = arith.constant dense<0xFF800000> : vector<128xf32>
      %reduce_max3A_553 = vector.multi_reduction <maximumf>, %select_n3A, %reduce_max3A_552 [0] : vector<2000x128xf32> to vector<128xf32>
      %broadcast_in_dim3A_554 = vector.shape_cast %reduce_max3A_553 : vector<128xf32> to vector<1x128xf32>
      %get3A_555 = arith.constant 47 : index
      %get3A_556 = arith.constant 0 : index
      %get3A_557 = vector.load %arg9[%get3A_555, %get3A_556] : memref<64x128xf32, #tpu.memory_space<vmem>>, vector<1x128xf32>
      %max3A_558 = arith.maximumf %get3A_557, %broadcast_in_dim3A_554 : vector<1x128xf32>
      %swap3A = arith.constant 47 : index
      %swap3A_559 = arith.constant 0 : index
      %swap3A_560 = vector.load %arg9[%swap3A, %swap3A_559] : memref<64x128xf32, #tpu.memory_space<vmem>>, vector<1x128xf32>
      tpu.vector_store %arg9[%swap3A, %swap3A_559], %max3A_558 {strides = array<i32>} : memref<64x128xf32, #tpu.memory_space<vmem>>, vector<1x128xf32>,
    } else {
    }
    %le3A_414 = arith.constant 48 : i32
    %le3A_415 = arith.cmpi sle, %reduce_min3A_28, %le3A_414 : i32
    %ge3A_416 = arith.constant 48 : i32
    %ge3A_417 = arith.cmpi sge, %reduce_max3A_32, %ge3A_416 : i32
    %and3A_418 = arith.andi %le3A_415, %ge3A_417 : i1
    %convert_element_type3A_419 = arith.extui %and3A_418 : i1 to i32
    %cond3A_420 = arith.constant 0 : i32
    %cond3A_421 = arith.cmpi ne, %convert_element_type3A_419, %cond3A_420 : i32
    scf.if %cond3A_421 {
      %eq3A_547 = arith.constant 48 : i32
      %eq3A_548 = vector.broadcast %eq3A_547 : i32 to vector<2000x1xi32>
      %eq3A_549 = arith.cmpi eq, %get3A_22, %eq3A_548 : vector<2000x1xi32>
      %jit3A = arith.constant 0xFF800000 : f32
      %broadcast_in_dim3A = vector.shape_cast %eq3A_549 : vector<2000x1xi1> to vector<2000x1xi1>
      %broadcast_in_dim3A_550 = vector.broadcast %broadcast_in_dim3A : vector<2000x1xi1> to vector<2000x128xi1>
      %broadcast_in_dim3A_551 = vector.broadcast %jit3A : f32 to vector<2000x128xf32>
      %select_n3A = arith.select %broadcast_in_dim3A_550, %max3A_19, %broadcast_in_dim3A_551 : vector<2000x128xi1>, vector<2000x128xf32>
      %reduce_max3A_552 = arith.constant dense<0xFF800000> : vector<128xf32>
      %reduce_max3A_553 = vector.multi_reduction <maximumf>, %select_n3A, %reduce_max3A_552 [0] : vector<2000x128xf32> to vector<128xf32>
      %broadcast_in_dim3A_554 = vector.shape_cast %reduce_max3A_553 : vector<128xf32> to vector<1x128xf32>
      %get3A_555 = arith.constant 48 : index
      %get3A_556 = arith.constant 0 : index
      %get3A_557 = vector.load %arg9[%get3A_555, %get3A_556] : memref<64x128xf32, #tpu.memory_space<vmem>>, vector<1x128xf32>
      %max3A_558 = arith.maximumf %get3A_557, %broadcast_in_dim3A_554 : vector<1x128xf32>
      %swap3A = arith.constant 48 : index
      %swap3A_559 = arith.constant 0 : index
      %swap3A_560 = vector.load %arg9[%swap3A, %swap3A_559] : memref<64x128xf32, #tpu.memory_space<vmem>>, vector<1x128xf32>
      tpu.vector_store %arg9[%swap3A, %swap3A_559], %max3A_558 {strides = array<i32>} : memref<64x128xf32, #tpu.memory_space<vmem>>, vector<1x128xf32>,
    } else {
    }
    %le3A_422 = arith.constant 49 : i32
    %le3A_423 = arith.cmpi sle, %reduce_min3A_28, %le3A_422 : i32
    %ge3A_424 = arith.constant 49 : i32
    %ge3A_425 = arith.cmpi sge, %reduce_max3A_32, %ge3A_424 : i32
    %and3A_426 = arith.andi %le3A_423, %ge3A_425 : i1
    %convert_element_type3A_427 = arith.extui %and3A_426 : i1 to i32
    %cond3A_428 = arith.constant 0 : i32
    %cond3A_429 = arith.cmpi ne, %convert_element_type3A_427, %cond3A_428 : i32
    scf.if %cond3A_429 {
      %eq3A_547 = arith.constant 49 : i32
      %eq3A_548 = vector.broadcast %eq3A_547 : i32 to vector<2000x1xi32>
      %eq3A_549 = arith.cmpi eq, %get3A_22, %eq3A_548 : vector<2000x1xi32>
      %jit3A = arith.constant 0xFF800000 : f32
      %broadcast_in_dim3A = vector.shape_cast %eq3A_549 : vector<2000x1xi1> to vector<2000x1xi1>
      %broadcast_in_dim3A_550 = vector.broadcast %broadcast_in_dim3A : vector<2000x1xi1> to vector<2000x128xi1>
      %broadcast_in_dim3A_551 = vector.broadcast %jit3A : f32 to vector<2000x128xf32>
      %select_n3A = arith.select %broadcast_in_dim3A_550, %max3A_19, %broadcast_in_dim3A_551 : vector<2000x128xi1>, vector<2000x128xf32>
      %reduce_max3A_552 = arith.constant dense<0xFF800000> : vector<128xf32>
      %reduce_max3A_553 = vector.multi_reduction <maximumf>, %select_n3A, %reduce_max3A_552 [0] : vector<2000x128xf32> to vector<128xf32>
      %broadcast_in_dim3A_554 = vector.shape_cast %reduce_max3A_553 : vector<128xf32> to vector<1x128xf32>
      %get3A_555 = arith.constant 49 : index
      %get3A_556 = arith.constant 0 : index
      %get3A_557 = vector.load %arg9[%get3A_555, %get3A_556] : memref<64x128xf32, #tpu.memory_space<vmem>>, vector<1x128xf32>
      %max3A_558 = arith.maximumf %get3A_557, %broadcast_in_dim3A_554 : vector<1x128xf32>
      %swap3A = arith.constant 49 : index
      %swap3A_559 = arith.constant 0 : index
      %swap3A_560 = vector.load %arg9[%swap3A, %swap3A_559] : memref<64x128xf32, #tpu.memory_space<vmem>>, vector<1x128xf32>
      tpu.vector_store %arg9[%swap3A, %swap3A_559], %max3A_558 {strides = array<i32>} : memref<64x128xf32, #tpu.memory_space<vmem>>, vector<1x128xf32>,
    } else {
    }
    %le3A_430 = arith.constant 50 : i32
    %le3A_431 = arith.cmpi sle, %reduce_min3A_28, %le3A_430 : i32
    %ge3A_432 = arith.constant 50 : i32
    %ge3A_433 = arith.cmpi sge, %reduce_max3A_32, %ge3A_432 : i32
    %and3A_434 = arith.andi %le3A_431, %ge3A_433 : i1
    %convert_element_type3A_435 = arith.extui %and3A_434 : i1 to i32
    %cond3A_436 = arith.constant 0 : i32
    %cond3A_437 = arith.cmpi ne, %convert_element_type3A_435, %cond3A_436 : i32
    scf.if %cond3A_437 {
      %eq3A_547 = arith.constant 50 : i32
      %eq3A_548 = vector.broadcast %eq3A_547 : i32 to vector<2000x1xi32>
      %eq3A_549 = arith.cmpi eq, %get3A_22, %eq3A_548 : vector<2000x1xi32>
      %jit3A = arith.constant 0xFF800000 : f32
      %broadcast_in_dim3A = vector.shape_cast %eq3A_549 : vector<2000x1xi1> to vector<2000x1xi1>
      %broadcast_in_dim3A_550 = vector.broadcast %broadcast_in_dim3A : vector<2000x1xi1> to vector<2000x128xi1>
      %broadcast_in_dim3A_551 = vector.broadcast %jit3A : f32 to vector<2000x128xf32>
      %select_n3A = arith.select %broadcast_in_dim3A_550, %max3A_19, %broadcast_in_dim3A_551 : vector<2000x128xi1>, vector<2000x128xf32>
      %reduce_max3A_552 = arith.constant dense<0xFF800000> : vector<128xf32>
      %reduce_max3A_553 = vector.multi_reduction <maximumf>, %select_n3A, %reduce_max3A_552 [0] : vector<2000x128xf32> to vector<128xf32>
      %broadcast_in_dim3A_554 = vector.shape_cast %reduce_max3A_553 : vector<128xf32> to vector<1x128xf32>
      %get3A_555 = arith.constant 50 : index
      %get3A_556 = arith.constant 0 : index
      %get3A_557 = vector.load %arg9[%get3A_555, %get3A_556] : memref<64x128xf32, #tpu.memory_space<vmem>>, vector<1x128xf32>
      %max3A_558 = arith.maximumf %get3A_557, %broadcast_in_dim3A_554 : vector<1x128xf32>
      %swap3A = arith.constant 50 : index
      %swap3A_559 = arith.constant 0 : index
      %swap3A_560 = vector.load %arg9[%swap3A, %swap3A_559] : memref<64x128xf32, #tpu.memory_space<vmem>>, vector<1x128xf32>
      tpu.vector_store %arg9[%swap3A, %swap3A_559], %max3A_558 {strides = array<i32>} : memref<64x128xf32, #tpu.memory_space<vmem>>, vector<1x128xf32>,
    } else {
    }
    %le3A_438 = arith.constant 51 : i32
    %le3A_439 = arith.cmpi sle, %reduce_min3A_28, %le3A_438 : i32
    %ge3A_440 = arith.constant 51 : i32
    %ge3A_441 = arith.cmpi sge, %reduce_max3A_32, %ge3A_440 : i32
    %and3A_442 = arith.andi %le3A_439, %ge3A_441 : i1
    %convert_element_type3A_443 = arith.extui %and3A_442 : i1 to i32
    %cond3A_444 = arith.constant 0 : i32
    %cond3A_445 = arith.cmpi ne, %convert_element_type3A_443, %cond3A_444 : i32
    scf.if %cond3A_445 {
      %eq3A_547 = arith.constant 51 : i32
      %eq3A_548 = vector.broadcast %eq3A_547 : i32 to vector<2000x1xi32>
      %eq3A_549 = arith.cmpi eq, %get3A_22, %eq3A_548 : vector<2000x1xi32>
      %jit3A = arith.constant 0xFF800000 : f32
      %broadcast_in_dim3A = vector.shape_cast %eq3A_549 : vector<2000x1xi1> to vector<2000x1xi1>
      %broadcast_in_dim3A_550 = vector.broadcast %broadcast_in_dim3A : vector<2000x1xi1> to vector<2000x128xi1>
      %broadcast_in_dim3A_551 = vector.broadcast %jit3A : f32 to vector<2000x128xf32>
      %select_n3A = arith.select %broadcast_in_dim3A_550, %max3A_19, %broadcast_in_dim3A_551 : vector<2000x128xi1>, vector<2000x128xf32>
      %reduce_max3A_552 = arith.constant dense<0xFF800000> : vector<128xf32>
      %reduce_max3A_553 = vector.multi_reduction <maximumf>, %select_n3A, %reduce_max3A_552 [0] : vector<2000x128xf32> to vector<128xf32>
      %broadcast_in_dim3A_554 = vector.shape_cast %reduce_max3A_553 : vector<128xf32> to vector<1x128xf32>
      %get3A_555 = arith.constant 51 : index
      %get3A_556 = arith.constant 0 : index
      %get3A_557 = vector.load %arg9[%get3A_555, %get3A_556] : memref<64x128xf32, #tpu.memory_space<vmem>>, vector<1x128xf32>
      %max3A_558 = arith.maximumf %get3A_557, %broadcast_in_dim3A_554 : vector<1x128xf32>
      %swap3A = arith.constant 51 : index
      %swap3A_559 = arith.constant 0 : index
      %swap3A_560 = vector.load %arg9[%swap3A, %swap3A_559] : memref<64x128xf32, #tpu.memory_space<vmem>>, vector<1x128xf32>
      tpu.vector_store %arg9[%swap3A, %swap3A_559], %max3A_558 {strides = array<i32>} : memref<64x128xf32, #tpu.memory_space<vmem>>, vector<1x128xf32>,
    } else {
    }
    %le3A_446 = arith.constant 52 : i32
    %le3A_447 = arith.cmpi sle, %reduce_min3A_28, %le3A_446 : i32
    %ge3A_448 = arith.constant 52 : i32
    %ge3A_449 = arith.cmpi sge, %reduce_max3A_32, %ge3A_448 : i32
    %and3A_450 = arith.andi %le3A_447, %ge3A_449 : i1
    %convert_element_type3A_451 = arith.extui %and3A_450 : i1 to i32
    %cond3A_452 = arith.constant 0 : i32
    %cond3A_453 = arith.cmpi ne, %convert_element_type3A_451, %cond3A_452 : i32
    scf.if %cond3A_453 {
      %eq3A_547 = arith.constant 52 : i32
      %eq3A_548 = vector.broadcast %eq3A_547 : i32 to vector<2000x1xi32>
      %eq3A_549 = arith.cmpi eq, %get3A_22, %eq3A_548 : vector<2000x1xi32>
      %jit3A = arith.constant 0xFF800000 : f32
      %broadcast_in_dim3A = vector.shape_cast %eq3A_549 : vector<2000x1xi1> to vector<2000x1xi1>
      %broadcast_in_dim3A_550 = vector.broadcast %broadcast_in_dim3A : vector<2000x1xi1> to vector<2000x128xi1>
      %broadcast_in_dim3A_551 = vector.broadcast %jit3A : f32 to vector<2000x128xf32>
      %select_n3A = arith.select %broadcast_in_dim3A_550, %max3A_19, %broadcast_in_dim3A_551 : vector<2000x128xi1>, vector<2000x128xf32>
      %reduce_max3A_552 = arith.constant dense<0xFF800000> : vector<128xf32>
      %reduce_max3A_553 = vector.multi_reduction <maximumf>, %select_n3A, %reduce_max3A_552 [0] : vector<2000x128xf32> to vector<128xf32>
      %broadcast_in_dim3A_554 = vector.shape_cast %reduce_max3A_553 : vector<128xf32> to vector<1x128xf32>
      %get3A_555 = arith.constant 52 : index
      %get3A_556 = arith.constant 0 : index
      %get3A_557 = vector.load %arg9[%get3A_555, %get3A_556] : memref<64x128xf32, #tpu.memory_space<vmem>>, vector<1x128xf32>
      %max3A_558 = arith.maximumf %get3A_557, %broadcast_in_dim3A_554 : vector<1x128xf32>
      %swap3A = arith.constant 52 : index
      %swap3A_559 = arith.constant 0 : index
      %swap3A_560 = vector.load %arg9[%swap3A, %swap3A_559] : memref<64x128xf32, #tpu.memory_space<vmem>>, vector<1x128xf32>
      tpu.vector_store %arg9[%swap3A, %swap3A_559], %max3A_558 {strides = array<i32>} : memref<64x128xf32, #tpu.memory_space<vmem>>, vector<1x128xf32>,
    } else {
    }
    %le3A_454 = arith.constant 53 : i32
    %le3A_455 = arith.cmpi sle, %reduce_min3A_28, %le3A_454 : i32
    %ge3A_456 = arith.constant 53 : i32
    %ge3A_457 = arith.cmpi sge, %reduce_max3A_32, %ge3A_456 : i32
    %and3A_458 = arith.andi %le3A_455, %ge3A_457 : i1
    %convert_element_type3A_459 = arith.extui %and3A_458 : i1 to i32
    %cond3A_460 = arith.constant 0 : i32
    %cond3A_461 = arith.cmpi ne, %convert_element_type3A_459, %cond3A_460 : i32
    scf.if %cond3A_461 {
      %eq3A_547 = arith.constant 53 : i32
      %eq3A_548 = vector.broadcast %eq3A_547 : i32 to vector<2000x1xi32>
      %eq3A_549 = arith.cmpi eq, %get3A_22, %eq3A_548 : vector<2000x1xi32>
      %jit3A = arith.constant 0xFF800000 : f32
      %broadcast_in_dim3A = vector.shape_cast %eq3A_549 : vector<2000x1xi1> to vector<2000x1xi1>
      %broadcast_in_dim3A_550 = vector.broadcast %broadcast_in_dim3A : vector<2000x1xi1> to vector<2000x128xi1>
      %broadcast_in_dim3A_551 = vector.broadcast %jit3A : f32 to vector<2000x128xf32>
      %select_n3A = arith.select %broadcast_in_dim3A_550, %max3A_19, %broadcast_in_dim3A_551 : vector<2000x128xi1>, vector<2000x128xf32>
      %reduce_max3A_552 = arith.constant dense<0xFF800000> : vector<128xf32>
      %reduce_max3A_553 = vector.multi_reduction <maximumf>, %select_n3A, %reduce_max3A_552 [0] : vector<2000x128xf32> to vector<128xf32>
      %broadcast_in_dim3A_554 = vector.shape_cast %reduce_max3A_553 : vector<128xf32> to vector<1x128xf32>
      %get3A_555 = arith.constant 53 : index
      %get3A_556 = arith.constant 0 : index
      %get3A_557 = vector.load %arg9[%get3A_555, %get3A_556] : memref<64x128xf32, #tpu.memory_space<vmem>>, vector<1x128xf32>
      %max3A_558 = arith.maximumf %get3A_557, %broadcast_in_dim3A_554 : vector<1x128xf32>
      %swap3A = arith.constant 53 : index
      %swap3A_559 = arith.constant 0 : index
      %swap3A_560 = vector.load %arg9[%swap3A, %swap3A_559] : memref<64x128xf32, #tpu.memory_space<vmem>>, vector<1x128xf32>
      tpu.vector_store %arg9[%swap3A, %swap3A_559], %max3A_558 {strides = array<i32>} : memref<64x128xf32, #tpu.memory_space<vmem>>, vector<1x128xf32>,
    } else {
    }
    %le3A_462 = arith.constant 54 : i32
    %le3A_463 = arith.cmpi sle, %reduce_min3A_28, %le3A_462 : i32
    %ge3A_464 = arith.constant 54 : i32
    %ge3A_465 = arith.cmpi sge, %reduce_max3A_32, %ge3A_464 : i32
    %and3A_466 = arith.andi %le3A_463, %ge3A_465 : i1
    %convert_element_type3A_467 = arith.extui %and3A_466 : i1 to i32
    %cond3A_468 = arith.constant 0 : i32
    %cond3A_469 = arith.cmpi ne, %convert_element_type3A_467, %cond3A_468 : i32
    scf.if %cond3A_469 {
      %eq3A_547 = arith.constant 54 : i32
      %eq3A_548 = vector.broadcast %eq3A_547 : i32 to vector<2000x1xi32>
      %eq3A_549 = arith.cmpi eq, %get3A_22, %eq3A_548 : vector<2000x1xi32>
      %jit3A = arith.constant 0xFF800000 : f32
      %broadcast_in_dim3A = vector.shape_cast %eq3A_549 : vector<2000x1xi1> to vector<2000x1xi1>
      %broadcast_in_dim3A_550 = vector.broadcast %broadcast_in_dim3A : vector<2000x1xi1> to vector<2000x128xi1>
      %broadcast_in_dim3A_551 = vector.broadcast %jit3A : f32 to vector<2000x128xf32>
      %select_n3A = arith.select %broadcast_in_dim3A_550, %max3A_19, %broadcast_in_dim3A_551 : vector<2000x128xi1>, vector<2000x128xf32>
      %reduce_max3A_552 = arith.constant dense<0xFF800000> : vector<128xf32>
      %reduce_max3A_553 = vector.multi_reduction <maximumf>, %select_n3A, %reduce_max3A_552 [0] : vector<2000x128xf32> to vector<128xf32>
      %broadcast_in_dim3A_554 = vector.shape_cast %reduce_max3A_553 : vector<128xf32> to vector<1x128xf32>
      %get3A_555 = arith.constant 54 : index
      %get3A_556 = arith.constant 0 : index
      %get3A_557 = vector.load %arg9[%get3A_555, %get3A_556] : memref<64x128xf32, #tpu.memory_space<vmem>>, vector<1x128xf32>
      %max3A_558 = arith.maximumf %get3A_557, %broadcast_in_dim3A_554 : vector<1x128xf32>
      %swap3A = arith.constant 54 : index
      %swap3A_559 = arith.constant 0 : index
      %swap3A_560 = vector.load %arg9[%swap3A, %swap3A_559] : memref<64x128xf32, #tpu.memory_space<vmem>>, vector<1x128xf32>
      tpu.vector_store %arg9[%swap3A, %swap3A_559], %max3A_558 {strides = array<i32>} : memref<64x128xf32, #tpu.memory_space<vmem>>, vector<1x128xf32>,
    } else {
    }
    %le3A_470 = arith.constant 55 : i32
    %le3A_471 = arith.cmpi sle, %reduce_min3A_28, %le3A_470 : i32
    %ge3A_472 = arith.constant 55 : i32
    %ge3A_473 = arith.cmpi sge, %reduce_max3A_32, %ge3A_472 : i32
    %and3A_474 = arith.andi %le3A_471, %ge3A_473 : i1
    %convert_element_type3A_475 = arith.extui %and3A_474 : i1 to i32
    %cond3A_476 = arith.constant 0 : i32
    %cond3A_477 = arith.cmpi ne, %convert_element_type3A_475, %cond3A_476 : i32
    scf.if %cond3A_477 {
      %eq3A_547 = arith.constant 55 : i32
      %eq3A_548 = vector.broadcast %eq3A_547 : i32 to vector<2000x1xi32>
      %eq3A_549 = arith.cmpi eq, %get3A_22, %eq3A_548 : vector<2000x1xi32>
      %jit3A = arith.constant 0xFF800000 : f32
      %broadcast_in_dim3A = vector.shape_cast %eq3A_549 : vector<2000x1xi1> to vector<2000x1xi1>
      %broadcast_in_dim3A_550 = vector.broadcast %broadcast_in_dim3A : vector<2000x1xi1> to vector<2000x128xi1>
      %broadcast_in_dim3A_551 = vector.broadcast %jit3A : f32 to vector<2000x128xf32>
      %select_n3A = arith.select %broadcast_in_dim3A_550, %max3A_19, %broadcast_in_dim3A_551 : vector<2000x128xi1>, vector<2000x128xf32>
      %reduce_max3A_552 = arith.constant dense<0xFF800000> : vector<128xf32>
      %reduce_max3A_553 = vector.multi_reduction <maximumf>, %select_n3A, %reduce_max3A_552 [0] : vector<2000x128xf32> to vector<128xf32>
      %broadcast_in_dim3A_554 = vector.shape_cast %reduce_max3A_553 : vector<128xf32> to vector<1x128xf32>
      %get3A_555 = arith.constant 55 : index
      %get3A_556 = arith.constant 0 : index
      %get3A_557 = vector.load %arg9[%get3A_555, %get3A_556] : memref<64x128xf32, #tpu.memory_space<vmem>>, vector<1x128xf32>
      %max3A_558 = arith.maximumf %get3A_557, %broadcast_in_dim3A_554 : vector<1x128xf32>
      %swap3A = arith.constant 55 : index
      %swap3A_559 = arith.constant 0 : index
      %swap3A_560 = vector.load %arg9[%swap3A, %swap3A_559] : memref<64x128xf32, #tpu.memory_space<vmem>>, vector<1x128xf32>
      tpu.vector_store %arg9[%swap3A, %swap3A_559], %max3A_558 {strides = array<i32>} : memref<64x128xf32, #tpu.memory_space<vmem>>, vector<1x128xf32>,
    } else {
    }
    %le3A_478 = arith.constant 56 : i32
    %le3A_479 = arith.cmpi sle, %reduce_min3A_28, %le3A_478 : i32
    %ge3A_480 = arith.constant 56 : i32
    %ge3A_481 = arith.cmpi sge, %reduce_max3A_32, %ge3A_480 : i32
    %and3A_482 = arith.andi %le3A_479, %ge3A_481 : i1
    %convert_element_type3A_483 = arith.extui %and3A_482 : i1 to i32
    %cond3A_484 = arith.constant 0 : i32
    %cond3A_485 = arith.cmpi ne, %convert_element_type3A_483, %cond3A_484 : i32
    scf.if %cond3A_485 {
      %eq3A_547 = arith.constant 56 : i32
      %eq3A_548 = vector.broadcast %eq3A_547 : i32 to vector<2000x1xi32>
      %eq3A_549 = arith.cmpi eq, %get3A_22, %eq3A_548 : vector<2000x1xi32>
      %jit3A = arith.constant 0xFF800000 : f32
      %broadcast_in_dim3A = vector.shape_cast %eq3A_549 : vector<2000x1xi1> to vector<2000x1xi1>
      %broadcast_in_dim3A_550 = vector.broadcast %broadcast_in_dim3A : vector<2000x1xi1> to vector<2000x128xi1>
      %broadcast_in_dim3A_551 = vector.broadcast %jit3A : f32 to vector<2000x128xf32>
      %select_n3A = arith.select %broadcast_in_dim3A_550, %max3A_19, %broadcast_in_dim3A_551 : vector<2000x128xi1>, vector<2000x128xf32>
      %reduce_max3A_552 = arith.constant dense<0xFF800000> : vector<128xf32>
      %reduce_max3A_553 = vector.multi_reduction <maximumf>, %select_n3A, %reduce_max3A_552 [0] : vector<2000x128xf32> to vector<128xf32>
      %broadcast_in_dim3A_554 = vector.shape_cast %reduce_max3A_553 : vector<128xf32> to vector<1x128xf32>
      %get3A_555 = arith.constant 56 : index
      %get3A_556 = arith.constant 0 : index
      %get3A_557 = vector.load %arg9[%get3A_555, %get3A_556] : memref<64x128xf32, #tpu.memory_space<vmem>>, vector<1x128xf32>
      %max3A_558 = arith.maximumf %get3A_557, %broadcast_in_dim3A_554 : vector<1x128xf32>
      %swap3A = arith.constant 56 : index
      %swap3A_559 = arith.constant 0 : index
      %swap3A_560 = vector.load %arg9[%swap3A, %swap3A_559] : memref<64x128xf32, #tpu.memory_space<vmem>>, vector<1x128xf32>
      tpu.vector_store %arg9[%swap3A, %swap3A_559], %max3A_558 {strides = array<i32>} : memref<64x128xf32, #tpu.memory_space<vmem>>, vector<1x128xf32>,
    } else {
    }
    %le3A_486 = arith.constant 57 : i32
    %le3A_487 = arith.cmpi sle, %reduce_min3A_28, %le3A_486 : i32
    %ge3A_488 = arith.constant 57 : i32
    %ge3A_489 = arith.cmpi sge, %reduce_max3A_32, %ge3A_488 : i32
    %and3A_490 = arith.andi %le3A_487, %ge3A_489 : i1
    %convert_element_type3A_491 = arith.extui %and3A_490 : i1 to i32
    %cond3A_492 = arith.constant 0 : i32
    %cond3A_493 = arith.cmpi ne, %convert_element_type3A_491, %cond3A_492 : i32
    scf.if %cond3A_493 {
      %eq3A_547 = arith.constant 57 : i32
      %eq3A_548 = vector.broadcast %eq3A_547 : i32 to vector<2000x1xi32>
      %eq3A_549 = arith.cmpi eq, %get3A_22, %eq3A_548 : vector<2000x1xi32>
      %jit3A = arith.constant 0xFF800000 : f32
      %broadcast_in_dim3A = vector.shape_cast %eq3A_549 : vector<2000x1xi1> to vector<2000x1xi1>
      %broadcast_in_dim3A_550 = vector.broadcast %broadcast_in_dim3A : vector<2000x1xi1> to vector<2000x128xi1>
      %broadcast_in_dim3A_551 = vector.broadcast %jit3A : f32 to vector<2000x128xf32>
      %select_n3A = arith.select %broadcast_in_dim3A_550, %max3A_19, %broadcast_in_dim3A_551 : vector<2000x128xi1>, vector<2000x128xf32>
      %reduce_max3A_552 = arith.constant dense<0xFF800000> : vector<128xf32>
      %reduce_max3A_553 = vector.multi_reduction <maximumf>, %select_n3A, %reduce_max3A_552 [0] : vector<2000x128xf32> to vector<128xf32>
      %broadcast_in_dim3A_554 = vector.shape_cast %reduce_max3A_553 : vector<128xf32> to vector<1x128xf32>
      %get3A_555 = arith.constant 57 : index
      %get3A_556 = arith.constant 0 : index
      %get3A_557 = vector.load %arg9[%get3A_555, %get3A_556] : memref<64x128xf32, #tpu.memory_space<vmem>>, vector<1x128xf32>
      %max3A_558 = arith.maximumf %get3A_557, %broadcast_in_dim3A_554 : vector<1x128xf32>
      %swap3A = arith.constant 57 : index
      %swap3A_559 = arith.constant 0 : index
      %swap3A_560 = vector.load %arg9[%swap3A, %swap3A_559] : memref<64x128xf32, #tpu.memory_space<vmem>>, vector<1x128xf32>
      tpu.vector_store %arg9[%swap3A, %swap3A_559], %max3A_558 {strides = array<i32>} : memref<64x128xf32, #tpu.memory_space<vmem>>, vector<1x128xf32>,
    } else {
    }
    %le3A_494 = arith.constant 58 : i32
    %le3A_495 = arith.cmpi sle, %reduce_min3A_28, %le3A_494 : i32
    %ge3A_496 = arith.constant 58 : i32
    %ge3A_497 = arith.cmpi sge, %reduce_max3A_32, %ge3A_496 : i32
    %and3A_498 = arith.andi %le3A_495, %ge3A_497 : i1
    %convert_element_type3A_499 = arith.extui %and3A_498 : i1 to i32
    %cond3A_500 = arith.constant 0 : i32
    %cond3A_501 = arith.cmpi ne, %convert_element_type3A_499, %cond3A_500 : i32
    scf.if %cond3A_501 {
      %eq3A_547 = arith.constant 58 : i32
      %eq3A_548 = vector.broadcast %eq3A_547 : i32 to vector<2000x1xi32>
      %eq3A_549 = arith.cmpi eq, %get3A_22, %eq3A_548 : vector<2000x1xi32>
      %jit3A = arith.constant 0xFF800000 : f32
      %broadcast_in_dim3A = vector.shape_cast %eq3A_549 : vector<2000x1xi1> to vector<2000x1xi1>
      %broadcast_in_dim3A_550 = vector.broadcast %broadcast_in_dim3A : vector<2000x1xi1> to vector<2000x128xi1>
      %broadcast_in_dim3A_551 = vector.broadcast %jit3A : f32 to vector<2000x128xf32>
      %select_n3A = arith.select %broadcast_in_dim3A_550, %max3A_19, %broadcast_in_dim3A_551 : vector<2000x128xi1>, vector<2000x128xf32>
      %reduce_max3A_552 = arith.constant dense<0xFF800000> : vector<128xf32>
      %reduce_max3A_553 = vector.multi_reduction <maximumf>, %select_n3A, %reduce_max3A_552 [0] : vector<2000x128xf32> to vector<128xf32>
      %broadcast_in_dim3A_554 = vector.shape_cast %reduce_max3A_553 : vector<128xf32> to vector<1x128xf32>
      %get3A_555 = arith.constant 58 : index
      %get3A_556 = arith.constant 0 : index
      %get3A_557 = vector.load %arg9[%get3A_555, %get3A_556] : memref<64x128xf32, #tpu.memory_space<vmem>>, vector<1x128xf32>
      %max3A_558 = arith.maximumf %get3A_557, %broadcast_in_dim3A_554 : vector<1x128xf32>
      %swap3A = arith.constant 58 : index
      %swap3A_559 = arith.constant 0 : index
      %swap3A_560 = vector.load %arg9[%swap3A, %swap3A_559] : memref<64x128xf32, #tpu.memory_space<vmem>>, vector<1x128xf32>
      tpu.vector_store %arg9[%swap3A, %swap3A_559], %max3A_558 {strides = array<i32>} : memref<64x128xf32, #tpu.memory_space<vmem>>, vector<1x128xf32>,
    } else {
    }
    %le3A_502 = arith.constant 59 : i32
    %le3A_503 = arith.cmpi sle, %reduce_min3A_28, %le3A_502 : i32
    %ge3A_504 = arith.constant 59 : i32
    %ge3A_505 = arith.cmpi sge, %reduce_max3A_32, %ge3A_504 : i32
    %and3A_506 = arith.andi %le3A_503, %ge3A_505 : i1
    %convert_element_type3A_507 = arith.extui %and3A_506 : i1 to i32
    %cond3A_508 = arith.constant 0 : i32
    %cond3A_509 = arith.cmpi ne, %convert_element_type3A_507, %cond3A_508 : i32
    scf.if %cond3A_509 {
      %eq3A_547 = arith.constant 59 : i32
      %eq3A_548 = vector.broadcast %eq3A_547 : i32 to vector<2000x1xi32>
      %eq3A_549 = arith.cmpi eq, %get3A_22, %eq3A_548 : vector<2000x1xi32>
      %jit3A = arith.constant 0xFF800000 : f32
      %broadcast_in_dim3A = vector.shape_cast %eq3A_549 : vector<2000x1xi1> to vector<2000x1xi1>
      %broadcast_in_dim3A_550 = vector.broadcast %broadcast_in_dim3A : vector<2000x1xi1> to vector<2000x128xi1>
      %broadcast_in_dim3A_551 = vector.broadcast %jit3A : f32 to vector<2000x128xf32>
      %select_n3A = arith.select %broadcast_in_dim3A_550, %max3A_19, %broadcast_in_dim3A_551 : vector<2000x128xi1>, vector<2000x128xf32>
      %reduce_max3A_552 = arith.constant dense<0xFF800000> : vector<128xf32>
      %reduce_max3A_553 = vector.multi_reduction <maximumf>, %select_n3A, %reduce_max3A_552 [0] : vector<2000x128xf32> to vector<128xf32>
      %broadcast_in_dim3A_554 = vector.shape_cast %reduce_max3A_553 : vector<128xf32> to vector<1x128xf32>
      %get3A_555 = arith.constant 59 : index
      %get3A_556 = arith.constant 0 : index
      %get3A_557 = vector.load %arg9[%get3A_555, %get3A_556] : memref<64x128xf32, #tpu.memory_space<vmem>>, vector<1x128xf32>
      %max3A_558 = arith.maximumf %get3A_557, %broadcast_in_dim3A_554 : vector<1x128xf32>
      %swap3A = arith.constant 59 : index
      %swap3A_559 = arith.constant 0 : index
      %swap3A_560 = vector.load %arg9[%swap3A, %swap3A_559] : memref<64x128xf32, #tpu.memory_space<vmem>>, vector<1x128xf32>
      tpu.vector_store %arg9[%swap3A, %swap3A_559], %max3A_558 {strides = array<i32>} : memref<64x128xf32, #tpu.memory_space<vmem>>, vector<1x128xf32>,
    } else {
    }
    %le3A_510 = arith.constant 60 : i32
    %le3A_511 = arith.cmpi sle, %reduce_min3A_28, %le3A_510 : i32
    %ge3A_512 = arith.constant 60 : i32
    %ge3A_513 = arith.cmpi sge, %reduce_max3A_32, %ge3A_512 : i32
    %and3A_514 = arith.andi %le3A_511, %ge3A_513 : i1
    %convert_element_type3A_515 = arith.extui %and3A_514 : i1 to i32
    %cond3A_516 = arith.constant 0 : i32
    %cond3A_517 = arith.cmpi ne, %convert_element_type3A_515, %cond3A_516 : i32
    scf.if %cond3A_517 {
      %eq3A_547 = arith.constant 60 : i32
      %eq3A_548 = vector.broadcast %eq3A_547 : i32 to vector<2000x1xi32>
      %eq3A_549 = arith.cmpi eq, %get3A_22, %eq3A_548 : vector<2000x1xi32>
      %jit3A = arith.constant 0xFF800000 : f32
      %broadcast_in_dim3A = vector.shape_cast %eq3A_549 : vector<2000x1xi1> to vector<2000x1xi1>
      %broadcast_in_dim3A_550 = vector.broadcast %broadcast_in_dim3A : vector<2000x1xi1> to vector<2000x128xi1>
      %broadcast_in_dim3A_551 = vector.broadcast %jit3A : f32 to vector<2000x128xf32>
      %select_n3A = arith.select %broadcast_in_dim3A_550, %max3A_19, %broadcast_in_dim3A_551 : vector<2000x128xi1>, vector<2000x128xf32>
      %reduce_max3A_552 = arith.constant dense<0xFF800000> : vector<128xf32>
      %reduce_max3A_553 = vector.multi_reduction <maximumf>, %select_n3A, %reduce_max3A_552 [0] : vector<2000x128xf32> to vector<128xf32>
      %broadcast_in_dim3A_554 = vector.shape_cast %reduce_max3A_553 : vector<128xf32> to vector<1x128xf32>
      %get3A_555 = arith.constant 60 : index
      %get3A_556 = arith.constant 0 : index
      %get3A_557 = vector.load %arg9[%get3A_555, %get3A_556] : memref<64x128xf32, #tpu.memory_space<vmem>>, vector<1x128xf32>
      %max3A_558 = arith.maximumf %get3A_557, %broadcast_in_dim3A_554 : vector<1x128xf32>
      %swap3A = arith.constant 60 : index
      %swap3A_559 = arith.constant 0 : index
      %swap3A_560 = vector.load %arg9[%swap3A, %swap3A_559] : memref<64x128xf32, #tpu.memory_space<vmem>>, vector<1x128xf32>
      tpu.vector_store %arg9[%swap3A, %swap3A_559], %max3A_558 {strides = array<i32>} : memref<64x128xf32, #tpu.memory_space<vmem>>, vector<1x128xf32>,
    } else {
    }
    %le3A_518 = arith.constant 61 : i32
    %le3A_519 = arith.cmpi sle, %reduce_min3A_28, %le3A_518 : i32
    %ge3A_520 = arith.constant 61 : i32
    %ge3A_521 = arith.cmpi sge, %reduce_max3A_32, %ge3A_520 : i32
    %and3A_522 = arith.andi %le3A_519, %ge3A_521 : i1
    %convert_element_type3A_523 = arith.extui %and3A_522 : i1 to i32
    %cond3A_524 = arith.constant 0 : i32
    %cond3A_525 = arith.cmpi ne, %convert_element_type3A_523, %cond3A_524 : i32
    scf.if %cond3A_525 {
      %eq3A_547 = arith.constant 61 : i32
      %eq3A_548 = vector.broadcast %eq3A_547 : i32 to vector<2000x1xi32>
      %eq3A_549 = arith.cmpi eq, %get3A_22, %eq3A_548 : vector<2000x1xi32>
      %jit3A = arith.constant 0xFF800000 : f32
      %broadcast_in_dim3A = vector.shape_cast %eq3A_549 : vector<2000x1xi1> to vector<2000x1xi1>
      %broadcast_in_dim3A_550 = vector.broadcast %broadcast_in_dim3A : vector<2000x1xi1> to vector<2000x128xi1>
      %broadcast_in_dim3A_551 = vector.broadcast %jit3A : f32 to vector<2000x128xf32>
      %select_n3A = arith.select %broadcast_in_dim3A_550, %max3A_19, %broadcast_in_dim3A_551 : vector<2000x128xi1>, vector<2000x128xf32>
      %reduce_max3A_552 = arith.constant dense<0xFF800000> : vector<128xf32>
      %reduce_max3A_553 = vector.multi_reduction <maximumf>, %select_n3A, %reduce_max3A_552 [0] : vector<2000x128xf32> to vector<128xf32>
      %broadcast_in_dim3A_554 = vector.shape_cast %reduce_max3A_553 : vector<128xf32> to vector<1x128xf32>
      %get3A_555 = arith.constant 61 : index
      %get3A_556 = arith.constant 0 : index
      %get3A_557 = vector.load %arg9[%get3A_555, %get3A_556] : memref<64x128xf32, #tpu.memory_space<vmem>>, vector<1x128xf32>
      %max3A_558 = arith.maximumf %get3A_557, %broadcast_in_dim3A_554 : vector<1x128xf32>
      %swap3A = arith.constant 61 : index
      %swap3A_559 = arith.constant 0 : index
      %swap3A_560 = vector.load %arg9[%swap3A, %swap3A_559] : memref<64x128xf32, #tpu.memory_space<vmem>>, vector<1x128xf32>
      tpu.vector_store %arg9[%swap3A, %swap3A_559], %max3A_558 {strides = array<i32>} : memref<64x128xf32, #tpu.memory_space<vmem>>, vector<1x128xf32>,
    } else {
    }
    %le3A_526 = arith.constant 62 : i32
    %le3A_527 = arith.cmpi sle, %reduce_min3A_28, %le3A_526 : i32
    %ge3A_528 = arith.constant 62 : i32
    %ge3A_529 = arith.cmpi sge, %reduce_max3A_32, %ge3A_528 : i32
    %and3A_530 = arith.andi %le3A_527, %ge3A_529 : i1
    %convert_element_type3A_531 = arith.extui %and3A_530 : i1 to i32
    %cond3A_532 = arith.constant 0 : i32
    %cond3A_533 = arith.cmpi ne, %convert_element_type3A_531, %cond3A_532 : i32
    scf.if %cond3A_533 {
      %eq3A_547 = arith.constant 62 : i32
      %eq3A_548 = vector.broadcast %eq3A_547 : i32 to vector<2000x1xi32>
      %eq3A_549 = arith.cmpi eq, %get3A_22, %eq3A_548 : vector<2000x1xi32>
      %jit3A = arith.constant 0xFF800000 : f32
      %broadcast_in_dim3A = vector.shape_cast %eq3A_549 : vector<2000x1xi1> to vector<2000x1xi1>
      %broadcast_in_dim3A_550 = vector.broadcast %broadcast_in_dim3A : vector<2000x1xi1> to vector<2000x128xi1>
      %broadcast_in_dim3A_551 = vector.broadcast %jit3A : f32 to vector<2000x128xf32>
      %select_n3A = arith.select %broadcast_in_dim3A_550, %max3A_19, %broadcast_in_dim3A_551 : vector<2000x128xi1>, vector<2000x128xf32>
      %reduce_max3A_552 = arith.constant dense<0xFF800000> : vector<128xf32>
      %reduce_max3A_553 = vector.multi_reduction <maximumf>, %select_n3A, %reduce_max3A_552 [0] : vector<2000x128xf32> to vector<128xf32>
      %broadcast_in_dim3A_554 = vector.shape_cast %reduce_max3A_553 : vector<128xf32> to vector<1x128xf32>
      %get3A_555 = arith.constant 62 : index
      %get3A_556 = arith.constant 0 : index
      %get3A_557 = vector.load %arg9[%get3A_555, %get3A_556] : memref<64x128xf32, #tpu.memory_space<vmem>>, vector<1x128xf32>
      %max3A_558 = arith.maximumf %get3A_557, %broadcast_in_dim3A_554 : vector<1x128xf32>
      %swap3A = arith.constant 62 : index
      %swap3A_559 = arith.constant 0 : index
      %swap3A_560 = vector.load %arg9[%swap3A, %swap3A_559] : memref<64x128xf32, #tpu.memory_space<vmem>>, vector<1x128xf32>
      tpu.vector_store %arg9[%swap3A, %swap3A_559], %max3A_558 {strides = array<i32>} : memref<64x128xf32, #tpu.memory_space<vmem>>, vector<1x128xf32>,
    } else {
    }
    %le3A_534 = arith.constant 63 : i32
    %le3A_535 = arith.cmpi sle, %reduce_min3A_28, %le3A_534 : i32
    %ge3A_536 = arith.constant 63 : i32
    %ge3A_537 = arith.cmpi sge, %reduce_max3A_32, %ge3A_536 : i32
    %and3A_538 = arith.andi %le3A_535, %ge3A_537 : i1
    %convert_element_type3A_539 = arith.extui %and3A_538 : i1 to i32
    %cond3A_540 = arith.constant 0 : i32
    %cond3A_541 = arith.cmpi ne, %convert_element_type3A_539, %cond3A_540 : i32
    scf.if %cond3A_541 {
      %eq3A_547 = arith.constant 63 : i32
      %eq3A_548 = vector.broadcast %eq3A_547 : i32 to vector<2000x1xi32>
      %eq3A_549 = arith.cmpi eq, %get3A_22, %eq3A_548 : vector<2000x1xi32>
      %jit3A = arith.constant 0xFF800000 : f32
      %broadcast_in_dim3A = vector.shape_cast %eq3A_549 : vector<2000x1xi1> to vector<2000x1xi1>
      %broadcast_in_dim3A_550 = vector.broadcast %broadcast_in_dim3A : vector<2000x1xi1> to vector<2000x128xi1>
      %broadcast_in_dim3A_551 = vector.broadcast %jit3A : f32 to vector<2000x128xf32>
      %select_n3A = arith.select %broadcast_in_dim3A_550, %max3A_19, %broadcast_in_dim3A_551 : vector<2000x128xi1>, vector<2000x128xf32>
      %reduce_max3A_552 = arith.constant dense<0xFF800000> : vector<128xf32>
      %reduce_max3A_553 = vector.multi_reduction <maximumf>, %select_n3A, %reduce_max3A_552 [0] : vector<2000x128xf32> to vector<128xf32>
      %broadcast_in_dim3A_554 = vector.shape_cast %reduce_max3A_553 : vector<128xf32> to vector<1x128xf32>
      %get3A_555 = arith.constant 63 : index
      %get3A_556 = arith.constant 0 : index
      %get3A_557 = vector.load %arg9[%get3A_555, %get3A_556] : memref<64x128xf32, #tpu.memory_space<vmem>>, vector<1x128xf32>
      %max3A_558 = arith.maximumf %get3A_557, %broadcast_in_dim3A_554 : vector<1x128xf32>
      %swap3A = arith.constant 63 : index
      %swap3A_559 = arith.constant 0 : index
      %swap3A_560 = vector.load %arg9[%swap3A, %swap3A_559] : memref<64x128xf32, #tpu.memory_space<vmem>>, vector<1x128xf32>
      tpu.vector_store %arg9[%swap3A, %swap3A_559], %max3A_558 {strides = array<i32>} : memref<64x128xf32, #tpu.memory_space<vmem>>, vector<1x128xf32>,
    } else {
    }
    %eq3A_542 = arith.constant 4 : i32
    %eq3A_543 = arith.cmpi eq, %arg0, %eq3A_542 : i32
    %convert_element_type3A_544 = arith.extui %eq3A_543 : i1 to i32
    %cond3A_545 = arith.constant 0 : i32
    %cond3A_546 = arith.cmpi ne, %convert_element_type3A_544, %cond3A_545 : i32
    scf.if %cond3A_546 {
      %get3A_547 = arith.constant 0 : index
      %get3A_548 = arith.constant 0 : index
      %get3A_549 = vector.load %arg9[%get3A_547, %get3A_548] : memref<64x128xf32, #tpu.memory_space<vmem>>, vector<64x128xf32>
      %get3A_550 = arith.constant 0 : index
      %get3A_551 = arith.constant 0 : index
      %get3A_552 = vector.load %arg6[%get3A_550, %get3A_551] : memref<128x16xf32, #tpu.memory_space<vmem>>, vector<128x16xf32>
      %dot_general3A = arith.constant dense<0.000000e+00> : vector<64x16xf32>
      %dot_general3A_553 = tpu.matmul %get3A_549, %get3A_552, %dot_general3A {dimension_numbers = #tpu.dot_dimension_numbers<[1], [0], [0], [1], [0, 0, 1, 1], [], []>, transpose_lhs_hint = false} : vector<64x128xf32>, vector<128x16xf32>, vector<64x16xf32> -> vector<64x16xf32>
      %get3A_554 = arith.constant 0 : index
      %get3A_555 = arith.constant 0 : index
      %get3A_556 = vector.load %arg7[%get3A_554, %get3A_555] : memref<1x16xf32, #tpu.memory_space<vmem>>, vector<1x16xf32>
      %add3A_557 = vector.broadcast %get3A_556 : vector<1x16xf32> to vector<64x16xf32>
      %add3A_558 = arith.addf %dot_general3A_553, %add3A_557 : vector<64x16xf32>
      %swap3A = arith.constant 0 : index
      %swap3A_559 = arith.constant 0 : index
      %swap3A_560 = vector.load %arg8[%swap3A, %swap3A_559] : memref<64x16xf32, #tpu.memory_space<vmem>>, vector<64x16xf32>
      tpu.vector_store %arg8[%swap3A, %swap3A_559], %add3A_558 {strides = array<i32>} : memref<64x16xf32, #tpu.memory_space<vmem>>, vector<64x16xf32>,
    } else {
    }
    return
  }
  func.func @transform_0(%arg0: i32) -> (i32, i32, i32) {
    %c0_i32 = arith.constant 0 : i32
    %c0_i32_0 = arith.constant 0 : i32
    %c0_i32_1 = arith.constant 0 : i32
    return %c0_i32, %arg0, %c0_i32_0 : i32, i32, i32
  }
  func.func @transform_1(%arg0: i32) -> (i32, i32) {
    %c0_i32 = arith.constant 0 : i32
    %c0_i32_0 = arith.constant 0 : i32
    return %arg0, %c0_i32 : i32, i32
  }
  func.func @transform_2(%arg0: i32) -> (i32, i32) {
    %c0_i32 = arith.constant 0 : i32
    %c0_i32_0 = arith.constant 0 : i32
    return %arg0, %c0_i32 : i32, i32
  }
  func.func @transform_3(%arg0: i32) -> (i32, i32) {
    %c0_i32 = arith.constant 0 : i32
    %c0_i32_0 = arith.constant 0 : i32
    %c0_i32_1 = arith.constant 0 : i32
    return %c0_i32, %c0_i32_0 : i32, i32
  }
  func.func @transform_4(%arg0: i32) -> (i32, i32) {
    %c0_i32 = arith.constant 0 : i32
    %c0_i32_0 = arith.constant 0 : i32
    return %arg0, %c0_i32 : i32, i32
  }
  func.func @transform_5(%arg0: i32) -> (i32, i32) {
    %c0_i32 = arith.constant 0 : i32
    %c0_i32_0 = arith.constant 0 : i32
    %c0_i32_1 = arith.constant 0 : i32
    return %c0_i32, %c0_i32_0 : i32, i32
  }
  func.func @transform_6(%arg0: i32) -> (i32, i32) {
    %c0_i32 = arith.constant 0 : i32
    %c0_i32_0 = arith.constant 0 : i32
    %c0_i32_1 = arith.constant 0 : i32
    return %c0_i32, %c0_i32_0 : i32, i32
  }
  func.func @transform_7(%arg0: i32) -> (i32, i32) {
    %c0_i32 = arith.constant 0 : i32
    %c0_i32_0 = arith.constant 0 : i32
    %c0_i32_1 = arith.constant 0 : i32
    return %c0_i32, %c0_i32_0 : i32, i32
  }
}

</mosaic_0001>

<sc_bundles>
// kernel: kernel.10.cloned.1.call-start
scs
__scs_entry_jumppad:
0x0: {  	(pc) =	sbr.rel $0x88, $3  }
0x1: {  	(tag) =	ssettag $0x0;
	lr =	simm.s32 $0x1  }
0x2: {  	[smem:$0x3F96] =	sst lr;
	_ =	strace $0xD0000000  }
0x3: {  	_ = 	snop  }
0x4: {  	_ = 	snop  }
0x5: {  	_ = 	snop  }
0x6: {  	_ = 	snop  }
0x7: {  	_ = 	snop  }
__scs_overlays_trampoline_lowered:
0x8: {  	[smem:$0x3FA5] =	sst s0  }
0x9: {  	[smem:$0x3FA6] =	sst s1  }
0xa: {  	[smem:$0x3FA7] =	sst s2  }
0xb: {  	[smem:$0x3FA8] =	sst s3  }
0xc: {  	[smem:$0x3FA9] =	sst s4  }
0xd: {  	[smem:$0x3FAA] =	sst s5  }
0xe: {  	[smem:$0x3FAB] =	sst s6  }
0xf: {  	[smem:$0x3FAC] =	sst s7  }
0x10: {  	[smem:$0x3FAD] =	sst s8  }
0x11: {  	[smem:$0x3FAE] =	sst s9;
	s0 =	simm.s32 @!p0 $0x0  }
0x12: {  	s1 =	sld [smem:$0x3F94];
	s0 =	simm.s32 @p0 $0x1  }
0x13: {  	[smem:$0x3FAF] =	sst s0;
	s0 =	simm.s32 @!p1 $0x0  }
0x14: {  	s2 =	sld [smem:$0x3F93];
	s0 =	simm.s32 @p1 $0x1  }
0x15: {  	[smem:$0x3FB0] =	sst s0;
	s0 =	simm.s32 @!p2 $0x0  }
0x16: {  	s3 =	sld [smem:$0x3FDB];
	s0 =	simm.s32 @p2 $0x1  }
0x17: {  	s4 =	simm.s32 $0x1BF5;
	[smem:$0x3FB2] =	sst s0  }
0x18: {  	s0 =	sld [smem:$0x3F95];
	_ =	swait.ge [sflag:s4], $0x0  }
0x19: {  	s7 =	sld [smem:$0x3F96]  }
0x1a: {  	s8 =	sadd.s32 $0xFFFFE003, lr  }
0x1b: {  	s9 =	sadd.s32 $0xFFFFFEF7, lr;
	s5 =	simm.s32 $0xFFFFFFFF;
	p2 =	slt.u32 s8, $0xFFFFF086  }
0x1c: {  	p1 =	slt.u32 s9, $0xF7A;
	s5 =	simm.s32 @!p2 $0x0  }
0x1d: {  	s5 =	simm.s32 @p1 $0x1;
	p0 =	seq.s32 s7, s2  }
0x1e: {  	s7 =	smul.u32 @!p0 $0xF7A, s2;
	p2 =	seq.s32 @!p0 s5, $0x0  }
0x1f: {  	s9 =	smul.u32 $0xF7A, s1;
	s8 =	simm.s32 @!p0 $0x1BF5;
	p2 =	por !p2, p0  }
0x20: {  	[sflag:s8] =	ssyncset.s32 @!p0 $0xFFFFF086;
	s6 =	sadd.s32 @!p0 s3, s7;
	s7 =	simm.s32 @!p0 $0x108  }
0x21: {  	s3 =	sadd.s32 s3, s9;
	s6 =	sadd.s32 @!p0 $0x88, s6;
	s7 =	simm.s32 @p2 $0x1082  }
0x22: {  	[simem:s7], [sflag:s8] =	dma.local @!p0 [hbm:s6], $0xF7A  }
0x23: {  	s9 =	sor.u32 $0xD0000000, s2;
	s6 =	simm.s32 $0x108;
	_ =	swait.ge @!p0 [sflag:s8], $0x0  }
0x24: {  	s3 =	sadd.s32 $0x88, s3;
	s6 =	simm.s32 @!p1 $0x1082;
	[sflag:s4] =	ssyncset.s32 $0xFFFFF086  }
0x25: {  	[simem:s6], [sflag:s4] =	dma.local [hbm:s3], $0xF7A  }
0x26: {  	[smem:$0x3F96] =	sst s1;
	(tag) =	ssettag s2;
	_ =	strace s9  }
0x27: {  	s1 =	sld [smem:$0x3FA6]  }
0x28: {  	s2 =	sld [smem:$0x3FA7]  }
0x29: {  	s4 =	sld [smem:$0x3FA9]  }
0x2a: {  	p0 =	seq.s32 s5, $0x0;
	s5 =	sld [smem:$0x3FAA]  }
0x2b: {  	s6 =	sld [smem:$0x3FAB]  }
0x2c: {  	s7 =	sld [smem:$0x3FAC]  }
0x2d: {  	s3 =	simm.s32 $0x108;
	s8 =	sld [smem:$0x3FAD]  }
0x2e: {  	s3 =	simm.s32 @!p0 $0x1082;
	s9 =	sld [smem:$0x3FAE]  }
0x2f: {  	lr =	sadd.s32 s0, s3;
	s0 =	sld [smem:$0x3FA5]  }
0x30: {  	s3 =	sld [smem:$0x3FA8]  }
0x31: {  	[smem:$0x3FB1] =	sst s10  }
0x32: {  	s10 =	sld [smem:$0x3FAF];
	_ =	sdelay $0x3  }
0x33: {  	p0 =	seq.s32 s10, $0x1;
	s10 =	sld [smem:$0x3FB1];
	_ =	sdelay $0x3  }
0x34: {  	[smem:$0x3FB1] =	sst s10  }
0x35: {  	s10 =	sld [smem:$0x3FB0];
	_ =	sdelay $0x3  }
0x36: {  	p1 =	seq.s32 s10, $0x1;
	s10 =	sld [smem:$0x3FB1];
	_ =	sdelay $0x3  }
0x37: {  	[smem:$0x3FB1] =	sst s10  }
0x38: {  	s10 =	sld [smem:$0x3FB2]  }
0x39: {  	_ = 	snop;
	(pc) =	sbr.ind lr, $3  }
0x3a: {  	_ = 	snop  }
0x3b: {  	_ = 	snop  }
0x3c: {  	p2 =	seq.s32 s10, $0x1;
	s10 =	sld [smem:$0x3FB1]  }
0x3d: {  	_ =	shalt  }
0x3e: {  	_ =	shalt  }
0x3f: {  	_ =	shalt  }
0x40: {  	_ =	shalt  }
0x41: {  	_ =	shalt  }
0x42: {  	_ =	shalt  }
0x43: {  	_ =	shalt  }
0x44: {  	_ =	shalt  }
0x45: {  	_ =	shalt  }
0x46: {  	_ =	shalt  }
0x47: {  	_ =	shalt  }
0x48: {  	_ =	shalt  }
0x49: {  	_ =	shalt  }
0x4a: {  	_ =	shalt  }
0x4b: {  	_ =	shalt  }
0x4c: {  	_ =	shalt  }
0x4d: {  	_ =	shalt  }
0x4e: {  	_ =	shalt  }
0x4f: {  	_ =	shalt  }
0x50: {  	_ =	shalt  }
0x51: {  	_ =	shalt  }
0x52: {  	_ =	shalt  }
0x53: {  	_ =	shalt  }
0x54: {  	_ =	shalt  }
0x55: {  	_ =	shalt  }
0x56: {  	_ =	shalt  }
0x57: {  	_ =	shalt  }
0x58: {  	_ =	shalt  }
0x59: {  	_ =	shalt  }
0x5a: {  	_ =	shalt  }
0x5b: {  	_ =	shalt  }
0x5c: {  	_ =	shalt  }
0x5d: {  	_ =	shalt  }
0x5e: {  	_ =	shalt  }
0x5f: {  	_ =	shalt  }
0x60: {  	_ =	shalt  }
0x61: {  	_ =	shalt  }
0x62: {  	_ =	shalt  }
0x63: {  	_ =	shalt  }
0x64: {  	_ =	shalt  }
0x65: {  	_ =	shalt  }
0x66: {  	_ =	shalt  }
0x67: {  	_ =	shalt  }
0x68: {  	_ =	shalt  }
0x69: {  	_ =	shalt  }
0x6a: {  	_ =	shalt  }
0x6b: {  	_ =	shalt  }
0x6c: {  	_ =	shalt  }
0x6d: {  	_ =	shalt  }
0x6e: {  	_ =	shalt  }
0x6f: {  	_ =	shalt  }
0x70: {  	_ =	shalt  }
0x71: {  	_ =	shalt  }
0x72: {  	_ =	shalt  }
0x73: {  	_ =	shalt  }
0x74: {  	_ =	shalt  }
0x75: {  	_ =	shalt  }
0x76: {  	_ =	shalt  }
0x77: {  	_ =	shalt  }
0x78: {  	_ =	shalt  }
0x79: {  	_ =	shalt  }
0x7a: {  	_ =	shalt  }
0x7b: {  	_ =	shalt  }
0x7c: {  	_ =	shalt  }
0x7d: {  	_ =	shalt  }
0x7e: {  	_ =	shalt  }
0x7f: {  	_ =	shalt  }
0x80: {  	_ =	shalt  }
0x81: {  	_ =	shalt  }
0x82: {  	_ =	shalt  }
0x83: {  	_ =	shalt  }
0x84: {  	_ =	shalt  }
0x85: {  	_ =	shalt  }
0x86: {  	_ =	shalt  }
0x87: {  	_ =	shalt  }
.Lfunc_end0:
.L_simem_size_0:
called_computation_lowered:
.L_overlay_start_0:
0x88: {  	s2 =	sld [smem:$0x3FD9]  }
0x89: {  	s3 =	sld [smem:$0x3FFE];
	_ =	sdelay $0x1  }
0x8a: {  	s1 =	srdreg.scid  }
0x8b: {  	s0 =	sand.u32 $0x1, s1  }
0x8c: {  	s16 =	sshll.u32 s0, $0xA;
	s2 =	sadd.s32 s3, s2  }
0x8d: {  	s2 =	sadd.s32 s2, s16  }
0x8e: {  	[smem:$0x3FBD] =	sst s2  }
0x8f: {  	_ = 	snop  }
0x90: {  	(tm) =	ssettm $0x1  }
0x91: {  	s17 =	sld [smem:$0x3FFB];
	_ =	sdelay $0x3  }
0x92: {  	_ =	strace s17  }
0x93: {  	s2 =	sld [smem:$0x3FFC];
	_ =	sdelay $0x3  }
0x94: {  	_ =	strace s2  }
0x95: {  	s2 =	sld [smem:$0x3FFD];
	_ =	sdelay $0x3  }
0x96: {  	_ =	strace s2  }
0x97: {  	_ =	strace $0x8FFFFFFF  }
0x98: {  	s18 =	sld [smem:$0x3FDB];
	_ =	sdelay $0x1  }
0x99: {  	s19 =	simm.s32 $_scs_section_size  }
0x9a: {  	s4 =	simm.s32 $_size__tile_overlayer_lowered;
	s5 =	simm.s32 $_tile_overlayer_lowered  }
0x9b: {  	s22 =	simm.s32 $0x1BFF;
	s21 =	sshll.u32 s5, $0x1;
	s2 =	sadd.s32 s19, s18  }
0x9c: {  	s6 =	simm.s32 $0x0;
	s20 =	sshll.u32 s4, $0x1;
	s4 =	sadd.s32 s21, s2  }
0x9d: {  	[timem:s6], [sflag:s22] =	dma.local [hbm:s4], s20  }
0x9e: {  	_ =	swait.ge [sflag:s22], s20  }
0x9f: {  	s3 =	ssub.s32 $0x0, s20;
	[sflag:s22] =	ssyncset.done $0x0  }
0xa0: {  	[sflag:s22] =	ssyncadd.s32 s3;
	_ =	sdelay $0x1  }
0xa1: {  	s23 =	simm.s32 $0x1B8B  }
0xa2: {  	_ =	swait.ge [sflag:s23], $0x1  }
0xa3: {  	[sflag:s23] =	ssyncset.done $0x0  }
0xa4: {  	s25 =	simm.s32 $0x1B8E;
	s24 =	sld [smem:$0x3FFE];
	[sflag:s23] =	ssyncadd.s32 $0xFFFFFFFF  }
0xa5: {  	s26 =	simm.s32 $execute0_lowered;
	[smem:$0x3FD2] =	sst s25  }
0xa6: {  	s4 =	sshll.u32 s26, $0x1;
	_ =	strace $0x80000046;
	[dreg:$0x1] =	wrdreg $0xFFFFFFFF  }
0xa7: {  	s28 =	simm.s32 $_size_execute0_lowered;
	s2 =	sadd.s32 s2, s4;
	[dreg:$0x0] =	wrdreg $0x0  }
0xa8: {  	s4 =	sshll.u32 s28, $0x1;
	[dreg:$0x2] =	wrdreg s2  }
0xa9: {  	[dreg:$0x3] =	wrdreg s4  }
0xaa: {  	[dreg:$0x4] =	wrdreg $0xC0  }
0xab: {  	_ =	task [dreg:s6], $0x5FFFF  }
0xac: {  	[dreg:$0x1] =	wrdreg $0xFFFFFFFF  }
0xad: {  	[dreg:$0x0] =	wrdreg $0x60  }
0xae: {  	[dreg:$0x2] =	wrdreg s24  }
0xaf: {  	[dreg:$0x3] =	wrdreg $0x0  }
0xb0: {  	[dreg:$0x4] =	wrdreg $0x9  }
0xb1: {  	_ =	task.clear_ibuf [dreg:s6], $0x5FFFF;
	_ =	strace $0x90000046  }
0xb2: {  	s29 =	simm.s32 $0x9;
	_ =	strace $0x80000048  }
0xb3: {  	_ =	swait.ge [sflag:s29], $0x1  }
0xb4: {  	[sflag:s29] =	ssyncadd.s32 $0xFFFFFFFF  }
0xb5: {  	_ =	strace $0x90000048  }
0xb6: {  	_ =	sfence  }
0xb7: {  	s30 =	sld [smem:$0x0];
	_ =	sdelay $0x2  }
0xb8: {  	s31 =	sshll.u32 s1, $0xD;
	s1 =	sshrl.u32 s1, $0x2  }
0xb9: {  	s3 =	sand.u32 $0x4000, s31;
	s1 =	sadd.s32 s1, s30  }
0xba: {  	s0 =	sor.u32 s3, s0;
	s1 =	sshll.u32 s1, $0x11  }
0xbb: {  	s0 =	sor.u32 s1, s0  }
0xbc: {  	s0 =	sadd.s32 $0x8F2B, s0  }
0xbd: {  	[sflag:s0] =	ssyncadd.remote.s32 $0x1  }
0xbe: {  	_ =	sfence.sel $0xFFFF  }
0xbf: {  	[dreg:$0x0] =	wrdreg $0xFFFFFFFF;
	(pc) =	sbr.abs _section_cstart, $3  }
0xc0: {  	[dreg:$0x1] =	wrdreg $0xFFFFFFFF  }
0xc1: {  	_ =	task.clear_ibuf [dreg:s6], $0x2FFFF;
	_ =	strace $0x9FFFFFFF  }
0xc2: {  	(tm) =	ssettm $0x7FFFFFFF  }
0xc3: {  	_ =	shalt  }
tec
execute0_lowered:
.L_overlay_start_1:
0x0: {  	(tag) =	ssettag $0x1  }
0x1: {  	s4 =	rddreg [dreg:$0x0];
	s1 =	srdreg.scid  }
0x2: {  	s0 =	stileid.u32;
	s2 =	rddreg [dreg:$0x1]  }
0x3: {  	s3 =	simm.s32 $0x0;
	s17 =	simm.s32 $0x2;
	s18 =	simm.s32 $0x2710  }
0x4: {  	s19 =	simm.s32 $0x50;
	s20 =	simm.s32 $0x1;
	s5 =	sand.u32 $0x1, s1  }
0x5: {  	s6 =	sshll.u32 s0, $0x1;
	s1 =	rddreg [dreg:$0x2];
	s8 =	smul.u32 $0x2700, s0  }
0x6: {  	[smem:$0x7FF] =	sst s3;
	s9 =	sadd.s32 $0x17200, s4;
	s31 =	smul.u32 $0x1400, s0  }
0x7: {  	s16 =	sor.u32 $0x70, s0;
	s21 =	sadd.s32 $0x24900, s2;
	p1 =	seq.s32 s0, $0xF  }
0x8: {  	s6 =	sor.u32 s5, s6;
	_ =	strace $0x80000047;
	s7 =	smul.u32 $0x27100, s5  }
0x9: {  	s5 =	ssub.s32 $0x2, s5;
	s13 =	smul.u32 $0x1400, s16;
	p0 =	sgt.u32 s16, $0x7C  }
0xa: {  	s16 =	simm.s32 $0x4E20;
	s21 =	sshrl.u32 @p1 s21, $0x3;
	s10 =	sshrl.u32 s5, $0x1  }
0xb: {  	s6 =	smul.u32 $0x2710, s6;
	s22 =	sadd.s32 s8, s2;
	s10 =	ssub.s32 s5, s10  }
0xc: {  	s29 =	sadd.s32 s8, s7;
	s30 =	sshrl.u32 s7, $0x3;
	s7 =	sshrl.u32 s31, $0x2  }
0xd: {  	s15 =	sshrl.u32 s13, $0x2;
	s22 =	sshrl.u32 @!p1 s22, $0x3;
	s6 =	sshrl.u32 s6, $0x3  }
0xe: {  	s5 =	sshrl.u32 s29, $0x3;
	s7 =	sadd.s32 s7, s2;
	s8 =	smax.u32 s10, $0x1  }
0xf: {  	s15 =	sadd.s32 s15, s2;
	s4 =	sadd.s32 s4, s6;
	s5 =	sadd.s32 s9, s5  }
0x10: {  	s6 =	sadd.s32 s9, s30;
	s9 =	sadd.s32 $0x5000, s7;
	s10 =	sadd.s32 $0xA000, s7  }
0x11: {  	s11 =	sadd.s32 $0xF000, s7;
	s12 =	sadd.s32 $0x14000, s7;
	s13 =	sadd.s32 $0x19000, s7  }
0x12: {  	v0 =	vimm.f32 $0.0e+00;
	v1 =	vimm.f32 $1.000000000e+00;
	s14 =	sadd.s32 $0x1E000, s7;
	s4 =	sadd.s32 $0xD440, s4;
	s6 =	sadd.s32 $0x4920, s6  }
.LBB2_1:
0x13: {  	s23 =	simm.s32 $0x40;
	s24 =	simm.s32 $0x0  }
.LBB2_2:
0x14: {  	p2 =	sne.s32 s23, $0x13C0;
	[tilespmem:s24+$0x4E20] =	vst v0;
	s24 =	smov.u32 s23;
	s23 =	sadd.s32 $0x40, s23  }
.Ltmp0:
0x15: {  	(pc) =	sbr.rel @p2 .LBB2_2-.Ltmp0, $2  }
0x16: {  	_ =	sdelay $0x2  }
0x17: {  	s24 =	sshra.s32 s24, $0x2  }
0x18: {  	[tilespmem:s24+$0x4E20] =	vst v0  }
0x19: {  	[spmem:s7] =	stream.linear.scatter [tilespmem:s16], [sflag:$0x2], $0x500, $0x38;
	[tilespmem:$0x5320] =	vst v63  }
0x1a: {  	_ =	swait.ge [sflag:s17], $0x500  }
0x1b: {  	[sflag:s17] =	ssyncset.done $0x0  }
0x1c: {  	[sflag:s17] =	ssyncadd.s32 $0xFFFFFB00  }
0x1d: {  	[spmem:s9] =	stream.linear.scatter [tilespmem:s16], [sflag:$0x2], $0x500, $0x38;
	[tilespmem:$0x5320] =	vst v63  }
0x1e: {  	_ =	swait.ge [sflag:s17], $0x500  }
0x1f: {  	[sflag:s17] =	ssyncset.done $0x0  }
0x20: {  	[sflag:s17] =	ssyncadd.s32 $0xFFFFFB00  }
0x21: {  	[spmem:s10] =	stream.linear.scatter [tilespmem:s16], [sflag:$0x2], $0x500, $0x38;
	[tilespmem:$0x5320] =	vst v63  }
0x22: {  	_ =	swait.ge [sflag:s17], $0x500  }
0x23: {  	[sflag:s17] =	ssyncset.done $0x0  }
0x24: {  	[sflag:s17] =	ssyncadd.s32 $0xFFFFFB00  }
0x25: {  	[spmem:s11] =	stream.linear.scatter [tilespmem:s16], [sflag:$0x2], $0x500, $0x38;
	[tilespmem:$0x5320] =	vst v63  }
0x26: {  	_ =	swait.ge [sflag:s17], $0x500  }
0x27: {  	[sflag:s17] =	ssyncset.done $0x0  }
0x28: {  	[sflag:s17] =	ssyncadd.s32 $0xFFFFFB00  }
0x29: {  	[spmem:s12] =	stream.linear.scatter [tilespmem:s16], [sflag:$0x2], $0x500, $0x38;
	[tilespmem:$0x5320] =	vst v63  }
0x2a: {  	_ =	swait.ge [sflag:s17], $0x500  }
0x2b: {  	[sflag:s17] =	ssyncset.done $0x0  }
0x2c: {  	[sflag:s17] =	ssyncadd.s32 $0xFFFFFB00  }
0x2d: {  	[spmem:s13] =	stream.linear.scatter [tilespmem:s16], [sflag:$0x2], $0x500, $0x38;
	[tilespmem:$0x5320] =	vst v63  }
0x2e: {  	_ =	swait.ge [sflag:s17], $0x500  }
0x2f: {  	[sflag:s17] =	ssyncset.done $0x0  }
0x30: {  	[sflag:s17] =	ssyncadd.s32 $0xFFFFFB00  }
0x31: {  	[spmem:s14] =	stream.linear.scatter [tilespmem:s16], [sflag:$0x2], $0x500, $0x38;
	[tilespmem:$0x5320] =	vst v63  }
0x32: {  	_ =	swait.ge [sflag:s17], $0x500  }
0x33: {  	[sflag:s17] =	ssyncset.done $0x0  }
0x34: {  	s23 =	simm.s32 @!p0 $0x4E20;
	[sflag:s17] =	ssyncadd.s32 $0xFFFFFB00  }
0x35: {  	[spmem:s15] =	stream.linear.scatter @!p0 [tilespmem:s23], [sflag:$0x2], $0x500, $0x38;
	[tilespmem:$0x5320] =	vst v63  }
0x36: {  	s23 =	simm.s32 @!p0 $0x2  }
0x37: {  	_ =	swait.ge @!p0 [sflag:s23], $0x500  }
0x38: {  	[sflag:s23] =	ssyncset.done @!p0 $0x0  }
0x39: {  	s31 =	simm.s32 $0x0;
	[sflag:s23] =	ssyncadd.s32 @!p0 $0xFFFFFB00  }
0x3a: {  	[tilespmem:s18], [sflag:$0x2] =	stream.linear.gather [hbm4b:s4+s31], $0x2710, $0x38;
	[tilespmem:$0x5320] =	vst v63  }
0x3b: {  	_ =	swait.ge [sflag:s17], $0x2710  }
0x3c: {  	[sflag:s17] =	ssyncset.done $0x0  }
0x3d: {  	s24 =	simm.s32 $0x0;
	s23 =	simm.s32 $0x40;
	[sflag:s17] =	ssyncadd.s32 $0xFFFFD8F0  }
.LBB2_4:
0x3e: {  	p2 =	sne.s32 s23, $0x13C0;
	[tilespmem:s24+$0x4E20] =	vst v1;
	s24 =	smov.u32 s23;
	s23 =	sadd.s32 $0x40, s23  }
.Ltmp1:
0x3f: {  	(pc) =	sbr.rel @p2 .LBB2_4-.Ltmp1, $2  }
0x40: {  	_ =	sdelay $0x2  }
0x41: {  	s24 =	sshra.s32 s24, $0x2  }
0x42: {  	[tilespmem:s24+$0x4E20] =	vst v1  }
0x43: {  	s23 =	simm.s32 $0x2710;
	[bflag:$0x0] =	sbarrier.arrive $0xFFFF  }
0x44: {  	[spmem:s2] =	stream.indirect.scatter.add.f32 [tilespmem:s16], [sflag:$0x1], $0x10, s23, s19, $0xb8;
	[tilespmem:$0x5320] =	vst v63  }
0x45: {  	s28 =	simm.s32 $0x2760  }
0x46: {  	[spmem:s2] =	stream.indirect.scatter.add.f32 [tilespmem:s16], [sflag:$0x1], $0x10, s28, s19, $0xb8;
	[tilespmem:$0x5320] =	vst v63  }
0x47: {  	s29 =	simm.s32 $0x27B0  }
0x48: {  	[spmem:s2] =	stream.indirect.scatter.add.f32 [tilespmem:s16], [sflag:$0x1], $0x10, s29, s19, $0xb8;
	[tilespmem:$0x5320] =	vst v63  }
0x49: {  	s30 =	simm.s32 $0x2800  }
0x4a: {  	[spmem:s2] =	stream.indirect.scatter.add.f32 [tilespmem:s16], [sflag:$0x1], $0x10, s30, s19, $0xb8;
	[tilespmem:$0x5320] =	vst v63  }
0x4b: {  	s31 =	simm.s32 $0x2850  }
0x4c: {  	[spmem:s2] =	stream.indirect.scatter.add.f32 [tilespmem:s16], [sflag:$0x1], $0x10, s31, s19, $0xb8;
	[tilespmem:$0x5320] =	vst v63  }
0x4d: {  	_ =	swait.ge [sflag:s20], $0x500  }
0x4e: {  	[sflag:s20] =	ssyncset.done $0x0  }
0x4f: {  	[sflag:s20] =	ssyncadd.s32 $0xFFFFFB00  }
0x50: {  	_ =	swait.ge [sflag:s20], $0x500  }
0x51: {  	[sflag:s20] =	ssyncset.done $0x0  }
0x52: {  	[sflag:s20] =	ssyncadd.s32 $0xFFFFFB00  }
0x53: {  	_ =	swait.ge [sflag:s20], $0x500  }
0x54: {  	[sflag:s20] =	ssyncset.done $0x0  }
0x55: {  	[sflag:s20] =	ssyncadd.s32 $0xFFFFFB00  }
0x56: {  	_ =	swait.ge [sflag:s20], $0x500  }
0x57: {  	[sflag:s20] =	ssyncset.done $0x0  }
0x58: {  	[sflag:s20] =	ssyncadd.s32 $0xFFFFFB00  }
0x59: {  	_ =	swait.ge [sflag:s20], $0x500  }
0x5a: {  	s24 =	simm.s32 $0xC80;
	s23 =	simm.s32 $0x190;
	[sflag:s20] =	ssyncset.done $0x0  }
.LBB2_6:
0x5b: {  	s25 =	sadd.s32 $0x2710, s23  }
0x5c: {  	[sflag:s20] =	ssyncadd.s32 $0xFFFFFB00;
	s26 =	smov.u32 s24;
	s28 =	sadd.s32 $0x640, s24  }
0x5d: {  	[spmem:s2] =	stream.indirect.scatter.add.f32 [tilespmem:s16], [sflag:$0x1], $0x10, s25, s19, $0xb8;
	[tilespmem:$0x5320] =	vst v63  }
0x5e: {  	p2 =	sne.s32 s24, $0x9600;
	s24 =	sadd.s32 $0x2760, s23  }
0x5f: {  	[spmem:s2] =	stream.indirect.scatter.add.f32 [tilespmem:s16], [sflag:$0x1], $0x10, s24, s19, $0xb8;
	[tilespmem:$0x5320] =	vst v63  }
0x60: {  	s24 =	sadd.s32 $0x27B0, s23  }
0x61: {  	[spmem:s2] =	stream.indirect.scatter.add.f32 [tilespmem:s16], [sflag:$0x1], $0x10, s24, s19, $0xb8;
	[tilespmem:$0x5320] =	vst v63  }
0x62: {  	s24 =	sadd.s32 $0x2800, s23  }
0x63: {  	[spmem:s2] =	stream.indirect.scatter.add.f32 [tilespmem:s16], [sflag:$0x1], $0x10, s24, s19, $0xb8;
	[tilespmem:$0x5320] =	vst v63  }
0x64: {  	s23 =	sadd.s32 $0x2850, s23  }
0x65: {  	[spmem:s2] =	stream.indirect.scatter.add.f32 [tilespmem:s16], [sflag:$0x1], $0x10, s23, s19, $0xb8;
	[tilespmem:$0x5320] =	vst v63  }
0x66: {  	_ =	swait.ge [sflag:s20], $0x500  }
0x67: {  	[sflag:s20] =	ssyncset.done $0x0  }
0x68: {  	[sflag:s20] =	ssyncadd.s32 $0xFFFFFB00  }
0x69: {  	_ =	swait.ge [sflag:s20], $0x500  }
0x6a: {  	[sflag:s20] =	ssyncset.done $0x0  }
0x6b: {  	[sflag:s20] =	ssyncadd.s32 $0xFFFFFB00  }
0x6c: {  	_ =	swait.ge [sflag:s20], $0x500  }
0x6d: {  	[sflag:s20] =	ssyncset.done $0x0  }
0x6e: {  	[sflag:s20] =	ssyncadd.s32 $0xFFFFFB00  }
.Ltmp2:
0x6f: {  	_ =	swait.ge [sflag:s20], $0x500;
	(pc) =	sbr.rel @p2 .LBB2_6-.Ltmp2, $4  }
0x70: {  	[sflag:s20] =	ssyncset.done $0x0  }
0x71: {  	[sflag:s20] =	ssyncadd.s32 $0xFFFFFB00  }
0x72: {  	_ =	swait.ge [sflag:s20], $0x500  }
0x73: {  	s24 =	smov.u32 s28;
	s23 =	sshra.s32 s26, $0x2;
	[sflag:s20] =	ssyncset.done $0x0  }
0x74: {  	s24 =	sadd.s32 $0x2710, s23;
	[sflag:s20] =	ssyncadd.s32 $0xFFFFFB00  }
0x75: {  	[spmem:s2] =	stream.indirect.scatter.add.f32 [tilespmem:s16], [sflag:$0x1], $0x10, s24, s19, $0xb8;
	[tilespmem:$0x5320] =	vst v63  }
0x76: {  	s28 =	sadd.s32 $0x2760, s23  }
0x77: {  	[spmem:s2] =	stream.indirect.scatter.add.f32 [tilespmem:s16], [sflag:$0x1], $0x10, s28, s19, $0xb8;
	[tilespmem:$0x5320] =	vst v63  }
0x78: {  	s29 =	sadd.s32 $0x27B0, s23  }
0x79: {  	[spmem:s2] =	stream.indirect.scatter.add.f32 [tilespmem:s16], [sflag:$0x1], $0x10, s29, s19, $0xb8;
	[tilespmem:$0x5320] =	vst v63  }
0x7a: {  	s30 =	sadd.s32 $0x2800, s23  }
0x7b: {  	[spmem:s2] =	stream.indirect.scatter.add.f32 [tilespmem:s16], [sflag:$0x1], $0x10, s30, s19, $0xb8;
	[tilespmem:$0x5320] =	vst v63  }
0x7c: {  	s31 =	sadd.s32 $0x2850, s23  }
0x7d: {  	[spmem:s2] =	stream.indirect.scatter.add.f32 [tilespmem:s16], [sflag:$0x1], $0x10, s31, s19, $0xb8;
	[tilespmem:$0x5320] =	vst v63  }
0x7e: {  	_ =	swait.ge [sflag:s20], $0x500  }
0x7f: {  	[sflag:s20] =	ssyncset.done $0x0  }
0x80: {  	[sflag:s20] =	ssyncadd.s32 $0xFFFFFB00  }
0x81: {  	_ =	swait.ge [sflag:s20], $0x500  }
0x82: {  	[sflag:s20] =	ssyncset.done $0x0  }
0x83: {  	[sflag:s20] =	ssyncadd.s32 $0xFFFFFB00  }
0x84: {  	_ =	swait.ge [sflag:s20], $0x500  }
0x85: {  	[sflag:s20] =	ssyncset.done $0x0  }
0x86: {  	[sflag:s20] =	ssyncadd.s32 $0xFFFFFB00  }
0x87: {  	_ =	swait.ge [sflag:s20], $0x500  }
0x88: {  	[sflag:s20] =	ssyncset.done $0x0  }
0x89: {  	[sflag:s20] =	ssyncadd.s32 $0xFFFFFB00  }
0x8a: {  	_ =	swait.ge [sflag:s20], $0x500  }
0x8b: {  	[sflag:s20] =	ssyncset.done $0x0  }
0x8c: {  	[sflag:s20] =	ssyncadd.s32 $0xFFFFFB00  }
0x8d: {  	s23 =	simm.s32 @p1 $0x1FC2;
	[bflag:$0x0] =	sbarrier.arrive $0xFFFF  }
0x8e: {  	[hbm:s6], [sflag:s23] =	dma.local @p1 [spmem:s21], $0x500  }
0x8f: {  	s23 =	simm.s32 @p1 $0x2  }
0x90: {  	_ =	swait.ge @p1 [sflag:s23], $0x500  }
0x91: {  	s3 =	sadd.s32 $0x1, s3;
	s24 =	sshll.u32 @!p1 s0, $0x6;
	[sflag:s23] =	ssyncset.done @p1 $0x0  }
0x92: {  	p2 =	sne.s32 s3, s8;
	[sflag:s23] =	ssyncadd.s32 @p1 $0xFFFFFB00;
	s23 =	sor.u32 @!p1 $0x1C02, s24  }
0x93: {  	[hbm:s5], [sflag:s23] =	dma.local @!p1 [spmem:s22], $0x4E0  }
.Ltmp3:
0x94: {  	_ = 	snop;
	(pc) =	sbr.rel @p2 .LBB2_1-.Ltmp3, $4  }
0x95: {  	s23 =	simm.s32 @!p1 $0x2  }
0x96: {  	_ =	swait.ge @!p1 [sflag:s23], $0x4E0  }
0x97: {  	[sflag:s23] =	ssyncset.done @!p1 $0x0  }
0x98: {  	[sflag:s23] =	ssyncadd.s32 @!p1 $0xFFFFFB20  }
0x99: {  	_ =	sfence.sel $0x180000  }
0x9a: {  	[bflag:$0x0] =	sbarrier.arrive $0xFFFF  }
0x9b: {  	p0 =	sne.s32 s0, $0x0;
	_ =	strace $0x90000047  }
0x9c: {  	s0 =	sadd.s32 @!p0 $0x100000, s1;
	[bflag:$0x2] =	sbarrier.arrive $0xFFFF  }
0x9d: {  	[sflag:s0] =	ssyncadd.tile.s32 @!p0 $0x1;
	_ =	shalt  }
.Lfunc_end2:
_tile_overlayer_lowered:
.L_overlay_start_2:
0x9e: {  	(tag) =	ssettag $0x2  }
0x9f: {  	s0 =	rddreg [dreg:$0x0];
	s2 =	stileid.u32  }
0xa0: {  	s1 =	rddreg [dreg:$0x1];
	p0 =	sne.s32 s2, $0x0  }
0xa1: {  	s3 =	rddreg [dreg:$0x2];
	[bflag:$0x3] =	sbarrier.arrive $0xFFFF;
	s2 =	simm.s32 @!p0 $0x1C02  }
0xa2: {  	[timem:s3], [sflag:s2] =	dma.local @!p0 [hbm:s0], s1  }
0xa3: {  	s0 =	simm.s32 @!p0 $0x2  }
0xa4: {  	_ =	swait.ge @!p0 [sflag:s0], s1  }
0xa5: {  	s1 =	ssub.s32 @!p0 $0x0, s1;
	[sflag:s0] =	ssyncset.done @!p0 $0x0  }
0xa6: {  	[sflag:s0] =	ssyncadd.s32 @!p0 s1  }
0xa7: {  	[bflag:$0x3] =	sbarrier.arrive $0xFFFF  }
0xa8: {  	_ =	shalt  }

// kernel: kernel.13.cloned.1.call-start
scs
__scs_entry_jumppad:
0x0: {  	(pc) =	sbr.rel $0x88, $3  }
0x1: {  	(tag) =	ssettag $0x0;
	lr =	simm.s32 $0x1  }
0x2: {  	[smem:$0x3F96] =	sst lr;
	_ =	strace $0xD0000000  }
0x3: {  	_ = 	snop  }
0x4: {  	_ = 	snop  }
0x5: {  	_ = 	snop  }
0x6: {  	_ = 	snop  }
0x7: {  	_ = 	snop  }
__scs_overlays_trampoline_lowered:
0x8: {  	[smem:$0x3FA5] =	sst s0  }
0x9: {  	[smem:$0x3FA6] =	sst s1  }
0xa: {  	[smem:$0x3FA7] =	sst s2  }
0xb: {  	[smem:$0x3FA8] =	sst s3  }
0xc: {  	[smem:$0x3FA9] =	sst s4  }
0xd: {  	[smem:$0x3FAA] =	sst s5  }
0xe: {  	[smem:$0x3FAB] =	sst s6  }
0xf: {  	[smem:$0x3FAC] =	sst s7  }
0x10: {  	[smem:$0x3FAD] =	sst s8  }
0x11: {  	[smem:$0x3FAE] =	sst s9;
	s0 =	simm.s32 @!p0 $0x0  }
0x12: {  	s1 =	sld [smem:$0x3F94];
	s0 =	simm.s32 @p0 $0x1  }
0x13: {  	[smem:$0x3FAF] =	sst s0;
	s0 =	simm.s32 @!p1 $0x0  }
0x14: {  	s2 =	sld [smem:$0x3F93];
	s0 =	simm.s32 @p1 $0x1  }
0x15: {  	[smem:$0x3FB0] =	sst s0;
	s0 =	simm.s32 @!p2 $0x0  }
0x16: {  	s3 =	sld [smem:$0x3FDB];
	s0 =	simm.s32 @p2 $0x1  }
0x17: {  	s4 =	simm.s32 $0x1BF5;
	[smem:$0x3FB2] =	sst s0  }
0x18: {  	s0 =	sld [smem:$0x3F95];
	_ =	swait.ge [sflag:s4], $0x0  }
0x19: {  	s7 =	sld [smem:$0x3F96]  }
0x1a: {  	s8 =	sadd.s32 $0xFFFFE003, lr  }
0x1b: {  	s9 =	sadd.s32 $0xFFFFFEF7, lr;
	s5 =	simm.s32 $0xFFFFFFFF;
	p2 =	slt.u32 s8, $0xFFFFF086  }
0x1c: {  	p1 =	slt.u32 s9, $0xF7A;
	s5 =	simm.s32 @!p2 $0x0  }
0x1d: {  	s5 =	simm.s32 @p1 $0x1;
	p0 =	seq.s32 s7, s2  }
0x1e: {  	s7 =	smul.u32 @!p0 $0xF7A, s2;
	p2 =	seq.s32 @!p0 s5, $0x0  }
0x1f: {  	s9 =	smul.u32 $0xF7A, s1;
	s8 =	simm.s32 @!p0 $0x1BF5;
	p2 =	por !p2, p0  }
0x20: {  	[sflag:s8] =	ssyncset.s32 @!p0 $0xFFFFF086;
	s6 =	sadd.s32 @!p0 s3, s7;
	s7 =	simm.s32 @!p0 $0x108  }
0x21: {  	s3 =	sadd.s32 s3, s9;
	s6 =	sadd.s32 @!p0 $0x88, s6;
	s7 =	simm.s32 @p2 $0x1082  }
0x22: {  	[simem:s7], [sflag:s8] =	dma.local @!p0 [hbm:s6], $0xF7A  }
0x23: {  	s9 =	sor.u32 $0xD0000000, s2;
	s6 =	simm.s32 $0x108;
	_ =	swait.ge @!p0 [sflag:s8], $0x0  }
0x24: {  	s3 =	sadd.s32 $0x88, s3;
	s6 =	simm.s32 @!p1 $0x1082;
	[sflag:s4] =	ssyncset.s32 $0xFFFFF086  }
0x25: {  	[simem:s6], [sflag:s4] =	dma.local [hbm:s3], $0xF7A  }
0x26: {  	[smem:$0x3F96] =	sst s1;
	(tag) =	ssettag s2;
	_ =	strace s9  }
0x27: {  	s1 =	sld [smem:$0x3FA6]  }
0x28: {  	s2 =	sld [smem:$0x3FA7]  }
0x29: {  	s4 =	sld [smem:$0x3FA9]  }
0x2a: {  	p0 =	seq.s32 s5, $0x0;
	s5 =	sld [smem:$0x3FAA]  }
0x2b: {  	s6 =	sld [smem:$0x3FAB]  }
0x2c: {  	s7 =	sld [smem:$0x3FAC]  }
0x2d: {  	s3 =	simm.s32 $0x108;
	s8 =	sld [smem:$0x3FAD]  }
0x2e: {  	s3 =	simm.s32 @!p0 $0x1082;
	s9 =	sld [smem:$0x3FAE]  }
0x2f: {  	lr =	sadd.s32 s0, s3;
	s0 =	sld [smem:$0x3FA5]  }
0x30: {  	s3 =	sld [smem:$0x3FA8]  }
0x31: {  	[smem:$0x3FB1] =	sst s10  }
0x32: {  	s10 =	sld [smem:$0x3FAF];
	_ =	sdelay $0x3  }
0x33: {  	p0 =	seq.s32 s10, $0x1;
	s10 =	sld [smem:$0x3FB1];
	_ =	sdelay $0x3  }
0x34: {  	[smem:$0x3FB1] =	sst s10  }
0x35: {  	s10 =	sld [smem:$0x3FB0];
	_ =	sdelay $0x3  }
0x36: {  	p1 =	seq.s32 s10, $0x1;
	s10 =	sld [smem:$0x3FB1];
	_ =	sdelay $0x3  }
0x37: {  	[smem:$0x3FB1] =	sst s10  }
0x38: {  	s10 =	sld [smem:$0x3FB2]  }
0x39: {  	_ = 	snop;
	(pc) =	sbr.ind lr, $3  }
0x3a: {  	_ = 	snop  }
0x3b: {  	_ = 	snop  }
0x3c: {  	p2 =	seq.s32 s10, $0x1;
	s10 =	sld [smem:$0x3FB1]  }
0x3d: {  	_ =	shalt  }
0x3e: {  	_ =	shalt  }
0x3f: {  	_ =	shalt  }
0x40: {  	_ =	shalt  }
0x41: {  	_ =	shalt  }
0x42: {  	_ =	shalt  }
0x43: {  	_ =	shalt  }
0x44: {  	_ =	shalt  }
0x45: {  	_ =	shalt  }
0x46: {  	_ =	shalt  }
0x47: {  	_ =	shalt  }
0x48: {  	_ =	shalt  }
0x49: {  	_ =	shalt  }
0x4a: {  	_ =	shalt  }
0x4b: {  	_ =	shalt  }
0x4c: {  	_ =	shalt  }
0x4d: {  	_ =	shalt  }
0x4e: {  	_ =	shalt  }
0x4f: {  	_ =	shalt  }
0x50: {  	_ =	shalt  }
0x51: {  	_ =	shalt  }
0x52: {  	_ =	shalt  }
0x53: {  	_ =	shalt  }
0x54: {  	_ =	shalt  }
0x55: {  	_ =	shalt  }
0x56: {  	_ =	shalt  }
0x57: {  	_ =	shalt  }
0x58: {  	_ =	shalt  }
0x59: {  	_ =	shalt  }
0x5a: {  	_ =	shalt  }
0x5b: {  	_ =	shalt  }
0x5c: {  	_ =	shalt  }
0x5d: {  	_ =	shalt  }
0x5e: {  	_ =	shalt  }
0x5f: {  	_ =	shalt  }
0x60: {  	_ =	shalt  }
0x61: {  	_ =	shalt  }
0x62: {  	_ =	shalt  }
0x63: {  	_ =	shalt  }
0x64: {  	_ =	shalt  }
0x65: {  	_ =	shalt  }
0x66: {  	_ =	shalt  }
0x67: {  	_ =	shalt  }
0x68: {  	_ =	shalt  }
0x69: {  	_ =	shalt  }
0x6a: {  	_ =	shalt  }
0x6b: {  	_ =	shalt  }
0x6c: {  	_ =	shalt  }
0x6d: {  	_ =	shalt  }
0x6e: {  	_ =	shalt  }
0x6f: {  	_ =	shalt  }
0x70: {  	_ =	shalt  }
0x71: {  	_ =	shalt  }
0x72: {  	_ =	shalt  }
0x73: {  	_ =	shalt  }
0x74: {  	_ =	shalt  }
0x75: {  	_ =	shalt  }
0x76: {  	_ =	shalt  }
0x77: {  	_ =	shalt  }
0x78: {  	_ =	shalt  }
0x79: {  	_ =	shalt  }
0x7a: {  	_ =	shalt  }
0x7b: {  	_ =	shalt  }
0x7c: {  	_ =	shalt  }
0x7d: {  	_ =	shalt  }
0x7e: {  	_ =	shalt  }
0x7f: {  	_ =	shalt  }
0x80: {  	_ =	shalt  }
0x81: {  	_ =	shalt  }
0x82: {  	_ =	shalt  }
0x83: {  	_ =	shalt  }
0x84: {  	_ =	shalt  }
0x85: {  	_ =	shalt  }
0x86: {  	_ =	shalt  }
0x87: {  	_ =	shalt  }
.Lfunc_end0:
.L_simem_size_0:
called_computation.1_lowered:
.L_overlay_start_0:
0x88: {  	s2 =	sld [smem:$0x3FD9]  }
0x89: {  	s3 =	sld [smem:$0x3FFE];
	_ =	sdelay $0x1  }
0x8a: {  	s1 =	srdreg.scid  }
0x8b: {  	s0 =	sand.u32 $0x1, s1  }
0x8c: {  	s16 =	sshll.u32 s0, $0xA;
	s2 =	sadd.s32 s3, s2  }
0x8d: {  	s2 =	sadd.s32 s2, s16  }
0x8e: {  	[smem:$0x3FBD] =	sst s2  }
0x8f: {  	_ = 	snop  }
0x90: {  	(tm) =	ssettm $0x1  }
0x91: {  	s17 =	sld [smem:$0x3FFB];
	_ =	sdelay $0x3  }
0x92: {  	_ =	strace s17  }
0x93: {  	s2 =	sld [smem:$0x3FFC];
	_ =	sdelay $0x3  }
0x94: {  	_ =	strace s2  }
0x95: {  	s2 =	sld [smem:$0x3FFD];
	_ =	sdelay $0x3  }
0x96: {  	_ =	strace s2  }
0x97: {  	_ =	strace $0x8FFFFFFF  }
0x98: {  	s18 =	sld [smem:$0x3FDB];
	_ =	sdelay $0x1  }
0x99: {  	s19 =	simm.s32 $_scs_section_size  }
0x9a: {  	s4 =	simm.s32 $_size__tile_overlayer_lowered;
	s5 =	simm.s32 $_tile_overlayer_lowered  }
0x9b: {  	s22 =	simm.s32 $0x1BFF;
	s21 =	sshll.u32 s5, $0x1;
	s2 =	sadd.s32 s19, s18  }
0x9c: {  	s6 =	simm.s32 $0x0;
	s20 =	sshll.u32 s4, $0x1;
	s4 =	sadd.s32 s21, s2  }
0x9d: {  	[timem:s6], [sflag:s22] =	dma.local [hbm:s4], s20  }
0x9e: {  	_ =	swait.ge [sflag:s22], s20  }
0x9f: {  	s3 =	ssub.s32 $0x0, s20;
	[sflag:s22] =	ssyncset.done $0x0  }
0xa0: {  	[sflag:s22] =	ssyncadd.s32 s3;
	_ =	sdelay $0x1  }
0xa1: {  	s23 =	simm.s32 $0x1B8B  }
0xa2: {  	_ =	swait.ge [sflag:s23], $0x1  }
0xa3: {  	[sflag:s23] =	ssyncset.done $0x0  }
0xa4: {  	s25 =	simm.s32 $0x1B8E;
	s24 =	sld [smem:$0x3FFE];
	[sflag:s23] =	ssyncadd.s32 $0xFFFFFFFF  }
0xa5: {  	s26 =	simm.s32 $execute0_lowered;
	[smem:$0x3FD2] =	sst s25  }
0xa6: {  	s4 =	sshll.u32 s26, $0x1;
	_ =	strace $0x80000049;
	[dreg:$0x1] =	wrdreg $0xFFFFFFFF  }
0xa7: {  	s28 =	simm.s32 $_size_execute0_lowered;
	s2 =	sadd.s32 s2, s4;
	[dreg:$0x0] =	wrdreg $0x0  }
0xa8: {  	s4 =	sshll.u32 s28, $0x1;
	[dreg:$0x2] =	wrdreg s2  }
0xa9: {  	[dreg:$0x3] =	wrdreg s4  }
0xaa: {  	[dreg:$0x4] =	wrdreg $0xC0  }
0xab: {  	_ =	task [dreg:s6], $0x5FFFF  }
0xac: {  	[dreg:$0x1] =	wrdreg $0xFFFFFFFF  }
0xad: {  	[dreg:$0x0] =	wrdreg $0x60  }
0xae: {  	[dreg:$0x2] =	wrdreg s24  }
0xaf: {  	[dreg:$0x3] =	wrdreg $0x0  }
0xb0: {  	[dreg:$0x4] =	wrdreg $0x9  }
0xb1: {  	_ =	task.clear_ibuf [dreg:s6], $0x5FFFF;
	_ =	strace $0x90000049  }
0xb2: {  	s29 =	simm.s32 $0x9;
	_ =	strace $0x8000004B  }
0xb3: {  	_ =	swait.ge [sflag:s29], $0x1  }
0xb4: {  	[sflag:s29] =	ssyncadd.s32 $0xFFFFFFFF  }
0xb5: {  	_ =	strace $0x9000004B  }
0xb6: {  	_ =	sfence  }
0xb7: {  	s30 =	sld [smem:$0x0];
	_ =	sdelay $0x2  }
0xb8: {  	s31 =	sshll.u32 s1, $0xD;
	s1 =	sshrl.u32 s1, $0x2  }
0xb9: {  	s3 =	sand.u32 $0x4000, s31;
	s1 =	sadd.s32 s1, s30  }
0xba: {  	s0 =	sor.u32 s3, s0;
	s1 =	sshll.u32 s1, $0x11  }
0xbb: {  	s0 =	sor.u32 s1, s0  }
0xbc: {  	s0 =	sadd.s32 $0x8F2B, s0  }
0xbd: {  	[sflag:s0] =	ssyncadd.remote.s32 $0x1  }
0xbe: {  	_ =	sfence.sel $0xFFFF  }
0xbf: {  	[dreg:$0x0] =	wrdreg $0xFFFFFFFF;
	(pc) =	sbr.abs _section_cstart, $3  }
0xc0: {  	[dreg:$0x1] =	wrdreg $0xFFFFFFFF  }
0xc1: {  	_ =	task.clear_ibuf [dreg:s6], $0x2FFFF;
	_ =	strace $0x9FFFFFFF  }
0xc2: {  	(tm) =	ssettm $0x7FFFFFFF  }
0xc3: {  	_ =	shalt  }
tec
execute0_lowered:
.L_overlay_start_1:
0x0: {  	(tag) =	ssettag $0x1  }
0x1: {  	s0 =	rddreg [dreg:$0x0]  }
0x2: {  	s2 =	rddreg [dreg:$0x1];
	s1 =	srdreg.scid  }
0x3: {  	s23 =	stileid.u32;
	s4 =	simm.s32 $0x0;
	s18 =	simm.s32 $0x13880  }
0x4: {  	s20 =	simm.s32 $0x4;
	s28 =	simm.s32 $0x186A0;
	s29 =	simm.s32 $0x5  }
0x5: {  	s30 =	simm.s32 $0x2;
	s31 =	simm.s32 $0x6;
	s1 =	sand.u32 $0x1, s1  }
0x6: {  	s3 =	sshll.u32 s23, $0x1;
	[smem:$0x7FF] =	sst s4;
	s8 =	smul.u32 $0x13800, s23  }
0x7: {  	s4 =	sadd.s32 $0x17200, s0;
	s10 =	smul.u32 $0xA000, s23;
	s19 =	sadd.s32 $0x124800, s2  }
0x8: {  	s25 =	sor.u32 $0x70, s23;
	p1 =	seq.s32 s23, $0xF;
	s6 =	smul.u32 $0x138800, s1  }
0x9: {  	s3 =	sor.u32 s1, s3;
	s1 =	ssub.s32 $0x2, s1;
	s26 =	smul.u32 $0xA000, s25  }
0xa: {  	_ =	strace $0x8000004A;
	s3 =	smul.u32 $0x2710, s3;
	s5 =	sshrl.u32 s1, $0x1  }
0xb: {  	p0 =	sgt.u32 s25, $0x7C;
	s24 =	sshrl.u32 s10, $0x2;
	s1 =	ssub.s32 s1, s5  }
0xc: {  	s7 =	sadd.s32 s8, s6;
	s9 =	sshrl.u32 s6, $0x3;
	s3 =	sshrl.u32 s3, $0x3  }
0xd: {  	s7 =	sshrl.u32 s7, $0x3;
	s10 =	smax.u32 s1, $0x1;
	s1 =	sshrl.u32 s26, $0x2  }
0xe: {  	s26 =	simm.s32 $0x1D6A0;
	s3 =	sadd.s32 s3, s0;
	s0 =	sadd.s32 $0x3E400, s0  }
0xf: {  	s17 =	sadd.s32 s1, s2;
	s1 =	simm.s32 $0x0;
	s21 =	sadd.s32 $0x3800, s3  }
0x10: {  	s3 =	sadd.s32 $0xD440, s3;
	s22 =	sadd.s32 s0, s7;
	[dreg:$0x3] =	wrdreg s21  }
0x11: {  	s0 =	sadd.s32 s0, s9;
	s9 =	sadd.s32 s24, s2;
	[dreg:$0x4] =	wrdreg s3  }
0x12: {  	s24 =	sshrl.u32 @p1 s19, $0x3;
	s19 =	simm.s32 $0x1;
	[dreg:$0x5] =	wrdreg s22  }
0x13: {  	s3 =	sadd.s32 s8, s2;
	s8 =	sadd.s32 $0x24900, s0;
	s11 =	sadd.s32 $0x28000, s9  }
0x14: {  	s12 =	sadd.s32 $0x50000, s9;
	s13 =	sadd.s32 $0x78000, s9;
	s14 =	sadd.s32 $0xA0000, s9  }
0x15: {  	s15 =	sadd.s32 $0xC8000, s9;
	s16 =	sadd.s32 $0xF0000, s9;
	s21 =	simm.s32 $0x50  }
0x16: {  	v0 =	vimm.f32 $0.0e+00;
	s22 =	simm.s32 $0x1AEA0;
	s0 =	simm.s32 $0x3;
	s25 =	sshrl.u32 @!p1 s3, $0x3  }
.LBB2_1:
0x17: {  	s3 =	simm.s32 $0x0;
	s5 =	rddreg [dreg:$0x3]  }
0x18: {  	[tilespmem:s18], [sflag:$0x4] =	stream.linear.gather [hbm4b:s5+s3], $0x2710, $0x38;
	[tilespmem:$0x1FEA0] =	vst v63  }
0x19: {  	s23 =	rddreg [dreg:$0x4];
	s6 =	simm.s32 $0x15F90  }
0x1a: {  	[tilespmem:s6], [sflag:$0x4] =	stream.linear.gather [hbm4b:s23+s3], $0x2710, $0x38;
	[tilespmem:$0x1FEA0] =	vst v63  }
0x1b: {  	s23 =	simm.s32 $0x0;
	s3 =	simm.s32 $0x200  }
.LBB2_2:
0x1c: {  	p2 =	sne.s32 s3, $0x9E00;
	[tilespmem:s23+$0x18710] =	vst v0  }
0x1d: {  	[tilespmem:s23+$0x186A0] =	vst v0  }
0x1e: {  	[tilespmem:s23+$0x186B0] =	vst v0  }
.Ltmp0:
0x1f: {  	[tilespmem:s23+$0x186C0] =	vst v0;
	(pc) =	sbr.rel @p2 .LBB2_2-.Ltmp0, $4  }
0x20: {  	[tilespmem:s23+$0x186D0] =	vst v0  }
0x21: {  	[tilespmem:s23+$0x186E0] =	vst v0  }
0x22: {  	[tilespmem:s23+$0x186F0] =	vst v0  }
0x23: {  	[tilespmem:s23+$0x18700] =	vst v0;
	s23 =	sshra.s32 s3, $0x2;
	s3 =	sadd.s32 $0x200, s3  }
0x24: {  	[tilespmem:s23+$0x18710] =	vst v0  }
0x25: {  	[tilespmem:s23+$0x186A0] =	vst v0  }
0x26: {  	[tilespmem:s23+$0x186B0] =	vst v0  }
0x27: {  	[tilespmem:s23+$0x186C0] =	vst v0  }
0x28: {  	[tilespmem:s23+$0x186D0] =	vst v0  }
0x29: {  	[tilespmem:s23+$0x186E0] =	vst v0  }
0x2a: {  	[tilespmem:s23+$0x186F0] =	vst v0  }
0x2b: {  	[tilespmem:s23+$0x18700] =	vst v0  }
0x2c: {  	_ =	swait.ge [sflag:s20], $0x2710  }
0x2d: {  	[sflag:s20] =	ssyncset.done $0x0  }
0x2e: {  	[sflag:s20] =	ssyncadd.s32 $0xFFFFD8F0  }
0x2f: {  	_ =	swait.ge [sflag:s20], $0x2710  }
0x30: {  	[sflag:s20] =	ssyncset.done $0x0  }
0x31: {  	[sflag:s20] =	ssyncadd.s32 $0xFFFFD8F0  }
0x32: {  	[tilespmem:s22], [sflag:$0x2] =	stream.indirect.gather [hbm4b:s4+s21], $0x80, s18, s21, $0xb8;
	[tilespmem:$0x1FEA0] =	vst v63  }
0x33: {  	s3 =	simm.s32 $0x138D0  }
0x34: {  	[tilespmem:s26], [sflag:$0x3] =	stream.indirect.gather [hbm4b:s4+s21], $0x80, s3, s21, $0xb8;
	[tilespmem:$0x1FEA0] =	vst v63  }
0x35: {  	_ = 	snop  }
0x36: {  	[spmem:s9] =	stream.linear.scatter [tilespmem:s28], [sflag:$0x5], $0x2800, $0x38;
	[tilespmem:$0x1FEA0] =	vst v63  }
0x37: {  	_ =	swait.ge [sflag:s29], $0x2800  }
0x38: {  	[sflag:s29] =	ssyncset.done $0x0  }
0x39: {  	[sflag:s29] =	ssyncadd.s32 $0xFFFFD800  }
0x3a: {  	[spmem:s11] =	stream.linear.scatter [tilespmem:s28], [sflag:$0x5], $0x2800, $0x38;
	[tilespmem:$0x1FEA0] =	vst v63  }
0x3b: {  	_ =	swait.ge [sflag:s29], $0x2800  }
0x3c: {  	[sflag:s29] =	ssyncset.done $0x0  }
0x3d: {  	[sflag:s29] =	ssyncadd.s32 $0xFFFFD800  }
0x3e: {  	[spmem:s12] =	stream.linear.scatter [tilespmem:s28], [sflag:$0x5], $0x2800, $0x38;
	[tilespmem:$0x1FEA0] =	vst v63  }
0x3f: {  	_ =	swait.ge [sflag:s29], $0x2800  }
0x40: {  	[sflag:s29] =	ssyncset.done $0x0  }
0x41: {  	[sflag:s29] =	ssyncadd.s32 $0xFFFFD800  }
0x42: {  	[spmem:s13] =	stream.linear.scatter [tilespmem:s28], [sflag:$0x5], $0x2800, $0x38;
	[tilespmem:$0x1FEA0] =	vst v63  }
0x43: {  	_ =	swait.ge [sflag:s29], $0x2800  }
0x44: {  	[sflag:s29] =	ssyncset.done $0x0  }
0x45: {  	[sflag:s29] =	ssyncadd.s32 $0xFFFFD800  }
0x46: {  	[spmem:s14] =	stream.linear.scatter [tilespmem:s28], [sflag:$0x5], $0x2800, $0x38;
	[tilespmem:$0x1FEA0] =	vst v63  }
0x47: {  	_ =	swait.ge [sflag:s29], $0x2800  }
0x48: {  	[sflag:s29] =	ssyncset.done $0x0  }
0x49: {  	[sflag:s29] =	ssyncadd.s32 $0xFFFFD800  }
0x4a: {  	[spmem:s15] =	stream.linear.scatter [tilespmem:s28], [sflag:$0x5], $0x2800, $0x38;
	[tilespmem:$0x1FEA0] =	vst v63  }
0x4b: {  	_ =	swait.ge [sflag:s29], $0x2800  }
0x4c: {  	[sflag:s29] =	ssyncset.done $0x0  }
0x4d: {  	[sflag:s29] =	ssyncadd.s32 $0xFFFFD800  }
0x4e: {  	[spmem:s16] =	stream.linear.scatter [tilespmem:s28], [sflag:$0x5], $0x2800, $0x38;
	[tilespmem:$0x1FEA0] =	vst v63  }
0x4f: {  	_ =	swait.ge [sflag:s29], $0x2800  }
0x50: {  	[sflag:s29] =	ssyncset.done $0x0  }
0x51: {  	s3 =	simm.s32 @!p0 $0x186A0;
	[sflag:s29] =	ssyncadd.s32 $0xFFFFD800  }
0x52: {  	[spmem:s17] =	stream.linear.scatter @!p0 [tilespmem:s3], [sflag:$0x5], $0x2800, $0x38;
	[tilespmem:$0x1FEA0] =	vst v63  }
0x53: {  	s3 =	simm.s32 @!p0 $0x5  }
0x54: {  	_ =	swait.ge @!p0 [sflag:s3], $0x2800  }
0x55: {  	[sflag:s3] =	ssyncset.done @!p0 $0x0  }
0x56: {  	[sflag:s3] =	ssyncadd.s32 @!p0 $0xFFFFD800  }
0x57: {  	s7 =	simm.s32 $0x13920;
	[bflag:$0x0] =	sbarrier.arrive $0xFFFF  }
0x58: {  	[tilespmem:s28], [sflag:$0x1] =	stream.indirect.gather [hbm4b:s4+s21], $0x80, s7, s21, $0xb8;
	[tilespmem:$0x1FEA0] =	vst v63  }
0x59: {  	_ =	swait.ge [sflag:s30], $0x2800  }
0x5a: {  	[sflag:s30] =	ssyncset.done $0x0  }
0x5b: {  	s23 =	simm.s32 $0x15F90;
	[sflag:s30] =	ssyncadd.s32 $0xFFFFD800  }
0x5c: {  	[spmem:s2] =	stream.indirect.scatter.add.f32 [tilespmem:s22], [sflag:$0x6], $0x80, s23, s21, $0xb8;
	[tilespmem:$0x1FEA0] =	vst v63  }
0x5d: {  	_ =	swait.ge [sflag:s31], $0x2800  }
0x5e: {  	[sflag:s31] =	ssyncset.done $0x0  }
0x5f: {  	s5 =	simm.s32 $0x13970;
	[sflag:s31] =	ssyncadd.s32 $0xFFFFD800  }
0x60: {  	[tilespmem:s22], [sflag:$0x2] =	stream.indirect.gather [hbm4b:s4+s21], $0x80, s5, s21, $0xb8;
	[tilespmem:$0x1FEA0] =	vst v63  }
0x61: {  	_ =	swait.ge [sflag:s0], $0x2800  }
0x62: {  	[sflag:s0] =	ssyncset.done $0x0  }
0x63: {  	s6 =	simm.s32 $0x15FE0;
	[sflag:s0] =	ssyncadd.s32 $0xFFFFD800  }
0x64: {  	[spmem:s2] =	stream.indirect.scatter.add.f32 [tilespmem:s26], [sflag:$0x6], $0x80, s6, s21, $0xb8;
	[tilespmem:$0x1FEA0] =	vst v63  }
0x65: {  	_ =	swait.ge [sflag:s31], $0x2800  }
0x66: {  	[sflag:s31] =	ssyncset.done $0x0  }
0x67: {  	s7 =	simm.s32 $0x139C0;
	[sflag:s31] =	ssyncadd.s32 $0xFFFFD800  }
0x68: {  	[tilespmem:s26], [sflag:$0x3] =	stream.indirect.gather [hbm4b:s4+s21], $0x80, s7, s21, $0xb8;
	[tilespmem:$0x1FEA0] =	vst v63  }
0x69: {  	_ =	swait.ge [sflag:s19], $0x2800  }
0x6a: {  	[sflag:s19] =	ssyncset.done $0x0  }
0x6b: {  	s23 =	simm.s32 $0x16030;
	[sflag:s19] =	ssyncadd.s32 $0xFFFFD800  }
0x6c: {  	[spmem:s2] =	stream.indirect.scatter.add.f32 [tilespmem:s28], [sflag:$0x5], $0x80, s23, s21, $0xb8;
	[tilespmem:$0x1FEA0] =	vst v63  }
0x6d: {  	_ =	swait.ge [sflag:s29], $0x2800  }
0x6e: {  	s3 =	simm.s32 $0x780;
	s23 =	simm.s32 $0xF0;
	[sflag:s29] =	ssyncset.done $0x0  }
.LBB2_4:
0x6f: {  	s5 =	sadd.s32 $0x13920, s23  }
0x70: {  	[sflag:s29] =	ssyncadd.s32 $0xFFFFD800;
	s6 =	smov.u32 s3;
	s7 =	sadd.s32 $0x3C0, s3  }
0x71: {  	[tilespmem:s28], [sflag:$0x1] =	stream.indirect.gather [hbm4b:s4+s21], $0x80, s5, s21, $0xb8;
	[tilespmem:$0x1FEA0] =	vst v63  }
0x72: {  	p2 =	sne.s32 s3, $0x9600;
	_ =	swait.ge [sflag:s30], $0x2800  }
0x73: {  	[sflag:s30] =	ssyncset.done $0x0  }
0x74: {  	s3 =	sadd.s32 $0x15F90, s23;
	[sflag:s30] =	ssyncadd.s32 $0xFFFFD800  }
0x75: {  	[spmem:s2] =	stream.indirect.scatter.add.f32 [tilespmem:s22], [sflag:$0x6], $0x80, s3, s21, $0xb8;
	[tilespmem:$0x1FEA0] =	vst v63  }
0x76: {  	_ =	swait.ge [sflag:s31], $0x2800  }
0x77: {  	[sflag:s31] =	ssyncset.done $0x0  }
0x78: {  	s3 =	sadd.s32 $0x13970, s23;
	[sflag:s31] =	ssyncadd.s32 $0xFFFFD800  }
0x79: {  	[tilespmem:s22], [sflag:$0x2] =	stream.indirect.gather [hbm4b:s4+s21], $0x80, s3, s21, $0xb8;
	[tilespmem:$0x1FEA0] =	vst v63  }
0x7a: {  	_ =	swait.ge [sflag:s0], $0x2800  }
0x7b: {  	[sflag:s0] =	ssyncset.done $0x0  }
0x7c: {  	s3 =	sadd.s32 $0x15FE0, s23;
	[sflag:s0] =	ssyncadd.s32 $0xFFFFD800  }
0x7d: {  	[spmem:s2] =	stream.indirect.scatter.add.f32 [tilespmem:s26], [sflag:$0x6], $0x80, s3, s21, $0xb8;
	[tilespmem:$0x1FEA0] =	vst v63  }
0x7e: {  	_ =	swait.ge [sflag:s31], $0x2800  }
0x7f: {  	[sflag:s31] =	ssyncset.done $0x0  }
0x80: {  	s3 =	sadd.s32 $0x139C0, s23;
	[sflag:s31] =	ssyncadd.s32 $0xFFFFD800  }
0x81: {  	[tilespmem:s26], [sflag:$0x3] =	stream.indirect.gather [hbm4b:s4+s21], $0x80, s3, s21, $0xb8;
	[tilespmem:$0x1FEA0] =	vst v63  }
0x82: {  	_ =	swait.ge [sflag:s19], $0x2800  }
.Ltmp1:
0x83: {  	[sflag:s19] =	ssyncset.done $0x0;
	(pc) =	sbr.rel @p2 .LBB2_4-.Ltmp1, $4  }
0x84: {  	s3 =	sadd.s32 $0x16030, s23;
	[sflag:s19] =	ssyncadd.s32 $0xFFFFD800  }
0x85: {  	[spmem:s2] =	stream.indirect.scatter.add.f32 [tilespmem:s28], [sflag:$0x5], $0x80, s3, s21, $0xb8;
	[tilespmem:$0x1FEA0] =	vst v63  }
0x86: {  	_ =	swait.ge [sflag:s29], $0x2800  }
0x87: {  	s23 =	sshra.s32 s6, $0x2;
	s3 =	smov.u32 s7;
	[sflag:s29] =	ssyncset.done $0x0  }
0x88: {  	s3 =	sadd.s32 $0x13920, s23;
	[sflag:s29] =	ssyncadd.s32 $0xFFFFD800  }
0x89: {  	[tilespmem:s28], [sflag:$0x1] =	stream.indirect.gather [hbm4b:s4+s21], $0x80, s3, s21, $0xb8;
	[tilespmem:$0x1FEA0] =	vst v63  }
0x8a: {  	_ =	swait.ge [sflag:s30], $0x2800  }
0x8b: {  	[sflag:s30] =	ssyncset.done $0x0  }
0x8c: {  	s5 =	sadd.s32 $0x15F90, s23;
	[sflag:s30] =	ssyncadd.s32 $0xFFFFD800  }
0x8d: {  	[spmem:s2] =	stream.indirect.scatter.add.f32 [tilespmem:s22], [sflag:$0x6], $0x80, s5, s21, $0xb8;
	[tilespmem:$0x1FEA0] =	vst v63  }
0x8e: {  	_ =	swait.ge [sflag:s31], $0x2800  }
0x8f: {  	[sflag:s31] =	ssyncset.done $0x0  }
0x90: {  	s6 =	sadd.s32 $0x13970, s23;
	[sflag:s31] =	ssyncadd.s32 $0xFFFFD800  }
0x91: {  	[tilespmem:s22], [sflag:$0x2] =	stream.indirect.gather [hbm4b:s4+s21], $0x80, s6, s21, $0xb8;
	[tilespmem:$0x1FEA0] =	vst v63  }
0x92: {  	_ =	swait.ge [sflag:s0], $0x2800  }
0x93: {  	[sflag:s0] =	ssyncset.done $0x0  }
0x94: {  	s7 =	sadd.s32 $0x15FE0, s23;
	[sflag:s0] =	ssyncadd.s32 $0xFFFFD800  }
0x95: {  	[spmem:s2] =	stream.indirect.scatter.add.f32 [tilespmem:s26], [sflag:$0x6], $0x80, s7, s21, $0xb8;
	[tilespmem:$0x1FEA0] =	vst v63  }
0x96: {  	_ =	swait.ge [sflag:s31], $0x2800  }
0x97: {  	[sflag:s31] =	ssyncset.done $0x0  }
0x98: {  	s5 =	sadd.s32 $0x139C0, s23;
	[sflag:s31] =	ssyncadd.s32 $0xFFFFD800  }
0x99: {  	[tilespmem:s26], [sflag:$0x3] =	stream.indirect.gather [hbm4b:s4+s21], $0x80, s5, s21, $0xb8;
	[tilespmem:$0x1FEA0] =	vst v63  }
0x9a: {  	_ =	swait.ge [sflag:s19], $0x2800  }
0x9b: {  	[sflag:s19] =	ssyncset.done $0x0  }
0x9c: {  	s6 =	sadd.s32 $0x16030, s23;
	[sflag:s19] =	ssyncadd.s32 $0xFFFFD800  }
0x9d: {  	[spmem:s2] =	stream.indirect.scatter.add.f32 [tilespmem:s28], [sflag:$0x5], $0x80, s6, s21, $0xb8;
	[tilespmem:$0x1FEA0] =	vst v63  }
0x9e: {  	_ =	swait.ge [sflag:s29], $0x2800  }
0x9f: {  	[sflag:s29] =	ssyncset.done $0x0  }
0xa0: {  	[sflag:s29] =	ssyncadd.s32 $0xFFFFD800  }
0xa1: {  	_ =	swait.ge [sflag:s30], $0x2800  }
0xa2: {  	[sflag:s30] =	ssyncset.done $0x0  }
0xa3: {  	s7 =	simm.s32 $0x18600;
	[sflag:s30] =	ssyncadd.s32 $0xFFFFD800  }
0xa4: {  	[spmem:s2] =	stream.indirect.scatter.add.f32 [tilespmem:s22], [sflag:$0x6], $0x80, s7, s21, $0xb8;
	[tilespmem:$0x1FEA0] =	vst v63  }
0xa5: {  	_ =	swait.ge [sflag:s31], $0x2800  }
0xa6: {  	[sflag:s31] =	ssyncset.done $0x0  }
0xa7: {  	[sflag:s31] =	ssyncadd.s32 $0xFFFFD800  }
0xa8: {  	_ =	swait.ge [sflag:s0], $0x2800  }
0xa9: {  	[sflag:s0] =	ssyncset.done $0x0  }
0xaa: {  	s23 =	simm.s32 $0x18650;
	[sflag:s0] =	ssyncadd.s32 $0xFFFFD800  }
0xab: {  	[spmem:s2] =	stream.indirect.scatter.add.f32 [tilespmem:s26], [sflag:$0x6], $0x80, s23, s21, $0xb8;
	[tilespmem:$0x1FEA0] =	vst v63  }
0xac: {  	_ =	swait.ge [sflag:s31], $0x2800  }
0xad: {  	[sflag:s31] =	ssyncset.done $0x0  }
0xae: {  	[sflag:s31] =	ssyncadd.s32 $0xFFFFD800  }
0xaf: {  	s3 =	simm.s32 @p1 $0x1FC5;
	[bflag:$0x0] =	sbarrier.arrive $0xFFFF  }
0xb0: {  	[hbm:s8], [sflag:s3] =	dma.local @p1 [spmem:s24], $0x2800  }
0xb1: {  	s3 =	simm.s32 @p1 $0x5  }
0xb2: {  	s1 =	sadd.s32 $0x1, s1;
	s5 =	stileid.u32;
	_ =	swait.ge @p1 [sflag:s3], $0x2800  }
0xb3: {  	p2 =	sne.s32 s1, s10;
	s5 =	sshll.u32 @!p1 s5, $0x6;
	[sflag:s3] =	ssyncset.done @p1 $0x0  }
0xb4: {  	[sflag:s3] =	ssyncadd.s32 @p1 $0xFFFFD800;
	s3 =	sor.u32 @!p1 $0x1C05, s5;
	s5 =	rddreg [dreg:$0x5]  }
0xb5: {  	[hbm:s5], [sflag:s3] =	dma.local @!p1 [spmem:s25], $0x2700  }
.Ltmp2:
0xb6: {  	_ = 	snop;
	(pc) =	sbr.rel @p2 .LBB2_1-.Ltmp2, $4  }
0xb7: {  	s3 =	simm.s32 @!p1 $0x5  }
0xb8: {  	_ =	swait.ge @!p1 [sflag:s3], $0x2700  }
0xb9: {  	[sflag:s3] =	ssyncset.done @!p1 $0x0  }
0xba: {  	[sflag:s3] =	ssyncadd.s32 @!p1 $0xFFFFD900  }
0xbb: {  	_ =	sfence.sel $0x180000  }
0xbc: {  	[bflag:$0x0] =	sbarrier.arrive $0xFFFF  }
0xbd: {  	_ =	strace $0x9000004A  }
0xbe: {  	s0 =	stileid.u32;
	[bflag:$0x2] =	sbarrier.arrive $0xFFFF  }
0xbf: {  	p0 =	sne.s32 s0, $0x0;
	s0 =	rddreg [dreg:$0x2]  }
0xc0: {  	s0 =	sadd.s32 @!p0 $0x100000, s0  }
0xc1: {  	[sflag:s0] =	ssyncadd.tile.s32 @!p0 $0x1;
	_ =	shalt  }
.Lfunc_end2:
_tile_overlayer_lowered:
.L_overlay_start_2:
0xc2: {  	(tag) =	ssettag $0x2  }
0xc3: {  	s0 =	rddreg [dreg:$0x0];
	s2 =	stileid.u32  }
0xc4: {  	s1 =	rddreg [dreg:$0x1];
	p0 =	sne.s32 s2, $0x0  }
0xc5: {  	s3 =	rddreg [dreg:$0x2];
	[bflag:$0x3] =	sbarrier.arrive $0xFFFF;
	s2 =	simm.s32 @!p0 $0x1C05  }
0xc6: {  	[timem:s3], [sflag:s2] =	dma.local @!p0 [hbm:s0], s1  }
0xc7: {  	s0 =	simm.s32 @!p0 $0x5  }
0xc8: {  	_ =	swait.ge @!p0 [sflag:s0], s1  }
0xc9: {  	s1 =	ssub.s32 @!p0 $0x0, s1;
	[sflag:s0] =	ssyncset.done @!p0 $0x0  }
0xca: {  	[sflag:s0] =	ssyncadd.s32 @!p0 s1  }
0xcb: {  	[bflag:$0x3] =	sbarrier.arrive $0xFFFF  }
0xcc: {  	_ =	shalt  }

// kernel: kernel.16.cloned.1.call-start
scs
__scs_entry_jumppad:
0x0: {  	(pc) =	sbr.rel $0x88, $3  }
0x1: {  	(tag) =	ssettag $0x0;
	lr =	simm.s32 $0x1  }
0x2: {  	[smem:$0x3F96] =	sst lr;
	_ =	strace $0xD0000000  }
0x3: {  	_ = 	snop  }
0x4: {  	_ = 	snop  }
0x5: {  	_ = 	snop  }
0x6: {  	_ = 	snop  }
0x7: {  	_ = 	snop  }
__scs_overlays_trampoline_lowered:
0x8: {  	[smem:$0x3FA5] =	sst s0  }
0x9: {  	[smem:$0x3FA6] =	sst s1  }
0xa: {  	[smem:$0x3FA7] =	sst s2  }
0xb: {  	[smem:$0x3FA8] =	sst s3  }
0xc: {  	[smem:$0x3FA9] =	sst s4  }
0xd: {  	[smem:$0x3FAA] =	sst s5  }
0xe: {  	[smem:$0x3FAB] =	sst s6  }
0xf: {  	[smem:$0x3FAC] =	sst s7  }
0x10: {  	[smem:$0x3FAD] =	sst s8  }
0x11: {  	[smem:$0x3FAE] =	sst s9;
	s0 =	simm.s32 @!p0 $0x0  }
0x12: {  	s1 =	sld [smem:$0x3F94];
	s0 =	simm.s32 @p0 $0x1  }
0x13: {  	[smem:$0x3FAF] =	sst s0;
	s0 =	simm.s32 @!p1 $0x0  }
0x14: {  	s2 =	sld [smem:$0x3F93];
	s0 =	simm.s32 @p1 $0x1  }
0x15: {  	[smem:$0x3FB0] =	sst s0;
	s0 =	simm.s32 @!p2 $0x0  }
0x16: {  	s3 =	sld [smem:$0x3FDB];
	s0 =	simm.s32 @p2 $0x1  }
0x17: {  	s4 =	simm.s32 $0x1BF5;
	[smem:$0x3FB2] =	sst s0  }
0x18: {  	s0 =	sld [smem:$0x3F95];
	_ =	swait.ge [sflag:s4], $0x0  }
0x19: {  	s7 =	sld [smem:$0x3F96]  }
0x1a: {  	s8 =	sadd.s32 $0xFFFFE003, lr  }
0x1b: {  	s9 =	sadd.s32 $0xFFFFFEF7, lr;
	s5 =	simm.s32 $0xFFFFFFFF;
	p2 =	slt.u32 s8, $0xFFFFF086  }
0x1c: {  	p1 =	slt.u32 s9, $0xF7A;
	s5 =	simm.s32 @!p2 $0x0  }
0x1d: {  	s5 =	simm.s32 @p1 $0x1;
	p0 =	seq.s32 s7, s2  }
0x1e: {  	s7 =	smul.u32 @!p0 $0xF7A, s2;
	p2 =	seq.s32 @!p0 s5, $0x0  }
0x1f: {  	s9 =	smul.u32 $0xF7A, s1;
	s8 =	simm.s32 @!p0 $0x1BF5;
	p2 =	por !p2, p0  }
0x20: {  	[sflag:s8] =	ssyncset.s32 @!p0 $0xFFFFF086;
	s6 =	sadd.s32 @!p0 s3, s7;
	s7 =	simm.s32 @!p0 $0x108  }
0x21: {  	s3 =	sadd.s32 s3, s9;
	s6 =	sadd.s32 @!p0 $0x88, s6;
	s7 =	simm.s32 @p2 $0x1082  }
0x22: {  	[simem:s7], [sflag:s8] =	dma.local @!p0 [hbm:s6], $0xF7A  }
0x23: {  	s9 =	sor.u32 $0xD0000000, s2;
	s6 =	simm.s32 $0x108;
	_ =	swait.ge @!p0 [sflag:s8], $0x0  }
0x24: {  	s3 =	sadd.s32 $0x88, s3;
	s6 =	simm.s32 @!p1 $0x1082;
	[sflag:s4] =	ssyncset.s32 $0xFFFFF086  }
0x25: {  	[simem:s6], [sflag:s4] =	dma.local [hbm:s3], $0xF7A  }
0x26: {  	[smem:$0x3F96] =	sst s1;
	(tag) =	ssettag s2;
	_ =	strace s9  }
0x27: {  	s1 =	sld [smem:$0x3FA6]  }
0x28: {  	s2 =	sld [smem:$0x3FA7]  }
0x29: {  	s4 =	sld [smem:$0x3FA9]  }
0x2a: {  	p0 =	seq.s32 s5, $0x0;
	s5 =	sld [smem:$0x3FAA]  }
0x2b: {  	s6 =	sld [smem:$0x3FAB]  }
0x2c: {  	s7 =	sld [smem:$0x3FAC]  }
0x2d: {  	s3 =	simm.s32 $0x108;
	s8 =	sld [smem:$0x3FAD]  }
0x2e: {  	s3 =	simm.s32 @!p0 $0x1082;
	s9 =	sld [smem:$0x3FAE]  }
0x2f: {  	lr =	sadd.s32 s0, s3;
	s0 =	sld [smem:$0x3FA5]  }
0x30: {  	s3 =	sld [smem:$0x3FA8]  }
0x31: {  	[smem:$0x3FB1] =	sst s10  }
0x32: {  	s10 =	sld [smem:$0x3FAF];
	_ =	sdelay $0x3  }
0x33: {  	p0 =	seq.s32 s10, $0x1;
	s10 =	sld [smem:$0x3FB1];
	_ =	sdelay $0x3  }
0x34: {  	[smem:$0x3FB1] =	sst s10  }
0x35: {  	s10 =	sld [smem:$0x3FB0];
	_ =	sdelay $0x3  }
0x36: {  	p1 =	seq.s32 s10, $0x1;
	s10 =	sld [smem:$0x3FB1];
	_ =	sdelay $0x3  }
0x37: {  	[smem:$0x3FB1] =	sst s10  }
0x38: {  	s10 =	sld [smem:$0x3FB2]  }
0x39: {  	_ = 	snop;
	(pc) =	sbr.ind lr, $3  }
0x3a: {  	_ = 	snop  }
0x3b: {  	_ = 	snop  }
0x3c: {  	p2 =	seq.s32 s10, $0x1;
	s10 =	sld [smem:$0x3FB1]  }
0x3d: {  	_ =	shalt  }
0x3e: {  	_ =	shalt  }
0x3f: {  	_ =	shalt  }
0x40: {  	_ =	shalt  }
0x41: {  	_ =	shalt  }
0x42: {  	_ =	shalt  }
0x43: {  	_ =	shalt  }
0x44: {  	_ =	shalt  }
0x45: {  	_ =	shalt  }
0x46: {  	_ =	shalt  }
0x47: {  	_ =	shalt  }
0x48: {  	_ =	shalt  }
0x49: {  	_ =	shalt  }
0x4a: {  	_ =	shalt  }
0x4b: {  	_ =	shalt  }
0x4c: {  	_ =	shalt  }
0x4d: {  	_ =	shalt  }
0x4e: {  	_ =	shalt  }
0x4f: {  	_ =	shalt  }
0x50: {  	_ =	shalt  }
0x51: {  	_ =	shalt  }
0x52: {  	_ =	shalt  }
0x53: {  	_ =	shalt  }
0x54: {  	_ =	shalt  }
0x55: {  	_ =	shalt  }
0x56: {  	_ =	shalt  }
0x57: {  	_ =	shalt  }
0x58: {  	_ =	shalt  }
0x59: {  	_ =	shalt  }
0x5a: {  	_ =	shalt  }
0x5b: {  	_ =	shalt  }
0x5c: {  	_ =	shalt  }
0x5d: {  	_ =	shalt  }
0x5e: {  	_ =	shalt  }
0x5f: {  	_ =	shalt  }
0x60: {  	_ =	shalt  }
0x61: {  	_ =	shalt  }
0x62: {  	_ =	shalt  }
0x63: {  	_ =	shalt  }
0x64: {  	_ =	shalt  }
0x65: {  	_ =	shalt  }
0x66: {  	_ =	shalt  }
0x67: {  	_ =	shalt  }
0x68: {  	_ =	shalt  }
0x69: {  	_ =	shalt  }
0x6a: {  	_ =	shalt  }
0x6b: {  	_ =	shalt  }
0x6c: {  	_ =	shalt  }
0x6d: {  	_ =	shalt  }
0x6e: {  	_ =	shalt  }
0x6f: {  	_ =	shalt  }
0x70: {  	_ =	shalt  }
0x71: {  	_ =	shalt  }
0x72: {  	_ =	shalt  }
0x73: {  	_ =	shalt  }
0x74: {  	_ =	shalt  }
0x75: {  	_ =	shalt  }
0x76: {  	_ =	shalt  }
0x77: {  	_ =	shalt  }
0x78: {  	_ =	shalt  }
0x79: {  	_ =	shalt  }
0x7a: {  	_ =	shalt  }
0x7b: {  	_ =	shalt  }
0x7c: {  	_ =	shalt  }
0x7d: {  	_ =	shalt  }
0x7e: {  	_ =	shalt  }
0x7f: {  	_ =	shalt  }
0x80: {  	_ =	shalt  }
0x81: {  	_ =	shalt  }
0x82: {  	_ =	shalt  }
0x83: {  	_ =	shalt  }
0x84: {  	_ =	shalt  }
0x85: {  	_ =	shalt  }
0x86: {  	_ =	shalt  }
0x87: {  	_ =	shalt  }
.Lfunc_end0:
.L_simem_size_0:
called_computation.2_lowered:
.L_overlay_start_0:
0x88: {  	s2 =	sld [smem:$0x3FD9]  }
0x89: {  	s3 =	sld [smem:$0x3FFE];
	_ =	sdelay $0x1  }
0x8a: {  	s1 =	srdreg.scid  }
0x8b: {  	s0 =	sand.u32 $0x1, s1  }
0x8c: {  	s16 =	sshll.u32 s0, $0xA;
	s2 =	sadd.s32 s3, s2  }
0x8d: {  	s2 =	sadd.s32 s2, s16  }
0x8e: {  	[smem:$0x3FBD] =	sst s2  }
0x8f: {  	_ = 	snop  }
0x90: {  	(tm) =	ssettm $0x1  }
0x91: {  	s17 =	sld [smem:$0x3FFB];
	_ =	sdelay $0x3  }
0x92: {  	_ =	strace s17  }
0x93: {  	s2 =	sld [smem:$0x3FFC];
	_ =	sdelay $0x3  }
0x94: {  	_ =	strace s2  }
0x95: {  	s2 =	sld [smem:$0x3FFD];
	_ =	sdelay $0x3  }
0x96: {  	_ =	strace s2  }
0x97: {  	_ =	strace $0x8FFFFFFF  }
0x98: {  	s18 =	sld [smem:$0x3FDB];
	_ =	sdelay $0x1  }
0x99: {  	s19 =	simm.s32 $_scs_section_size  }
0x9a: {  	s4 =	simm.s32 $_size__tile_overlayer_lowered;
	s5 =	simm.s32 $_tile_overlayer_lowered  }
0x9b: {  	s22 =	simm.s32 $0x1BFF;
	s21 =	sshll.u32 s5, $0x1;
	s2 =	sadd.s32 s19, s18  }
0x9c: {  	s6 =	simm.s32 $0x0;
	s20 =	sshll.u32 s4, $0x1;
	s4 =	sadd.s32 s21, s2  }
0x9d: {  	[timem:s6], [sflag:s22] =	dma.local [hbm:s4], s20  }
0x9e: {  	_ =	swait.ge [sflag:s22], s20  }
0x9f: {  	s3 =	ssub.s32 $0x0, s20;
	[sflag:s22] =	ssyncset.done $0x0  }
0xa0: {  	[sflag:s22] =	ssyncadd.s32 s3;
	_ =	sdelay $0x1  }
0xa1: {  	s23 =	simm.s32 $0x1B8B  }
0xa2: {  	_ =	swait.ge [sflag:s23], $0x1  }
0xa3: {  	[sflag:s23] =	ssyncset.done $0x0  }
0xa4: {  	s25 =	simm.s32 $0x1B8E;
	s24 =	sld [smem:$0x3FFE];
	[sflag:s23] =	ssyncadd.s32 $0xFFFFFFFF  }
0xa5: {  	s26 =	simm.s32 $execute0_lowered;
	[smem:$0x3FD2] =	sst s25  }
0xa6: {  	s4 =	sshll.u32 s26, $0x1;
	_ =	strace $0x8000004C;
	[dreg:$0x1] =	wrdreg $0xFFFFFFFF  }
0xa7: {  	s28 =	simm.s32 $_size_execute0_lowered;
	s2 =	sadd.s32 s2, s4;
	[dreg:$0x0] =	wrdreg $0x0  }
0xa8: {  	s4 =	sshll.u32 s28, $0x1;
	[dreg:$0x2] =	wrdreg s2  }
0xa9: {  	[dreg:$0x3] =	wrdreg s4  }
0xaa: {  	[dreg:$0x4] =	wrdreg $0xC0  }
0xab: {  	_ =	task [dreg:s6], $0x5FFFF  }
0xac: {  	[dreg:$0x1] =	wrdreg $0xFFFFFFFF  }
0xad: {  	[dreg:$0x0] =	wrdreg $0x60  }
0xae: {  	[dreg:$0x2] =	wrdreg s24  }
0xaf: {  	[dreg:$0x3] =	wrdreg $0x0  }
0xb0: {  	[dreg:$0x4] =	wrdreg $0x9  }
0xb1: {  	_ =	task.clear_ibuf [dreg:s6], $0x5FFFF;
	_ =	strace $0x9000004C  }
0xb2: {  	s29 =	simm.s32 $0x9;
	_ =	strace $0x8000004E  }
0xb3: {  	_ =	swait.ge [sflag:s29], $0x1  }
0xb4: {  	[sflag:s29] =	ssyncadd.s32 $0xFFFFFFFF  }
0xb5: {  	_ =	strace $0x9000004E  }
0xb6: {  	_ =	sfence  }
0xb7: {  	s30 =	sld [smem:$0x0];
	_ =	sdelay $0x2  }
0xb8: {  	s31 =	sshll.u32 s1, $0xD;
	s1 =	sshrl.u32 s1, $0x2  }
0xb9: {  	s3 =	sand.u32 $0x4000, s31;
	s1 =	sadd.s32 s1, s30  }
0xba: {  	s0 =	sor.u32 s3, s0;
	s1 =	sshll.u32 s1, $0x11  }
0xbb: {  	s0 =	sor.u32 s1, s0  }
0xbc: {  	s0 =	sadd.s32 $0x8F2B, s0  }
0xbd: {  	[sflag:s0] =	ssyncadd.remote.s32 $0x1  }
0xbe: {  	_ =	sfence.sel $0xFFFF  }
0xbf: {  	[dreg:$0x0] =	wrdreg $0xFFFFFFFF;
	(pc) =	sbr.abs _section_cstart, $3  }
0xc0: {  	[dreg:$0x1] =	wrdreg $0xFFFFFFFF  }
0xc1: {  	_ =	task.clear_ibuf [dreg:s6], $0x2FFFF;
	_ =	strace $0x9FFFFFFF  }
0xc2: {  	(tm) =	ssettm $0x7FFFFFFF  }
0xc3: {  	_ =	shalt  }
tec
execute0_lowered:
.L_overlay_start_1:
0x0: {  	(tag) =	ssettag $0x1  }
0x1: {  	s0 =	rddreg [dreg:$0x0]  }
0x2: {  	s2 =	rddreg [dreg:$0x1];
	s1 =	srdreg.scid  }
0x3: {  	s23 =	stileid.u32;
	s4 =	simm.s32 $0x0;
	s18 =	simm.s32 $0x13880  }
0x4: {  	s20 =	simm.s32 $0x4;
	s28 =	simm.s32 $0x186A0;
	s29 =	simm.s32 $0x5  }
0x5: {  	s30 =	simm.s32 $0x2;
	s31 =	simm.s32 $0x6;
	s1 =	sand.u32 $0x1, s1  }
0x6: {  	s3 =	sshll.u32 s23, $0x1;
	[smem:$0x7FF] =	sst s4;
	s8 =	smul.u32 $0x13800, s23  }
0x7: {  	s4 =	sadd.s32 $0x17200, s0;
	s10 =	smul.u32 $0xA000, s23;
	s19 =	sadd.s32 $0x124800, s2  }
0x8: {  	s25 =	sor.u32 $0x70, s23;
	p1 =	seq.s32 s23, $0xF;
	s6 =	smul.u32 $0x138800, s1  }
0x9: {  	s3 =	sor.u32 s1, s3;
	s1 =	ssub.s32 $0x2, s1;
	s26 =	smul.u32 $0xA000, s25  }
0xa: {  	_ =	strace $0x8000004D;
	s3 =	smul.u32 $0x2710, s3;
	s5 =	sshrl.u32 s1, $0x1  }
0xb: {  	p0 =	sgt.u32 s25, $0x7C;
	s24 =	sshrl.u32 s10, $0x2;
	s1 =	ssub.s32 s1, s5  }
0xc: {  	s7 =	sadd.s32 s8, s6;
	s9 =	sshrl.u32 s6, $0x3;
	s3 =	sshrl.u32 s3, $0x3  }
0xd: {  	s7 =	sshrl.u32 s7, $0x3;
	s10 =	smax.u32 s1, $0x1;
	s1 =	sshrl.u32 s26, $0x2  }
0xe: {  	s26 =	simm.s32 $0x1D6A0;
	s3 =	sadd.s32 s3, s0;
	s0 =	sadd.s32 $0x3E400, s0  }
0xf: {  	s17 =	sadd.s32 s1, s2;
	s1 =	simm.s32 $0x0;
	s21 =	sadd.s32 $0x3800, s3  }
0x10: {  	s3 =	sadd.s32 $0xD440, s3;
	s22 =	sadd.s32 s0, s7;
	[dreg:$0x3] =	wrdreg s21  }
0x11: {  	s0 =	sadd.s32 s0, s9;
	s9 =	sadd.s32 s24, s2;
	[dreg:$0x4] =	wrdreg s3  }
0x12: {  	s24 =	sshrl.u32 @p1 s19, $0x3;
	s19 =	simm.s32 $0x1;
	[dreg:$0x5] =	wrdreg s22  }
0x13: {  	s3 =	sadd.s32 s8, s2;
	s8 =	sadd.s32 $0x24900, s0;
	s11 =	sadd.s32 $0x28000, s9  }
0x14: {  	s12 =	sadd.s32 $0x50000, s9;
	s13 =	sadd.s32 $0x78000, s9;
	s14 =	sadd.s32 $0xA0000, s9  }
0x15: {  	s15 =	sadd.s32 $0xC8000, s9;
	s16 =	sadd.s32 $0xF0000, s9;
	s21 =	simm.s32 $0x50  }
0x16: {  	v0 =	vimm.f32 $0.0e+00;
	s22 =	simm.s32 $0x1AEA0;
	s0 =	simm.s32 $0x3;
	s25 =	sshrl.u32 @!p1 s3, $0x3  }
.LBB2_1:
0x17: {  	s3 =	simm.s32 $0x0;
	s5 =	rddreg [dreg:$0x3]  }
0x18: {  	[tilespmem:s18], [sflag:$0x4] =	stream.linear.gather [hbm4b:s5+s3], $0x2710, $0x38;
	[tilespmem:$0x1FEA0] =	vst v63  }
0x19: {  	s23 =	rddreg [dreg:$0x4];
	s6 =	simm.s32 $0x15F90  }
0x1a: {  	[tilespmem:s6], [sflag:$0x4] =	stream.linear.gather [hbm4b:s23+s3], $0x2710, $0x38;
	[tilespmem:$0x1FEA0] =	vst v63  }
0x1b: {  	s23 =	simm.s32 $0x0;
	s3 =	simm.s32 $0x200  }
.LBB2_2:
0x1c: {  	p2 =	sne.s32 s3, $0x9E00;
	[tilespmem:s23+$0x18710] =	vst v0  }
0x1d: {  	[tilespmem:s23+$0x186A0] =	vst v0  }
0x1e: {  	[tilespmem:s23+$0x186B0] =	vst v0  }
.Ltmp0:
0x1f: {  	[tilespmem:s23+$0x186C0] =	vst v0;
	(pc) =	sbr.rel @p2 .LBB2_2-.Ltmp0, $4  }
0x20: {  	[tilespmem:s23+$0x186D0] =	vst v0  }
0x21: {  	[tilespmem:s23+$0x186E0] =	vst v0  }
0x22: {  	[tilespmem:s23+$0x186F0] =	vst v0  }
0x23: {  	[tilespmem:s23+$0x18700] =	vst v0;
	s23 =	sshra.s32 s3, $0x2;
	s3 =	sadd.s32 $0x200, s3  }
0x24: {  	[tilespmem:s23+$0x18710] =	vst v0  }
0x25: {  	[tilespmem:s23+$0x186A0] =	vst v0  }
0x26: {  	[tilespmem:s23+$0x186B0] =	vst v0  }
0x27: {  	[tilespmem:s23+$0x186C0] =	vst v0  }
0x28: {  	[tilespmem:s23+$0x186D0] =	vst v0  }
0x29: {  	[tilespmem:s23+$0x186E0] =	vst v0  }
0x2a: {  	[tilespmem:s23+$0x186F0] =	vst v0  }
0x2b: {  	[tilespmem:s23+$0x18700] =	vst v0  }
0x2c: {  	_ =	swait.ge [sflag:s20], $0x2710  }
0x2d: {  	[sflag:s20] =	ssyncset.done $0x0  }
0x2e: {  	[sflag:s20] =	ssyncadd.s32 $0xFFFFD8F0  }
0x2f: {  	_ =	swait.ge [sflag:s20], $0x2710  }
0x30: {  	[sflag:s20] =	ssyncset.done $0x0  }
0x31: {  	[sflag:s20] =	ssyncadd.s32 $0xFFFFD8F0  }
0x32: {  	[tilespmem:s22], [sflag:$0x2] =	stream.indirect.gather [hbm4b:s4+s21], $0x80, s18, s21, $0xb8;
	[tilespmem:$0x1FEA0] =	vst v63  }
0x33: {  	s3 =	simm.s32 $0x138D0  }
0x34: {  	[tilespmem:s26], [sflag:$0x3] =	stream.indirect.gather [hbm4b:s4+s21], $0x80, s3, s21, $0xb8;
	[tilespmem:$0x1FEA0] =	vst v63  }
0x35: {  	_ = 	snop  }
0x36: {  	[spmem:s9] =	stream.linear.scatter [tilespmem:s28], [sflag:$0x5], $0x2800, $0x38;
	[tilespmem:$0x1FEA0] =	vst v63  }
0x37: {  	_ =	swait.ge [sflag:s29], $0x2800  }
0x38: {  	[sflag:s29] =	ssyncset.done $0x0  }
0x39: {  	[sflag:s29] =	ssyncadd.s32 $0xFFFFD800  }
0x3a: {  	[spmem:s11] =	stream.linear.scatter [tilespmem:s28], [sflag:$0x5], $0x2800, $0x38;
	[tilespmem:$0x1FEA0] =	vst v63  }
0x3b: {  	_ =	swait.ge [sflag:s29], $0x2800  }
0x3c: {  	[sflag:s29] =	ssyncset.done $0x0  }
0x3d: {  	[sflag:s29] =	ssyncadd.s32 $0xFFFFD800  }
0x3e: {  	[spmem:s12] =	stream.linear.scatter [tilespmem:s28], [sflag:$0x5], $0x2800, $0x38;
	[tilespmem:$0x1FEA0] =	vst v63  }
0x3f: {  	_ =	swait.ge [sflag:s29], $0x2800  }
0x40: {  	[sflag:s29] =	ssyncset.done $0x0  }
0x41: {  	[sflag:s29] =	ssyncadd.s32 $0xFFFFD800  }
0x42: {  	[spmem:s13] =	stream.linear.scatter [tilespmem:s28], [sflag:$0x5], $0x2800, $0x38;
	[tilespmem:$0x1FEA0] =	vst v63  }
0x43: {  	_ =	swait.ge [sflag:s29], $0x2800  }
0x44: {  	[sflag:s29] =	ssyncset.done $0x0  }
0x45: {  	[sflag:s29] =	ssyncadd.s32 $0xFFFFD800  }
0x46: {  	[spmem:s14] =	stream.linear.scatter [tilespmem:s28], [sflag:$0x5], $0x2800, $0x38;
	[tilespmem:$0x1FEA0] =	vst v63  }
0x47: {  	_ =	swait.ge [sflag:s29], $0x2800  }
0x48: {  	[sflag:s29] =	ssyncset.done $0x0  }
0x49: {  	[sflag:s29] =	ssyncadd.s32 $0xFFFFD800  }
0x4a: {  	[spmem:s15] =	stream.linear.scatter [tilespmem:s28], [sflag:$0x5], $0x2800, $0x38;
	[tilespmem:$0x1FEA0] =	vst v63  }
0x4b: {  	_ =	swait.ge [sflag:s29], $0x2800  }
0x4c: {  	[sflag:s29] =	ssyncset.done $0x0  }
0x4d: {  	[sflag:s29] =	ssyncadd.s32 $0xFFFFD800  }
0x4e: {  	[spmem:s16] =	stream.linear.scatter [tilespmem:s28], [sflag:$0x5], $0x2800, $0x38;
	[tilespmem:$0x1FEA0] =	vst v63  }
0x4f: {  	_ =	swait.ge [sflag:s29], $0x2800  }
0x50: {  	[sflag:s29] =	ssyncset.done $0x0  }
0x51: {  	s3 =	simm.s32 @!p0 $0x186A0;
	[sflag:s29] =	ssyncadd.s32 $0xFFFFD800  }
0x52: {  	[spmem:s17] =	stream.linear.scatter @!p0 [tilespmem:s3], [sflag:$0x5], $0x2800, $0x38;
	[tilespmem:$0x1FEA0] =	vst v63  }
0x53: {  	s3 =	simm.s32 @!p0 $0x5  }
0x54: {  	_ =	swait.ge @!p0 [sflag:s3], $0x2800  }
0x55: {  	[sflag:s3] =	ssyncset.done @!p0 $0x0  }
0x56: {  	[sflag:s3] =	ssyncadd.s32 @!p0 $0xFFFFD800  }
0x57: {  	s7 =	simm.s32 $0x13920;
	[bflag:$0x0] =	sbarrier.arrive $0xFFFF  }
0x58: {  	[tilespmem:s28], [sflag:$0x1] =	stream.indirect.gather [hbm4b:s4+s21], $0x80, s7, s21, $0xb8;
	[tilespmem:$0x1FEA0] =	vst v63  }
0x59: {  	_ =	swait.ge [sflag:s30], $0x2800  }
0x5a: {  	[sflag:s30] =	ssyncset.done $0x0  }
0x5b: {  	s23 =	simm.s32 $0x15F90;
	[sflag:s30] =	ssyncadd.s32 $0xFFFFD800  }
0x5c: {  	[spmem:s2] =	stream.indirect.scatter.add.f32 [tilespmem:s22], [sflag:$0x6], $0x80, s23, s21, $0xb8;
	[tilespmem:$0x1FEA0] =	vst v63  }
0x5d: {  	_ =	swait.ge [sflag:s31], $0x2800  }
0x5e: {  	[sflag:s31] =	ssyncset.done $0x0  }
0x5f: {  	s5 =	simm.s32 $0x13970;
	[sflag:s31] =	ssyncadd.s32 $0xFFFFD800  }
0x60: {  	[tilespmem:s22], [sflag:$0x2] =	stream.indirect.gather [hbm4b:s4+s21], $0x80, s5, s21, $0xb8;
	[tilespmem:$0x1FEA0] =	vst v63  }
0x61: {  	_ =	swait.ge [sflag:s0], $0x2800  }
0x62: {  	[sflag:s0] =	ssyncset.done $0x0  }
0x63: {  	s6 =	simm.s32 $0x15FE0;
	[sflag:s0] =	ssyncadd.s32 $0xFFFFD800  }
0x64: {  	[spmem:s2] =	stream.indirect.scatter.add.f32 [tilespmem:s26], [sflag:$0x6], $0x80, s6, s21, $0xb8;
	[tilespmem:$0x1FEA0] =	vst v63  }
0x65: {  	_ =	swait.ge [sflag:s31], $0x2800  }
0x66: {  	[sflag:s31] =	ssyncset.done $0x0  }
0x67: {  	s7 =	simm.s32 $0x139C0;
	[sflag:s31] =	ssyncadd.s32 $0xFFFFD800  }
0x68: {  	[tilespmem:s26], [sflag:$0x3] =	stream.indirect.gather [hbm4b:s4+s21], $0x80, s7, s21, $0xb8;
	[tilespmem:$0x1FEA0] =	vst v63  }
0x69: {  	_ =	swait.ge [sflag:s19], $0x2800  }
0x6a: {  	[sflag:s19] =	ssyncset.done $0x0  }
0x6b: {  	s23 =	simm.s32 $0x16030;
	[sflag:s19] =	ssyncadd.s32 $0xFFFFD800  }
0x6c: {  	[spmem:s2] =	stream.indirect.scatter.add.f32 [tilespmem:s28], [sflag:$0x5], $0x80, s23, s21, $0xb8;
	[tilespmem:$0x1FEA0] =	vst v63  }
0x6d: {  	_ =	swait.ge [sflag:s29], $0x2800  }
0x6e: {  	s3 =	simm.s32 $0x780;
	s23 =	simm.s32 $0xF0;
	[sflag:s29] =	ssyncset.done $0x0  }
.LBB2_4:
0x6f: {  	s5 =	sadd.s32 $0x13920, s23  }
0x70: {  	[sflag:s29] =	ssyncadd.s32 $0xFFFFD800;
	s6 =	smov.u32 s3;
	s7 =	sadd.s32 $0x3C0, s3  }
0x71: {  	[tilespmem:s28], [sflag:$0x1] =	stream.indirect.gather [hbm4b:s4+s21], $0x80, s5, s21, $0xb8;
	[tilespmem:$0x1FEA0] =	vst v63  }
0x72: {  	p2 =	sne.s32 s3, $0x9600;
	_ =	swait.ge [sflag:s30], $0x2800  }
0x73: {  	[sflag:s30] =	ssyncset.done $0x0  }
0x74: {  	s3 =	sadd.s32 $0x15F90, s23;
	[sflag:s30] =	ssyncadd.s32 $0xFFFFD800  }
0x75: {  	[spmem:s2] =	stream.indirect.scatter.add.f32 [tilespmem:s22], [sflag:$0x6], $0x80, s3, s21, $0xb8;
	[tilespmem:$0x1FEA0] =	vst v63  }
0x76: {  	_ =	swait.ge [sflag:s31], $0x2800  }
0x77: {  	[sflag:s31] =	ssyncset.done $0x0  }
0x78: {  	s3 =	sadd.s32 $0x13970, s23;
	[sflag:s31] =	ssyncadd.s32 $0xFFFFD800  }
0x79: {  	[tilespmem:s22], [sflag:$0x2] =	stream.indirect.gather [hbm4b:s4+s21], $0x80, s3, s21, $0xb8;
	[tilespmem:$0x1FEA0] =	vst v63  }
0x7a: {  	_ =	swait.ge [sflag:s0], $0x2800  }
0x7b: {  	[sflag:s0] =	ssyncset.done $0x0  }
0x7c: {  	s3 =	sadd.s32 $0x15FE0, s23;
	[sflag:s0] =	ssyncadd.s32 $0xFFFFD800  }
0x7d: {  	[spmem:s2] =	stream.indirect.scatter.add.f32 [tilespmem:s26], [sflag:$0x6], $0x80, s3, s21, $0xb8;
	[tilespmem:$0x1FEA0] =	vst v63  }
0x7e: {  	_ =	swait.ge [sflag:s31], $0x2800  }
0x7f: {  	[sflag:s31] =	ssyncset.done $0x0  }
0x80: {  	s3 =	sadd.s32 $0x139C0, s23;
	[sflag:s31] =	ssyncadd.s32 $0xFFFFD800  }
0x81: {  	[tilespmem:s26], [sflag:$0x3] =	stream.indirect.gather [hbm4b:s4+s21], $0x80, s3, s21, $0xb8;
	[tilespmem:$0x1FEA0] =	vst v63  }
0x82: {  	_ =	swait.ge [sflag:s19], $0x2800  }
.Ltmp1:
0x83: {  	[sflag:s19] =	ssyncset.done $0x0;
	(pc) =	sbr.rel @p2 .LBB2_4-.Ltmp1, $4  }
0x84: {  	s3 =	sadd.s32 $0x16030, s23;
	[sflag:s19] =	ssyncadd.s32 $0xFFFFD800  }
0x85: {  	[spmem:s2] =	stream.indirect.scatter.add.f32 [tilespmem:s28], [sflag:$0x5], $0x80, s3, s21, $0xb8;
	[tilespmem:$0x1FEA0] =	vst v63  }
0x86: {  	_ =	swait.ge [sflag:s29], $0x2800  }
0x87: {  	s23 =	sshra.s32 s6, $0x2;
	s3 =	smov.u32 s7;
	[sflag:s29] =	ssyncset.done $0x0  }
0x88: {  	s3 =	sadd.s32 $0x13920, s23;
	[sflag:s29] =	ssyncadd.s32 $0xFFFFD800  }
0x89: {  	[tilespmem:s28], [sflag:$0x1] =	stream.indirect.gather [hbm4b:s4+s21], $0x80, s3, s21, $0xb8;
	[tilespmem:$0x1FEA0] =	vst v63  }
0x8a: {  	_ =	swait.ge [sflag:s30], $0x2800  }
0x8b: {  	[sflag:s30] =	ssyncset.done $0x0  }
0x8c: {  	s5 =	sadd.s32 $0x15F90, s23;
	[sflag:s30] =	ssyncadd.s32 $0xFFFFD800  }
0x8d: {  	[spmem:s2] =	stream.indirect.scatter.add.f32 [tilespmem:s22], [sflag:$0x6], $0x80, s5, s21, $0xb8;
	[tilespmem:$0x1FEA0] =	vst v63  }
0x8e: {  	_ =	swait.ge [sflag:s31], $0x2800  }
0x8f: {  	[sflag:s31] =	ssyncset.done $0x0  }
0x90: {  	s6 =	sadd.s32 $0x13970, s23;
	[sflag:s31] =	ssyncadd.s32 $0xFFFFD800  }
0x91: {  	[tilespmem:s22], [sflag:$0x2] =	stream.indirect.gather [hbm4b:s4+s21], $0x80, s6, s21, $0xb8;
	[tilespmem:$0x1FEA0] =	vst v63  }
0x92: {  	_ =	swait.ge [sflag:s0], $0x2800  }
0x93: {  	[sflag:s0] =	ssyncset.done $0x0  }
0x94: {  	s7 =	sadd.s32 $0x15FE0, s23;
	[sflag:s0] =	ssyncadd.s32 $0xFFFFD800  }
0x95: {  	[spmem:s2] =	stream.indirect.scatter.add.f32 [tilespmem:s26], [sflag:$0x6], $0x80, s7, s21, $0xb8;
	[tilespmem:$0x1FEA0] =	vst v63  }
0x96: {  	_ =	swait.ge [sflag:s31], $0x2800  }
0x97: {  	[sflag:s31] =	ssyncset.done $0x0  }
0x98: {  	s5 =	sadd.s32 $0x139C0, s23;
	[sflag:s31] =	ssyncadd.s32 $0xFFFFD800  }
0x99: {  	[tilespmem:s26], [sflag:$0x3] =	stream.indirect.gather [hbm4b:s4+s21], $0x80, s5, s21, $0xb8;
	[tilespmem:$0x1FEA0] =	vst v63  }
0x9a: {  	_ =	swait.ge [sflag:s19], $0x2800  }
0x9b: {  	[sflag:s19] =	ssyncset.done $0x0  }
0x9c: {  	s6 =	sadd.s32 $0x16030, s23;
	[sflag:s19] =	ssyncadd.s32 $0xFFFFD800  }
0x9d: {  	[spmem:s2] =	stream.indirect.scatter.add.f32 [tilespmem:s28], [sflag:$0x5], $0x80, s6, s21, $0xb8;
	[tilespmem:$0x1FEA0] =	vst v63  }
0x9e: {  	_ =	swait.ge [sflag:s29], $0x2800  }
0x9f: {  	[sflag:s29] =	ssyncset.done $0x0  }
0xa0: {  	[sflag:s29] =	ssyncadd.s32 $0xFFFFD800  }
0xa1: {  	_ =	swait.ge [sflag:s30], $0x2800  }
0xa2: {  	[sflag:s30] =	ssyncset.done $0x0  }
0xa3: {  	s7 =	simm.s32 $0x18600;
	[sflag:s30] =	ssyncadd.s32 $0xFFFFD800  }
0xa4: {  	[spmem:s2] =	stream.indirect.scatter.add.f32 [tilespmem:s22], [sflag:$0x6], $0x80, s7, s21, $0xb8;
	[tilespmem:$0x1FEA0] =	vst v63  }
0xa5: {  	_ =	swait.ge [sflag:s31], $0x2800  }
0xa6: {  	[sflag:s31] =	ssyncset.done $0x0  }
0xa7: {  	[sflag:s31] =	ssyncadd.s32 $0xFFFFD800  }
0xa8: {  	_ =	swait.ge [sflag:s0], $0x2800  }
0xa9: {  	[sflag:s0] =	ssyncset.done $0x0  }
0xaa: {  	s23 =	simm.s32 $0x18650;
	[sflag:s0] =	ssyncadd.s32 $0xFFFFD800  }
0xab: {  	[spmem:s2] =	stream.indirect.scatter.add.f32 [tilespmem:s26], [sflag:$0x6], $0x80, s23, s21, $0xb8;
	[tilespmem:$0x1FEA0] =	vst v63  }
0xac: {  	_ =	swait.ge [sflag:s31], $0x2800  }
0xad: {  	[sflag:s31] =	ssyncset.done $0x0  }
0xae: {  	[sflag:s31] =	ssyncadd.s32 $0xFFFFD800  }
0xaf: {  	s3 =	simm.s32 @p1 $0x1FC5;
	[bflag:$0x0] =	sbarrier.arrive $0xFFFF  }
0xb0: {  	[hbm:s8], [sflag:s3] =	dma.local @p1 [spmem:s24], $0x2800  }
0xb1: {  	s3 =	simm.s32 @p1 $0x5  }
0xb2: {  	s1 =	sadd.s32 $0x1, s1;
	s5 =	stileid.u32;
	_ =	swait.ge @p1 [sflag:s3], $0x2800  }
0xb3: {  	p2 =	sne.s32 s1, s10;
	s5 =	sshll.u32 @!p1 s5, $0x6;
	[sflag:s3] =	ssyncset.done @p1 $0x0  }
0xb4: {  	[sflag:s3] =	ssyncadd.s32 @p1 $0xFFFFD800;
	s3 =	sor.u32 @!p1 $0x1C05, s5;
	s5 =	rddreg [dreg:$0x5]  }
0xb5: {  	[hbm:s5], [sflag:s3] =	dma.local @!p1 [spmem:s25], $0x2700  }
.Ltmp2:
0xb6: {  	_ = 	snop;
	(pc) =	sbr.rel @p2 .LBB2_1-.Ltmp2, $4  }
0xb7: {  	s3 =	simm.s32 @!p1 $0x5  }
0xb8: {  	_ =	swait.ge @!p1 [sflag:s3], $0x2700  }
0xb9: {  	[sflag:s3] =	ssyncset.done @!p1 $0x0  }
0xba: {  	[sflag:s3] =	ssyncadd.s32 @!p1 $0xFFFFD900  }
0xbb: {  	_ =	sfence.sel $0x180000  }
0xbc: {  	[bflag:$0x0] =	sbarrier.arrive $0xFFFF  }
0xbd: {  	_ =	strace $0x9000004D  }
0xbe: {  	s0 =	stileid.u32;
	[bflag:$0x2] =	sbarrier.arrive $0xFFFF  }
0xbf: {  	p0 =	sne.s32 s0, $0x0;
	s0 =	rddreg [dreg:$0x2]  }
0xc0: {  	s0 =	sadd.s32 @!p0 $0x100000, s0  }
0xc1: {  	[sflag:s0] =	ssyncadd.tile.s32 @!p0 $0x1;
	_ =	shalt  }
.Lfunc_end2:
_tile_overlayer_lowered:
.L_overlay_start_2:
0xc2: {  	(tag) =	ssettag $0x2  }
0xc3: {  	s0 =	rddreg [dreg:$0x0];
	s2 =	stileid.u32  }
0xc4: {  	s1 =	rddreg [dreg:$0x1];
	p0 =	sne.s32 s2, $0x0  }
0xc5: {  	s3 =	rddreg [dreg:$0x2];
	[bflag:$0x3] =	sbarrier.arrive $0xFFFF;
	s2 =	simm.s32 @!p0 $0x1C05  }
0xc6: {  	[timem:s3], [sflag:s2] =	dma.local @!p0 [hbm:s0], s1  }
0xc7: {  	s0 =	simm.s32 @!p0 $0x5  }
0xc8: {  	_ =	swait.ge @!p0 [sflag:s0], s1  }
0xc9: {  	s1 =	ssub.s32 @!p0 $0x0, s1;
	[sflag:s0] =	ssyncset.done @!p0 $0x0  }
0xca: {  	[sflag:s0] =	ssyncadd.s32 @!p0 s1  }
0xcb: {  	[bflag:$0x3] =	sbarrier.arrive $0xFFFF  }
0xcc: {  	_ =	shalt  }

// kernel: kernel.19.cloned.1.call-start
scs
__scs_entry_jumppad:
0x0: {  	(pc) =	sbr.rel $0x88, $3  }
0x1: {  	(tag) =	ssettag $0x0;
	lr =	simm.s32 $0x1  }
0x2: {  	[smem:$0x3F96] =	sst lr;
	_ =	strace $0xD0000000  }
0x3: {  	_ = 	snop  }
0x4: {  	_ = 	snop  }
0x5: {  	_ = 	snop  }
0x6: {  	_ = 	snop  }
0x7: {  	_ = 	snop  }
__scs_overlays_trampoline_lowered:
0x8: {  	[smem:$0x3FA5] =	sst s0  }
0x9: {  	[smem:$0x3FA6] =	sst s1  }
0xa: {  	[smem:$0x3FA7] =	sst s2  }
0xb: {  	[smem:$0x3FA8] =	sst s3  }
0xc: {  	[smem:$0x3FA9] =	sst s4  }
0xd: {  	[smem:$0x3FAA] =	sst s5  }
0xe: {  	[smem:$0x3FAB] =	sst s6  }
0xf: {  	[smem:$0x3FAC] =	sst s7  }
0x10: {  	[smem:$0x3FAD] =	sst s8  }
0x11: {  	[smem:$0x3FAE] =	sst s9;
	s0 =	simm.s32 @!p0 $0x0  }
0x12: {  	s1 =	sld [smem:$0x3F94];
	s0 =	simm.s32 @p0 $0x1  }
0x13: {  	[smem:$0x3FAF] =	sst s0;
	s0 =	simm.s32 @!p1 $0x0  }
0x14: {  	s2 =	sld [smem:$0x3F93];
	s0 =	simm.s32 @p1 $0x1  }
0x15: {  	[smem:$0x3FB0] =	sst s0;
	s0 =	simm.s32 @!p2 $0x0  }
0x16: {  	s3 =	sld [smem:$0x3FDB];
	s0 =	simm.s32 @p2 $0x1  }
0x17: {  	s4 =	simm.s32 $0x1BF5;
	[smem:$0x3FB2] =	sst s0  }
0x18: {  	s0 =	sld [smem:$0x3F95];
	_ =	swait.ge [sflag:s4], $0x0  }
0x19: {  	s7 =	sld [smem:$0x3F96]  }
0x1a: {  	s8 =	sadd.s32 $0xFFFFE003, lr  }
0x1b: {  	s9 =	sadd.s32 $0xFFFFFEF7, lr;
	s5 =	simm.s32 $0xFFFFFFFF;
	p2 =	slt.u32 s8, $0xFFFFF086  }
0x1c: {  	p1 =	slt.u32 s9, $0xF7A;
	s5 =	simm.s32 @!p2 $0x0  }
0x1d: {  	s5 =	simm.s32 @p1 $0x1;
	p0 =	seq.s32 s7, s2  }
0x1e: {  	s7 =	smul.u32 @!p0 $0xF7A, s2;
	p2 =	seq.s32 @!p0 s5, $0x0  }
0x1f: {  	s9 =	smul.u32 $0xF7A, s1;
	s8 =	simm.s32 @!p0 $0x1BF5;
	p2 =	por !p2, p0  }
0x20: {  	[sflag:s8] =	ssyncset.s32 @!p0 $0xFFFFF086;
	s6 =	sadd.s32 @!p0 s3, s7;
	s7 =	simm.s32 @!p0 $0x108  }
0x21: {  	s3 =	sadd.s32 s3, s9;
	s6 =	sadd.s32 @!p0 $0x88, s6;
	s7 =	simm.s32 @p2 $0x1082  }
0x22: {  	[simem:s7], [sflag:s8] =	dma.local @!p0 [hbm:s6], $0xF7A  }
0x23: {  	s9 =	sor.u32 $0xD0000000, s2;
	s6 =	simm.s32 $0x108;
	_ =	swait.ge @!p0 [sflag:s8], $0x0  }
0x24: {  	s3 =	sadd.s32 $0x88, s3;
	s6 =	simm.s32 @!p1 $0x1082;
	[sflag:s4] =	ssyncset.s32 $0xFFFFF086  }
0x25: {  	[simem:s6], [sflag:s4] =	dma.local [hbm:s3], $0xF7A  }
0x26: {  	[smem:$0x3F96] =	sst s1;
	(tag) =	ssettag s2;
	_ =	strace s9  }
0x27: {  	s1 =	sld [smem:$0x3FA6]  }
0x28: {  	s2 =	sld [smem:$0x3FA7]  }
0x29: {  	s4 =	sld [smem:$0x3FA9]  }
0x2a: {  	p0 =	seq.s32 s5, $0x0;
	s5 =	sld [smem:$0x3FAA]  }
0x2b: {  	s6 =	sld [smem:$0x3FAB]  }
0x2c: {  	s7 =	sld [smem:$0x3FAC]  }
0x2d: {  	s3 =	simm.s32 $0x108;
	s8 =	sld [smem:$0x3FAD]  }
0x2e: {  	s3 =	simm.s32 @!p0 $0x1082;
	s9 =	sld [smem:$0x3FAE]  }
0x2f: {  	lr =	sadd.s32 s0, s3;
	s0 =	sld [smem:$0x3FA5]  }
0x30: {  	s3 =	sld [smem:$0x3FA8]  }
0x31: {  	[smem:$0x3FB1] =	sst s10  }
0x32: {  	s10 =	sld [smem:$0x3FAF];
	_ =	sdelay $0x3  }
0x33: {  	p0 =	seq.s32 s10, $0x1;
	s10 =	sld [smem:$0x3FB1];
	_ =	sdelay $0x3  }
0x34: {  	[smem:$0x3FB1] =	sst s10  }
0x35: {  	s10 =	sld [smem:$0x3FB0];
	_ =	sdelay $0x3  }
0x36: {  	p1 =	seq.s32 s10, $0x1;
	s10 =	sld [smem:$0x3FB1];
	_ =	sdelay $0x3  }
0x37: {  	[smem:$0x3FB1] =	sst s10  }
0x38: {  	s10 =	sld [smem:$0x3FB2]  }
0x39: {  	_ = 	snop;
	(pc) =	sbr.ind lr, $3  }
0x3a: {  	_ = 	snop  }
0x3b: {  	_ = 	snop  }
0x3c: {  	p2 =	seq.s32 s10, $0x1;
	s10 =	sld [smem:$0x3FB1]  }
0x3d: {  	_ =	shalt  }
0x3e: {  	_ =	shalt  }
0x3f: {  	_ =	shalt  }
0x40: {  	_ =	shalt  }
0x41: {  	_ =	shalt  }
0x42: {  	_ =	shalt  }
0x43: {  	_ =	shalt  }
0x44: {  	_ =	shalt  }
0x45: {  	_ =	shalt  }
0x46: {  	_ =	shalt  }
0x47: {  	_ =	shalt  }
0x48: {  	_ =	shalt  }
0x49: {  	_ =	shalt  }
0x4a: {  	_ =	shalt  }
0x4b: {  	_ =	shalt  }
0x4c: {  	_ =	shalt  }
0x4d: {  	_ =	shalt  }
0x4e: {  	_ =	shalt  }
0x4f: {  	_ =	shalt  }
0x50: {  	_ =	shalt  }
0x51: {  	_ =	shalt  }
0x52: {  	_ =	shalt  }
0x53: {  	_ =	shalt  }
0x54: {  	_ =	shalt  }
0x55: {  	_ =	shalt  }
0x56: {  	_ =	shalt  }
0x57: {  	_ =	shalt  }
0x58: {  	_ =	shalt  }
0x59: {  	_ =	shalt  }
0x5a: {  	_ =	shalt  }
0x5b: {  	_ =	shalt  }
0x5c: {  	_ =	shalt  }
0x5d: {  	_ =	shalt  }
0x5e: {  	_ =	shalt  }
0x5f: {  	_ =	shalt  }
0x60: {  	_ =	shalt  }
0x61: {  	_ =	shalt  }
0x62: {  	_ =	shalt  }
0x63: {  	_ =	shalt  }
0x64: {  	_ =	shalt  }
0x65: {  	_ =	shalt  }
0x66: {  	_ =	shalt  }
0x67: {  	_ =	shalt  }
0x68: {  	_ =	shalt  }
0x69: {  	_ =	shalt  }
0x6a: {  	_ =	shalt  }
0x6b: {  	_ =	shalt  }
0x6c: {  	_ =	shalt  }
0x6d: {  	_ =	shalt  }
0x6e: {  	_ =	shalt  }
0x6f: {  	_ =	shalt  }
0x70: {  	_ =	shalt  }
0x71: {  	_ =	shalt  }
0x72: {  	_ =	shalt  }
0x73: {  	_ =	shalt  }
0x74: {  	_ =	shalt  }
0x75: {  	_ =	shalt  }
0x76: {  	_ =	shalt  }
0x77: {  	_ =	shalt  }
0x78: {  	_ =	shalt  }
0x79: {  	_ =	shalt  }
0x7a: {  	_ =	shalt  }
0x7b: {  	_ =	shalt  }
0x7c: {  	_ =	shalt  }
0x7d: {  	_ =	shalt  }
0x7e: {  	_ =	shalt  }
0x7f: {  	_ =	shalt  }
0x80: {  	_ =	shalt  }
0x81: {  	_ =	shalt  }
0x82: {  	_ =	shalt  }
0x83: {  	_ =	shalt  }
0x84: {  	_ =	shalt  }
0x85: {  	_ =	shalt  }
0x86: {  	_ =	shalt  }
0x87: {  	_ =	shalt  }
.Lfunc_end0:
.L_simem_size_0:
called_computation.3_lowered:
.L_overlay_start_0:
0x88: {  	s2 =	sld [smem:$0x3FD9]  }
0x89: {  	s3 =	sld [smem:$0x3FFE];
	_ =	sdelay $0x1  }
0x8a: {  	s1 =	srdreg.scid  }
0x8b: {  	s0 =	sand.u32 $0x1, s1  }
0x8c: {  	s16 =	sshll.u32 s0, $0xA;
	s2 =	sadd.s32 s3, s2  }
0x8d: {  	s2 =	sadd.s32 s2, s16  }
0x8e: {  	[smem:$0x3FBD] =	sst s2  }
0x8f: {  	_ = 	snop  }
0x90: {  	(tm) =	ssettm $0x1  }
0x91: {  	s17 =	sld [smem:$0x3FFB];
	_ =	sdelay $0x3  }
0x92: {  	_ =	strace s17  }
0x93: {  	s2 =	sld [smem:$0x3FFC];
	_ =	sdelay $0x3  }
0x94: {  	_ =	strace s2  }
0x95: {  	s2 =	sld [smem:$0x3FFD];
	_ =	sdelay $0x3  }
0x96: {  	_ =	strace s2  }
0x97: {  	_ =	strace $0x8FFFFFFF  }
0x98: {  	s18 =	sld [smem:$0x3FDB];
	_ =	sdelay $0x1  }
0x99: {  	s19 =	simm.s32 $_scs_section_size  }
0x9a: {  	s4 =	simm.s32 $_size__tile_overlayer_lowered;
	s5 =	simm.s32 $_tile_overlayer_lowered  }
0x9b: {  	s22 =	simm.s32 $0x1BFF;
	s21 =	sshll.u32 s5, $0x1;
	s2 =	sadd.s32 s19, s18  }
0x9c: {  	s6 =	simm.s32 $0x0;
	s20 =	sshll.u32 s4, $0x1;
	s4 =	sadd.s32 s21, s2  }
0x9d: {  	[timem:s6], [sflag:s22] =	dma.local [hbm:s4], s20  }
0x9e: {  	_ =	swait.ge [sflag:s22], s20  }
0x9f: {  	s3 =	ssub.s32 $0x0, s20;
	[sflag:s22] =	ssyncset.done $0x0  }
0xa0: {  	[sflag:s22] =	ssyncadd.s32 s3;
	_ =	sdelay $0x1  }
0xa1: {  	s23 =	simm.s32 $0x1B8B  }
0xa2: {  	_ =	swait.ge [sflag:s23], $0x1  }
0xa3: {  	[sflag:s23] =	ssyncset.done $0x0  }
0xa4: {  	s25 =	simm.s32 $0x1B8E;
	s24 =	sld [smem:$0x3FFE];
	[sflag:s23] =	ssyncadd.s32 $0xFFFFFFFF  }
0xa5: {  	s26 =	simm.s32 $execute0_lowered;
	[smem:$0x3FD2] =	sst s25  }
0xa6: {  	s4 =	sshll.u32 s26, $0x1;
	_ =	strace $0x8000004F;
	[dreg:$0x1] =	wrdreg $0xFFFFFFFF  }
0xa7: {  	s28 =	simm.s32 $_size_execute0_lowered;
	s2 =	sadd.s32 s2, s4;
	[dreg:$0x0] =	wrdreg $0x0  }
0xa8: {  	s4 =	sshll.u32 s28, $0x1;
	[dreg:$0x2] =	wrdreg s2  }
0xa9: {  	[dreg:$0x3] =	wrdreg s4  }
0xaa: {  	[dreg:$0x4] =	wrdreg $0xC0  }
0xab: {  	_ =	task [dreg:s6], $0x5FFFF  }
0xac: {  	[dreg:$0x1] =	wrdreg $0xFFFFFFFF  }
0xad: {  	[dreg:$0x0] =	wrdreg $0x60  }
0xae: {  	[dreg:$0x2] =	wrdreg s24  }
0xaf: {  	[dreg:$0x3] =	wrdreg $0x0  }
0xb0: {  	[dreg:$0x4] =	wrdreg $0x9  }
0xb1: {  	_ =	task.clear_ibuf [dreg:s6], $0x5FFFF;
	_ =	strace $0x9000004F  }
0xb2: {  	s29 =	simm.s32 $0x9;
	_ =	strace $0x80000051  }
0xb3: {  	_ =	swait.ge [sflag:s29], $0x1  }
0xb4: {  	[sflag:s29] =	ssyncadd.s32 $0xFFFFFFFF  }
0xb5: {  	_ =	strace $0x90000051  }
0xb6: {  	_ =	sfence  }
0xb7: {  	s30 =	sld [smem:$0x0];
	_ =	sdelay $0x2  }
0xb8: {  	s31 =	sshll.u32 s1, $0xD;
	s1 =	sshrl.u32 s1, $0x2  }
0xb9: {  	s3 =	sand.u32 $0x4000, s31;
	s1 =	sadd.s32 s1, s30  }
0xba: {  	s0 =	sor.u32 s3, s0;
	s1 =	sshll.u32 s1, $0x11  }
0xbb: {  	s0 =	sor.u32 s1, s0  }
0xbc: {  	s0 =	sadd.s32 $0x8F2B, s0  }
0xbd: {  	[sflag:s0] =	ssyncadd.remote.s32 $0x1  }
0xbe: {  	_ =	sfence.sel $0xFFFF  }
0xbf: {  	[dreg:$0x0] =	wrdreg $0xFFFFFFFF;
	(pc) =	sbr.abs _section_cstart, $3  }
0xc0: {  	[dreg:$0x1] =	wrdreg $0xFFFFFFFF  }
0xc1: {  	_ =	task.clear_ibuf [dreg:s6], $0x2FFFF;
	_ =	strace $0x9FFFFFFF  }
0xc2: {  	(tm) =	ssettm $0x7FFFFFFF  }
0xc3: {  	_ =	shalt  }
tec
execute0_lowered:
.L_overlay_start_1:
0x0: {  	(tag) =	ssettag $0x1  }
0x1: {  	s0 =	rddreg [dreg:$0x0]  }
0x2: {  	s2 =	rddreg [dreg:$0x1];
	s1 =	srdreg.scid  }
0x3: {  	s23 =	stileid.u32;
	s4 =	simm.s32 $0x0;
	s18 =	simm.s32 $0x13880  }
0x4: {  	s20 =	simm.s32 $0x4;
	s28 =	simm.s32 $0x186A0;
	s29 =	simm.s32 $0x5  }
0x5: {  	s30 =	simm.s32 $0x2;
	s31 =	simm.s32 $0x6;
	s1 =	sand.u32 $0x1, s1  }
0x6: {  	s3 =	sshll.u32 s23, $0x1;
	[smem:$0x7FF] =	sst s4;
	s8 =	smul.u32 $0x13800, s23  }
0x7: {  	s4 =	sadd.s32 $0x17200, s0;
	s10 =	smul.u32 $0xA000, s23;
	s19 =	sadd.s32 $0x124800, s2  }
0x8: {  	s25 =	sor.u32 $0x70, s23;
	p1 =	seq.s32 s23, $0xF;
	s6 =	smul.u32 $0x138800, s1  }
0x9: {  	s3 =	sor.u32 s1, s3;
	s1 =	ssub.s32 $0x2, s1;
	s26 =	smul.u32 $0xA000, s25  }
0xa: {  	_ =	strace $0x80000050;
	s3 =	smul.u32 $0x2710, s3;
	s5 =	sshrl.u32 s1, $0x1  }
0xb: {  	p0 =	sgt.u32 s25, $0x7C;
	s24 =	sshrl.u32 s10, $0x2;
	s1 =	ssub.s32 s1, s5  }
0xc: {  	s7 =	sadd.s32 s8, s6;
	s9 =	sshrl.u32 s6, $0x3;
	s3 =	sshrl.u32 s3, $0x3  }
0xd: {  	s7 =	sshrl.u32 s7, $0x3;
	s10 =	smax.u32 s1, $0x1;
	s1 =	sshrl.u32 s26, $0x2  }
0xe: {  	s26 =	simm.s32 $0x1D6A0;
	s3 =	sadd.s32 s3, s0;
	s0 =	sadd.s32 $0x3E400, s0  }
0xf: {  	s17 =	sadd.s32 s1, s2;
	s1 =	simm.s32 $0x0;
	s21 =	sadd.s32 $0x3800, s3  }
0x10: {  	s3 =	sadd.s32 $0xD440, s3;
	s22 =	sadd.s32 s0, s7;
	[dreg:$0x3] =	wrdreg s21  }
0x11: {  	s0 =	sadd.s32 s0, s9;
	s9 =	sadd.s32 s24, s2;
	[dreg:$0x4] =	wrdreg s3  }
0x12: {  	s24 =	sshrl.u32 @p1 s19, $0x3;
	s19 =	simm.s32 $0x1;
	[dreg:$0x5] =	wrdreg s22  }
0x13: {  	s3 =	sadd.s32 s8, s2;
	s8 =	sadd.s32 $0x24900, s0;
	s11 =	sadd.s32 $0x28000, s9  }
0x14: {  	s12 =	sadd.s32 $0x50000, s9;
	s13 =	sadd.s32 $0x78000, s9;
	s14 =	sadd.s32 $0xA0000, s9  }
0x15: {  	s15 =	sadd.s32 $0xC8000, s9;
	s16 =	sadd.s32 $0xF0000, s9;
	s21 =	simm.s32 $0x50  }
0x16: {  	v0 =	vimm.f32 $0.0e+00;
	s22 =	simm.s32 $0x1AEA0;
	s0 =	simm.s32 $0x3;
	s25 =	sshrl.u32 @!p1 s3, $0x3  }
.LBB2_1:
0x17: {  	s3 =	simm.s32 $0x0;
	s5 =	rddreg [dreg:$0x3]  }
0x18: {  	[tilespmem:s18], [sflag:$0x4] =	stream.linear.gather [hbm4b:s5+s3], $0x2710, $0x38;
	[tilespmem:$0x1FEA0] =	vst v63  }
0x19: {  	s23 =	rddreg [dreg:$0x4];
	s6 =	simm.s32 $0x15F90  }
0x1a: {  	[tilespmem:s6], [sflag:$0x4] =	stream.linear.gather [hbm4b:s23+s3], $0x2710, $0x38;
	[tilespmem:$0x1FEA0] =	vst v63  }
0x1b: {  	s23 =	simm.s32 $0x0;
	s3 =	simm.s32 $0x200  }
.LBB2_2:
0x1c: {  	p2 =	sne.s32 s3, $0x9E00;
	[tilespmem:s23+$0x18710] =	vst v0  }
0x1d: {  	[tilespmem:s23+$0x186A0] =	vst v0  }
0x1e: {  	[tilespmem:s23+$0x186B0] =	vst v0  }
.Ltmp0:
0x1f: {  	[tilespmem:s23+$0x186C0] =	vst v0;
	(pc) =	sbr.rel @p2 .LBB2_2-.Ltmp0, $4  }
0x20: {  	[tilespmem:s23+$0x186D0] =	vst v0  }
0x21: {  	[tilespmem:s23+$0x186E0] =	vst v0  }
0x22: {  	[tilespmem:s23+$0x186F0] =	vst v0  }
0x23: {  	[tilespmem:s23+$0x18700] =	vst v0;
	s23 =	sshra.s32 s3, $0x2;
	s3 =	sadd.s32 $0x200, s3  }
0x24: {  	[tilespmem:s23+$0x18710] =	vst v0  }
0x25: {  	[tilespmem:s23+$0x186A0] =	vst v0  }
0x26: {  	[tilespmem:s23+$0x186B0] =	vst v0  }
0x27: {  	[tilespmem:s23+$0x186C0] =	vst v0  }
0x28: {  	[tilespmem:s23+$0x186D0] =	vst v0  }
0x29: {  	[tilespmem:s23+$0x186E0] =	vst v0  }
0x2a: {  	[tilespmem:s23+$0x186F0] =	vst v0  }
0x2b: {  	[tilespmem:s23+$0x18700] =	vst v0  }
0x2c: {  	_ =	swait.ge [sflag:s20], $0x2710  }
0x2d: {  	[sflag:s20] =	ssyncset.done $0x0  }
0x2e: {  	[sflag:s20] =	ssyncadd.s32 $0xFFFFD8F0  }
0x2f: {  	_ =	swait.ge [sflag:s20], $0x2710  }
0x30: {  	[sflag:s20] =	ssyncset.done $0x0  }
0x31: {  	[sflag:s20] =	ssyncadd.s32 $0xFFFFD8F0  }
0x32: {  	[tilespmem:s22], [sflag:$0x2] =	stream.indirect.gather [hbm4b:s4+s21], $0x80, s18, s21, $0xb8;
	[tilespmem:$0x1FEA0] =	vst v63  }
0x33: {  	s3 =	simm.s32 $0x138D0  }
0x34: {  	[tilespmem:s26], [sflag:$0x3] =	stream.indirect.gather [hbm4b:s4+s21], $0x80, s3, s21, $0xb8;
	[tilespmem:$0x1FEA0] =	vst v63  }
0x35: {  	_ = 	snop  }
0x36: {  	[spmem:s9] =	stream.linear.scatter [tilespmem:s28], [sflag:$0x5], $0x2800, $0x38;
	[tilespmem:$0x1FEA0] =	vst v63  }
0x37: {  	_ =	swait.ge [sflag:s29], $0x2800  }
0x38: {  	[sflag:s29] =	ssyncset.done $0x0  }
0x39: {  	[sflag:s29] =	ssyncadd.s32 $0xFFFFD800  }
0x3a: {  	[spmem:s11] =	stream.linear.scatter [tilespmem:s28], [sflag:$0x5], $0x2800, $0x38;
	[tilespmem:$0x1FEA0] =	vst v63  }
0x3b: {  	_ =	swait.ge [sflag:s29], $0x2800  }
0x3c: {  	[sflag:s29] =	ssyncset.done $0x0  }
0x3d: {  	[sflag:s29] =	ssyncadd.s32 $0xFFFFD800  }
0x3e: {  	[spmem:s12] =	stream.linear.scatter [tilespmem:s28], [sflag:$0x5], $0x2800, $0x38;
	[tilespmem:$0x1FEA0] =	vst v63  }
0x3f: {  	_ =	swait.ge [sflag:s29], $0x2800  }
0x40: {  	[sflag:s29] =	ssyncset.done $0x0  }
0x41: {  	[sflag:s29] =	ssyncadd.s32 $0xFFFFD800  }
0x42: {  	[spmem:s13] =	stream.linear.scatter [tilespmem:s28], [sflag:$0x5], $0x2800, $0x38;
	[tilespmem:$0x1FEA0] =	vst v63  }
0x43: {  	_ =	swait.ge [sflag:s29], $0x2800  }
0x44: {  	[sflag:s29] =	ssyncset.done $0x0  }
0x45: {  	[sflag:s29] =	ssyncadd.s32 $0xFFFFD800  }
0x46: {  	[spmem:s14] =	stream.linear.scatter [tilespmem:s28], [sflag:$0x5], $0x2800, $0x38;
	[tilespmem:$0x1FEA0] =	vst v63  }
0x47: {  	_ =	swait.ge [sflag:s29], $0x2800  }
0x48: {  	[sflag:s29] =	ssyncset.done $0x0  }
0x49: {  	[sflag:s29] =	ssyncadd.s32 $0xFFFFD800  }
0x4a: {  	[spmem:s15] =	stream.linear.scatter [tilespmem:s28], [sflag:$0x5], $0x2800, $0x38;
	[tilespmem:$0x1FEA0] =	vst v63  }
0x4b: {  	_ =	swait.ge [sflag:s29], $0x2800  }
0x4c: {  	[sflag:s29] =	ssyncset.done $0x0  }
0x4d: {  	[sflag:s29] =	ssyncadd.s32 $0xFFFFD800  }
0x4e: {  	[spmem:s16] =	stream.linear.scatter [tilespmem:s28], [sflag:$0x5], $0x2800, $0x38;
	[tilespmem:$0x1FEA0] =	vst v63  }
0x4f: {  	_ =	swait.ge [sflag:s29], $0x2800  }
0x50: {  	[sflag:s29] =	ssyncset.done $0x0  }
0x51: {  	s3 =	simm.s32 @!p0 $0x186A0;
	[sflag:s29] =	ssyncadd.s32 $0xFFFFD800  }
0x52: {  	[spmem:s17] =	stream.linear.scatter @!p0 [tilespmem:s3], [sflag:$0x5], $0x2800, $0x38;
	[tilespmem:$0x1FEA0] =	vst v63  }
0x53: {  	s3 =	simm.s32 @!p0 $0x5  }
0x54: {  	_ =	swait.ge @!p0 [sflag:s3], $0x2800  }
0x55: {  	[sflag:s3] =	ssyncset.done @!p0 $0x0  }
0x56: {  	[sflag:s3] =	ssyncadd.s32 @!p0 $0xFFFFD800  }
0x57: {  	s7 =	simm.s32 $0x13920;
	[bflag:$0x0] =	sbarrier.arrive $0xFFFF  }
0x58: {  	[tilespmem:s28], [sflag:$0x1] =	stream.indirect.gather [hbm4b:s4+s21], $0x80, s7, s21, $0xb8;
	[tilespmem:$0x1FEA0] =	vst v63  }
0x59: {  	_ =	swait.ge [sflag:s30], $0x2800  }
0x5a: {  	[sflag:s30] =	ssyncset.done $0x0  }
0x5b: {  	s23 =	simm.s32 $0x15F90;
	[sflag:s30] =	ssyncadd.s32 $0xFFFFD800  }
0x5c: {  	[spmem:s2] =	stream.indirect.scatter.add.f32 [tilespmem:s22], [sflag:$0x6], $0x80, s23, s21, $0xb8;
	[tilespmem:$0x1FEA0] =	vst v63  }
0x5d: {  	_ =	swait.ge [sflag:s31], $0x2800  }
0x5e: {  	[sflag:s31] =	ssyncset.done $0x0  }
0x5f: {  	s5 =	simm.s32 $0x13970;
	[sflag:s31] =	ssyncadd.s32 $0xFFFFD800  }
0x60: {  	[tilespmem:s22], [sflag:$0x2] =	stream.indirect.gather [hbm4b:s4+s21], $0x80, s5, s21, $0xb8;
	[tilespmem:$0x1FEA0] =	vst v63  }
0x61: {  	_ =	swait.ge [sflag:s0], $0x2800  }
0x62: {  	[sflag:s0] =	ssyncset.done $0x0  }
0x63: {  	s6 =	simm.s32 $0x15FE0;
	[sflag:s0] =	ssyncadd.s32 $0xFFFFD800  }
0x64: {  	[spmem:s2] =	stream.indirect.scatter.add.f32 [tilespmem:s26], [sflag:$0x6], $0x80, s6, s21, $0xb8;
	[tilespmem:$0x1FEA0] =	vst v63  }
0x65: {  	_ =	swait.ge [sflag:s31], $0x2800  }
0x66: {  	[sflag:s31] =	ssyncset.done $0x0  }
0x67: {  	s7 =	simm.s32 $0x139C0;
	[sflag:s31] =	ssyncadd.s32 $0xFFFFD800  }
0x68: {  	[tilespmem:s26], [sflag:$0x3] =	stream.indirect.gather [hbm4b:s4+s21], $0x80, s7, s21, $0xb8;
	[tilespmem:$0x1FEA0] =	vst v63  }
0x69: {  	_ =	swait.ge [sflag:s19], $0x2800  }
0x6a: {  	[sflag:s19] =	ssyncset.done $0x0  }
0x6b: {  	s23 =	simm.s32 $0x16030;
	[sflag:s19] =	ssyncadd.s32 $0xFFFFD800  }
0x6c: {  	[spmem:s2] =	stream.indirect.scatter.add.f32 [tilespmem:s28], [sflag:$0x5], $0x80, s23, s21, $0xb8;
	[tilespmem:$0x1FEA0] =	vst v63  }
0x6d: {  	_ =	swait.ge [sflag:s29], $0x2800  }
0x6e: {  	s3 =	simm.s32 $0x780;
	s23 =	simm.s32 $0xF0;
	[sflag:s29] =	ssyncset.done $0x0  }
.LBB2_4:
0x6f: {  	s5 =	sadd.s32 $0x13920, s23  }
0x70: {  	[sflag:s29] =	ssyncadd.s32 $0xFFFFD800;
	s6 =	smov.u32 s3;
	s7 =	sadd.s32 $0x3C0, s3  }
0x71: {  	[tilespmem:s28], [sflag:$0x1] =	stream.indirect.gather [hbm4b:s4+s21], $0x80, s5, s21, $0xb8;
	[tilespmem:$0x1FEA0] =	vst v63  }
0x72: {  	p2 =	sne.s32 s3, $0x9600;
	_ =	swait.ge [sflag:s30], $0x2800  }
0x73: {  	[sflag:s30] =	ssyncset.done $0x0  }
0x74: {  	s3 =	sadd.s32 $0x15F90, s23;
	[sflag:s30] =	ssyncadd.s32 $0xFFFFD800  }
0x75: {  	[spmem:s2] =	stream.indirect.scatter.add.f32 [tilespmem:s22], [sflag:$0x6], $0x80, s3, s21, $0xb8;
	[tilespmem:$0x1FEA0] =	vst v63  }
0x76: {  	_ =	swait.ge [sflag:s31], $0x2800  }
0x77: {  	[sflag:s31] =	ssyncset.done $0x0  }
0x78: {  	s3 =	sadd.s32 $0x13970, s23;
	[sflag:s31] =	ssyncadd.s32 $0xFFFFD800  }
0x79: {  	[tilespmem:s22], [sflag:$0x2] =	stream.indirect.gather [hbm4b:s4+s21], $0x80, s3, s21, $0xb8;
	[tilespmem:$0x1FEA0] =	vst v63  }
0x7a: {  	_ =	swait.ge [sflag:s0], $0x2800  }
0x7b: {  	[sflag:s0] =	ssyncset.done $0x0  }
0x7c: {  	s3 =	sadd.s32 $0x15FE0, s23;
	[sflag:s0] =	ssyncadd.s32 $0xFFFFD800  }
0x7d: {  	[spmem:s2] =	stream.indirect.scatter.add.f32 [tilespmem:s26], [sflag:$0x6], $0x80, s3, s21, $0xb8;
	[tilespmem:$0x1FEA0] =	vst v63  }
0x7e: {  	_ =	swait.ge [sflag:s31], $0x2800  }
0x7f: {  	[sflag:s31] =	ssyncset.done $0x0  }
0x80: {  	s3 =	sadd.s32 $0x139C0, s23;
	[sflag:s31] =	ssyncadd.s32 $0xFFFFD800  }
0x81: {  	[tilespmem:s26], [sflag:$0x3] =	stream.indirect.gather [hbm4b:s4+s21], $0x80, s3, s21, $0xb8;
	[tilespmem:$0x1FEA0] =	vst v63  }
0x82: {  	_ =	swait.ge [sflag:s19], $0x2800  }
.Ltmp1:
0x83: {  	[sflag:s19] =	ssyncset.done $0x0;
	(pc) =	sbr.rel @p2 .LBB2_4-.Ltmp1, $4  }
0x84: {  	s3 =	sadd.s32 $0x16030, s23;
	[sflag:s19] =	ssyncadd.s32 $0xFFFFD800  }
0x85: {  	[spmem:s2] =	stream.indirect.scatter.add.f32 [tilespmem:s28], [sflag:$0x5], $0x80, s3, s21, $0xb8;
	[tilespmem:$0x1FEA0] =	vst v63  }
0x86: {  	_ =	swait.ge [sflag:s29], $0x2800  }
0x87: {  	s23 =	sshra.s32 s6, $0x2;
	s3 =	smov.u32 s7;
	[sflag:s29] =	ssyncset.done $0x0  }
0x88: {  	s3 =	sadd.s32 $0x13920, s23;
	[sflag:s29] =	ssyncadd.s32 $0xFFFFD800  }
0x89: {  	[tilespmem:s28], [sflag:$0x1] =	stream.indirect.gather [hbm4b:s4+s21], $0x80, s3, s21, $0xb8;
	[tilespmem:$0x1FEA0] =	vst v63  }
0x8a: {  	_ =	swait.ge [sflag:s30], $0x2800  }
0x8b: {  	[sflag:s30] =	ssyncset.done $0x0  }
0x8c: {  	s5 =	sadd.s32 $0x15F90, s23;
	[sflag:s30] =	ssyncadd.s32 $0xFFFFD800  }
0x8d: {  	[spmem:s2] =	stream.indirect.scatter.add.f32 [tilespmem:s22], [sflag:$0x6], $0x80, s5, s21, $0xb8;
	[tilespmem:$0x1FEA0] =	vst v63  }
0x8e: {  	_ =	swait.ge [sflag:s31], $0x2800  }
0x8f: {  	[sflag:s31] =	ssyncset.done $0x0  }
0x90: {  	s6 =	sadd.s32 $0x13970, s23;
	[sflag:s31] =	ssyncadd.s32 $0xFFFFD800  }
0x91: {  	[tilespmem:s22], [sflag:$0x2] =	stream.indirect.gather [hbm4b:s4+s21], $0x80, s6, s21, $0xb8;
	[tilespmem:$0x1FEA0] =	vst v63  }
0x92: {  	_ =	swait.ge [sflag:s0], $0x2800  }
0x93: {  	[sflag:s0] =	ssyncset.done $0x0  }
0x94: {  	s7 =	sadd.s32 $0x15FE0, s23;
	[sflag:s0] =	ssyncadd.s32 $0xFFFFD800  }
0x95: {  	[spmem:s2] =	stream.indirect.scatter.add.f32 [tilespmem:s26], [sflag:$0x6], $0x80, s7, s21, $0xb8;
	[tilespmem:$0x1FEA0] =	vst v63  }
0x96: {  	_ =	swait.ge [sflag:s31], $0x2800  }
0x97: {  	[sflag:s31] =	ssyncset.done $0x0  }
0x98: {  	s5 =	sadd.s32 $0x139C0, s23;
	[sflag:s31] =	ssyncadd.s32 $0xFFFFD800  }
0x99: {  	[tilespmem:s26], [sflag:$0x3] =	stream.indirect.gather [hbm4b:s4+s21], $0x80, s5, s21, $0xb8;
	[tilespmem:$0x1FEA0] =	vst v63  }
0x9a: {  	_ =	swait.ge [sflag:s19], $0x2800  }
0x9b: {  	[sflag:s19] =	ssyncset.done $0x0  }
0x9c: {  	s6 =	sadd.s32 $0x16030, s23;
	[sflag:s19] =	ssyncadd.s32 $0xFFFFD800  }
0x9d: {  	[spmem:s2] =	stream.indirect.scatter.add.f32 [tilespmem:s28], [sflag:$0x5], $0x80, s6, s21, $0xb8;
	[tilespmem:$0x1FEA0] =	vst v63  }
0x9e: {  	_ =	swait.ge [sflag:s29], $0x2800  }
0x9f: {  	[sflag:s29] =	ssyncset.done $0x0  }
0xa0: {  	[sflag:s29] =	ssyncadd.s32 $0xFFFFD800  }
0xa1: {  	_ =	swait.ge [sflag:s30], $0x2800  }
0xa2: {  	[sflag:s30] =	ssyncset.done $0x0  }
0xa3: {  	s7 =	simm.s32 $0x18600;
	[sflag:s30] =	ssyncadd.s32 $0xFFFFD800  }
0xa4: {  	[spmem:s2] =	stream.indirect.scatter.add.f32 [tilespmem:s22], [sflag:$0x6], $0x80, s7, s21, $0xb8;
	[tilespmem:$0x1FEA0] =	vst v63  }
0xa5: {  	_ =	swait.ge [sflag:s31], $0x2800  }
0xa6: {  	[sflag:s31] =	ssyncset.done $0x0  }
0xa7: {  	[sflag:s31] =	ssyncadd.s32 $0xFFFFD800  }
0xa8: {  	_ =	swait.ge [sflag:s0], $0x2800  }
0xa9: {  	[sflag:s0] =	ssyncset.done $0x0  }
0xaa: {  	s23 =	simm.s32 $0x18650;
	[sflag:s0] =	ssyncadd.s32 $0xFFFFD800  }
0xab: {  	[spmem:s2] =	stream.indirect.scatter.add.f32 [tilespmem:s26], [sflag:$0x6], $0x80, s23, s21, $0xb8;
	[tilespmem:$0x1FEA0] =	vst v63  }
0xac: {  	_ =	swait.ge [sflag:s31], $0x2800  }
0xad: {  	[sflag:s31] =	ssyncset.done $0x0  }
0xae: {  	[sflag:s31] =	ssyncadd.s32 $0xFFFFD800  }
0xaf: {  	s3 =	simm.s32 @p1 $0x1FC5;
	[bflag:$0x0] =	sbarrier.arrive $0xFFFF  }
0xb0: {  	[hbm:s8], [sflag:s3] =	dma.local @p1 [spmem:s24], $0x2800  }
0xb1: {  	s3 =	simm.s32 @p1 $0x5  }
0xb2: {  	s1 =	sadd.s32 $0x1, s1;
	s5 =	stileid.u32;
	_ =	swait.ge @p1 [sflag:s3], $0x2800  }
0xb3: {  	p2 =	sne.s32 s1, s10;
	s5 =	sshll.u32 @!p1 s5, $0x6;
	[sflag:s3] =	ssyncset.done @p1 $0x0  }
0xb4: {  	[sflag:s3] =	ssyncadd.s32 @p1 $0xFFFFD800;
	s3 =	sor.u32 @!p1 $0x1C05, s5;
	s5 =	rddreg [dreg:$0x5]  }
0xb5: {  	[hbm:s5], [sflag:s3] =	dma.local @!p1 [spmem:s25], $0x2700  }
.Ltmp2:
0xb6: {  	_ = 	snop;
	(pc) =	sbr.rel @p2 .LBB2_1-.Ltmp2, $4  }
0xb7: {  	s3 =	simm.s32 @!p1 $0x5  }
0xb8: {  	_ =	swait.ge @!p1 [sflag:s3], $0x2700  }
0xb9: {  	[sflag:s3] =	ssyncset.done @!p1 $0x0  }
0xba: {  	[sflag:s3] =	ssyncadd.s32 @!p1 $0xFFFFD900  }
0xbb: {  	_ =	sfence.sel $0x180000  }
0xbc: {  	[bflag:$0x0] =	sbarrier.arrive $0xFFFF  }
0xbd: {  	_ =	strace $0x90000050  }
0xbe: {  	s0 =	stileid.u32;
	[bflag:$0x2] =	sbarrier.arrive $0xFFFF  }
0xbf: {  	p0 =	sne.s32 s0, $0x0;
	s0 =	rddreg [dreg:$0x2]  }
0xc0: {  	s0 =	sadd.s32 @!p0 $0x100000, s0  }
0xc1: {  	[sflag:s0] =	ssyncadd.tile.s32 @!p0 $0x1;
	_ =	shalt  }
.Lfunc_end2:
_tile_overlayer_lowered:
.L_overlay_start_2:
0xc2: {  	(tag) =	ssettag $0x2  }
0xc3: {  	s0 =	rddreg [dreg:$0x0];
	s2 =	stileid.u32  }
0xc4: {  	s1 =	rddreg [dreg:$0x1];
	p0 =	sne.s32 s2, $0x0  }
0xc5: {  	s3 =	rddreg [dreg:$0x2];
	[bflag:$0x3] =	sbarrier.arrive $0xFFFF;
	s2 =	simm.s32 @!p0 $0x1C05  }
0xc6: {  	[timem:s3], [sflag:s2] =	dma.local @!p0 [hbm:s0], s1  }
0xc7: {  	s0 =	simm.s32 @!p0 $0x5  }
0xc8: {  	_ =	swait.ge @!p0 [sflag:s0], s1  }
0xc9: {  	s1 =	ssub.s32 @!p0 $0x0, s1;
	[sflag:s0] =	ssyncset.done @!p0 $0x0  }
0xca: {  	[sflag:s0] =	ssyncadd.s32 @!p0 s1  }
0xcb: {  	[bflag:$0x3] =	sbarrier.arrive $0xFFFF  }
0xcc: {  	_ =	shalt  }

</sc_bundles>
